<compile_context>
chip_gen: v7x
topology: tpu7x:2x2x1
jax: 0.10.2.dev20260603
libtpu: 0.0.44.dev20260713+nightly
codegen_flags: <defaults>
</compile_context>

<pallas_src>
import functools
import math

import jax
import jax.numpy as jnp
from jax import lax
from jax.experimental import pallas as pl
from jax.experimental.pallas import tpu as pltpu
from jax.experimental.pallas import tpu_sc as plsc

D = 128
B = 16384
NC = 2
NS = 16
NW = NC * NS
ROWS_PER_W = B // NW
CH = 128
N_CHUNKS = ROWS_PER_W // CH
LANES = 16
VPR = D // LANES
LOG2PI = math.log(2.0 * math.pi)
CONST = D * LOG2PI

_mesh = plsc.VectorSubcoreMesh(core_axis_name="c", subcore_axis_name="s")

_GDN = lax.GatherDimensionNumbers(
    offset_dims=(), collapsed_slice_dims=(0,), start_index_map=(0,))


def _shuffle(x, perm):
    return lax.gather(x, perm[:, None], dimension_numbers=_GDN,
                      slice_sizes=(1,),
                      mode=lax.GatherScatterMode.PROMISE_IN_BOUNDS)


def _hsum(x, perms):
    for p in perms:
        x = x + _shuffle(x, p)
    return x


@functools.partial(
    pl.kernel,
    mesh=_mesh,
    out_type=jax.ShapeDtypeStruct((B,), jnp.float32),
    scratch_types=[
        pltpu.VMEM((ROWS_PER_W,), jnp.int32),
        pltpu.VMEM((2, CH, D), jnp.float32),
        pltpu.VMEM((2, CH, 2 * D), jnp.float32),
        pltpu.VMEM((ROWS_PER_W,), jnp.float32),
        pltpu.SemaphoreType.DMA,
        pltpu.SemaphoreType.DMA,
    ],
)
def _sc_body(z_hbm, ct_hbm, tab_hbm, out_hbm,
             idx_v, z_v, t_v, out_v, sem0, sem1):
    wid = lax.axis_index("s") * NC + lax.axis_index("c")
    wbase = wid * ROWS_PER_W
    lane = lax.iota(jnp.int32, LANES)
    perms = [lane ^ sh for sh in (8, 4, 2, 1)]
    sems = (sem0, sem1)

    pltpu.sync_copy(ct_hbm.at[pl.ds(wbase, ROWS_PER_W)], idx_v)

    def issue(c):
        b = c % 2
        ii = idx_v.at[pl.ds(c * CH, CH)]
        return (
            pltpu.async_copy(tab_hbm.at[ii], t_v.at[b], sems[b]),
            pltpu.async_copy(z_hbm.at[pl.ds(wbase + c * CH, CH)],
                             z_v.at[b], sems[b]),
        )

    inflight = {0: issue(0)}
    for chunk in range(N_CHUNKS):
        b = chunk % 2
        if chunk + 1 < N_CHUNKS:
            inflight[chunk + 1] = issue(chunk + 1)
        for cp in inflight.pop(chunk):
            cp.wait()
        zb, tb = z_v.at[b], t_v.at[b]

        def group_body(g, _, chunk=chunk, zb=zb, tb=tb):
            def row_pair(j, outvec):
                tots = []
                for r in (g * LANES + j, g * LANES + j + 8):
                    s0 = jnp.zeros((LANES,), jnp.float32)
                    s1 = jnp.zeros((LANES,), jnp.float32)
                    for k in range(VPR):
                        zv = zb[r, pl.ds(k * LANES, LANES)]
                        mv = tb[r, pl.ds(k * LANES, LANES)]
                        lvv = tb[r, pl.ds(D + k * LANES, LANES)]
                        diff = zv - mv
                        term = diff * diff * jnp.exp(-lvv) + lvv
                        if k % 2 == 0:
                            s0 = s0 + term
                        else:
                            s1 = s1 + term
                    tots.append(-0.5 * (_hsum(s0 + s1, perms) + CONST))
                outvec = jnp.where(lane == j, tots[0], outvec)
                return jnp.where(lane == j + 8, tots[1], outvec)

            outvec = lax.fori_loop(0, 8, row_pair,
                                   jnp.zeros((LANES,), jnp.float32))
            out_v[pl.ds(chunk * CH + g * LANES, LANES)] = outvec
            return 0

        lax.fori_loop(0, CH // LANES, group_body, 0)
    pltpu.sync_copy(out_v, out_hbm.at[pl.ds(wbase, ROWS_PER_W)])


def kernel(z, cell_type, means, log_vars):
    ct = cell_type.astype(jnp.int32)
    tab = jnp.concatenate([means, log_vars], axis=1)
    return _sc_body(z, ct, tab)

# --- scband reference (transcript-rebuilt; emitter-appended) ---
"""Pipeline reference for scband-vaelatent-prior-supervised-61692910239822 (READ-ONLY COPY).

The authoritative reference and input builder live on the scoring server;
editing this copy changes nothing except your own understanding.
"""

import jax, jax.numpy as jnp
import numpy as np

LATENT_DIM = 128
N_CELL_TYPES = 1000
BATCH = 16384


def setup_inputs(seed: int = 0) -> dict:
    key = jax.random.key(seed)
    k1, k2, k3 = jax.random.split(key, 3)
    z = jax.random.normal(k1, (BATCH, LATENT_DIM), dtype=jnp.float32)
    cell_type = jax.random.randint(k2, (BATCH,), 0, N_CELL_TYPES, dtype=jnp.int64)
    # learned parameters: means ~ randn, log_vars = zeros (matching torch init)
    means = jax.random.normal(k3, (N_CELL_TYPES, LATENT_DIM), dtype=jnp.float32)
    log_vars = jnp.zeros((N_CELL_TYPES, LATENT_DIM), dtype=jnp.float32)
    return {"z": z, "cell_type": cell_type, "means": means, "log_vars": log_vars}


def reference(z, cell_type, means, log_vars):
    # gather cell-type-specific prior parameters (embedding lookup)
    m = jnp.take(means, cell_type, axis=0)
    lv = jnp.take(log_vars, cell_type, axis=0)
    var = jnp.exp(lv)
    diff = z - m
    log_prob = -0.5 * (
        jnp.sum(diff ** 2 / var, axis=1)
        + jnp.sum(lv, axis=1)
        + LATENT_DIM * np.log(2 * np.pi)
    )
    return log_prob

if __name__ == "__main__":
    import jax
    _d = setup_inputs()
    print(jax.jit(kernel)(*tuple(_d.values())))

</pallas_src>

<mosaic_0001>
#map = affine_map<(d0, d1) -> (0, 0)>
#map1 = affine_map<(d0, d1) -> (0)>
module attributes {stable_mosaic.version = 14 : i64} {
  func.func @_sc_body(%arg0: i32, %arg1: i32, %arg2: memref<16384x128xf32, #tpu.memory_space<hbm>>, %arg3: memref<16384xi32, #tpu.memory_space<hbm>>, %arg4: memref<1000x256xf32, #tpu.memory_space<hbm>>, %arg5: memref<16384xf32, #tpu.memory_space<hbm>>, %arg6: memref<512xi32, #tpu.memory_space<vmem>>, %arg7: memref<2x128x128xf32, #tpu.memory_space<vmem>>, %arg8: memref<2x128x256xf32, #tpu.memory_space<vmem>>, %arg9: memref<512xf32, #tpu.memory_space<vmem>>, %arg10: memref<!tpu.dma_semaphore, #tpu.memory_space<semaphore_mem>>, %arg11: memref<!tpu.dma_semaphore, #tpu.memory_space<semaphore_mem>>) attributes {dimension_semantics = [#tpu.dimension_semantics<core_parallel>, #tpu.dimension_semantics<subcore_parallel>], iteration_bounds = array<i64: 2, 16>, scalar_prefetch = 0 : i64, scratch_operands = 6 : i64, tpu.core_type = #tpu.core_type<sc_vector_subcore>, window_params = [{transform_indices = #map}, {transform_indices = #map1}, {transform_indices = #map}, {transform_indices = #map1}]} {
    %mul3A = arith.constant 2 : i32
    %mul3A_0 = arith.muli %arg1, %mul3A : i32
    %add3A = arith.addi %mul3A_0, %arg0 : i32
    %mul3A_1 = arith.constant 512 : i32
    %mul3A_2 = arith.muli %add3A, %mul3A_1 : i32
    %iota3A = tpu.iota {dimensions = array<i32: 0>} : vector<16xi32>
    %xor3A = arith.constant 8 : i32
    %xor3A_3 = vector.broadcast %xor3A : i32 to vector<16xi32>
    %xor3A_4 = arith.xori %iota3A, %xor3A_3 : vector<16xi32>
    %xor3A_5 = arith.constant 4 : i32
    %xor3A_6 = vector.broadcast %xor3A_5 : i32 to vector<16xi32>
    %xor3A_7 = arith.xori %iota3A, %xor3A_6 : vector<16xi32>
    %xor3A_8 = arith.constant 2 : i32
    %xor3A_9 = vector.broadcast %xor3A_8 : i32 to vector<16xi32>
    %xor3A_10 = arith.xori %iota3A, %xor3A_9 : vector<16xi32>
    %xor3A_11 = arith.constant 1 : i32
    %xor3A_12 = vector.broadcast %xor3A_11 : i32 to vector<16xi32>
    %xor3A_13 = arith.xori %iota3A, %xor3A_12 : vector<16xi32>
    "tpu.region"() ({
      %run_scoped3A = tpu.sem_alloc : memref<!tpu.dma_semaphore, #tpu.memory_space<semaphore_mem>>
      %dma_start3A_239 = tpu.memref_slice %arg3[%mul3A_2] : memref<16384xi32, #tpu.memory_space<hbm>> -> memref<512xi32, #tpu.memory_space<hbm>>
      %dma_start3A_240 = tpu.memref_slice %arg3[%mul3A_2] : memref<16384xi32, #tpu.memory_space<hbm>> -> memref<512xi32, #tpu.memory_space<hbm>>
      tpu.enqueue_dma source(%dma_start3A_240 : memref<512xi32, #tpu.memory_space<hbm>>) target(%arg6 : memref<512xi32, #tpu.memory_space<vmem>>) target_semaphore(%run_scoped3A : memref<!tpu.dma_semaphore, #tpu.memory_space<semaphore_mem>>)
      %dma_wait3A_241 = tpu.memref_slice %arg3[%mul3A_2] : memref<16384xi32, #tpu.memory_space<hbm>> -> memref<512xi32, #tpu.memory_space<hbm>>
      %dma_wait3A_242 = tpu.memref_slice %arg3[%mul3A_2] : memref<16384xi32, #tpu.memory_space<hbm>> -> memref<512xi32, #tpu.memory_space<hbm>>
      tpu.wait_dma2 semaphore(%run_scoped3A : memref<!tpu.dma_semaphore, #tpu.memory_space<semaphore_mem>>) src(%dma_wait3A_242 : memref<512xi32, #tpu.memory_space<hbm>>) dst(%arg6 : memref<512xi32, #tpu.memory_space<vmem>>)
      tpu.yield
    }) : () -> ()
    %dma_start3A = arith.constant 0 : i32
    %dma_start3A_14 = arith.constant 0 : i32
    %dma_start3A_15 = arith.constant 0 : i32
    %dma_start3A_16 = tpu.memref_slice %arg8[%dma_start3A, %dma_start3A_14, %dma_start3A_15] : memref<2x128x256xf32, #tpu.memory_space<vmem>> -> memref<1x128x256xf32, #tpu.memory_space<vmem>>
    %dma_start3A_17 = tpu.memref_squeeze %dma_start3A_16 : memref<1x128x256xf32, #tpu.memory_space<vmem>> -> memref<128x256xf32, #tpu.memory_space<vmem>>
    %dma_start3A_18 = arith.constant 0 : i32
    %dma_start3A_19 = tpu.memref_slice %arg6[%dma_start3A_18] : memref<512xi32, #tpu.memory_space<vmem>> -> memref<128xi32, #tpu.memory_space<vmem>>
    %dma_start3A_20 = arith.constant 0 : i32
    %dma_start3A_21 = arith.constant 0 : i32
    %dma_start3A_22 = tpu.memref_slice %arg4[%dma_start3A_20, %dma_start3A_21] : memref<1000x256xf32, #tpu.memory_space<hbm>> -> memref<1000x256xf32, #tpu.memory_space<hbm>>
    tpu.enqueue_indirect_dma source(%dma_start3A_22 : memref<1000x256xf32, #tpu.memory_space<hbm>>) target(%dma_start3A_17 : memref<128x256xf32, #tpu.memory_space<vmem>>) offsets(%dma_start3A_19 : memref<128xi32, #tpu.memory_space<vmem>>) semaphore(%arg10 : memref<!tpu.dma_semaphore, #tpu.memory_space<semaphore_mem>>)
    %add3A_23 = arith.constant 0 : i32
    %add3A_24 = arith.addi %mul3A_2, %add3A_23 : i32
    %dma_start3A_25 = arith.constant 0 : i32
    %dma_start3A_26 = arith.constant 0 : i32
    %dma_start3A_27 = arith.constant 0 : i32
    %dma_start3A_28 = tpu.memref_slice %arg7[%dma_start3A_25, %dma_start3A_26, %dma_start3A_27] : memref<2x128x128xf32, #tpu.memory_space<vmem>> -> memref<1x128x128xf32, #tpu.memory_space<vmem>>
    %dma_start3A_29 = tpu.memref_squeeze %dma_start3A_28 : memref<1x128x128xf32, #tpu.memory_space<vmem>> -> memref<128x128xf32, #tpu.memory_space<vmem>>
    %dma_start3A_30 = arith.constant 0 : i32
    %dma_start3A_31 = tpu.memref_slice %arg2[%add3A_24, %dma_start3A_30] : memref<16384x128xf32, #tpu.memory_space<hbm>> -> memref<128x128xf32, #tpu.memory_space<hbm>>
    %dma_start3A_32 = arith.constant 0 : i32
    %dma_start3A_33 = arith.constant 0 : i32
    %dma_start3A_34 = tpu.memref_slice %arg7[%dma_start3A_25, %dma_start3A_32, %dma_start3A_33] : memref<2x128x128xf32, #tpu.memory_space<vmem>> -> memref<1x128x128xf32, #tpu.memory_space<vmem>>
    %dma_start3A_35 = tpu.memref_squeeze %dma_start3A_34 : memref<1x128x128xf32, #tpu.memory_space<vmem>> -> memref<128x128xf32, #tpu.memory_space<vmem>>
    %dma_start3A_36 = arith.constant 0 : i32
    %dma_start3A_37 = tpu.memref_slice %arg2[%add3A_24, %dma_start3A_36] : memref<16384x128xf32, #tpu.memory_space<hbm>> -> memref<128x128xf32, #tpu.memory_space<hbm>>
    tpu.enqueue_dma source(%dma_start3A_37 : memref<128x128xf32, #tpu.memory_space<hbm>>) target(%dma_start3A_35 : memref<128x128xf32, #tpu.memory_space<vmem>>) target_semaphore(%arg10 : memref<!tpu.dma_semaphore, #tpu.memory_space<semaphore_mem>>)
    %dma_start3A_38 = arith.constant 1 : i32
    %dma_start3A_39 = arith.constant 0 : i32
    %dma_start3A_40 = arith.constant 0 : i32
    %dma_start3A_41 = tpu.memref_slice %arg8[%dma_start3A_38, %dma_start3A_39, %dma_start3A_40] : memref<2x128x256xf32, #tpu.memory_space<vmem>> -> memref<1x128x256xf32, #tpu.memory_space<vmem>>
    %dma_start3A_42 = tpu.memref_squeeze %dma_start3A_41 : memref<1x128x256xf32, #tpu.memory_space<vmem>> -> memref<128x256xf32, #tpu.memory_space<vmem>>
    %dma_start3A_43 = arith.constant 128 : i32
    %dma_start3A_44 = tpu.memref_slice %arg6[%dma_start3A_43] : memref<512xi32, #tpu.memory_space<vmem>> -> memref<128xi32, #tpu.memory_space<vmem>>
    %dma_start3A_45 = arith.constant 0 : i32
    %dma_start3A_46 = arith.constant 0 : i32
    %dma_start3A_47 = tpu.memref_slice %arg4[%dma_start3A_45, %dma_start3A_46] : memref<1000x256xf32, #tpu.memory_space<hbm>> -> memref<1000x256xf32, #tpu.memory_space<hbm>>
    tpu.enqueue_indirect_dma source(%dma_start3A_47 : memref<1000x256xf32, #tpu.memory_space<hbm>>) target(%dma_start3A_42 : memref<128x256xf32, #tpu.memory_space<vmem>>) offsets(%dma_start3A_44 : memref<128xi32, #tpu.memory_space<vmem>>) semaphore(%arg11 : memref<!tpu.dma_semaphore, #tpu.memory_space<semaphore_mem>>)
    %add3A_48 = arith.constant 128 : i32
    %add3A_49 = arith.addi %mul3A_2, %add3A_48 : i32
    %dma_start3A_50 = arith.constant 1 : i32
    %dma_start3A_51 = arith.constant 0 : i32
    %dma_start3A_52 = arith.constant 0 : i32
    %dma_start3A_53 = tpu.memref_slice %arg7[%dma_start3A_50, %dma_start3A_51, %dma_start3A_52] : memref<2x128x128xf32, #tpu.memory_space<vmem>> -> memref<1x128x128xf32, #tpu.memory_space<vmem>>
    %dma_start3A_54 = tpu.memref_squeeze %dma_start3A_53 : memref<1x128x128xf32, #tpu.memory_space<vmem>> -> memref<128x128xf32, #tpu.memory_space<vmem>>
    %dma_start3A_55 = arith.constant 0 : i32
    %dma_start3A_56 = tpu.memref_slice %arg2[%add3A_49, %dma_start3A_55] : memref<16384x128xf32, #tpu.memory_space<hbm>> -> memref<128x128xf32, #tpu.memory_space<hbm>>
    %dma_start3A_57 = arith.constant 0 : i32
    %dma_start3A_58 = arith.constant 0 : i32
    %dma_start3A_59 = tpu.memref_slice %arg7[%dma_start3A_50, %dma_start3A_57, %dma_start3A_58] : memref<2x128x128xf32, #tpu.memory_space<vmem>> -> memref<1x128x128xf32, #tpu.memory_space<vmem>>
    %dma_start3A_60 = tpu.memref_squeeze %dma_start3A_59 : memref<1x128x128xf32, #tpu.memory_space<vmem>> -> memref<128x128xf32, #tpu.memory_space<vmem>>
    %dma_start3A_61 = arith.constant 0 : i32
    %dma_start3A_62 = tpu.memref_slice %arg2[%add3A_49, %dma_start3A_61] : memref<16384x128xf32, #tpu.memory_space<hbm>> -> memref<128x128xf32, #tpu.memory_space<hbm>>
    tpu.enqueue_dma source(%dma_start3A_62 : memref<128x128xf32, #tpu.memory_space<hbm>>) target(%dma_start3A_60 : memref<128x128xf32, #tpu.memory_space<vmem>>) target_semaphore(%arg11 : memref<!tpu.dma_semaphore, #tpu.memory_space<semaphore_mem>>)
    %dma_wait3A = arith.constant 0 : i32
    %dma_wait3A_63 = arith.constant 0 : i32
    %dma_wait3A_64 = arith.constant 0 : i32
    %dma_wait3A_65 = tpu.memref_slice %arg8[%dma_wait3A, %dma_wait3A_63, %dma_wait3A_64] : memref<2x128x256xf32, #tpu.memory_space<vmem>> -> memref<1x128x256xf32, #tpu.memory_space<vmem>>
    %dma_wait3A_66 = tpu.memref_squeeze %dma_wait3A_65 : memref<1x128x256xf32, #tpu.memory_space<vmem>> -> memref<128x256xf32, #tpu.memory_space<vmem>>
    %dma_wait3A_67 = arith.constant 0 : i32
    %dma_wait3A_68 = tpu.memref_slice %arg6[%dma_wait3A_67] : memref<512xi32, #tpu.memory_space<vmem>> -> memref<128xi32, #tpu.memory_space<vmem>>
    %dma_wait3A_69 = arith.constant 0 : i32
    %dma_wait3A_70 = arith.constant 0 : i32
    %dma_wait3A_71 = tpu.memref_slice %arg4[%dma_wait3A_69, %dma_wait3A_70] : memref<1000x256xf32, #tpu.memory_space<hbm>> -> memref<1000x256xf32, #tpu.memory_space<hbm>>
    tpu.wait_indirect_dma semaphore(%arg10 : memref<!tpu.dma_semaphore, #tpu.memory_space<semaphore_mem>>) src(%dma_wait3A_71 : memref<1000x256xf32, #tpu.memory_space<hbm>>) dst(%dma_wait3A_66 : memref<128x256xf32, #tpu.memory_space<vmem>>)
    %dma_wait3A_72 = arith.constant 0 : i32
    %dma_wait3A_73 = arith.constant 0 : i32
    %dma_wait3A_74 = arith.constant 0 : i32
    %dma_wait3A_75 = tpu.memref_slice %arg7[%dma_wait3A_72, %dma_wait3A_73, %dma_wait3A_74] : memref<2x128x128xf32, #tpu.memory_space<vmem>> -> memref<1x128x128xf32, #tpu.memory_space<vmem>>
    %dma_wait3A_76 = tpu.memref_squeeze %dma_wait3A_75 : memref<1x128x128xf32, #tpu.memory_space<vmem>> -> memref<128x128xf32, #tpu.memory_space<vmem>>
    %dma_wait3A_77 = arith.constant 0 : i32
    %dma_wait3A_78 = tpu.memref_slice %arg2[%add3A_24, %dma_wait3A_77] : memref<16384x128xf32, #tpu.memory_space<hbm>> -> memref<128x128xf32, #tpu.memory_space<hbm>>
    %dma_wait3A_79 = arith.constant 0 : i32
    %dma_wait3A_80 = arith.constant 0 : i32
    %dma_wait3A_81 = tpu.memref_slice %arg7[%dma_wait3A_72, %dma_wait3A_79, %dma_wait3A_80] : memref<2x128x128xf32, #tpu.memory_space<vmem>> -> memref<1x128x128xf32, #tpu.memory_space<vmem>>
    %dma_wait3A_82 = tpu.memref_squeeze %dma_wait3A_81 : memref<1x128x128xf32, #tpu.memory_space<vmem>> -> memref<128x128xf32, #tpu.memory_space<vmem>>
    %dma_wait3A_83 = arith.constant 0 : i32
    %dma_wait3A_84 = tpu.memref_slice %arg2[%add3A_24, %dma_wait3A_83] : memref<16384x128xf32, #tpu.memory_space<hbm>> -> memref<128x128xf32, #tpu.memory_space<hbm>>
    tpu.wait_dma2 semaphore(%arg10 : memref<!tpu.dma_semaphore, #tpu.memory_space<semaphore_mem>>) src(%dma_wait3A_84 : memref<128x128xf32, #tpu.memory_space<hbm>>) dst(%dma_wait3A_82 : memref<128x128xf32, #tpu.memory_space<vmem>>)
    %scan3A = arith.constant 0 : i32
    %scan3A_85 = arith.constant 0 : i32
    %scan3A_86 = arith.constant 0 : i32
    %scan3A_87 = arith.constant 0 : i32
    %scan3A_88 = arith.constant 8 : i32
    %scan3A_89 = arith.addi %scan3A_87, %scan3A_88 : i32
    %scan3A_90 = arith.constant 1 : i32
    %scan3A_91 = scf.for %scan3A_239 = %scan3A_87 to %scan3A_89 step %scan3A_90 iter_args(%scan3A_240 = %scan3A_86) -> (i32)  : i32 {
      %broadcast_in_dim3A = arith.constant 0.000000e+00 : f32
      %broadcast_in_dim3A_241 = vector.broadcast %broadcast_in_dim3A : f32 to vector<16xf32>
      %scan3A_242 = arith.constant 0 : i32
      %scan3A_243 = arith.constant 8 : i32
      %scan3A_244 = arith.addi %scan3A_242, %scan3A_243 : i32
      %scan3A_245 = arith.constant 1 : i32
      %scan3A_246 = scf.for %scan3A_256 = %scan3A_242 to %scan3A_244 step %scan3A_245 iter_args(%scan3A_257 = %broadcast_in_dim3A_241) -> (vector<16xf32>)  : i32 {
        %mul3A_258 = arith.constant 16 : i32
        %mul3A_259 = arith.muli %scan3A_239, %mul3A_258 : i32
        %add3A_260 = arith.addi %mul3A_259, %scan3A_256 : i32
        %mul3A_261 = arith.constant 16 : i32
        %mul3A_262 = arith.muli %scan3A_239, %mul3A_261 : i32
        %add3A_263 = arith.addi %mul3A_262, %scan3A_256 : i32
        %add3A_264 = arith.constant 8 : i32
        %add3A_265 = arith.addi %add3A_263, %add3A_264 : i32
        %broadcast_in_dim3A_266 = arith.constant 0.000000e+00 : f32
        %broadcast_in_dim3A_267 = vector.broadcast %broadcast_in_dim3A_266 : f32 to vector<16xf32>
        %broadcast_in_dim3A_268 = arith.constant 0.000000e+00 : f32
        %broadcast_in_dim3A_269 = vector.broadcast %broadcast_in_dim3A_268 : f32 to vector<16xf32>
        %get3A = arith.constant 0 : i32
        %get3A_270 = arith.constant 0 : i32
        %get3A_271 = tpu.memref_slice %arg7[%scan3A, %get3A, %get3A_270] : memref<2x128x128xf32, #tpu.memory_space<vmem>> -> memref<1x128x128xf32, #tpu.memory_space<vmem>>
        %get3A_272 = tpu.memref_squeeze %get3A_271 : memref<1x128x128xf32, #tpu.memory_space<vmem>> -> memref<128x128xf32, #tpu.memory_space<vmem>>
        %get3A_273 = arith.index_cast %add3A_260 : i32 to index
        %get3A_274 = arith.constant 0 : index
        %get3A_275 = tpu.vector_load %get3A_272[%get3A_273, %get3A_274] {strides = array<i32>} : memref<128x128xf32, #tpu.memory_space<vmem>>, vector<1x16xf32>,
        %get3A_276 = vector.shape_cast %get3A_275 : vector<1x16xf32> to vector<16xf32>
        %get3A_277 = arith.constant 0 : i32
        %get3A_278 = arith.constant 0 : i32
        %get3A_279 = tpu.memref_slice %arg8[%scan3A_85, %get3A_277, %get3A_278] : memref<2x128x256xf32, #tpu.memory_space<vmem>> -> memref<1x128x256xf32, #tpu.memory_space<vmem>>
        %get3A_280 = tpu.memref_squeeze %get3A_279 : memref<1x128x256xf32, #tpu.memory_space<vmem>> -> memref<128x256xf32, #tpu.memory_space<vmem>>
        %get3A_281 = arith.index_cast %add3A_260 : i32 to index
        %get3A_282 = arith.constant 0 : index
        %get3A_283 = tpu.vector_load %get3A_280[%get3A_281, %get3A_282] {strides = array<i32>} : memref<128x256xf32, #tpu.memory_space<vmem>>, vector<1x16xf32>,
        %get3A_284 = vector.shape_cast %get3A_283 : vector<1x16xf32> to vector<16xf32>
        %get3A_285 = arith.constant 0 : i32
        %get3A_286 = arith.constant 0 : i32
        %get3A_287 = tpu.memref_slice %arg8[%scan3A_85, %get3A_285, %get3A_286] : memref<2x128x256xf32, #tpu.memory_space<vmem>> -> memref<1x128x256xf32, #tpu.memory_space<vmem>>
        %get3A_288 = tpu.memref_squeeze %get3A_287 : memref<1x128x256xf32, #tpu.memory_space<vmem>> -> memref<128x256xf32, #tpu.memory_space<vmem>>
        %get3A_289 = arith.index_cast %add3A_260 : i32 to index
        %get3A_290 = arith.constant 128 : index
        %get3A_291 = tpu.vector_load %get3A_288[%get3A_289, %get3A_290] {strides = array<i32>} : memref<128x256xf32, #tpu.memory_space<vmem>>, vector<1x16xf32>,
        %get3A_292 = vector.shape_cast %get3A_291 : vector<1x16xf32> to vector<16xf32>
        %sub3A = arith.subf %get3A_276, %get3A_284 : vector<16xf32>
        %mul3A_293 = arith.mulf %sub3A, %sub3A : vector<16xf32>
        %neg3A = arith.constant 0.000000e+00 : f32
        %neg3A_294 = vector.broadcast %neg3A : f32 to vector<16xf32>
        %neg3A_295 = arith.subf %neg3A_294, %get3A_292 : vector<16xf32>
        %exp3A = math.exp %neg3A_295 : vector<16xf32>
        %mul3A_296 = arith.mulf %mul3A_293, %exp3A : vector<16xf32>
        %add3A_297 = arith.addf %mul3A_296, %get3A_292 : vector<16xf32>
        %add3A_298 = arith.addf %broadcast_in_dim3A_267, %add3A_297 : vector<16xf32>
        %get3A_299 = arith.constant 0 : i32
        %get3A_300 = arith.constant 0 : i32
        %get3A_301 = tpu.memref_slice %arg7[%scan3A, %get3A_299, %get3A_300] : memref<2x128x128xf32, #tpu.memory_space<vmem>> -> memref<1x128x128xf32, #tpu.memory_space<vmem>>
        %get3A_302 = tpu.memref_squeeze %get3A_301 : memref<1x128x128xf32, #tpu.memory_space<vmem>> -> memref<128x128xf32, #tpu.memory_space<vmem>>
        %get3A_303 = arith.index_cast %add3A_260 : i32 to index
        %get3A_304 = arith.constant 16 : index
        %get3A_305 = tpu.vector_load %get3A_302[%get3A_303, %get3A_304] {strides = array<i32>} : memref<128x128xf32, #tpu.memory_space<vmem>>, vector<1x16xf32>,
        %get3A_306 = vector.shape_cast %get3A_305 : vector<1x16xf32> to vector<16xf32>
        %get3A_307 = arith.constant 0 : i32
        %get3A_308 = arith.constant 0 : i32
        %get3A_309 = tpu.memref_slice %arg8[%scan3A_85, %get3A_307, %get3A_308] : memref<2x128x256xf32, #tpu.memory_space<vmem>> -> memref<1x128x256xf32, #tpu.memory_space<vmem>>
        %get3A_310 = tpu.memref_squeeze %get3A_309 : memref<1x128x256xf32, #tpu.memory_space<vmem>> -> memref<128x256xf32, #tpu.memory_space<vmem>>
        %get3A_311 = arith.index_cast %add3A_260 : i32 to index
        %get3A_312 = arith.constant 16 : index
        %get3A_313 = tpu.vector_load %get3A_310[%get3A_311, %get3A_312] {strides = array<i32>} : memref<128x256xf32, #tpu.memory_space<vmem>>, vector<1x16xf32>,
        %get3A_314 = vector.shape_cast %get3A_313 : vector<1x16xf32> to vector<16xf32>
        %get3A_315 = arith.constant 0 : i32
        %get3A_316 = arith.constant 0 : i32
        %get3A_317 = tpu.memref_slice %arg8[%scan3A_85, %get3A_315, %get3A_316] : memref<2x128x256xf32, #tpu.memory_space<vmem>> -> memref<1x128x256xf32, #tpu.memory_space<vmem>>
        %get3A_318 = tpu.memref_squeeze %get3A_317 : memref<1x128x256xf32, #tpu.memory_space<vmem>> -> memref<128x256xf32, #tpu.memory_space<vmem>>
        %get3A_319 = arith.index_cast %add3A_260 : i32 to index
        %get3A_320 = arith.constant 144 : index
        %get3A_321 = tpu.vector_load %get3A_318[%get3A_319, %get3A_320] {strides = array<i32>} : memref<128x256xf32, #tpu.memory_space<vmem>>, vector<1x16xf32>,
        %get3A_322 = vector.shape_cast %get3A_321 : vector<1x16xf32> to vector<16xf32>
        %sub3A_323 = arith.subf %get3A_306, %get3A_314 : vector<16xf32>
        %mul3A_324 = arith.mulf %sub3A_323, %sub3A_323 : vector<16xf32>
        %neg3A_325 = arith.constant 0.000000e+00 : f32
        %neg3A_326 = vector.broadcast %neg3A_325 : f32 to vector<16xf32>
        %neg3A_327 = arith.subf %neg3A_326, %get3A_322 : vector<16xf32>
        %exp3A_328 = math.exp %neg3A_327 : vector<16xf32>
        %mul3A_329 = arith.mulf %mul3A_324, %exp3A_328 : vector<16xf32>
        %add3A_330 = arith.addf %mul3A_329, %get3A_322 : vector<16xf32>
        %add3A_331 = arith.addf %broadcast_in_dim3A_269, %add3A_330 : vector<16xf32>
        %get3A_332 = arith.constant 0 : i32
        %get3A_333 = arith.constant 0 : i32
        %get3A_334 = tpu.memref_slice %arg7[%scan3A, %get3A_332, %get3A_333] : memref<2x128x128xf32, #tpu.memory_space<vmem>> -> memref<1x128x128xf32, #tpu.memory_space<vmem>>
        %get3A_335 = tpu.memref_squeeze %get3A_334 : memref<1x128x128xf32, #tpu.memory_space<vmem>> -> memref<128x128xf32, #tpu.memory_space<vmem>>
        %get3A_336 = arith.index_cast %add3A_260 : i32 to index
        %get3A_337 = arith.constant 32 : index
        %get3A_338 = tpu.vector_load %get3A_335[%get3A_336, %get3A_337] {strides = array<i32>} : memref<128x128xf32, #tpu.memory_space<vmem>>, vector<1x16xf32>,
        %get3A_339 = vector.shape_cast %get3A_338 : vector<1x16xf32> to vector<16xf32>
        %get3A_340 = arith.constant 0 : i32
        %get3A_341 = arith.constant 0 : i32
        %get3A_342 = tpu.memref_slice %arg8[%scan3A_85, %get3A_340, %get3A_341] : memref<2x128x256xf32, #tpu.memory_space<vmem>> -> memref<1x128x256xf32, #tpu.memory_space<vmem>>
        %get3A_343 = tpu.memref_squeeze %get3A_342 : memref<1x128x256xf32, #tpu.memory_space<vmem>> -> memref<128x256xf32, #tpu.memory_space<vmem>>
        %get3A_344 = arith.index_cast %add3A_260 : i32 to index
        %get3A_345 = arith.constant 32 : index
        %get3A_346 = tpu.vector_load %get3A_343[%get3A_344, %get3A_345] {strides = array<i32>} : memref<128x256xf32, #tpu.memory_space<vmem>>, vector<1x16xf32>,
        %get3A_347 = vector.shape_cast %get3A_346 : vector<1x16xf32> to vector<16xf32>
        %get3A_348 = arith.constant 0 : i32
        %get3A_349 = arith.constant 0 : i32
        %get3A_350 = tpu.memref_slice %arg8[%scan3A_85, %get3A_348, %get3A_349] : memref<2x128x256xf32, #tpu.memory_space<vmem>> -> memref<1x128x256xf32, #tpu.memory_space<vmem>>
        %get3A_351 = tpu.memref_squeeze %get3A_350 : memref<1x128x256xf32, #tpu.memory_space<vmem>> -> memref<128x256xf32, #tpu.memory_space<vmem>>
        %get3A_352 = arith.index_cast %add3A_260 : i32 to index
        %get3A_353 = arith.constant 160 : index
        %get3A_354 = tpu.vector_load %get3A_351[%get3A_352, %get3A_353] {strides = array<i32>} : memref<128x256xf32, #tpu.memory_space<vmem>>, vector<1x16xf32>,
        %get3A_355 = vector.shape_cast %get3A_354 : vector<1x16xf32> to vector<16xf32>
        %sub3A_356 = arith.subf %get3A_339, %get3A_347 : vector<16xf32>
        %mul3A_357 = arith.mulf %sub3A_356, %sub3A_356 : vector<16xf32>
        %neg3A_358 = arith.constant 0.000000e+00 : f32
        %neg3A_359 = vector.broadcast %neg3A_358 : f32 to vector<16xf32>
        %neg3A_360 = arith.subf %neg3A_359, %get3A_355 : vector<16xf32>
        %exp3A_361 = math.exp %neg3A_360 : vector<16xf32>
        %mul3A_362 = arith.mulf %mul3A_357, %exp3A_361 : vector<16xf32>
        %add3A_363 = arith.addf %mul3A_362, %get3A_355 : vector<16xf32>
        %add3A_364 = arith.addf %add3A_298, %add3A_363 : vector<16xf32>
        %get3A_365 = arith.constant 0 : i32
        %get3A_366 = arith.constant 0 : i32
        %get3A_367 = tpu.memref_slice %arg7[%scan3A, %get3A_365, %get3A_366] : memref<2x128x128xf32, #tpu.memory_space<vmem>> -> memref<1x128x128xf32, #tpu.memory_space<vmem>>
        %get3A_368 = tpu.memref_squeeze %get3A_367 : memref<1x128x128xf32, #tpu.memory_space<vmem>> -> memref<128x128xf32, #tpu.memory_space<vmem>>
        %get3A_369 = arith.index_cast %add3A_260 : i32 to index
        %get3A_370 = arith.constant 48 : index
        %get3A_371 = tpu.vector_load %get3A_368[%get3A_369, %get3A_370] {strides = array<i32>} : memref<128x128xf32, #tpu.memory_space<vmem>>, vector<1x16xf32>,
        %get3A_372 = vector.shape_cast %get3A_371 : vector<1x16xf32> to vector<16xf32>
        %get3A_373 = arith.constant 0 : i32
        %get3A_374 = arith.constant 0 : i32
        %get3A_375 = tpu.memref_slice %arg8[%scan3A_85, %get3A_373, %get3A_374] : memref<2x128x256xf32, #tpu.memory_space<vmem>> -> memref<1x128x256xf32, #tpu.memory_space<vmem>>
        %get3A_376 = tpu.memref_squeeze %get3A_375 : memref<1x128x256xf32, #tpu.memory_space<vmem>> -> memref<128x256xf32, #tpu.memory_space<vmem>>
        %get3A_377 = arith.index_cast %add3A_260 : i32 to index
        %get3A_378 = arith.constant 48 : index
        %get3A_379 = tpu.vector_load %get3A_376[%get3A_377, %get3A_378] {strides = array<i32>} : memref<128x256xf32, #tpu.memory_space<vmem>>, vector<1x16xf32>,
        %get3A_380 = vector.shape_cast %get3A_379 : vector<1x16xf32> to vector<16xf32>
        %get3A_381 = arith.constant 0 : i32
        %get3A_382 = arith.constant 0 : i32
        %get3A_383 = tpu.memref_slice %arg8[%scan3A_85, %get3A_381, %get3A_382] : memref<2x128x256xf32, #tpu.memory_space<vmem>> -> memref<1x128x256xf32, #tpu.memory_space<vmem>>
        %get3A_384 = tpu.memref_squeeze %get3A_383 : memref<1x128x256xf32, #tpu.memory_space<vmem>> -> memref<128x256xf32, #tpu.memory_space<vmem>>
        %get3A_385 = arith.index_cast %add3A_260 : i32 to index
        %get3A_386 = arith.constant 176 : index
        %get3A_387 = tpu.vector_load %get3A_384[%get3A_385, %get3A_386] {strides = array<i32>} : memref<128x256xf32, #tpu.memory_space<vmem>>, vector<1x16xf32>,
        %get3A_388 = vector.shape_cast %get3A_387 : vector<1x16xf32> to vector<16xf32>
        %sub3A_389 = arith.subf %get3A_372, %get3A_380 : vector<16xf32>
        %mul3A_390 = arith.mulf %sub3A_389, %sub3A_389 : vector<16xf32>
        %neg3A_391 = arith.constant 0.000000e+00 : f32
        %neg3A_392 = vector.broadcast %neg3A_391 : f32 to vector<16xf32>
        %neg3A_393 = arith.subf %neg3A_392, %get3A_388 : vector<16xf32>
        %exp3A_394 = math.exp %neg3A_393 : vector<16xf32>
        %mul3A_395 = arith.mulf %mul3A_390, %exp3A_394 : vector<16xf32>
        %add3A_396 = arith.addf %mul3A_395, %get3A_388 : vector<16xf32>
        %add3A_397 = arith.addf %add3A_331, %add3A_396 : vector<16xf32>
        %get3A_398 = arith.constant 0 : i32
        %get3A_399 = arith.constant 0 : i32
        %get3A_400 = tpu.memref_slice %arg7[%scan3A, %get3A_398, %get3A_399] : memref<2x128x128xf32, #tpu.memory_space<vmem>> -> memref<1x128x128xf32, #tpu.memory_space<vmem>>
        %get3A_401 = tpu.memref_squeeze %get3A_400 : memref<1x128x128xf32, #tpu.memory_space<vmem>> -> memref<128x128xf32, #tpu.memory_space<vmem>>
        %get3A_402 = arith.index_cast %add3A_260 : i32 to index
        %get3A_403 = arith.constant 64 : index
        %get3A_404 = tpu.vector_load %get3A_401[%get3A_402, %get3A_403] {strides = array<i32>} : memref<128x128xf32, #tpu.memory_space<vmem>>, vector<1x16xf32>,
        %get3A_405 = vector.shape_cast %get3A_404 : vector<1x16xf32> to vector<16xf32>
        %get3A_406 = arith.constant 0 : i32
        %get3A_407 = arith.constant 0 : i32
        %get3A_408 = tpu.memref_slice %arg8[%scan3A_85, %get3A_406, %get3A_407] : memref<2x128x256xf32, #tpu.memory_space<vmem>> -> memref<1x128x256xf32, #tpu.memory_space<vmem>>
        %get3A_409 = tpu.memref_squeeze %get3A_408 : memref<1x128x256xf32, #tpu.memory_space<vmem>> -> memref<128x256xf32, #tpu.memory_space<vmem>>
        %get3A_410 = arith.index_cast %add3A_260 : i32 to index
        %get3A_411 = arith.constant 64 : index
        %get3A_412 = tpu.vector_load %get3A_409[%get3A_410, %get3A_411] {strides = array<i32>} : memref<128x256xf32, #tpu.memory_space<vmem>>, vector<1x16xf32>,
        %get3A_413 = vector.shape_cast %get3A_412 : vector<1x16xf32> to vector<16xf32>
        %get3A_414 = arith.constant 0 : i32
        %get3A_415 = arith.constant 0 : i32
        %get3A_416 = tpu.memref_slice %arg8[%scan3A_85, %get3A_414, %get3A_415] : memref<2x128x256xf32, #tpu.memory_space<vmem>> -> memref<1x128x256xf32, #tpu.memory_space<vmem>>
        %get3A_417 = tpu.memref_squeeze %get3A_416 : memref<1x128x256xf32, #tpu.memory_space<vmem>> -> memref<128x256xf32, #tpu.memory_space<vmem>>
        %get3A_418 = arith.index_cast %add3A_260 : i32 to index
        %get3A_419 = arith.constant 192 : index
        %get3A_420 = tpu.vector_load %get3A_417[%get3A_418, %get3A_419] {strides = array<i32>} : memref<128x256xf32, #tpu.memory_space<vmem>>, vector<1x16xf32>,
        %get3A_421 = vector.shape_cast %get3A_420 : vector<1x16xf32> to vector<16xf32>
        %sub3A_422 = arith.subf %get3A_405, %get3A_413 : vector<16xf32>
        %mul3A_423 = arith.mulf %sub3A_422, %sub3A_422 : vector<16xf32>
        %neg3A_424 = arith.constant 0.000000e+00 : f32
        %neg3A_425 = vector.broadcast %neg3A_424 : f32 to vector<16xf32>
        %neg3A_426 = arith.subf %neg3A_425, %get3A_421 : vector<16xf32>
        %exp3A_427 = math.exp %neg3A_426 : vector<16xf32>
        %mul3A_428 = arith.mulf %mul3A_423, %exp3A_427 : vector<16xf32>
        %add3A_429 = arith.addf %mul3A_428, %get3A_421 : vector<16xf32>
        %add3A_430 = arith.addf %add3A_364, %add3A_429 : vector<16xf32>
        %get3A_431 = arith.constant 0 : i32
        %get3A_432 = arith.constant 0 : i32
        %get3A_433 = tpu.memref_slice %arg7[%scan3A, %get3A_431, %get3A_432] : memref<2x128x128xf32, #tpu.memory_space<vmem>> -> memref<1x128x128xf32, #tpu.memory_space<vmem>>
        %get3A_434 = tpu.memref_squeeze %get3A_433 : memref<1x128x128xf32, #tpu.memory_space<vmem>> -> memref<128x128xf32, #tpu.memory_space<vmem>>
        %get3A_435 = arith.index_cast %add3A_260 : i32 to index
        %get3A_436 = arith.constant 80 : index
        %get3A_437 = tpu.vector_load %get3A_434[%get3A_435, %get3A_436] {strides = array<i32>} : memref<128x128xf32, #tpu.memory_space<vmem>>, vector<1x16xf32>,
        %get3A_438 = vector.shape_cast %get3A_437 : vector<1x16xf32> to vector<16xf32>
        %get3A_439 = arith.constant 0 : i32
        %get3A_440 = arith.constant 0 : i32
        %get3A_441 = tpu.memref_slice %arg8[%scan3A_85, %get3A_439, %get3A_440] : memref<2x128x256xf32, #tpu.memory_space<vmem>> -> memref<1x128x256xf32, #tpu.memory_space<vmem>>
        %get3A_442 = tpu.memref_squeeze %get3A_441 : memref<1x128x256xf32, #tpu.memory_space<vmem>> -> memref<128x256xf32, #tpu.memory_space<vmem>>
        %get3A_443 = arith.index_cast %add3A_260 : i32 to index
        %get3A_444 = arith.constant 80 : index
        %get3A_445 = tpu.vector_load %get3A_442[%get3A_443, %get3A_444] {strides = array<i32>} : memref<128x256xf32, #tpu.memory_space<vmem>>, vector<1x16xf32>,
        %get3A_446 = vector.shape_cast %get3A_445 : vector<1x16xf32> to vector<16xf32>
        %get3A_447 = arith.constant 0 : i32
        %get3A_448 = arith.constant 0 : i32
        %get3A_449 = tpu.memref_slice %arg8[%scan3A_85, %get3A_447, %get3A_448] : memref<2x128x256xf32, #tpu.memory_space<vmem>> -> memref<1x128x256xf32, #tpu.memory_space<vmem>>
        %get3A_450 = tpu.memref_squeeze %get3A_449 : memref<1x128x256xf32, #tpu.memory_space<vmem>> -> memref<128x256xf32, #tpu.memory_space<vmem>>
        %get3A_451 = arith.index_cast %add3A_260 : i32 to index
        %get3A_452 = arith.constant 208 : index
        %get3A_453 = tpu.vector_load %get3A_450[%get3A_451, %get3A_452] {strides = array<i32>} : memref<128x256xf32, #tpu.memory_space<vmem>>, vector<1x16xf32>,
        %get3A_454 = vector.shape_cast %get3A_453 : vector<1x16xf32> to vector<16xf32>
        %sub3A_455 = arith.subf %get3A_438, %get3A_446 : vector<16xf32>
        %mul3A_456 = arith.mulf %sub3A_455, %sub3A_455 : vector<16xf32>
        %neg3A_457 = arith.constant 0.000000e+00 : f32
        %neg3A_458 = vector.broadcast %neg3A_457 : f32 to vector<16xf32>
        %neg3A_459 = arith.subf %neg3A_458, %get3A_454 : vector<16xf32>
        %exp3A_460 = math.exp %neg3A_459 : vector<16xf32>
        %mul3A_461 = arith.mulf %mul3A_456, %exp3A_460 : vector<16xf32>
        %add3A_462 = arith.addf %mul3A_461, %get3A_454 : vector<16xf32>
        %add3A_463 = arith.addf %add3A_397, %add3A_462 : vector<16xf32>
        %get3A_464 = arith.constant 0 : i32
        %get3A_465 = arith.constant 0 : i32
        %get3A_466 = tpu.memref_slice %arg7[%scan3A, %get3A_464, %get3A_465] : memref<2x128x128xf32, #tpu.memory_space<vmem>> -> memref<1x128x128xf32, #tpu.memory_space<vmem>>
        %get3A_467 = tpu.memref_squeeze %get3A_466 : memref<1x128x128xf32, #tpu.memory_space<vmem>> -> memref<128x128xf32, #tpu.memory_space<vmem>>
        %get3A_468 = arith.index_cast %add3A_260 : i32 to index
        %get3A_469 = arith.constant 96 : index
        %get3A_470 = tpu.vector_load %get3A_467[%get3A_468, %get3A_469] {strides = array<i32>} : memref<128x128xf32, #tpu.memory_space<vmem>>, vector<1x16xf32>,
        %get3A_471 = vector.shape_cast %get3A_470 : vector<1x16xf32> to vector<16xf32>
        %get3A_472 = arith.constant 0 : i32
        %get3A_473 = arith.constant 0 : i32
        %get3A_474 = tpu.memref_slice %arg8[%scan3A_85, %get3A_472, %get3A_473] : memref<2x128x256xf32, #tpu.memory_space<vmem>> -> memref<1x128x256xf32, #tpu.memory_space<vmem>>
        %get3A_475 = tpu.memref_squeeze %get3A_474 : memref<1x128x256xf32, #tpu.memory_space<vmem>> -> memref<128x256xf32, #tpu.memory_space<vmem>>
        %get3A_476 = arith.index_cast %add3A_260 : i32 to index
        %get3A_477 = arith.constant 96 : index
        %get3A_478 = tpu.vector_load %get3A_475[%get3A_476, %get3A_477] {strides = array<i32>} : memref<128x256xf32, #tpu.memory_space<vmem>>, vector<1x16xf32>,
        %get3A_479 = vector.shape_cast %get3A_478 : vector<1x16xf32> to vector<16xf32>
        %get3A_480 = arith.constant 0 : i32
        %get3A_481 = arith.constant 0 : i32
        %get3A_482 = tpu.memref_slice %arg8[%scan3A_85, %get3A_480, %get3A_481] : memref<2x128x256xf32, #tpu.memory_space<vmem>> -> memref<1x128x256xf32, #tpu.memory_space<vmem>>
        %get3A_483 = tpu.memref_squeeze %get3A_482 : memref<1x128x256xf32, #tpu.memory_space<vmem>> -> memref<128x256xf32, #tpu.memory_space<vmem>>
        %get3A_484 = arith.index_cast %add3A_260 : i32 to index
        %get3A_485 = arith.constant 224 : index
        %get3A_486 = tpu.vector_load %get3A_483[%get3A_484, %get3A_485] {strides = array<i32>} : memref<128x256xf32, #tpu.memory_space<vmem>>, vector<1x16xf32>,
        %get3A_487 = vector.shape_cast %get3A_486 : vector<1x16xf32> to vector<16xf32>
        %sub3A_488 = arith.subf %get3A_471, %get3A_479 : vector<16xf32>
        %mul3A_489 = arith.mulf %sub3A_488, %sub3A_488 : vector<16xf32>
        %neg3A_490 = arith.constant 0.000000e+00 : f32
        %neg3A_491 = vector.broadcast %neg3A_490 : f32 to vector<16xf32>
        %neg3A_492 = arith.subf %neg3A_491, %get3A_487 : vector<16xf32>
        %exp3A_493 = math.exp %neg3A_492 : vector<16xf32>
        %mul3A_494 = arith.mulf %mul3A_489, %exp3A_493 : vector<16xf32>
        %add3A_495 = arith.addf %mul3A_494, %get3A_487 : vector<16xf32>
        %add3A_496 = arith.addf %add3A_430, %add3A_495 : vector<16xf32>
        %get3A_497 = arith.constant 0 : i32
        %get3A_498 = arith.constant 0 : i32
        %get3A_499 = tpu.memref_slice %arg7[%scan3A, %get3A_497, %get3A_498] : memref<2x128x128xf32, #tpu.memory_space<vmem>> -> memref<1x128x128xf32, #tpu.memory_space<vmem>>
        %get3A_500 = tpu.memref_squeeze %get3A_499 : memref<1x128x128xf32, #tpu.memory_space<vmem>> -> memref<128x128xf32, #tpu.memory_space<vmem>>
        %get3A_501 = arith.index_cast %add3A_260 : i32 to index
        %get3A_502 = arith.constant 112 : index
        %get3A_503 = tpu.vector_load %get3A_500[%get3A_501, %get3A_502] {strides = array<i32>} : memref<128x128xf32, #tpu.memory_space<vmem>>, vector<1x16xf32>,
        %get3A_504 = vector.shape_cast %get3A_503 : vector<1x16xf32> to vector<16xf32>
        %get3A_505 = arith.constant 0 : i32
        %get3A_506 = arith.constant 0 : i32
        %get3A_507 = tpu.memref_slice %arg8[%scan3A_85, %get3A_505, %get3A_506] : memref<2x128x256xf32, #tpu.memory_space<vmem>> -> memref<1x128x256xf32, #tpu.memory_space<vmem>>
        %get3A_508 = tpu.memref_squeeze %get3A_507 : memref<1x128x256xf32, #tpu.memory_space<vmem>> -> memref<128x256xf32, #tpu.memory_space<vmem>>
        %get3A_509 = arith.index_cast %add3A_260 : i32 to index
        %get3A_510 = arith.constant 112 : index
        %get3A_511 = tpu.vector_load %get3A_508[%get3A_509, %get3A_510] {strides = array<i32>} : memref<128x256xf32, #tpu.memory_space<vmem>>, vector<1x16xf32>,
        %get3A_512 = vector.shape_cast %get3A_511 : vector<1x16xf32> to vector<16xf32>
        %get3A_513 = arith.constant 0 : i32
        %get3A_514 = arith.constant 0 : i32
        %get3A_515 = tpu.memref_slice %arg8[%scan3A_85, %get3A_513, %get3A_514] : memref<2x128x256xf32, #tpu.memory_space<vmem>> -> memref<1x128x256xf32, #tpu.memory_space<vmem>>
        %get3A_516 = tpu.memref_squeeze %get3A_515 : memref<1x128x256xf32, #tpu.memory_space<vmem>> -> memref<128x256xf32, #tpu.memory_space<vmem>>
        %get3A_517 = arith.index_cast %add3A_260 : i32 to index
        %get3A_518 = arith.constant 240 : index
        %get3A_519 = tpu.vector_load %get3A_516[%get3A_517, %get3A_518] {strides = array<i32>} : memref<128x256xf32, #tpu.memory_space<vmem>>, vector<1x16xf32>,
        %get3A_520 = vector.shape_cast %get3A_519 : vector<1x16xf32> to vector<16xf32>
        %sub3A_521 = arith.subf %get3A_504, %get3A_512 : vector<16xf32>
        %mul3A_522 = arith.mulf %sub3A_521, %sub3A_521 : vector<16xf32>
        %neg3A_523 = arith.constant 0.000000e+00 : f32
        %neg3A_524 = vector.broadcast %neg3A_523 : f32 to vector<16xf32>
        %neg3A_525 = arith.subf %neg3A_524, %get3A_520 : vector<16xf32>
        %exp3A_526 = math.exp %neg3A_525 : vector<16xf32>
        %mul3A_527 = arith.mulf %mul3A_522, %exp3A_526 : vector<16xf32>
        %add3A_528 = arith.addf %mul3A_527, %get3A_520 : vector<16xf32>
        %add3A_529 = arith.addf %add3A_463, %add3A_528 : vector<16xf32>
        %add3A_530 = arith.addf %add3A_496, %add3A_529 : vector<16xf32>
        %broadcast_in_dim3A_531 = vector.shape_cast %xor3A_4 : vector<16xi32> to vector<16x1xi32>
        %gather3A = vector.shape_cast %broadcast_in_dim3A_531 : vector<16x1xi32> to vector<16xi32>
        %gather3A_532 = tpu.dynamic_gather %add3A_530[%gather3A] in [0] : vector<16xf32>, vector<16xi32> -> vector<16xf32>
        %add3A_533 = arith.addf %add3A_530, %gather3A_532 : vector<16xf32>
        %broadcast_in_dim3A_534 = vector.shape_cast %xor3A_7 : vector<16xi32> to vector<16x1xi32>
        %gather3A_535 = vector.shape_cast %broadcast_in_dim3A_534 : vector<16x1xi32> to vector<16xi32>
        %gather3A_536 = tpu.dynamic_gather %add3A_533[%gather3A_535] in [0] : vector<16xf32>, vector<16xi32> -> vector<16xf32>
        %add3A_537 = arith.addf %add3A_533, %gather3A_536 : vector<16xf32>
        %broadcast_in_dim3A_538 = vector.shape_cast %xor3A_10 : vector<16xi32> to vector<16x1xi32>
        %gather3A_539 = vector.shape_cast %broadcast_in_dim3A_538 : vector<16x1xi32> to vector<16xi32>
        %gather3A_540 = tpu.dynamic_gather %add3A_537[%gather3A_539] in [0] : vector<16xf32>, vector<16xi32> -> vector<16xf32>
        %add3A_541 = arith.addf %add3A_537, %gather3A_540 : vector<16xf32>
        %broadcast_in_dim3A_542 = vector.shape_cast %xor3A_13 : vector<16xi32> to vector<16x1xi32>
        %gather3A_543 = vector.shape_cast %broadcast_in_dim3A_542 : vector<16x1xi32> to vector<16xi32>
        %gather3A_544 = tpu.dynamic_gather %add3A_541[%gather3A_543] in [0] : vector<16xf32>, vector<16xi32> -> vector<16xf32>
        %add3A_545 = arith.addf %add3A_541, %gather3A_544 : vector<16xf32>
        %add3A_546 = arith.constant 235.24826 : f32
        %add3A_547 = vector.broadcast %add3A_546 : f32 to vector<16xf32>
        %add3A_548 = arith.addf %add3A_545, %add3A_547 : vector<16xf32>
        %mul3A_549 = arith.constant -5.000000e-01 : f32
        %mul3A_550 = vector.broadcast %mul3A_549 : f32 to vector<16xf32>
        %mul3A_551 = arith.mulf %mul3A_550, %add3A_548 : vector<16xf32>
        %broadcast_in_dim3A_552 = arith.constant 0.000000e+00 : f32
        %broadcast_in_dim3A_553 = vector.broadcast %broadcast_in_dim3A_552 : f32 to vector<16xf32>
        %broadcast_in_dim3A_554 = arith.constant 0.000000e+00 : f32
        %broadcast_in_dim3A_555 = vector.broadcast %broadcast_in_dim3A_554 : f32 to vector<16xf32>
        %get3A_556 = arith.constant 0 : i32
        %get3A_557 = arith.constant 0 : i32
        %get3A_558 = tpu.memref_slice %arg7[%scan3A, %get3A_556, %get3A_557] : memref<2x128x128xf32, #tpu.memory_space<vmem>> -> memref<1x128x128xf32, #tpu.memory_space<vmem>>
        %get3A_559 = tpu.memref_squeeze %get3A_558 : memref<1x128x128xf32, #tpu.memory_space<vmem>> -> memref<128x128xf32, #tpu.memory_space<vmem>>
        %get3A_560 = arith.index_cast %add3A_265 : i32 to index
        %get3A_561 = arith.constant 0 : index
        %get3A_562 = tpu.vector_load %get3A_559[%get3A_560, %get3A_561] {strides = array<i32>} : memref<128x128xf32, #tpu.memory_space<vmem>>, vector<1x16xf32>,
        %get3A_563 = vector.shape_cast %get3A_562 : vector<1x16xf32> to vector<16xf32>
        %get3A_564 = arith.constant 0 : i32
        %get3A_565 = arith.constant 0 : i32
        %get3A_566 = tpu.memref_slice %arg8[%scan3A_85, %get3A_564, %get3A_565] : memref<2x128x256xf32, #tpu.memory_space<vmem>> -> memref<1x128x256xf32, #tpu.memory_space<vmem>>
        %get3A_567 = tpu.memref_squeeze %get3A_566 : memref<1x128x256xf32, #tpu.memory_space<vmem>> -> memref<128x256xf32, #tpu.memory_space<vmem>>
        %get3A_568 = arith.index_cast %add3A_265 : i32 to index
        %get3A_569 = arith.constant 0 : index
        %get3A_570 = tpu.vector_load %get3A_567[%get3A_568, %get3A_569] {strides = array<i32>} : memref<128x256xf32, #tpu.memory_space<vmem>>, vector<1x16xf32>,
        %get3A_571 = vector.shape_cast %get3A_570 : vector<1x16xf32> to vector<16xf32>
        %get3A_572 = arith.constant 0 : i32
        %get3A_573 = arith.constant 0 : i32
        %get3A_574 = tpu.memref_slice %arg8[%scan3A_85, %get3A_572, %get3A_573] : memref<2x128x256xf32, #tpu.memory_space<vmem>> -> memref<1x128x256xf32, #tpu.memory_space<vmem>>
        %get3A_575 = tpu.memref_squeeze %get3A_574 : memref<1x128x256xf32, #tpu.memory_space<vmem>> -> memref<128x256xf32, #tpu.memory_space<vmem>>
        %get3A_576 = arith.index_cast %add3A_265 : i32 to index
        %get3A_577 = arith.constant 128 : index
        %get3A_578 = tpu.vector_load %get3A_575[%get3A_576, %get3A_577] {strides = array<i32>} : memref<128x256xf32, #tpu.memory_space<vmem>>, vector<1x16xf32>,
        %get3A_579 = vector.shape_cast %get3A_578 : vector<1x16xf32> to vector<16xf32>
        %sub3A_580 = arith.subf %get3A_563, %get3A_571 : vector<16xf32>
        %mul3A_581 = arith.mulf %sub3A_580, %sub3A_580 : vector<16xf32>
        %neg3A_582 = arith.constant 0.000000e+00 : f32
        %neg3A_583 = vector.broadcast %neg3A_582 : f32 to vector<16xf32>
        %neg3A_584 = arith.subf %neg3A_583, %get3A_579 : vector<16xf32>
        %exp3A_585 = math.exp %neg3A_584 : vector<16xf32>
        %mul3A_586 = arith.mulf %mul3A_581, %exp3A_585 : vector<16xf32>
        %add3A_587 = arith.addf %mul3A_586, %get3A_579 : vector<16xf32>
        %add3A_588 = arith.addf %broadcast_in_dim3A_553, %add3A_587 : vector<16xf32>
        %get3A_589 = arith.constant 0 : i32
        %get3A_590 = arith.constant 0 : i32
        %get3A_591 = tpu.memref_slice %arg7[%scan3A, %get3A_589, %get3A_590] : memref<2x128x128xf32, #tpu.memory_space<vmem>> -> memref<1x128x128xf32, #tpu.memory_space<vmem>>
        %get3A_592 = tpu.memref_squeeze %get3A_591 : memref<1x128x128xf32, #tpu.memory_space<vmem>> -> memref<128x128xf32, #tpu.memory_space<vmem>>
        %get3A_593 = arith.index_cast %add3A_265 : i32 to index
        %get3A_594 = arith.constant 16 : index
        %get3A_595 = tpu.vector_load %get3A_592[%get3A_593, %get3A_594] {strides = array<i32>} : memref<128x128xf32, #tpu.memory_space<vmem>>, vector<1x16xf32>,
        %get3A_596 = vector.shape_cast %get3A_595 : vector<1x16xf32> to vector<16xf32>
        %get3A_597 = arith.constant 0 : i32
        %get3A_598 = arith.constant 0 : i32
        %get3A_599 = tpu.memref_slice %arg8[%scan3A_85, %get3A_597, %get3A_598] : memref<2x128x256xf32, #tpu.memory_space<vmem>> -> memref<1x128x256xf32, #tpu.memory_space<vmem>>
        %get3A_600 = tpu.memref_squeeze %get3A_599 : memref<1x128x256xf32, #tpu.memory_space<vmem>> -> memref<128x256xf32, #tpu.memory_space<vmem>>
        %get3A_601 = arith.index_cast %add3A_265 : i32 to index
        %get3A_602 = arith.constant 16 : index
        %get3A_603 = tpu.vector_load %get3A_600[%get3A_601, %get3A_602] {strides = array<i32>} : memref<128x256xf32, #tpu.memory_space<vmem>>, vector<1x16xf32>,
        %get3A_604 = vector.shape_cast %get3A_603 : vector<1x16xf32> to vector<16xf32>
        %get3A_605 = arith.constant 0 : i32
        %get3A_606 = arith.constant 0 : i32
        %get3A_607 = tpu.memref_slice %arg8[%scan3A_85, %get3A_605, %get3A_606] : memref<2x128x256xf32, #tpu.memory_space<vmem>> -> memref<1x128x256xf32, #tpu.memory_space<vmem>>
        %get3A_608 = tpu.memref_squeeze %get3A_607 : memref<1x128x256xf32, #tpu.memory_space<vmem>> -> memref<128x256xf32, #tpu.memory_space<vmem>>
        %get3A_609 = arith.index_cast %add3A_265 : i32 to index
        %get3A_610 = arith.constant 144 : index
        %get3A_611 = tpu.vector_load %get3A_608[%get3A_609, %get3A_610] {strides = array<i32>} : memref<128x256xf32, #tpu.memory_space<vmem>>, vector<1x16xf32>,
        %get3A_612 = vector.shape_cast %get3A_611 : vector<1x16xf32> to vector<16xf32>
        %sub3A_613 = arith.subf %get3A_596, %get3A_604 : vector<16xf32>
        %mul3A_614 = arith.mulf %sub3A_613, %sub3A_613 : vector<16xf32>
        %neg3A_615 = arith.constant 0.000000e+00 : f32
        %neg3A_616 = vector.broadcast %neg3A_615 : f32 to vector<16xf32>
        %neg3A_617 = arith.subf %neg3A_616, %get3A_612 : vector<16xf32>
        %exp3A_618 = math.exp %neg3A_617 : vector<16xf32>
        %mul3A_619 = arith.mulf %mul3A_614, %exp3A_618 : vector<16xf32>
        %add3A_620 = arith.addf %mul3A_619, %get3A_612 : vector<16xf32>
        %add3A_621 = arith.addf %broadcast_in_dim3A_555, %add3A_620 : vector<16xf32>
        %get3A_622 = arith.constant 0 : i32
        %get3A_623 = arith.constant 0 : i32
        %get3A_624 = tpu.memref_slice %arg7[%scan3A, %get3A_622, %get3A_623] : memref<2x128x128xf32, #tpu.memory_space<vmem>> -> memref<1x128x128xf32, #tpu.memory_space<vmem>>
        %get3A_625 = tpu.memref_squeeze %get3A_624 : memref<1x128x128xf32, #tpu.memory_space<vmem>> -> memref<128x128xf32, #tpu.memory_space<vmem>>
        %get3A_626 = arith.index_cast %add3A_265 : i32 to index
        %get3A_627 = arith.constant 32 : index
        %get3A_628 = tpu.vector_load %get3A_625[%get3A_626, %get3A_627] {strides = array<i32>} : memref<128x128xf32, #tpu.memory_space<vmem>>, vector<1x16xf32>,
        %get3A_629 = vector.shape_cast %get3A_628 : vector<1x16xf32> to vector<16xf32>
        %get3A_630 = arith.constant 0 : i32
        %get3A_631 = arith.constant 0 : i32
        %get3A_632 = tpu.memref_slice %arg8[%scan3A_85, %get3A_630, %get3A_631] : memref<2x128x256xf32, #tpu.memory_space<vmem>> -> memref<1x128x256xf32, #tpu.memory_space<vmem>>
        %get3A_633 = tpu.memref_squeeze %get3A_632 : memref<1x128x256xf32, #tpu.memory_space<vmem>> -> memref<128x256xf32, #tpu.memory_space<vmem>>
        %get3A_634 = arith.index_cast %add3A_265 : i32 to index
        %get3A_635 = arith.constant 32 : index
        %get3A_636 = tpu.vector_load %get3A_633[%get3A_634, %get3A_635] {strides = array<i32>} : memref<128x256xf32, #tpu.memory_space<vmem>>, vector<1x16xf32>,
        %get3A_637 = vector.shape_cast %get3A_636 : vector<1x16xf32> to vector<16xf32>
        %get3A_638 = arith.constant 0 : i32
        %get3A_639 = arith.constant 0 : i32
        %get3A_640 = tpu.memref_slice %arg8[%scan3A_85, %get3A_638, %get3A_639] : memref<2x128x256xf32, #tpu.memory_space<vmem>> -> memref<1x128x256xf32, #tpu.memory_space<vmem>>
        %get3A_641 = tpu.memref_squeeze %get3A_640 : memref<1x128x256xf32, #tpu.memory_space<vmem>> -> memref<128x256xf32, #tpu.memory_space<vmem>>
        %get3A_642 = arith.index_cast %add3A_265 : i32 to index
        %get3A_643 = arith.constant 160 : index
        %get3A_644 = tpu.vector_load %get3A_641[%get3A_642, %get3A_643] {strides = array<i32>} : memref<128x256xf32, #tpu.memory_space<vmem>>, vector<1x16xf32>,
        %get3A_645 = vector.shape_cast %get3A_644 : vector<1x16xf32> to vector<16xf32>
        %sub3A_646 = arith.subf %get3A_629, %get3A_637 : vector<16xf32>
        %mul3A_647 = arith.mulf %sub3A_646, %sub3A_646 : vector<16xf32>
        %neg3A_648 = arith.constant 0.000000e+00 : f32
        %neg3A_649 = vector.broadcast %neg3A_648 : f32 to vector<16xf32>
        %neg3A_650 = arith.subf %neg3A_649, %get3A_645 : vector<16xf32>
        %exp3A_651 = math.exp %neg3A_650 : vector<16xf32>
        %mul3A_652 = arith.mulf %mul3A_647, %exp3A_651 : vector<16xf32>
        %add3A_653 = arith.addf %mul3A_652, %get3A_645 : vector<16xf32>
        %add3A_654 = arith.addf %add3A_588, %add3A_653 : vector<16xf32>
        %get3A_655 = arith.constant 0 : i32
        %get3A_656 = arith.constant 0 : i32
        %get3A_657 = tpu.memref_slice %arg7[%scan3A, %get3A_655, %get3A_656] : memref<2x128x128xf32, #tpu.memory_space<vmem>> -> memref<1x128x128xf32, #tpu.memory_space<vmem>>
        %get3A_658 = tpu.memref_squeeze %get3A_657 : memref<1x128x128xf32, #tpu.memory_space<vmem>> -> memref<128x128xf32, #tpu.memory_space<vmem>>
        %get3A_659 = arith.index_cast %add3A_265 : i32 to index
        %get3A_660 = arith.constant 48 : index
        %get3A_661 = tpu.vector_load %get3A_658[%get3A_659, %get3A_660] {strides = array<i32>} : memref<128x128xf32, #tpu.memory_space<vmem>>, vector<1x16xf32>,
        %get3A_662 = vector.shape_cast %get3A_661 : vector<1x16xf32> to vector<16xf32>
        %get3A_663 = arith.constant 0 : i32
        %get3A_664 = arith.constant 0 : i32
        %get3A_665 = tpu.memref_slice %arg8[%scan3A_85, %get3A_663, %get3A_664] : memref<2x128x256xf32, #tpu.memory_space<vmem>> -> memref<1x128x256xf32, #tpu.memory_space<vmem>>
        %get3A_666 = tpu.memref_squeeze %get3A_665 : memref<1x128x256xf32, #tpu.memory_space<vmem>> -> memref<128x256xf32, #tpu.memory_space<vmem>>
        %get3A_667 = arith.index_cast %add3A_265 : i32 to index
        %get3A_668 = arith.constant 48 : index
        %get3A_669 = tpu.vector_load %get3A_666[%get3A_667, %get3A_668] {strides = array<i32>} : memref<128x256xf32, #tpu.memory_space<vmem>>, vector<1x16xf32>,
        %get3A_670 = vector.shape_cast %get3A_669 : vector<1x16xf32> to vector<16xf32>
        %get3A_671 = arith.constant 0 : i32
        %get3A_672 = arith.constant 0 : i32
        %get3A_673 = tpu.memref_slice %arg8[%scan3A_85, %get3A_671, %get3A_672] : memref<2x128x256xf32, #tpu.memory_space<vmem>> -> memref<1x128x256xf32, #tpu.memory_space<vmem>>
        %get3A_674 = tpu.memref_squeeze %get3A_673 : memref<1x128x256xf32, #tpu.memory_space<vmem>> -> memref<128x256xf32, #tpu.memory_space<vmem>>
        %get3A_675 = arith.index_cast %add3A_265 : i32 to index
        %get3A_676 = arith.constant 176 : index
        %get3A_677 = tpu.vector_load %get3A_674[%get3A_675, %get3A_676] {strides = array<i32>} : memref<128x256xf32, #tpu.memory_space<vmem>>, vector<1x16xf32>,
        %get3A_678 = vector.shape_cast %get3A_677 : vector<1x16xf32> to vector<16xf32>
        %sub3A_679 = arith.subf %get3A_662, %get3A_670 : vector<16xf32>
        %mul3A_680 = arith.mulf %sub3A_679, %sub3A_679 : vector<16xf32>
        %neg3A_681 = arith.constant 0.000000e+00 : f32
        %neg3A_682 = vector.broadcast %neg3A_681 : f32 to vector<16xf32>
        %neg3A_683 = arith.subf %neg3A_682, %get3A_678 : vector<16xf32>
        %exp3A_684 = math.exp %neg3A_683 : vector<16xf32>
        %mul3A_685 = arith.mulf %mul3A_680, %exp3A_684 : vector<16xf32>
        %add3A_686 = arith.addf %mul3A_685, %get3A_678 : vector<16xf32>
        %add3A_687 = arith.addf %add3A_621, %add3A_686 : vector<16xf32>
        %get3A_688 = arith.constant 0 : i32
        %get3A_689 = arith.constant 0 : i32
        %get3A_690 = tpu.memref_slice %arg7[%scan3A, %get3A_688, %get3A_689] : memref<2x128x128xf32, #tpu.memory_space<vmem>> -> memref<1x128x128xf32, #tpu.memory_space<vmem>>
        %get3A_691 = tpu.memref_squeeze %get3A_690 : memref<1x128x128xf32, #tpu.memory_space<vmem>> -> memref<128x128xf32, #tpu.memory_space<vmem>>
        %get3A_692 = arith.index_cast %add3A_265 : i32 to index
        %get3A_693 = arith.constant 64 : index
        %get3A_694 = tpu.vector_load %get3A_691[%get3A_692, %get3A_693] {strides = array<i32>} : memref<128x128xf32, #tpu.memory_space<vmem>>, vector<1x16xf32>,
        %get3A_695 = vector.shape_cast %get3A_694 : vector<1x16xf32> to vector<16xf32>
        %get3A_696 = arith.constant 0 : i32
        %get3A_697 = arith.constant 0 : i32
        %get3A_698 = tpu.memref_slice %arg8[%scan3A_85, %get3A_696, %get3A_697] : memref<2x128x256xf32, #tpu.memory_space<vmem>> -> memref<1x128x256xf32, #tpu.memory_space<vmem>>
        %get3A_699 = tpu.memref_squeeze %get3A_698 : memref<1x128x256xf32, #tpu.memory_space<vmem>> -> memref<128x256xf32, #tpu.memory_space<vmem>>
        %get3A_700 = arith.index_cast %add3A_265 : i32 to index
        %get3A_701 = arith.constant 64 : index
        %get3A_702 = tpu.vector_load %get3A_699[%get3A_700, %get3A_701] {strides = array<i32>} : memref<128x256xf32, #tpu.memory_space<vmem>>, vector<1x16xf32>,
        %get3A_703 = vector.shape_cast %get3A_702 : vector<1x16xf32> to vector<16xf32>
        %get3A_704 = arith.constant 0 : i32
        %get3A_705 = arith.constant 0 : i32
        %get3A_706 = tpu.memref_slice %arg8[%scan3A_85, %get3A_704, %get3A_705] : memref<2x128x256xf32, #tpu.memory_space<vmem>> -> memref<1x128x256xf32, #tpu.memory_space<vmem>>
        %get3A_707 = tpu.memref_squeeze %get3A_706 : memref<1x128x256xf32, #tpu.memory_space<vmem>> -> memref<128x256xf32, #tpu.memory_space<vmem>>
        %get3A_708 = arith.index_cast %add3A_265 : i32 to index
        %get3A_709 = arith.constant 192 : index
        %get3A_710 = tpu.vector_load %get3A_707[%get3A_708, %get3A_709] {strides = array<i32>} : memref<128x256xf32, #tpu.memory_space<vmem>>, vector<1x16xf32>,
        %get3A_711 = vector.shape_cast %get3A_710 : vector<1x16xf32> to vector<16xf32>
        %sub3A_712 = arith.subf %get3A_695, %get3A_703 : vector<16xf32>
        %mul3A_713 = arith.mulf %sub3A_712, %sub3A_712 : vector<16xf32>
        %neg3A_714 = arith.constant 0.000000e+00 : f32
        %neg3A_715 = vector.broadcast %neg3A_714 : f32 to vector<16xf32>
        %neg3A_716 = arith.subf %neg3A_715, %get3A_711 : vector<16xf32>
        %exp3A_717 = math.exp %neg3A_716 : vector<16xf32>
        %mul3A_718 = arith.mulf %mul3A_713, %exp3A_717 : vector<16xf32>
        %add3A_719 = arith.addf %mul3A_718, %get3A_711 : vector<16xf32>
        %add3A_720 = arith.addf %add3A_654, %add3A_719 : vector<16xf32>
        %get3A_721 = arith.constant 0 : i32
        %get3A_722 = arith.constant 0 : i32
        %get3A_723 = tpu.memref_slice %arg7[%scan3A, %get3A_721, %get3A_722] : memref<2x128x128xf32, #tpu.memory_space<vmem>> -> memref<1x128x128xf32, #tpu.memory_space<vmem>>
        %get3A_724 = tpu.memref_squeeze %get3A_723 : memref<1x128x128xf32, #tpu.memory_space<vmem>> -> memref<128x128xf32, #tpu.memory_space<vmem>>
        %get3A_725 = arith.index_cast %add3A_265 : i32 to index
        %get3A_726 = arith.constant 80 : index
        %get3A_727 = tpu.vector_load %get3A_724[%get3A_725, %get3A_726] {strides = array<i32>} : memref<128x128xf32, #tpu.memory_space<vmem>>, vector<1x16xf32>,
        %get3A_728 = vector.shape_cast %get3A_727 : vector<1x16xf32> to vector<16xf32>
        %get3A_729 = arith.constant 0 : i32
        %get3A_730 = arith.constant 0 : i32
        %get3A_731 = tpu.memref_slice %arg8[%scan3A_85, %get3A_729, %get3A_730] : memref<2x128x256xf32, #tpu.memory_space<vmem>> -> memref<1x128x256xf32, #tpu.memory_space<vmem>>
        %get3A_732 = tpu.memref_squeeze %get3A_731 : memref<1x128x256xf32, #tpu.memory_space<vmem>> -> memref<128x256xf32, #tpu.memory_space<vmem>>
        %get3A_733 = arith.index_cast %add3A_265 : i32 to index
        %get3A_734 = arith.constant 80 : index
        %get3A_735 = tpu.vector_load %get3A_732[%get3A_733, %get3A_734] {strides = array<i32>} : memref<128x256xf32, #tpu.memory_space<vmem>>, vector<1x16xf32>,
        %get3A_736 = vector.shape_cast %get3A_735 : vector<1x16xf32> to vector<16xf32>
        %get3A_737 = arith.constant 0 : i32
        %get3A_738 = arith.constant 0 : i32
        %get3A_739 = tpu.memref_slice %arg8[%scan3A_85, %get3A_737, %get3A_738] : memref<2x128x256xf32, #tpu.memory_space<vmem>> -> memref<1x128x256xf32, #tpu.memory_space<vmem>>
        %get3A_740 = tpu.memref_squeeze %get3A_739 : memref<1x128x256xf32, #tpu.memory_space<vmem>> -> memref<128x256xf32, #tpu.memory_space<vmem>>
        %get3A_741 = arith.index_cast %add3A_265 : i32 to index
        %get3A_742 = arith.constant 208 : index
        %get3A_743 = tpu.vector_load %get3A_740[%get3A_741, %get3A_742] {strides = array<i32>} : memref<128x256xf32, #tpu.memory_space<vmem>>, vector<1x16xf32>,
        %get3A_744 = vector.shape_cast %get3A_743 : vector<1x16xf32> to vector<16xf32>
        %sub3A_745 = arith.subf %get3A_728, %get3A_736 : vector<16xf32>
        %mul3A_746 = arith.mulf %sub3A_745, %sub3A_745 : vector<16xf32>
        %neg3A_747 = arith.constant 0.000000e+00 : f32
        %neg3A_748 = vector.broadcast %neg3A_747 : f32 to vector<16xf32>
        %neg3A_749 = arith.subf %neg3A_748, %get3A_744 : vector<16xf32>
        %exp3A_750 = math.exp %neg3A_749 : vector<16xf32>
        %mul3A_751 = arith.mulf %mul3A_746, %exp3A_750 : vector<16xf32>
        %add3A_752 = arith.addf %mul3A_751, %get3A_744 : vector<16xf32>
        %add3A_753 = arith.addf %add3A_687, %add3A_752 : vector<16xf32>
        %get3A_754 = arith.constant 0 : i32
        %get3A_755 = arith.constant 0 : i32
        %get3A_756 = tpu.memref_slice %arg7[%scan3A, %get3A_754, %get3A_755] : memref<2x128x128xf32, #tpu.memory_space<vmem>> -> memref<1x128x128xf32, #tpu.memory_space<vmem>>
        %get3A_757 = tpu.memref_squeeze %get3A_756 : memref<1x128x128xf32, #tpu.memory_space<vmem>> -> memref<128x128xf32, #tpu.memory_space<vmem>>
        %get3A_758 = arith.index_cast %add3A_265 : i32 to index
        %get3A_759 = arith.constant 96 : index
        %get3A_760 = tpu.vector_load %get3A_757[%get3A_758, %get3A_759] {strides = array<i32>} : memref<128x128xf32, #tpu.memory_space<vmem>>, vector<1x16xf32>,
        %get3A_761 = vector.shape_cast %get3A_760 : vector<1x16xf32> to vector<16xf32>
        %get3A_762 = arith.constant 0 : i32
        %get3A_763 = arith.constant 0 : i32
        %get3A_764 = tpu.memref_slice %arg8[%scan3A_85, %get3A_762, %get3A_763] : memref<2x128x256xf32, #tpu.memory_space<vmem>> -> memref<1x128x256xf32, #tpu.memory_space<vmem>>
        %get3A_765 = tpu.memref_squeeze %get3A_764 : memref<1x128x256xf32, #tpu.memory_space<vmem>> -> memref<128x256xf32, #tpu.memory_space<vmem>>
        %get3A_766 = arith.index_cast %add3A_265 : i32 to index
        %get3A_767 = arith.constant 96 : index
        %get3A_768 = tpu.vector_load %get3A_765[%get3A_766, %get3A_767] {strides = array<i32>} : memref<128x256xf32, #tpu.memory_space<vmem>>, vector<1x16xf32>,
        %get3A_769 = vector.shape_cast %get3A_768 : vector<1x16xf32> to vector<16xf32>
        %get3A_770 = arith.constant 0 : i32
        %get3A_771 = arith.constant 0 : i32
        %get3A_772 = tpu.memref_slice %arg8[%scan3A_85, %get3A_770, %get3A_771] : memref<2x128x256xf32, #tpu.memory_space<vmem>> -> memref<1x128x256xf32, #tpu.memory_space<vmem>>
        %get3A_773 = tpu.memref_squeeze %get3A_772 : memref<1x128x256xf32, #tpu.memory_space<vmem>> -> memref<128x256xf32, #tpu.memory_space<vmem>>
        %get3A_774 = arith.index_cast %add3A_265 : i32 to index
        %get3A_775 = arith.constant 224 : index
        %get3A_776 = tpu.vector_load %get3A_773[%get3A_774, %get3A_775] {strides = array<i32>} : memref<128x256xf32, #tpu.memory_space<vmem>>, vector<1x16xf32>,
        %get3A_777 = vector.shape_cast %get3A_776 : vector<1x16xf32> to vector<16xf32>
        %sub3A_778 = arith.subf %get3A_761, %get3A_769 : vector<16xf32>
        %mul3A_779 = arith.mulf %sub3A_778, %sub3A_778 : vector<16xf32>
        %neg3A_780 = arith.constant 0.000000e+00 : f32
        %neg3A_781 = vector.broadcast %neg3A_780 : f32 to vector<16xf32>
        %neg3A_782 = arith.subf %neg3A_781, %get3A_777 : vector<16xf32>
        %exp3A_783 = math.exp %neg3A_782 : vector<16xf32>
        %mul3A_784 = arith.mulf %mul3A_779, %exp3A_783 : vector<16xf32>
        %add3A_785 = arith.addf %mul3A_784, %get3A_777 : vector<16xf32>
        %add3A_786 = arith.addf %add3A_720, %add3A_785 : vector<16xf32>
        %get3A_787 = arith.constant 0 : i32
        %get3A_788 = arith.constant 0 : i32
        %get3A_789 = tpu.memref_slice %arg7[%scan3A, %get3A_787, %get3A_788] : memref<2x128x128xf32, #tpu.memory_space<vmem>> -> memref<1x128x128xf32, #tpu.memory_space<vmem>>
        %get3A_790 = tpu.memref_squeeze %get3A_789 : memref<1x128x128xf32, #tpu.memory_space<vmem>> -> memref<128x128xf32, #tpu.memory_space<vmem>>
        %get3A_791 = arith.index_cast %add3A_265 : i32 to index
        %get3A_792 = arith.constant 112 : index
        %get3A_793 = tpu.vector_load %get3A_790[%get3A_791, %get3A_792] {strides = array<i32>} : memref<128x128xf32, #tpu.memory_space<vmem>>, vector<1x16xf32>,
        %get3A_794 = vector.shape_cast %get3A_793 : vector<1x16xf32> to vector<16xf32>
        %get3A_795 = arith.constant 0 : i32
        %get3A_796 = arith.constant 0 : i32
        %get3A_797 = tpu.memref_slice %arg8[%scan3A_85, %get3A_795, %get3A_796] : memref<2x128x256xf32, #tpu.memory_space<vmem>> -> memref<1x128x256xf32, #tpu.memory_space<vmem>>
        %get3A_798 = tpu.memref_squeeze %get3A_797 : memref<1x128x256xf32, #tpu.memory_space<vmem>> -> memref<128x256xf32, #tpu.memory_space<vmem>>
        %get3A_799 = arith.index_cast %add3A_265 : i32 to index
        %get3A_800 = arith.constant 112 : index
        %get3A_801 = tpu.vector_load %get3A_798[%get3A_799, %get3A_800] {strides = array<i32>} : memref<128x256xf32, #tpu.memory_space<vmem>>, vector<1x16xf32>,
        %get3A_802 = vector.shape_cast %get3A_801 : vector<1x16xf32> to vector<16xf32>
        %get3A_803 = arith.constant 0 : i32
        %get3A_804 = arith.constant 0 : i32
        %get3A_805 = tpu.memref_slice %arg8[%scan3A_85, %get3A_803, %get3A_804] : memref<2x128x256xf32, #tpu.memory_space<vmem>> -> memref<1x128x256xf32, #tpu.memory_space<vmem>>
        %get3A_806 = tpu.memref_squeeze %get3A_805 : memref<1x128x256xf32, #tpu.memory_space<vmem>> -> memref<128x256xf32, #tpu.memory_space<vmem>>
        %get3A_807 = arith.index_cast %add3A_265 : i32 to index
        %get3A_808 = arith.constant 240 : index
        %get3A_809 = tpu.vector_load %get3A_806[%get3A_807, %get3A_808] {strides = array<i32>} : memref<128x256xf32, #tpu.memory_space<vmem>>, vector<1x16xf32>,
        %get3A_810 = vector.shape_cast %get3A_809 : vector<1x16xf32> to vector<16xf32>
        %sub3A_811 = arith.subf %get3A_794, %get3A_802 : vector<16xf32>
        %mul3A_812 = arith.mulf %sub3A_811, %sub3A_811 : vector<16xf32>
        %neg3A_813 = arith.constant 0.000000e+00 : f32
        %neg3A_814 = vector.broadcast %neg3A_813 : f32 to vector<16xf32>
        %neg3A_815 = arith.subf %neg3A_814, %get3A_810 : vector<16xf32>
        %exp3A_816 = math.exp %neg3A_815 : vector<16xf32>
        %mul3A_817 = arith.mulf %mul3A_812, %exp3A_816 : vector<16xf32>
        %add3A_818 = arith.addf %mul3A_817, %get3A_810 : vector<16xf32>
        %add3A_819 = arith.addf %add3A_753, %add3A_818 : vector<16xf32>
        %add3A_820 = arith.addf %add3A_786, %add3A_819 : vector<16xf32>
        %broadcast_in_dim3A_821 = vector.shape_cast %xor3A_4 : vector<16xi32> to vector<16x1xi32>
        %gather3A_822 = vector.shape_cast %broadcast_in_dim3A_821 : vector<16x1xi32> to vector<16xi32>
        %gather3A_823 = tpu.dynamic_gather %add3A_820[%gather3A_822] in [0] : vector<16xf32>, vector<16xi32> -> vector<16xf32>
        %add3A_824 = arith.addf %add3A_820, %gather3A_823 : vector<16xf32>
        %broadcast_in_dim3A_825 = vector.shape_cast %xor3A_7 : vector<16xi32> to vector<16x1xi32>
        %gather3A_826 = vector.shape_cast %broadcast_in_dim3A_825 : vector<16x1xi32> to vector<16xi32>
        %gather3A_827 = tpu.dynamic_gather %add3A_824[%gather3A_826] in [0] : vector<16xf32>, vector<16xi32> -> vector<16xf32>
        %add3A_828 = arith.addf %add3A_824, %gather3A_827 : vector<16xf32>
        %broadcast_in_dim3A_829 = vector.shape_cast %xor3A_10 : vector<16xi32> to vector<16x1xi32>
        %gather3A_830 = vector.shape_cast %broadcast_in_dim3A_829 : vector<16x1xi32> to vector<16xi32>
        %gather3A_831 = tpu.dynamic_gather %add3A_828[%gather3A_830] in [0] : vector<16xf32>, vector<16xi32> -> vector<16xf32>
        %add3A_832 = arith.addf %add3A_828, %gather3A_831 : vector<16xf32>
        %broadcast_in_dim3A_833 = vector.shape_cast %xor3A_13 : vector<16xi32> to vector<16x1xi32>
        %gather3A_834 = vector.shape_cast %broadcast_in_dim3A_833 : vector<16x1xi32> to vector<16xi32>
        %gather3A_835 = tpu.dynamic_gather %add3A_832[%gather3A_834] in [0] : vector<16xf32>, vector<16xi32> -> vector<16xf32>
        %add3A_836 = arith.addf %add3A_832, %gather3A_835 : vector<16xf32>
        %add3A_837 = arith.constant 235.24826 : f32
        %add3A_838 = vector.broadcast %add3A_837 : f32 to vector<16xf32>
        %add3A_839 = arith.addf %add3A_836, %add3A_838 : vector<16xf32>
        %mul3A_840 = arith.constant -5.000000e-01 : f32
        %mul3A_841 = vector.broadcast %mul3A_840 : f32 to vector<16xf32>
        %mul3A_842 = arith.mulf %mul3A_841, %add3A_839 : vector<16xf32>
        %eq3A = vector.broadcast %scan3A_256 : i32 to vector<16xi32>
        %eq3A_843 = arith.cmpi eq, %iota3A, %eq3A : vector<16xi32>
        %select_n3A = arith.select %eq3A_843, %mul3A_551, %scan3A_257 : vector<16xi1>, vector<16xf32>
        %add3A_844 = arith.constant 8 : i32
        %add3A_845 = arith.addi %scan3A_256, %add3A_844 : i32
        %eq3A_846 = vector.broadcast %add3A_845 : i32 to vector<16xi32>
        %eq3A_847 = arith.cmpi eq, %iota3A, %eq3A_846 : vector<16xi32>
        %select_n3A_848 = arith.select %eq3A_847, %mul3A_842, %select_n3A : vector<16xi1>, vector<16xf32>
        scf.yield %select_n3A_848 : vector<16xf32>
      }
      %scan3A_247 = arith.constant 8 : i32
      %mul3A_248 = arith.constant 16 : i32
      %mul3A_249 = arith.muli %scan3A_239, %mul3A_248 : i32
      %add3A_250 = arith.constant 0 : i32
      %add3A_251 = arith.addi %add3A_250, %mul3A_249 : i32
      %swap3A = arith.index_cast %add3A_251 : i32 to index
      %swap3A_252 = tpu.vector_load %arg9[%swap3A] {strides = array<i32>} : memref<512xf32, #tpu.memory_space<vmem>>, vector<16xf32>,
      %swap3A_253 = vector.shape_cast %swap3A_252 : vector<16xf32> to vector<16xf32>
      %swap3A_254 = vector.shape_cast %scan3A_246 : vector<16xf32> to vector<16xf32>
      tpu.vector_store %arg9[%swap3A], %swap3A_254 {strides = array<i32>} : memref<512xf32, #tpu.memory_space<vmem>>, vector<16xf32>,
      %scan3A_255 = arith.constant 0 : i32
      scf.yield %scan3A_255 : i32
    }
    %scan3A_92 = arith.constant 8 : i32
    %dma_start3A_93 = arith.constant 0 : i32
    %dma_start3A_94 = arith.constant 0 : i32
    %dma_start3A_95 = arith.constant 0 : i32
    %dma_start3A_96 = tpu.memref_slice %arg8[%dma_start3A_93, %dma_start3A_94, %dma_start3A_95] : memref<2x128x256xf32, #tpu.memory_space<vmem>> -> memref<1x128x256xf32, #tpu.memory_space<vmem>>
    %dma_start3A_97 = tpu.memref_squeeze %dma_start3A_96 : memref<1x128x256xf32, #tpu.memory_space<vmem>> -> memref<128x256xf32, #tpu.memory_space<vmem>>
    %dma_start3A_98 = arith.constant 256 : i32
    %dma_start3A_99 = tpu.memref_slice %arg6[%dma_start3A_98] : memref<512xi32, #tpu.memory_space<vmem>> -> memref<128xi32, #tpu.memory_space<vmem>>
    %dma_start3A_100 = arith.constant 0 : i32
    %dma_start3A_101 = arith.constant 0 : i32
    %dma_start3A_102 = tpu.memref_slice %arg4[%dma_start3A_100, %dma_start3A_101] : memref<1000x256xf32, #tpu.memory_space<hbm>> -> memref<1000x256xf32, #tpu.memory_space<hbm>>
    tpu.enqueue_indirect_dma source(%dma_start3A_102 : memref<1000x256xf32, #tpu.memory_space<hbm>>) target(%dma_start3A_97 : memref<128x256xf32, #tpu.memory_space<vmem>>) offsets(%dma_start3A_99 : memref<128xi32, #tpu.memory_space<vmem>>) semaphore(%arg10 : memref<!tpu.dma_semaphore, #tpu.memory_space<semaphore_mem>>)
    %add3A_103 = arith.constant 256 : i32
    %add3A_104 = arith.addi %mul3A_2, %add3A_103 : i32
    %dma_start3A_105 = arith.constant 0 : i32
    %dma_start3A_106 = arith.constant 0 : i32
    %dma_start3A_107 = arith.constant 0 : i32
    %dma_start3A_108 = tpu.memref_slice %arg7[%dma_start3A_105, %dma_start3A_106, %dma_start3A_107] : memref<2x128x128xf32, #tpu.memory_space<vmem>> -> memref<1x128x128xf32, #tpu.memory_space<vmem>>
    %dma_start3A_109 = tpu.memref_squeeze %dma_start3A_108 : memref<1x128x128xf32, #tpu.memory_space<vmem>> -> memref<128x128xf32, #tpu.memory_space<vmem>>
    %dma_start3A_110 = arith.constant 0 : i32
    %dma_start3A_111 = tpu.memref_slice %arg2[%add3A_104, %dma_start3A_110] : memref<16384x128xf32, #tpu.memory_space<hbm>> -> memref<128x128xf32, #tpu.memory_space<hbm>>
    %dma_start3A_112 = arith.constant 0 : i32
    %dma_start3A_113 = arith.constant 0 : i32
    %dma_start3A_114 = tpu.memref_slice %arg7[%dma_start3A_105, %dma_start3A_112, %dma_start3A_113] : memref<2x128x128xf32, #tpu.memory_space<vmem>> -> memref<1x128x128xf32, #tpu.memory_space<vmem>>
    %dma_start3A_115 = tpu.memref_squeeze %dma_start3A_114 : memref<1x128x128xf32, #tpu.memory_space<vmem>> -> memref<128x128xf32, #tpu.memory_space<vmem>>
    %dma_start3A_116 = arith.constant 0 : i32
    %dma_start3A_117 = tpu.memref_slice %arg2[%add3A_104, %dma_start3A_116] : memref<16384x128xf32, #tpu.memory_space<hbm>> -> memref<128x128xf32, #tpu.memory_space<hbm>>
    tpu.enqueue_dma source(%dma_start3A_117 : memref<128x128xf32, #tpu.memory_space<hbm>>) target(%dma_start3A_115 : memref<128x128xf32, #tpu.memory_space<vmem>>) target_semaphore(%arg10 : memref<!tpu.dma_semaphore, #tpu.memory_space<semaphore_mem>>)
    %dma_wait3A_118 = arith.constant 1 : i32
    %dma_wait3A_119 = arith.constant 0 : i32
    %dma_wait3A_120 = arith.constant 0 : i32
    %dma_wait3A_121 = tpu.memref_slice %arg8[%dma_wait3A_118, %dma_wait3A_119, %dma_wait3A_120] : memref<2x128x256xf32, #tpu.memory_space<vmem>> -> memref<1x128x256xf32, #tpu.memory_space<vmem>>
    %dma_wait3A_122 = tpu.memref_squeeze %dma_wait3A_121 : memref<1x128x256xf32, #tpu.memory_space<vmem>> -> memref<128x256xf32, #tpu.memory_space<vmem>>
    %dma_wait3A_123 = arith.constant 128 : i32
    %dma_wait3A_124 = tpu.memref_slice %arg6[%dma_wait3A_123] : memref<512xi32, #tpu.memory_space<vmem>> -> memref<128xi32, #tpu.memory_space<vmem>>
    %dma_wait3A_125 = arith.constant 0 : i32
    %dma_wait3A_126 = arith.constant 0 : i32
    %dma_wait3A_127 = tpu.memref_slice %arg4[%dma_wait3A_125, %dma_wait3A_126] : memref<1000x256xf32, #tpu.memory_space<hbm>> -> memref<1000x256xf32, #tpu.memory_space<hbm>>
    tpu.wait_indirect_dma semaphore(%arg11 : memref<!tpu.dma_semaphore, #tpu.memory_space<semaphore_mem>>) src(%dma_wait3A_127 : memref<1000x256xf32, #tpu.memory_space<hbm>>) dst(%dma_wait3A_122 : memref<128x256xf32, #tpu.memory_space<vmem>>)
    %dma_wait3A_128 = arith.constant 1 : i32
    %dma_wait3A_129 = arith.constant 0 : i32
    %dma_wait3A_130 = arith.constant 0 : i32
    %dma_wait3A_131 = tpu.memref_slice %arg7[%dma_wait3A_128, %dma_wait3A_129, %dma_wait3A_130] : memref<2x128x128xf32, #tpu.memory_space<vmem>> -> memref<1x128x128xf32, #tpu.memory_space<vmem>>
    %dma_wait3A_132 = tpu.memref_squeeze %dma_wait3A_131 : memref<1x128x128xf32, #tpu.memory_space<vmem>> -> memref<128x128xf32, #tpu.memory_space<vmem>>
    %dma_wait3A_133 = arith.constant 0 : i32
    %dma_wait3A_134 = tpu.memref_slice %arg2[%add3A_49, %dma_wait3A_133] : memref<16384x128xf32, #tpu.memory_space<hbm>> -> memref<128x128xf32, #tpu.memory_space<hbm>>
    %dma_wait3A_135 = arith.constant 0 : i32
    %dma_wait3A_136 = arith.constant 0 : i32
    %dma_wait3A_137 = tpu.memref_slice %arg7[%dma_wait3A_128, %dma_wait3A_135, %dma_wait3A_136] : memref<2x128x128xf32, #tpu.memory_space<vmem>> -> memref<1x128x128xf32, #tpu.memory_space<vmem>>
    %dma_wait3A_138 = tpu.memref_squeeze %dma_wait3A_137 : memref<1x128x128xf32, #tpu.memory_space<vmem>> -> memref<128x128xf32, #tpu.memory_space<vmem>>
    %dma_wait3A_139 = arith.constant 0 : i32
    %dma_wait3A_140 = tpu.memref_slice %arg2[%add3A_49, %dma_wait3A_139] : memref<16384x128xf32, #tpu.memory_space<hbm>> -> memref<128x128xf32, #tpu.memory_space<hbm>>
    tpu.wait_dma2 semaphore(%arg11 : memref<!tpu.dma_semaphore, #tpu.memory_space<semaphore_mem>>) src(%dma_wait3A_140 : memref<128x128xf32, #tpu.memory_space<hbm>>) dst(%dma_wait3A_138 : memref<128x128xf32, #tpu.memory_space<vmem>>)
    %scan3A_141 = arith.constant 1 : i32
    %scan3A_142 = arith.constant 1 : i32
    %scan3A_143 = arith.constant 0 : i32
    %scan3A_144 = arith.constant 0 : i32
    %scan3A_145 = arith.constant 8 : i32
    %scan3A_146 = arith.addi %scan3A_144, %scan3A_145 : i32
    %scan3A_147 = arith.constant 1 : i32
    %scan3A_148 = scf.for %scan3A_239 = %scan3A_144 to %scan3A_146 step %scan3A_147 iter_args(%scan3A_240 = %scan3A_143) -> (i32)  : i32 {
      %broadcast_in_dim3A = arith.constant 0.000000e+00 : f32
      %broadcast_in_dim3A_241 = vector.broadcast %broadcast_in_dim3A : f32 to vector<16xf32>
      %scan3A_242 = arith.constant 0 : i32
      %scan3A_243 = arith.constant 8 : i32
      %scan3A_244 = arith.addi %scan3A_242, %scan3A_243 : i32
      %scan3A_245 = arith.constant 1 : i32
      %scan3A_246 = scf.for %scan3A_256 = %scan3A_242 to %scan3A_244 step %scan3A_245 iter_args(%scan3A_257 = %broadcast_in_dim3A_241) -> (vector<16xf32>)  : i32 {
        %mul3A_258 = arith.constant 16 : i32
        %mul3A_259 = arith.muli %scan3A_239, %mul3A_258 : i32
        %add3A_260 = arith.addi %mul3A_259, %scan3A_256 : i32
        %mul3A_261 = arith.constant 16 : i32
        %mul3A_262 = arith.muli %scan3A_239, %mul3A_261 : i32
        %add3A_263 = arith.addi %mul3A_262, %scan3A_256 : i32
        %add3A_264 = arith.constant 8 : i32
        %add3A_265 = arith.addi %add3A_263, %add3A_264 : i32
        %broadcast_in_dim3A_266 = arith.constant 0.000000e+00 : f32
        %broadcast_in_dim3A_267 = vector.broadcast %broadcast_in_dim3A_266 : f32 to vector<16xf32>
        %broadcast_in_dim3A_268 = arith.constant 0.000000e+00 : f32
        %broadcast_in_dim3A_269 = vector.broadcast %broadcast_in_dim3A_268 : f32 to vector<16xf32>
        %get3A = arith.constant 0 : i32
        %get3A_270 = arith.constant 0 : i32
        %get3A_271 = tpu.memref_slice %arg7[%scan3A_141, %get3A, %get3A_270] : memref<2x128x128xf32, #tpu.memory_space<vmem>> -> memref<1x128x128xf32, #tpu.memory_space<vmem>>
        %get3A_272 = tpu.memref_squeeze %get3A_271 : memref<1x128x128xf32, #tpu.memory_space<vmem>> -> memref<128x128xf32, #tpu.memory_space<vmem>>
        %get3A_273 = arith.index_cast %add3A_260 : i32 to index
        %get3A_274 = arith.constant 0 : index
        %get3A_275 = tpu.vector_load %get3A_272[%get3A_273, %get3A_274] {strides = array<i32>} : memref<128x128xf32, #tpu.memory_space<vmem>>, vector<1x16xf32>,
        %get3A_276 = vector.shape_cast %get3A_275 : vector<1x16xf32> to vector<16xf32>
        %get3A_277 = arith.constant 0 : i32
        %get3A_278 = arith.constant 0 : i32
        %get3A_279 = tpu.memref_slice %arg8[%scan3A_142, %get3A_277, %get3A_278] : memref<2x128x256xf32, #tpu.memory_space<vmem>> -> memref<1x128x256xf32, #tpu.memory_space<vmem>>
        %get3A_280 = tpu.memref_squeeze %get3A_279 : memref<1x128x256xf32, #tpu.memory_space<vmem>> -> memref<128x256xf32, #tpu.memory_space<vmem>>
        %get3A_281 = arith.index_cast %add3A_260 : i32 to index
        %get3A_282 = arith.constant 0 : index
        %get3A_283 = tpu.vector_load %get3A_280[%get3A_281, %get3A_282] {strides = array<i32>} : memref<128x256xf32, #tpu.memory_space<vmem>>, vector<1x16xf32>,
        %get3A_284 = vector.shape_cast %get3A_283 : vector<1x16xf32> to vector<16xf32>
        %get3A_285 = arith.constant 0 : i32
        %get3A_286 = arith.constant 0 : i32
        %get3A_287 = tpu.memref_slice %arg8[%scan3A_142, %get3A_285, %get3A_286] : memref<2x128x256xf32, #tpu.memory_space<vmem>> -> memref<1x128x256xf32, #tpu.memory_space<vmem>>
        %get3A_288 = tpu.memref_squeeze %get3A_287 : memref<1x128x256xf32, #tpu.memory_space<vmem>> -> memref<128x256xf32, #tpu.memory_space<vmem>>
        %get3A_289 = arith.index_cast %add3A_260 : i32 to index
        %get3A_290 = arith.constant 128 : index
        %get3A_291 = tpu.vector_load %get3A_288[%get3A_289, %get3A_290] {strides = array<i32>} : memref<128x256xf32, #tpu.memory_space<vmem>>, vector<1x16xf32>,
        %get3A_292 = vector.shape_cast %get3A_291 : vector<1x16xf32> to vector<16xf32>
        %sub3A = arith.subf %get3A_276, %get3A_284 : vector<16xf32>
        %mul3A_293 = arith.mulf %sub3A, %sub3A : vector<16xf32>
        %neg3A = arith.constant 0.000000e+00 : f32
        %neg3A_294 = vector.broadcast %neg3A : f32 to vector<16xf32>
        %neg3A_295 = arith.subf %neg3A_294, %get3A_292 : vector<16xf32>
        %exp3A = math.exp %neg3A_295 : vector<16xf32>
        %mul3A_296 = arith.mulf %mul3A_293, %exp3A : vector<16xf32>
        %add3A_297 = arith.addf %mul3A_296, %get3A_292 : vector<16xf32>
        %add3A_298 = arith.addf %broadcast_in_dim3A_267, %add3A_297 : vector<16xf32>
        %get3A_299 = arith.constant 0 : i32
        %get3A_300 = arith.constant 0 : i32
        %get3A_301 = tpu.memref_slice %arg7[%scan3A_141, %get3A_299, %get3A_300] : memref<2x128x128xf32, #tpu.memory_space<vmem>> -> memref<1x128x128xf32, #tpu.memory_space<vmem>>
        %get3A_302 = tpu.memref_squeeze %get3A_301 : memref<1x128x128xf32, #tpu.memory_space<vmem>> -> memref<128x128xf32, #tpu.memory_space<vmem>>
        %get3A_303 = arith.index_cast %add3A_260 : i32 to index
        %get3A_304 = arith.constant 16 : index
        %get3A_305 = tpu.vector_load %get3A_302[%get3A_303, %get3A_304] {strides = array<i32>} : memref<128x128xf32, #tpu.memory_space<vmem>>, vector<1x16xf32>,
        %get3A_306 = vector.shape_cast %get3A_305 : vector<1x16xf32> to vector<16xf32>
        %get3A_307 = arith.constant 0 : i32
        %get3A_308 = arith.constant 0 : i32
        %get3A_309 = tpu.memref_slice %arg8[%scan3A_142, %get3A_307, %get3A_308] : memref<2x128x256xf32, #tpu.memory_space<vmem>> -> memref<1x128x256xf32, #tpu.memory_space<vmem>>
        %get3A_310 = tpu.memref_squeeze %get3A_309 : memref<1x128x256xf32, #tpu.memory_space<vmem>> -> memref<128x256xf32, #tpu.memory_space<vmem>>
        %get3A_311 = arith.index_cast %add3A_260 : i32 to index
        %get3A_312 = arith.constant 16 : index
        %get3A_313 = tpu.vector_load %get3A_310[%get3A_311, %get3A_312] {strides = array<i32>} : memref<128x256xf32, #tpu.memory_space<vmem>>, vector<1x16xf32>,
        %get3A_314 = vector.shape_cast %get3A_313 : vector<1x16xf32> to vector<16xf32>
        %get3A_315 = arith.constant 0 : i32
        %get3A_316 = arith.constant 0 : i32
        %get3A_317 = tpu.memref_slice %arg8[%scan3A_142, %get3A_315, %get3A_316] : memref<2x128x256xf32, #tpu.memory_space<vmem>> -> memref<1x128x256xf32, #tpu.memory_space<vmem>>
        %get3A_318 = tpu.memref_squeeze %get3A_317 : memref<1x128x256xf32, #tpu.memory_space<vmem>> -> memref<128x256xf32, #tpu.memory_space<vmem>>
        %get3A_319 = arith.index_cast %add3A_260 : i32 to index
        %get3A_320 = arith.constant 144 : index
        %get3A_321 = tpu.vector_load %get3A_318[%get3A_319, %get3A_320] {strides = array<i32>} : memref<128x256xf32, #tpu.memory_space<vmem>>, vector<1x16xf32>,
        %get3A_322 = vector.shape_cast %get3A_321 : vector<1x16xf32> to vector<16xf32>
        %sub3A_323 = arith.subf %get3A_306, %get3A_314 : vector<16xf32>
        %mul3A_324 = arith.mulf %sub3A_323, %sub3A_323 : vector<16xf32>
        %neg3A_325 = arith.constant 0.000000e+00 : f32
        %neg3A_326 = vector.broadcast %neg3A_325 : f32 to vector<16xf32>
        %neg3A_327 = arith.subf %neg3A_326, %get3A_322 : vector<16xf32>
        %exp3A_328 = math.exp %neg3A_327 : vector<16xf32>
        %mul3A_329 = arith.mulf %mul3A_324, %exp3A_328 : vector<16xf32>
        %add3A_330 = arith.addf %mul3A_329, %get3A_322 : vector<16xf32>
        %add3A_331 = arith.addf %broadcast_in_dim3A_269, %add3A_330 : vector<16xf32>
        %get3A_332 = arith.constant 0 : i32
        %get3A_333 = arith.constant 0 : i32
        %get3A_334 = tpu.memref_slice %arg7[%scan3A_141, %get3A_332, %get3A_333] : memref<2x128x128xf32, #tpu.memory_space<vmem>> -> memref<1x128x128xf32, #tpu.memory_space<vmem>>
        %get3A_335 = tpu.memref_squeeze %get3A_334 : memref<1x128x128xf32, #tpu.memory_space<vmem>> -> memref<128x128xf32, #tpu.memory_space<vmem>>
        %get3A_336 = arith.index_cast %add3A_260 : i32 to index
        %get3A_337 = arith.constant 32 : index
        %get3A_338 = tpu.vector_load %get3A_335[%get3A_336, %get3A_337] {strides = array<i32>} : memref<128x128xf32, #tpu.memory_space<vmem>>, vector<1x16xf32>,
        %get3A_339 = vector.shape_cast %get3A_338 : vector<1x16xf32> to vector<16xf32>
        %get3A_340 = arith.constant 0 : i32
        %get3A_341 = arith.constant 0 : i32
        %get3A_342 = tpu.memref_slice %arg8[%scan3A_142, %get3A_340, %get3A_341] : memref<2x128x256xf32, #tpu.memory_space<vmem>> -> memref<1x128x256xf32, #tpu.memory_space<vmem>>
        %get3A_343 = tpu.memref_squeeze %get3A_342 : memref<1x128x256xf32, #tpu.memory_space<vmem>> -> memref<128x256xf32, #tpu.memory_space<vmem>>
        %get3A_344 = arith.index_cast %add3A_260 : i32 to index
        %get3A_345 = arith.constant 32 : index
        %get3A_346 = tpu.vector_load %get3A_343[%get3A_344, %get3A_345] {strides = array<i32>} : memref<128x256xf32, #tpu.memory_space<vmem>>, vector<1x16xf32>,
        %get3A_347 = vector.shape_cast %get3A_346 : vector<1x16xf32> to vector<16xf32>
        %get3A_348 = arith.constant 0 : i32
        %get3A_349 = arith.constant 0 : i32
        %get3A_350 = tpu.memref_slice %arg8[%scan3A_142, %get3A_348, %get3A_349] : memref<2x128x256xf32, #tpu.memory_space<vmem>> -> memref<1x128x256xf32, #tpu.memory_space<vmem>>
        %get3A_351 = tpu.memref_squeeze %get3A_350 : memref<1x128x256xf32, #tpu.memory_space<vmem>> -> memref<128x256xf32, #tpu.memory_space<vmem>>
        %get3A_352 = arith.index_cast %add3A_260 : i32 to index
        %get3A_353 = arith.constant 160 : index
        %get3A_354 = tpu.vector_load %get3A_351[%get3A_352, %get3A_353] {strides = array<i32>} : memref<128x256xf32, #tpu.memory_space<vmem>>, vector<1x16xf32>,
        %get3A_355 = vector.shape_cast %get3A_354 : vector<1x16xf32> to vector<16xf32>
        %sub3A_356 = arith.subf %get3A_339, %get3A_347 : vector<16xf32>
        %mul3A_357 = arith.mulf %sub3A_356, %sub3A_356 : vector<16xf32>
        %neg3A_358 = arith.constant 0.000000e+00 : f32
        %neg3A_359 = vector.broadcast %neg3A_358 : f32 to vector<16xf32>
        %neg3A_360 = arith.subf %neg3A_359, %get3A_355 : vector<16xf32>
        %exp3A_361 = math.exp %neg3A_360 : vector<16xf32>
        %mul3A_362 = arith.mulf %mul3A_357, %exp3A_361 : vector<16xf32>
        %add3A_363 = arith.addf %mul3A_362, %get3A_355 : vector<16xf32>
        %add3A_364 = arith.addf %add3A_298, %add3A_363 : vector<16xf32>
        %get3A_365 = arith.constant 0 : i32
        %get3A_366 = arith.constant 0 : i32
        %get3A_367 = tpu.memref_slice %arg7[%scan3A_141, %get3A_365, %get3A_366] : memref<2x128x128xf32, #tpu.memory_space<vmem>> -> memref<1x128x128xf32, #tpu.memory_space<vmem>>
        %get3A_368 = tpu.memref_squeeze %get3A_367 : memref<1x128x128xf32, #tpu.memory_space<vmem>> -> memref<128x128xf32, #tpu.memory_space<vmem>>
        %get3A_369 = arith.index_cast %add3A_260 : i32 to index
        %get3A_370 = arith.constant 48 : index
        %get3A_371 = tpu.vector_load %get3A_368[%get3A_369, %get3A_370] {strides = array<i32>} : memref<128x128xf32, #tpu.memory_space<vmem>>, vector<1x16xf32>,
        %get3A_372 = vector.shape_cast %get3A_371 : vector<1x16xf32> to vector<16xf32>
        %get3A_373 = arith.constant 0 : i32
        %get3A_374 = arith.constant 0 : i32
        %get3A_375 = tpu.memref_slice %arg8[%scan3A_142, %get3A_373, %get3A_374] : memref<2x128x256xf32, #tpu.memory_space<vmem>> -> memref<1x128x256xf32, #tpu.memory_space<vmem>>
        %get3A_376 = tpu.memref_squeeze %get3A_375 : memref<1x128x256xf32, #tpu.memory_space<vmem>> -> memref<128x256xf32, #tpu.memory_space<vmem>>
        %get3A_377 = arith.index_cast %add3A_260 : i32 to index
        %get3A_378 = arith.constant 48 : index
        %get3A_379 = tpu.vector_load %get3A_376[%get3A_377, %get3A_378] {strides = array<i32>} : memref<128x256xf32, #tpu.memory_space<vmem>>, vector<1x16xf32>,
        %get3A_380 = vector.shape_cast %get3A_379 : vector<1x16xf32> to vector<16xf32>
        %get3A_381 = arith.constant 0 : i32
        %get3A_382 = arith.constant 0 : i32
        %get3A_383 = tpu.memref_slice %arg8[%scan3A_142, %get3A_381, %get3A_382] : memref<2x128x256xf32, #tpu.memory_space<vmem>> -> memref<1x128x256xf32, #tpu.memory_space<vmem>>
        %get3A_384 = tpu.memref_squeeze %get3A_383 : memref<1x128x256xf32, #tpu.memory_space<vmem>> -> memref<128x256xf32, #tpu.memory_space<vmem>>
        %get3A_385 = arith.index_cast %add3A_260 : i32 to index
        %get3A_386 = arith.constant 176 : index
        %get3A_387 = tpu.vector_load %get3A_384[%get3A_385, %get3A_386] {strides = array<i32>} : memref<128x256xf32, #tpu.memory_space<vmem>>, vector<1x16xf32>,
        %get3A_388 = vector.shape_cast %get3A_387 : vector<1x16xf32> to vector<16xf32>
        %sub3A_389 = arith.subf %get3A_372, %get3A_380 : vector<16xf32>
        %mul3A_390 = arith.mulf %sub3A_389, %sub3A_389 : vector<16xf32>
        %neg3A_391 = arith.constant 0.000000e+00 : f32
        %neg3A_392 = vector.broadcast %neg3A_391 : f32 to vector<16xf32>
        %neg3A_393 = arith.subf %neg3A_392, %get3A_388 : vector<16xf32>
        %exp3A_394 = math.exp %neg3A_393 : vector<16xf32>
        %mul3A_395 = arith.mulf %mul3A_390, %exp3A_394 : vector<16xf32>
        %add3A_396 = arith.addf %mul3A_395, %get3A_388 : vector<16xf32>
        %add3A_397 = arith.addf %add3A_331, %add3A_396 : vector<16xf32>
        %get3A_398 = arith.constant 0 : i32
        %get3A_399 = arith.constant 0 : i32
        %get3A_400 = tpu.memref_slice %arg7[%scan3A_141, %get3A_398, %get3A_399] : memref<2x128x128xf32, #tpu.memory_space<vmem>> -> memref<1x128x128xf32, #tpu.memory_space<vmem>>
        %get3A_401 = tpu.memref_squeeze %get3A_400 : memref<1x128x128xf32, #tpu.memory_space<vmem>> -> memref<128x128xf32, #tpu.memory_space<vmem>>
        %get3A_402 = arith.index_cast %add3A_260 : i32 to index
        %get3A_403 = arith.constant 64 : index
        %get3A_404 = tpu.vector_load %get3A_401[%get3A_402, %get3A_403] {strides = array<i32>} : memref<128x128xf32, #tpu.memory_space<vmem>>, vector<1x16xf32>,
        %get3A_405 = vector.shape_cast %get3A_404 : vector<1x16xf32> to vector<16xf32>
        %get3A_406 = arith.constant 0 : i32
        %get3A_407 = arith.constant 0 : i32
        %get3A_408 = tpu.memref_slice %arg8[%scan3A_142, %get3A_406, %get3A_407] : memref<2x128x256xf32, #tpu.memory_space<vmem>> -> memref<1x128x256xf32, #tpu.memory_space<vmem>>
        %get3A_409 = tpu.memref_squeeze %get3A_408 : memref<1x128x256xf32, #tpu.memory_space<vmem>> -> memref<128x256xf32, #tpu.memory_space<vmem>>
        %get3A_410 = arith.index_cast %add3A_260 : i32 to index
        %get3A_411 = arith.constant 64 : index
        %get3A_412 = tpu.vector_load %get3A_409[%get3A_410, %get3A_411] {strides = array<i32>} : memref<128x256xf32, #tpu.memory_space<vmem>>, vector<1x16xf32>,
        %get3A_413 = vector.shape_cast %get3A_412 : vector<1x16xf32> to vector<16xf32>
        %get3A_414 = arith.constant 0 : i32
        %get3A_415 = arith.constant 0 : i32
        %get3A_416 = tpu.memref_slice %arg8[%scan3A_142, %get3A_414, %get3A_415] : memref<2x128x256xf32, #tpu.memory_space<vmem>> -> memref<1x128x256xf32, #tpu.memory_space<vmem>>
        %get3A_417 = tpu.memref_squeeze %get3A_416 : memref<1x128x256xf32, #tpu.memory_space<vmem>> -> memref<128x256xf32, #tpu.memory_space<vmem>>
        %get3A_418 = arith.index_cast %add3A_260 : i32 to index
        %get3A_419 = arith.constant 192 : index
        %get3A_420 = tpu.vector_load %get3A_417[%get3A_418, %get3A_419] {strides = array<i32>} : memref<128x256xf32, #tpu.memory_space<vmem>>, vector<1x16xf32>,
        %get3A_421 = vector.shape_cast %get3A_420 : vector<1x16xf32> to vector<16xf32>
        %sub3A_422 = arith.subf %get3A_405, %get3A_413 : vector<16xf32>
        %mul3A_423 = arith.mulf %sub3A_422, %sub3A_422 : vector<16xf32>
        %neg3A_424 = arith.constant 0.000000e+00 : f32
        %neg3A_425 = vector.broadcast %neg3A_424 : f32 to vector<16xf32>
        %neg3A_426 = arith.subf %neg3A_425, %get3A_421 : vector<16xf32>
        %exp3A_427 = math.exp %neg3A_426 : vector<16xf32>
        %mul3A_428 = arith.mulf %mul3A_423, %exp3A_427 : vector<16xf32>
        %add3A_429 = arith.addf %mul3A_428, %get3A_421 : vector<16xf32>
        %add3A_430 = arith.addf %add3A_364, %add3A_429 : vector<16xf32>
        %get3A_431 = arith.constant 0 : i32
        %get3A_432 = arith.constant 0 : i32
        %get3A_433 = tpu.memref_slice %arg7[%scan3A_141, %get3A_431, %get3A_432] : memref<2x128x128xf32, #tpu.memory_space<vmem>> -> memref<1x128x128xf32, #tpu.memory_space<vmem>>
        %get3A_434 = tpu.memref_squeeze %get3A_433 : memref<1x128x128xf32, #tpu.memory_space<vmem>> -> memref<128x128xf32, #tpu.memory_space<vmem>>
        %get3A_435 = arith.index_cast %add3A_260 : i32 to index
        %get3A_436 = arith.constant 80 : index
        %get3A_437 = tpu.vector_load %get3A_434[%get3A_435, %get3A_436] {strides = array<i32>} : memref<128x128xf32, #tpu.memory_space<vmem>>, vector<1x16xf32>,
        %get3A_438 = vector.shape_cast %get3A_437 : vector<1x16xf32> to vector<16xf32>
        %get3A_439 = arith.constant 0 : i32
        %get3A_440 = arith.constant 0 : i32
        %get3A_441 = tpu.memref_slice %arg8[%scan3A_142, %get3A_439, %get3A_440] : memref<2x128x256xf32, #tpu.memory_space<vmem>> -> memref<1x128x256xf32, #tpu.memory_space<vmem>>
        %get3A_442 = tpu.memref_squeeze %get3A_441 : memref<1x128x256xf32, #tpu.memory_space<vmem>> -> memref<128x256xf32, #tpu.memory_space<vmem>>
        %get3A_443 = arith.index_cast %add3A_260 : i32 to index
        %get3A_444 = arith.constant 80 : index
        %get3A_445 = tpu.vector_load %get3A_442[%get3A_443, %get3A_444] {strides = array<i32>} : memref<128x256xf32, #tpu.memory_space<vmem>>, vector<1x16xf32>,
        %get3A_446 = vector.shape_cast %get3A_445 : vector<1x16xf32> to vector<16xf32>
        %get3A_447 = arith.constant 0 : i32
        %get3A_448 = arith.constant 0 : i32
        %get3A_449 = tpu.memref_slice %arg8[%scan3A_142, %get3A_447, %get3A_448] : memref<2x128x256xf32, #tpu.memory_space<vmem>> -> memref<1x128x256xf32, #tpu.memory_space<vmem>>
        %get3A_450 = tpu.memref_squeeze %get3A_449 : memref<1x128x256xf32, #tpu.memory_space<vmem>> -> memref<128x256xf32, #tpu.memory_space<vmem>>
        %get3A_451 = arith.index_cast %add3A_260 : i32 to index
        %get3A_452 = arith.constant 208 : index
        %get3A_453 = tpu.vector_load %get3A_450[%get3A_451, %get3A_452] {strides = array<i32>} : memref<128x256xf32, #tpu.memory_space<vmem>>, vector<1x16xf32>,
        %get3A_454 = vector.shape_cast %get3A_453 : vector<1x16xf32> to vector<16xf32>
        %sub3A_455 = arith.subf %get3A_438, %get3A_446 : vector<16xf32>
        %mul3A_456 = arith.mulf %sub3A_455, %sub3A_455 : vector<16xf32>
        %neg3A_457 = arith.constant 0.000000e+00 : f32
        %neg3A_458 = vector.broadcast %neg3A_457 : f32 to vector<16xf32>
        %neg3A_459 = arith.subf %neg3A_458, %get3A_454 : vector<16xf32>
        %exp3A_460 = math.exp %neg3A_459 : vector<16xf32>
        %mul3A_461 = arith.mulf %mul3A_456, %exp3A_460 : vector<16xf32>
        %add3A_462 = arith.addf %mul3A_461, %get3A_454 : vector<16xf32>
        %add3A_463 = arith.addf %add3A_397, %add3A_462 : vector<16xf32>
        %get3A_464 = arith.constant 0 : i32
        %get3A_465 = arith.constant 0 : i32
        %get3A_466 = tpu.memref_slice %arg7[%scan3A_141, %get3A_464, %get3A_465] : memref<2x128x128xf32, #tpu.memory_space<vmem>> -> memref<1x128x128xf32, #tpu.memory_space<vmem>>
        %get3A_467 = tpu.memref_squeeze %get3A_466 : memref<1x128x128xf32, #tpu.memory_space<vmem>> -> memref<128x128xf32, #tpu.memory_space<vmem>>
        %get3A_468 = arith.index_cast %add3A_260 : i32 to index
        %get3A_469 = arith.constant 96 : index
        %get3A_470 = tpu.vector_load %get3A_467[%get3A_468, %get3A_469] {strides = array<i32>} : memref<128x128xf32, #tpu.memory_space<vmem>>, vector<1x16xf32>,
        %get3A_471 = vector.shape_cast %get3A_470 : vector<1x16xf32> to vector<16xf32>
        %get3A_472 = arith.constant 0 : i32
        %get3A_473 = arith.constant 0 : i32
        %get3A_474 = tpu.memref_slice %arg8[%scan3A_142, %get3A_472, %get3A_473] : memref<2x128x256xf32, #tpu.memory_space<vmem>> -> memref<1x128x256xf32, #tpu.memory_space<vmem>>
        %get3A_475 = tpu.memref_squeeze %get3A_474 : memref<1x128x256xf32, #tpu.memory_space<vmem>> -> memref<128x256xf32, #tpu.memory_space<vmem>>
        %get3A_476 = arith.index_cast %add3A_260 : i32 to index
        %get3A_477 = arith.constant 96 : index
        %get3A_478 = tpu.vector_load %get3A_475[%get3A_476, %get3A_477] {strides = array<i32>} : memref<128x256xf32, #tpu.memory_space<vmem>>, vector<1x16xf32>,
        %get3A_479 = vector.shape_cast %get3A_478 : vector<1x16xf32> to vector<16xf32>
        %get3A_480 = arith.constant 0 : i32
        %get3A_481 = arith.constant 0 : i32
        %get3A_482 = tpu.memref_slice %arg8[%scan3A_142, %get3A_480, %get3A_481] : memref<2x128x256xf32, #tpu.memory_space<vmem>> -> memref<1x128x256xf32, #tpu.memory_space<vmem>>
        %get3A_483 = tpu.memref_squeeze %get3A_482 : memref<1x128x256xf32, #tpu.memory_space<vmem>> -> memref<128x256xf32, #tpu.memory_space<vmem>>
        %get3A_484 = arith.index_cast %add3A_260 : i32 to index
        %get3A_485 = arith.constant 224 : index
        %get3A_486 = tpu.vector_load %get3A_483[%get3A_484, %get3A_485] {strides = array<i32>} : memref<128x256xf32, #tpu.memory_space<vmem>>, vector<1x16xf32>,
        %get3A_487 = vector.shape_cast %get3A_486 : vector<1x16xf32> to vector<16xf32>
        %sub3A_488 = arith.subf %get3A_471, %get3A_479 : vector<16xf32>
        %mul3A_489 = arith.mulf %sub3A_488, %sub3A_488 : vector<16xf32>
        %neg3A_490 = arith.constant 0.000000e+00 : f32
        %neg3A_491 = vector.broadcast %neg3A_490 : f32 to vector<16xf32>
        %neg3A_492 = arith.subf %neg3A_491, %get3A_487 : vector<16xf32>
        %exp3A_493 = math.exp %neg3A_492 : vector<16xf32>
        %mul3A_494 = arith.mulf %mul3A_489, %exp3A_493 : vector<16xf32>
        %add3A_495 = arith.addf %mul3A_494, %get3A_487 : vector<16xf32>
        %add3A_496 = arith.addf %add3A_430, %add3A_495 : vector<16xf32>
        %get3A_497 = arith.constant 0 : i32
        %get3A_498 = arith.constant 0 : i32
        %get3A_499 = tpu.memref_slice %arg7[%scan3A_141, %get3A_497, %get3A_498] : memref<2x128x128xf32, #tpu.memory_space<vmem>> -> memref<1x128x128xf32, #tpu.memory_space<vmem>>
        %get3A_500 = tpu.memref_squeeze %get3A_499 : memref<1x128x128xf32, #tpu.memory_space<vmem>> -> memref<128x128xf32, #tpu.memory_space<vmem>>
        %get3A_501 = arith.index_cast %add3A_260 : i32 to index
        %get3A_502 = arith.constant 112 : index
        %get3A_503 = tpu.vector_load %get3A_500[%get3A_501, %get3A_502] {strides = array<i32>} : memref<128x128xf32, #tpu.memory_space<vmem>>, vector<1x16xf32>,
        %get3A_504 = vector.shape_cast %get3A_503 : vector<1x16xf32> to vector<16xf32>
        %get3A_505 = arith.constant 0 : i32
        %get3A_506 = arith.constant 0 : i32
        %get3A_507 = tpu.memref_slice %arg8[%scan3A_142, %get3A_505, %get3A_506] : memref<2x128x256xf32, #tpu.memory_space<vmem>> -> memref<1x128x256xf32, #tpu.memory_space<vmem>>
        %get3A_508 = tpu.memref_squeeze %get3A_507 : memref<1x128x256xf32, #tpu.memory_space<vmem>> -> memref<128x256xf32, #tpu.memory_space<vmem>>
        %get3A_509 = arith.index_cast %add3A_260 : i32 to index
        %get3A_510 = arith.constant 112 : index
        %get3A_511 = tpu.vector_load %get3A_508[%get3A_509, %get3A_510] {strides = array<i32>} : memref<128x256xf32, #tpu.memory_space<vmem>>, vector<1x16xf32>,
        %get3A_512 = vector.shape_cast %get3A_511 : vector<1x16xf32> to vector<16xf32>
        %get3A_513 = arith.constant 0 : i32
        %get3A_514 = arith.constant 0 : i32
        %get3A_515 = tpu.memref_slice %arg8[%scan3A_142, %get3A_513, %get3A_514] : memref<2x128x256xf32, #tpu.memory_space<vmem>> -> memref<1x128x256xf32, #tpu.memory_space<vmem>>
        %get3A_516 = tpu.memref_squeeze %get3A_515 : memref<1x128x256xf32, #tpu.memory_space<vmem>> -> memref<128x256xf32, #tpu.memory_space<vmem>>
        %get3A_517 = arith.index_cast %add3A_260 : i32 to index
        %get3A_518 = arith.constant 240 : index
        %get3A_519 = tpu.vector_load %get3A_516[%get3A_517, %get3A_518] {strides = array<i32>} : memref<128x256xf32, #tpu.memory_space<vmem>>, vector<1x16xf32>,
        %get3A_520 = vector.shape_cast %get3A_519 : vector<1x16xf32> to vector<16xf32>
        %sub3A_521 = arith.subf %get3A_504, %get3A_512 : vector<16xf32>
        %mul3A_522 = arith.mulf %sub3A_521, %sub3A_521 : vector<16xf32>
        %neg3A_523 = arith.constant 0.000000e+00 : f32
        %neg3A_524 = vector.broadcast %neg3A_523 : f32 to vector<16xf32>
        %neg3A_525 = arith.subf %neg3A_524, %get3A_520 : vector<16xf32>
        %exp3A_526 = math.exp %neg3A_525 : vector<16xf32>
        %mul3A_527 = arith.mulf %mul3A_522, %exp3A_526 : vector<16xf32>
        %add3A_528 = arith.addf %mul3A_527, %get3A_520 : vector<16xf32>
        %add3A_529 = arith.addf %add3A_463, %add3A_528 : vector<16xf32>
        %add3A_530 = arith.addf %add3A_496, %add3A_529 : vector<16xf32>
        %broadcast_in_dim3A_531 = vector.shape_cast %xor3A_4 : vector<16xi32> to vector<16x1xi32>
        %gather3A = vector.shape_cast %broadcast_in_dim3A_531 : vector<16x1xi32> to vector<16xi32>
        %gather3A_532 = tpu.dynamic_gather %add3A_530[%gather3A] in [0] : vector<16xf32>, vector<16xi32> -> vector<16xf32>
        %add3A_533 = arith.addf %add3A_530, %gather3A_532 : vector<16xf32>
        %broadcast_in_dim3A_534 = vector.shape_cast %xor3A_7 : vector<16xi32> to vector<16x1xi32>
        %gather3A_535 = vector.shape_cast %broadcast_in_dim3A_534 : vector<16x1xi32> to vector<16xi32>
        %gather3A_536 = tpu.dynamic_gather %add3A_533[%gather3A_535] in [0] : vector<16xf32>, vector<16xi32> -> vector<16xf32>
        %add3A_537 = arith.addf %add3A_533, %gather3A_536 : vector<16xf32>
        %broadcast_in_dim3A_538 = vector.shape_cast %xor3A_10 : vector<16xi32> to vector<16x1xi32>
        %gather3A_539 = vector.shape_cast %broadcast_in_dim3A_538 : vector<16x1xi32> to vector<16xi32>
        %gather3A_540 = tpu.dynamic_gather %add3A_537[%gather3A_539] in [0] : vector<16xf32>, vector<16xi32> -> vector<16xf32>
        %add3A_541 = arith.addf %add3A_537, %gather3A_540 : vector<16xf32>
        %broadcast_in_dim3A_542 = vector.shape_cast %xor3A_13 : vector<16xi32> to vector<16x1xi32>
        %gather3A_543 = vector.shape_cast %broadcast_in_dim3A_542 : vector<16x1xi32> to vector<16xi32>
        %gather3A_544 = tpu.dynamic_gather %add3A_541[%gather3A_543] in [0] : vector<16xf32>, vector<16xi32> -> vector<16xf32>
        %add3A_545 = arith.addf %add3A_541, %gather3A_544 : vector<16xf32>
        %add3A_546 = arith.constant 235.24826 : f32
        %add3A_547 = vector.broadcast %add3A_546 : f32 to vector<16xf32>
        %add3A_548 = arith.addf %add3A_545, %add3A_547 : vector<16xf32>
        %mul3A_549 = arith.constant -5.000000e-01 : f32
        %mul3A_550 = vector.broadcast %mul3A_549 : f32 to vector<16xf32>
        %mul3A_551 = arith.mulf %mul3A_550, %add3A_548 : vector<16xf32>
        %broadcast_in_dim3A_552 = arith.constant 0.000000e+00 : f32
        %broadcast_in_dim3A_553 = vector.broadcast %broadcast_in_dim3A_552 : f32 to vector<16xf32>
        %broadcast_in_dim3A_554 = arith.constant 0.000000e+00 : f32
        %broadcast_in_dim3A_555 = vector.broadcast %broadcast_in_dim3A_554 : f32 to vector<16xf32>
        %get3A_556 = arith.constant 0 : i32
        %get3A_557 = arith.constant 0 : i32
        %get3A_558 = tpu.memref_slice %arg7[%scan3A_141, %get3A_556, %get3A_557] : memref<2x128x128xf32, #tpu.memory_space<vmem>> -> memref<1x128x128xf32, #tpu.memory_space<vmem>>
        %get3A_559 = tpu.memref_squeeze %get3A_558 : memref<1x128x128xf32, #tpu.memory_space<vmem>> -> memref<128x128xf32, #tpu.memory_space<vmem>>
        %get3A_560 = arith.index_cast %add3A_265 : i32 to index
        %get3A_561 = arith.constant 0 : index
        %get3A_562 = tpu.vector_load %get3A_559[%get3A_560, %get3A_561] {strides = array<i32>} : memref<128x128xf32, #tpu.memory_space<vmem>>, vector<1x16xf32>,
        %get3A_563 = vector.shape_cast %get3A_562 : vector<1x16xf32> to vector<16xf32>
        %get3A_564 = arith.constant 0 : i32
        %get3A_565 = arith.constant 0 : i32
        %get3A_566 = tpu.memref_slice %arg8[%scan3A_142, %get3A_564, %get3A_565] : memref<2x128x256xf32, #tpu.memory_space<vmem>> -> memref<1x128x256xf32, #tpu.memory_space<vmem>>
        %get3A_567 = tpu.memref_squeeze %get3A_566 : memref<1x128x256xf32, #tpu.memory_space<vmem>> -> memref<128x256xf32, #tpu.memory_space<vmem>>
        %get3A_568 = arith.index_cast %add3A_265 : i32 to index
        %get3A_569 = arith.constant 0 : index
        %get3A_570 = tpu.vector_load %get3A_567[%get3A_568, %get3A_569] {strides = array<i32>} : memref<128x256xf32, #tpu.memory_space<vmem>>, vector<1x16xf32>,
        %get3A_571 = vector.shape_cast %get3A_570 : vector<1x16xf32> to vector<16xf32>
        %get3A_572 = arith.constant 0 : i32
        %get3A_573 = arith.constant 0 : i32
        %get3A_574 = tpu.memref_slice %arg8[%scan3A_142, %get3A_572, %get3A_573] : memref<2x128x256xf32, #tpu.memory_space<vmem>> -> memref<1x128x256xf32, #tpu.memory_space<vmem>>
        %get3A_575 = tpu.memref_squeeze %get3A_574 : memref<1x128x256xf32, #tpu.memory_space<vmem>> -> memref<128x256xf32, #tpu.memory_space<vmem>>
        %get3A_576 = arith.index_cast %add3A_265 : i32 to index
        %get3A_577 = arith.constant 128 : index
        %get3A_578 = tpu.vector_load %get3A_575[%get3A_576, %get3A_577] {strides = array<i32>} : memref<128x256xf32, #tpu.memory_space<vmem>>, vector<1x16xf32>,
        %get3A_579 = vector.shape_cast %get3A_578 : vector<1x16xf32> to vector<16xf32>
        %sub3A_580 = arith.subf %get3A_563, %get3A_571 : vector<16xf32>
        %mul3A_581 = arith.mulf %sub3A_580, %sub3A_580 : vector<16xf32>
        %neg3A_582 = arith.constant 0.000000e+00 : f32
        %neg3A_583 = vector.broadcast %neg3A_582 : f32 to vector<16xf32>
        %neg3A_584 = arith.subf %neg3A_583, %get3A_579 : vector<16xf32>
        %exp3A_585 = math.exp %neg3A_584 : vector<16xf32>
        %mul3A_586 = arith.mulf %mul3A_581, %exp3A_585 : vector<16xf32>
        %add3A_587 = arith.addf %mul3A_586, %get3A_579 : vector<16xf32>
        %add3A_588 = arith.addf %broadcast_in_dim3A_553, %add3A_587 : vector<16xf32>
        %get3A_589 = arith.constant 0 : i32
        %get3A_590 = arith.constant 0 : i32
        %get3A_591 = tpu.memref_slice %arg7[%scan3A_141, %get3A_589, %get3A_590] : memref<2x128x128xf32, #tpu.memory_space<vmem>> -> memref<1x128x128xf32, #tpu.memory_space<vmem>>
        %get3A_592 = tpu.memref_squeeze %get3A_591 : memref<1x128x128xf32, #tpu.memory_space<vmem>> -> memref<128x128xf32, #tpu.memory_space<vmem>>
        %get3A_593 = arith.index_cast %add3A_265 : i32 to index
        %get3A_594 = arith.constant 16 : index
        %get3A_595 = tpu.vector_load %get3A_592[%get3A_593, %get3A_594] {strides = array<i32>} : memref<128x128xf32, #tpu.memory_space<vmem>>, vector<1x16xf32>,
        %get3A_596 = vector.shape_cast %get3A_595 : vector<1x16xf32> to vector<16xf32>
        %get3A_597 = arith.constant 0 : i32
        %get3A_598 = arith.constant 0 : i32
        %get3A_599 = tpu.memref_slice %arg8[%scan3A_142, %get3A_597, %get3A_598] : memref<2x128x256xf32, #tpu.memory_space<vmem>> -> memref<1x128x256xf32, #tpu.memory_space<vmem>>
        %get3A_600 = tpu.memref_squeeze %get3A_599 : memref<1x128x256xf32, #tpu.memory_space<vmem>> -> memref<128x256xf32, #tpu.memory_space<vmem>>
        %get3A_601 = arith.index_cast %add3A_265 : i32 to index
        %get3A_602 = arith.constant 16 : index
        %get3A_603 = tpu.vector_load %get3A_600[%get3A_601, %get3A_602] {strides = array<i32>} : memref<128x256xf32, #tpu.memory_space<vmem>>, vector<1x16xf32>,
        %get3A_604 = vector.shape_cast %get3A_603 : vector<1x16xf32> to vector<16xf32>
        %get3A_605 = arith.constant 0 : i32
        %get3A_606 = arith.constant 0 : i32
        %get3A_607 = tpu.memref_slice %arg8[%scan3A_142, %get3A_605, %get3A_606] : memref<2x128x256xf32, #tpu.memory_space<vmem>> -> memref<1x128x256xf32, #tpu.memory_space<vmem>>
        %get3A_608 = tpu.memref_squeeze %get3A_607 : memref<1x128x256xf32, #tpu.memory_space<vmem>> -> memref<128x256xf32, #tpu.memory_space<vmem>>
        %get3A_609 = arith.index_cast %add3A_265 : i32 to index
        %get3A_610 = arith.constant 144 : index
        %get3A_611 = tpu.vector_load %get3A_608[%get3A_609, %get3A_610] {strides = array<i32>} : memref<128x256xf32, #tpu.memory_space<vmem>>, vector<1x16xf32>,
        %get3A_612 = vector.shape_cast %get3A_611 : vector<1x16xf32> to vector<16xf32>
        %sub3A_613 = arith.subf %get3A_596, %get3A_604 : vector<16xf32>
        %mul3A_614 = arith.mulf %sub3A_613, %sub3A_613 : vector<16xf32>
        %neg3A_615 = arith.constant 0.000000e+00 : f32
        %neg3A_616 = vector.broadcast %neg3A_615 : f32 to vector<16xf32>
        %neg3A_617 = arith.subf %neg3A_616, %get3A_612 : vector<16xf32>
        %exp3A_618 = math.exp %neg3A_617 : vector<16xf32>
        %mul3A_619 = arith.mulf %mul3A_614, %exp3A_618 : vector<16xf32>
        %add3A_620 = arith.addf %mul3A_619, %get3A_612 : vector<16xf32>
        %add3A_621 = arith.addf %broadcast_in_dim3A_555, %add3A_620 : vector<16xf32>
        %get3A_622 = arith.constant 0 : i32
        %get3A_623 = arith.constant 0 : i32
        %get3A_624 = tpu.memref_slice %arg7[%scan3A_141, %get3A_622, %get3A_623] : memref<2x128x128xf32, #tpu.memory_space<vmem>> -> memref<1x128x128xf32, #tpu.memory_space<vmem>>
        %get3A_625 = tpu.memref_squeeze %get3A_624 : memref<1x128x128xf32, #tpu.memory_space<vmem>> -> memref<128x128xf32, #tpu.memory_space<vmem>>
        %get3A_626 = arith.index_cast %add3A_265 : i32 to index
        %get3A_627 = arith.constant 32 : index
        %get3A_628 = tpu.vector_load %get3A_625[%get3A_626, %get3A_627] {strides = array<i32>} : memref<128x128xf32, #tpu.memory_space<vmem>>, vector<1x16xf32>,
        %get3A_629 = vector.shape_cast %get3A_628 : vector<1x16xf32> to vector<16xf32>
        %get3A_630 = arith.constant 0 : i32
        %get3A_631 = arith.constant 0 : i32
        %get3A_632 = tpu.memref_slice %arg8[%scan3A_142, %get3A_630, %get3A_631] : memref<2x128x256xf32, #tpu.memory_space<vmem>> -> memref<1x128x256xf32, #tpu.memory_space<vmem>>
        %get3A_633 = tpu.memref_squeeze %get3A_632 : memref<1x128x256xf32, #tpu.memory_space<vmem>> -> memref<128x256xf32, #tpu.memory_space<vmem>>
        %get3A_634 = arith.index_cast %add3A_265 : i32 to index
        %get3A_635 = arith.constant 32 : index
        %get3A_636 = tpu.vector_load %get3A_633[%get3A_634, %get3A_635] {strides = array<i32>} : memref<128x256xf32, #tpu.memory_space<vmem>>, vector<1x16xf32>,
        %get3A_637 = vector.shape_cast %get3A_636 : vector<1x16xf32> to vector<16xf32>
        %get3A_638 = arith.constant 0 : i32
        %get3A_639 = arith.constant 0 : i32
        %get3A_640 = tpu.memref_slice %arg8[%scan3A_142, %get3A_638, %get3A_639] : memref<2x128x256xf32, #tpu.memory_space<vmem>> -> memref<1x128x256xf32, #tpu.memory_space<vmem>>
        %get3A_641 = tpu.memref_squeeze %get3A_640 : memref<1x128x256xf32, #tpu.memory_space<vmem>> -> memref<128x256xf32, #tpu.memory_space<vmem>>
        %get3A_642 = arith.index_cast %add3A_265 : i32 to index
        %get3A_643 = arith.constant 160 : index
        %get3A_644 = tpu.vector_load %get3A_641[%get3A_642, %get3A_643] {strides = array<i32>} : memref<128x256xf32, #tpu.memory_space<vmem>>, vector<1x16xf32>,
        %get3A_645 = vector.shape_cast %get3A_644 : vector<1x16xf32> to vector<16xf32>
        %sub3A_646 = arith.subf %get3A_629, %get3A_637 : vector<16xf32>
        %mul3A_647 = arith.mulf %sub3A_646, %sub3A_646 : vector<16xf32>
        %neg3A_648 = arith.constant 0.000000e+00 : f32
        %neg3A_649 = vector.broadcast %neg3A_648 : f32 to vector<16xf32>
        %neg3A_650 = arith.subf %neg3A_649, %get3A_645 : vector<16xf32>
        %exp3A_651 = math.exp %neg3A_650 : vector<16xf32>
        %mul3A_652 = arith.mulf %mul3A_647, %exp3A_651 : vector<16xf32>
        %add3A_653 = arith.addf %mul3A_652, %get3A_645 : vector<16xf32>
        %add3A_654 = arith.addf %add3A_588, %add3A_653 : vector<16xf32>
        %get3A_655 = arith.constant 0 : i32
        %get3A_656 = arith.constant 0 : i32
        %get3A_657 = tpu.memref_slice %arg7[%scan3A_141, %get3A_655, %get3A_656] : memref<2x128x128xf32, #tpu.memory_space<vmem>> -> memref<1x128x128xf32, #tpu.memory_space<vmem>>
        %get3A_658 = tpu.memref_squeeze %get3A_657 : memref<1x128x128xf32, #tpu.memory_space<vmem>> -> memref<128x128xf32, #tpu.memory_space<vmem>>
        %get3A_659 = arith.index_cast %add3A_265 : i32 to index
        %get3A_660 = arith.constant 48 : index
        %get3A_661 = tpu.vector_load %get3A_658[%get3A_659, %get3A_660] {strides = array<i32>} : memref<128x128xf32, #tpu.memory_space<vmem>>, vector<1x16xf32>,
        %get3A_662 = vector.shape_cast %get3A_661 : vector<1x16xf32> to vector<16xf32>
        %get3A_663 = arith.constant 0 : i32
        %get3A_664 = arith.constant 0 : i32
        %get3A_665 = tpu.memref_slice %arg8[%scan3A_142, %get3A_663, %get3A_664] : memref<2x128x256xf32, #tpu.memory_space<vmem>> -> memref<1x128x256xf32, #tpu.memory_space<vmem>>
        %get3A_666 = tpu.memref_squeeze %get3A_665 : memref<1x128x256xf32, #tpu.memory_space<vmem>> -> memref<128x256xf32, #tpu.memory_space<vmem>>
        %get3A_667 = arith.index_cast %add3A_265 : i32 to index
        %get3A_668 = arith.constant 48 : index
        %get3A_669 = tpu.vector_load %get3A_666[%get3A_667, %get3A_668] {strides = array<i32>} : memref<128x256xf32, #tpu.memory_space<vmem>>, vector<1x16xf32>,
        %get3A_670 = vector.shape_cast %get3A_669 : vector<1x16xf32> to vector<16xf32>
        %get3A_671 = arith.constant 0 : i32
        %get3A_672 = arith.constant 0 : i32
        %get3A_673 = tpu.memref_slice %arg8[%scan3A_142, %get3A_671, %get3A_672] : memref<2x128x256xf32, #tpu.memory_space<vmem>> -> memref<1x128x256xf32, #tpu.memory_space<vmem>>
        %get3A_674 = tpu.memref_squeeze %get3A_673 : memref<1x128x256xf32, #tpu.memory_space<vmem>> -> memref<128x256xf32, #tpu.memory_space<vmem>>
        %get3A_675 = arith.index_cast %add3A_265 : i32 to index
        %get3A_676 = arith.constant 176 : index
        %get3A_677 = tpu.vector_load %get3A_674[%get3A_675, %get3A_676] {strides = array<i32>} : memref<128x256xf32, #tpu.memory_space<vmem>>, vector<1x16xf32>,
        %get3A_678 = vector.shape_cast %get3A_677 : vector<1x16xf32> to vector<16xf32>
        %sub3A_679 = arith.subf %get3A_662, %get3A_670 : vector<16xf32>
        %mul3A_680 = arith.mulf %sub3A_679, %sub3A_679 : vector<16xf32>
        %neg3A_681 = arith.constant 0.000000e+00 : f32
        %neg3A_682 = vector.broadcast %neg3A_681 : f32 to vector<16xf32>
        %neg3A_683 = arith.subf %neg3A_682, %get3A_678 : vector<16xf32>
        %exp3A_684 = math.exp %neg3A_683 : vector<16xf32>
        %mul3A_685 = arith.mulf %mul3A_680, %exp3A_684 : vector<16xf32>
        %add3A_686 = arith.addf %mul3A_685, %get3A_678 : vector<16xf32>
        %add3A_687 = arith.addf %add3A_621, %add3A_686 : vector<16xf32>
        %get3A_688 = arith.constant 0 : i32
        %get3A_689 = arith.constant 0 : i32
        %get3A_690 = tpu.memref_slice %arg7[%scan3A_141, %get3A_688, %get3A_689] : memref<2x128x128xf32, #tpu.memory_space<vmem>> -> memref<1x128x128xf32, #tpu.memory_space<vmem>>
        %get3A_691 = tpu.memref_squeeze %get3A_690 : memref<1x128x128xf32, #tpu.memory_space<vmem>> -> memref<128x128xf32, #tpu.memory_space<vmem>>
        %get3A_692 = arith.index_cast %add3A_265 : i32 to index
        %get3A_693 = arith.constant 64 : index
        %get3A_694 = tpu.vector_load %get3A_691[%get3A_692, %get3A_693] {strides = array<i32>} : memref<128x128xf32, #tpu.memory_space<vmem>>, vector<1x16xf32>,
        %get3A_695 = vector.shape_cast %get3A_694 : vector<1x16xf32> to vector<16xf32>
        %get3A_696 = arith.constant 0 : i32
        %get3A_697 = arith.constant 0 : i32
        %get3A_698 = tpu.memref_slice %arg8[%scan3A_142, %get3A_696, %get3A_697] : memref<2x128x256xf32, #tpu.memory_space<vmem>> -> memref<1x128x256xf32, #tpu.memory_space<vmem>>
        %get3A_699 = tpu.memref_squeeze %get3A_698 : memref<1x128x256xf32, #tpu.memory_space<vmem>> -> memref<128x256xf32, #tpu.memory_space<vmem>>
        %get3A_700 = arith.index_cast %add3A_265 : i32 to index
        %get3A_701 = arith.constant 64 : index
        %get3A_702 = tpu.vector_load %get3A_699[%get3A_700, %get3A_701] {strides = array<i32>} : memref<128x256xf32, #tpu.memory_space<vmem>>, vector<1x16xf32>,
        %get3A_703 = vector.shape_cast %get3A_702 : vector<1x16xf32> to vector<16xf32>
        %get3A_704 = arith.constant 0 : i32
        %get3A_705 = arith.constant 0 : i32
        %get3A_706 = tpu.memref_slice %arg8[%scan3A_142, %get3A_704, %get3A_705] : memref<2x128x256xf32, #tpu.memory_space<vmem>> -> memref<1x128x256xf32, #tpu.memory_space<vmem>>
        %get3A_707 = tpu.memref_squeeze %get3A_706 : memref<1x128x256xf32, #tpu.memory_space<vmem>> -> memref<128x256xf32, #tpu.memory_space<vmem>>
        %get3A_708 = arith.index_cast %add3A_265 : i32 to index
        %get3A_709 = arith.constant 192 : index
        %get3A_710 = tpu.vector_load %get3A_707[%get3A_708, %get3A_709] {strides = array<i32>} : memref<128x256xf32, #tpu.memory_space<vmem>>, vector<1x16xf32>,
        %get3A_711 = vector.shape_cast %get3A_710 : vector<1x16xf32> to vector<16xf32>
        %sub3A_712 = arith.subf %get3A_695, %get3A_703 : vector<16xf32>
        %mul3A_713 = arith.mulf %sub3A_712, %sub3A_712 : vector<16xf32>
        %neg3A_714 = arith.constant 0.000000e+00 : f32
        %neg3A_715 = vector.broadcast %neg3A_714 : f32 to vector<16xf32>
        %neg3A_716 = arith.subf %neg3A_715, %get3A_711 : vector<16xf32>
        %exp3A_717 = math.exp %neg3A_716 : vector<16xf32>
        %mul3A_718 = arith.mulf %mul3A_713, %exp3A_717 : vector<16xf32>
        %add3A_719 = arith.addf %mul3A_718, %get3A_711 : vector<16xf32>
        %add3A_720 = arith.addf %add3A_654, %add3A_719 : vector<16xf32>
        %get3A_721 = arith.constant 0 : i32
        %get3A_722 = arith.constant 0 : i32
        %get3A_723 = tpu.memref_slice %arg7[%scan3A_141, %get3A_721, %get3A_722] : memref<2x128x128xf32, #tpu.memory_space<vmem>> -> memref<1x128x128xf32, #tpu.memory_space<vmem>>
        %get3A_724 = tpu.memref_squeeze %get3A_723 : memref<1x128x128xf32, #tpu.memory_space<vmem>> -> memref<128x128xf32, #tpu.memory_space<vmem>>
        %get3A_725 = arith.index_cast %add3A_265 : i32 to index
        %get3A_726 = arith.constant 80 : index
        %get3A_727 = tpu.vector_load %get3A_724[%get3A_725, %get3A_726] {strides = array<i32>} : memref<128x128xf32, #tpu.memory_space<vmem>>, vector<1x16xf32>,
        %get3A_728 = vector.shape_cast %get3A_727 : vector<1x16xf32> to vector<16xf32>
        %get3A_729 = arith.constant 0 : i32
        %get3A_730 = arith.constant 0 : i32
        %get3A_731 = tpu.memref_slice %arg8[%scan3A_142, %get3A_729, %get3A_730] : memref<2x128x256xf32, #tpu.memory_space<vmem>> -> memref<1x128x256xf32, #tpu.memory_space<vmem>>
        %get3A_732 = tpu.memref_squeeze %get3A_731 : memref<1x128x256xf32, #tpu.memory_space<vmem>> -> memref<128x256xf32, #tpu.memory_space<vmem>>
        %get3A_733 = arith.index_cast %add3A_265 : i32 to index
        %get3A_734 = arith.constant 80 : index
        %get3A_735 = tpu.vector_load %get3A_732[%get3A_733, %get3A_734] {strides = array<i32>} : memref<128x256xf32, #tpu.memory_space<vmem>>, vector<1x16xf32>,
        %get3A_736 = vector.shape_cast %get3A_735 : vector<1x16xf32> to vector<16xf32>
        %get3A_737 = arith.constant 0 : i32
        %get3A_738 = arith.constant 0 : i32
        %get3A_739 = tpu.memref_slice %arg8[%scan3A_142, %get3A_737, %get3A_738] : memref<2x128x256xf32, #tpu.memory_space<vmem>> -> memref<1x128x256xf32, #tpu.memory_space<vmem>>
        %get3A_740 = tpu.memref_squeeze %get3A_739 : memref<1x128x256xf32, #tpu.memory_space<vmem>> -> memref<128x256xf32, #tpu.memory_space<vmem>>
        %get3A_741 = arith.index_cast %add3A_265 : i32 to index
        %get3A_742 = arith.constant 208 : index
        %get3A_743 = tpu.vector_load %get3A_740[%get3A_741, %get3A_742] {strides = array<i32>} : memref<128x256xf32, #tpu.memory_space<vmem>>, vector<1x16xf32>,
        %get3A_744 = vector.shape_cast %get3A_743 : vector<1x16xf32> to vector<16xf32>
        %sub3A_745 = arith.subf %get3A_728, %get3A_736 : vector<16xf32>
        %mul3A_746 = arith.mulf %sub3A_745, %sub3A_745 : vector<16xf32>
        %neg3A_747 = arith.constant 0.000000e+00 : f32
        %neg3A_748 = vector.broadcast %neg3A_747 : f32 to vector<16xf32>
        %neg3A_749 = arith.subf %neg3A_748, %get3A_744 : vector<16xf32>
        %exp3A_750 = math.exp %neg3A_749 : vector<16xf32>
        %mul3A_751 = arith.mulf %mul3A_746, %exp3A_750 : vector<16xf32>
        %add3A_752 = arith.addf %mul3A_751, %get3A_744 : vector<16xf32>
        %add3A_753 = arith.addf %add3A_687, %add3A_752 : vector<16xf32>
        %get3A_754 = arith.constant 0 : i32
        %get3A_755 = arith.constant 0 : i32
        %get3A_756 = tpu.memref_slice %arg7[%scan3A_141, %get3A_754, %get3A_755] : memref<2x128x128xf32, #tpu.memory_space<vmem>> -> memref<1x128x128xf32, #tpu.memory_space<vmem>>
        %get3A_757 = tpu.memref_squeeze %get3A_756 : memref<1x128x128xf32, #tpu.memory_space<vmem>> -> memref<128x128xf32, #tpu.memory_space<vmem>>
        %get3A_758 = arith.index_cast %add3A_265 : i32 to index
        %get3A_759 = arith.constant 96 : index
        %get3A_760 = tpu.vector_load %get3A_757[%get3A_758, %get3A_759] {strides = array<i32>} : memref<128x128xf32, #tpu.memory_space<vmem>>, vector<1x16xf32>,
        %get3A_761 = vector.shape_cast %get3A_760 : vector<1x16xf32> to vector<16xf32>
        %get3A_762 = arith.constant 0 : i32
        %get3A_763 = arith.constant 0 : i32
        %get3A_764 = tpu.memref_slice %arg8[%scan3A_142, %get3A_762, %get3A_763] : memref<2x128x256xf32, #tpu.memory_space<vmem>> -> memref<1x128x256xf32, #tpu.memory_space<vmem>>
        %get3A_765 = tpu.memref_squeeze %get3A_764 : memref<1x128x256xf32, #tpu.memory_space<vmem>> -> memref<128x256xf32, #tpu.memory_space<vmem>>
        %get3A_766 = arith.index_cast %add3A_265 : i32 to index
        %get3A_767 = arith.constant 96 : index
        %get3A_768 = tpu.vector_load %get3A_765[%get3A_766, %get3A_767] {strides = array<i32>} : memref<128x256xf32, #tpu.memory_space<vmem>>, vector<1x16xf32>,
        %get3A_769 = vector.shape_cast %get3A_768 : vector<1x16xf32> to vector<16xf32>
        %get3A_770 = arith.constant 0 : i32
        %get3A_771 = arith.constant 0 : i32
        %get3A_772 = tpu.memref_slice %arg8[%scan3A_142, %get3A_770, %get3A_771] : memref<2x128x256xf32, #tpu.memory_space<vmem>> -> memref<1x128x256xf32, #tpu.memory_space<vmem>>
        %get3A_773 = tpu.memref_squeeze %get3A_772 : memref<1x128x256xf32, #tpu.memory_space<vmem>> -> memref<128x256xf32, #tpu.memory_space<vmem>>
        %get3A_774 = arith.index_cast %add3A_265 : i32 to index
        %get3A_775 = arith.constant 224 : index
        %get3A_776 = tpu.vector_load %get3A_773[%get3A_774, %get3A_775] {strides = array<i32>} : memref<128x256xf32, #tpu.memory_space<vmem>>, vector<1x16xf32>,
        %get3A_777 = vector.shape_cast %get3A_776 : vector<1x16xf32> to vector<16xf32>
        %sub3A_778 = arith.subf %get3A_761, %get3A_769 : vector<16xf32>
        %mul3A_779 = arith.mulf %sub3A_778, %sub3A_778 : vector<16xf32>
        %neg3A_780 = arith.constant 0.000000e+00 : f32
        %neg3A_781 = vector.broadcast %neg3A_780 : f32 to vector<16xf32>
        %neg3A_782 = arith.subf %neg3A_781, %get3A_777 : vector<16xf32>
        %exp3A_783 = math.exp %neg3A_782 : vector<16xf32>
        %mul3A_784 = arith.mulf %mul3A_779, %exp3A_783 : vector<16xf32>
        %add3A_785 = arith.addf %mul3A_784, %get3A_777 : vector<16xf32>
        %add3A_786 = arith.addf %add3A_720, %add3A_785 : vector<16xf32>
        %get3A_787 = arith.constant 0 : i32
        %get3A_788 = arith.constant 0 : i32
        %get3A_789 = tpu.memref_slice %arg7[%scan3A_141, %get3A_787, %get3A_788] : memref<2x128x128xf32, #tpu.memory_space<vmem>> -> memref<1x128x128xf32, #tpu.memory_space<vmem>>
        %get3A_790 = tpu.memref_squeeze %get3A_789 : memref<1x128x128xf32, #tpu.memory_space<vmem>> -> memref<128x128xf32, #tpu.memory_space<vmem>>
        %get3A_791 = arith.index_cast %add3A_265 : i32 to index
        %get3A_792 = arith.constant 112 : index
        %get3A_793 = tpu.vector_load %get3A_790[%get3A_791, %get3A_792] {strides = array<i32>} : memref<128x128xf32, #tpu.memory_space<vmem>>, vector<1x16xf32>,
        %get3A_794 = vector.shape_cast %get3A_793 : vector<1x16xf32> to vector<16xf32>
        %get3A_795 = arith.constant 0 : i32
        %get3A_796 = arith.constant 0 : i32
        %get3A_797 = tpu.memref_slice %arg8[%scan3A_142, %get3A_795, %get3A_796] : memref<2x128x256xf32, #tpu.memory_space<vmem>> -> memref<1x128x256xf32, #tpu.memory_space<vmem>>
        %get3A_798 = tpu.memref_squeeze %get3A_797 : memref<1x128x256xf32, #tpu.memory_space<vmem>> -> memref<128x256xf32, #tpu.memory_space<vmem>>
        %get3A_799 = arith.index_cast %add3A_265 : i32 to index
        %get3A_800 = arith.constant 112 : index
        %get3A_801 = tpu.vector_load %get3A_798[%get3A_799, %get3A_800] {strides = array<i32>} : memref<128x256xf32, #tpu.memory_space<vmem>>, vector<1x16xf32>,
        %get3A_802 = vector.shape_cast %get3A_801 : vector<1x16xf32> to vector<16xf32>
        %get3A_803 = arith.constant 0 : i32
        %get3A_804 = arith.constant 0 : i32
        %get3A_805 = tpu.memref_slice %arg8[%scan3A_142, %get3A_803, %get3A_804] : memref<2x128x256xf32, #tpu.memory_space<vmem>> -> memref<1x128x256xf32, #tpu.memory_space<vmem>>
        %get3A_806 = tpu.memref_squeeze %get3A_805 : memref<1x128x256xf32, #tpu.memory_space<vmem>> -> memref<128x256xf32, #tpu.memory_space<vmem>>
        %get3A_807 = arith.index_cast %add3A_265 : i32 to index
        %get3A_808 = arith.constant 240 : index
        %get3A_809 = tpu.vector_load %get3A_806[%get3A_807, %get3A_808] {strides = array<i32>} : memref<128x256xf32, #tpu.memory_space<vmem>>, vector<1x16xf32>,
        %get3A_810 = vector.shape_cast %get3A_809 : vector<1x16xf32> to vector<16xf32>
        %sub3A_811 = arith.subf %get3A_794, %get3A_802 : vector<16xf32>
        %mul3A_812 = arith.mulf %sub3A_811, %sub3A_811 : vector<16xf32>
        %neg3A_813 = arith.constant 0.000000e+00 : f32
        %neg3A_814 = vector.broadcast %neg3A_813 : f32 to vector<16xf32>
        %neg3A_815 = arith.subf %neg3A_814, %get3A_810 : vector<16xf32>
        %exp3A_816 = math.exp %neg3A_815 : vector<16xf32>
        %mul3A_817 = arith.mulf %mul3A_812, %exp3A_816 : vector<16xf32>
        %add3A_818 = arith.addf %mul3A_817, %get3A_810 : vector<16xf32>
        %add3A_819 = arith.addf %add3A_753, %add3A_818 : vector<16xf32>
        %add3A_820 = arith.addf %add3A_786, %add3A_819 : vector<16xf32>
        %broadcast_in_dim3A_821 = vector.shape_cast %xor3A_4 : vector<16xi32> to vector<16x1xi32>
        %gather3A_822 = vector.shape_cast %broadcast_in_dim3A_821 : vector<16x1xi32> to vector<16xi32>
        %gather3A_823 = tpu.dynamic_gather %add3A_820[%gather3A_822] in [0] : vector<16xf32>, vector<16xi32> -> vector<16xf32>
        %add3A_824 = arith.addf %add3A_820, %gather3A_823 : vector<16xf32>
        %broadcast_in_dim3A_825 = vector.shape_cast %xor3A_7 : vector<16xi32> to vector<16x1xi32>
        %gather3A_826 = vector.shape_cast %broadcast_in_dim3A_825 : vector<16x1xi32> to vector<16xi32>
        %gather3A_827 = tpu.dynamic_gather %add3A_824[%gather3A_826] in [0] : vector<16xf32>, vector<16xi32> -> vector<16xf32>
        %add3A_828 = arith.addf %add3A_824, %gather3A_827 : vector<16xf32>
        %broadcast_in_dim3A_829 = vector.shape_cast %xor3A_10 : vector<16xi32> to vector<16x1xi32>
        %gather3A_830 = vector.shape_cast %broadcast_in_dim3A_829 : vector<16x1xi32> to vector<16xi32>
        %gather3A_831 = tpu.dynamic_gather %add3A_828[%gather3A_830] in [0] : vector<16xf32>, vector<16xi32> -> vector<16xf32>
        %add3A_832 = arith.addf %add3A_828, %gather3A_831 : vector<16xf32>
        %broadcast_in_dim3A_833 = vector.shape_cast %xor3A_13 : vector<16xi32> to vector<16x1xi32>
        %gather3A_834 = vector.shape_cast %broadcast_in_dim3A_833 : vector<16x1xi32> to vector<16xi32>
        %gather3A_835 = tpu.dynamic_gather %add3A_832[%gather3A_834] in [0] : vector<16xf32>, vector<16xi32> -> vector<16xf32>
        %add3A_836 = arith.addf %add3A_832, %gather3A_835 : vector<16xf32>
        %add3A_837 = arith.constant 235.24826 : f32
        %add3A_838 = vector.broadcast %add3A_837 : f32 to vector<16xf32>
        %add3A_839 = arith.addf %add3A_836, %add3A_838 : vector<16xf32>
        %mul3A_840 = arith.constant -5.000000e-01 : f32
        %mul3A_841 = vector.broadcast %mul3A_840 : f32 to vector<16xf32>
        %mul3A_842 = arith.mulf %mul3A_841, %add3A_839 : vector<16xf32>
        %eq3A = vector.broadcast %scan3A_256 : i32 to vector<16xi32>
        %eq3A_843 = arith.cmpi eq, %iota3A, %eq3A : vector<16xi32>
        %select_n3A = arith.select %eq3A_843, %mul3A_551, %scan3A_257 : vector<16xi1>, vector<16xf32>
        %add3A_844 = arith.constant 8 : i32
        %add3A_845 = arith.addi %scan3A_256, %add3A_844 : i32
        %eq3A_846 = vector.broadcast %add3A_845 : i32 to vector<16xi32>
        %eq3A_847 = arith.cmpi eq, %iota3A, %eq3A_846 : vector<16xi32>
        %select_n3A_848 = arith.select %eq3A_847, %mul3A_842, %select_n3A : vector<16xi1>, vector<16xf32>
        scf.yield %select_n3A_848 : vector<16xf32>
      }
      %scan3A_247 = arith.constant 8 : i32
      %mul3A_248 = arith.constant 16 : i32
      %mul3A_249 = arith.muli %scan3A_239, %mul3A_248 : i32
      %add3A_250 = arith.constant 128 : i32
      %add3A_251 = arith.addi %add3A_250, %mul3A_249 : i32
      %swap3A = arith.index_cast %add3A_251 : i32 to index
      %swap3A_252 = tpu.vector_load %arg9[%swap3A] {strides = array<i32>} : memref<512xf32, #tpu.memory_space<vmem>>, vector<16xf32>,
      %swap3A_253 = vector.shape_cast %swap3A_252 : vector<16xf32> to vector<16xf32>
      %swap3A_254 = vector.shape_cast %scan3A_246 : vector<16xf32> to vector<16xf32>
      tpu.vector_store %arg9[%swap3A], %swap3A_254 {strides = array<i32>} : memref<512xf32, #tpu.memory_space<vmem>>, vector<16xf32>,
      %scan3A_255 = arith.constant 0 : i32
      scf.yield %scan3A_255 : i32
    }
    %scan3A_149 = arith.constant 8 : i32
    %dma_start3A_150 = arith.constant 1 : i32
    %dma_start3A_151 = arith.constant 0 : i32
    %dma_start3A_152 = arith.constant 0 : i32
    %dma_start3A_153 = tpu.memref_slice %arg8[%dma_start3A_150, %dma_start3A_151, %dma_start3A_152] : memref<2x128x256xf32, #tpu.memory_space<vmem>> -> memref<1x128x256xf32, #tpu.memory_space<vmem>>
    %dma_start3A_154 = tpu.memref_squeeze %dma_start3A_153 : memref<1x128x256xf32, #tpu.memory_space<vmem>> -> memref<128x256xf32, #tpu.memory_space<vmem>>
    %dma_start3A_155 = arith.constant 384 : i32
    %dma_start3A_156 = tpu.memref_slice %arg6[%dma_start3A_155] : memref<512xi32, #tpu.memory_space<vmem>> -> memref<128xi32, #tpu.memory_space<vmem>>
    %dma_start3A_157 = arith.constant 0 : i32
    %dma_start3A_158 = arith.constant 0 : i32
    %dma_start3A_159 = tpu.memref_slice %arg4[%dma_start3A_157, %dma_start3A_158] : memref<1000x256xf32, #tpu.memory_space<hbm>> -> memref<1000x256xf32, #tpu.memory_space<hbm>>
    tpu.enqueue_indirect_dma source(%dma_start3A_159 : memref<1000x256xf32, #tpu.memory_space<hbm>>) target(%dma_start3A_154 : memref<128x256xf32, #tpu.memory_space<vmem>>) offsets(%dma_start3A_156 : memref<128xi32, #tpu.memory_space<vmem>>) semaphore(%arg11 : memref<!tpu.dma_semaphore, #tpu.memory_space<semaphore_mem>>)
    %add3A_160 = arith.constant 384 : i32
    %add3A_161 = arith.addi %mul3A_2, %add3A_160 : i32
    %dma_start3A_162 = arith.constant 1 : i32
    %dma_start3A_163 = arith.constant 0 : i32
    %dma_start3A_164 = arith.constant 0 : i32
    %dma_start3A_165 = tpu.memref_slice %arg7[%dma_start3A_162, %dma_start3A_163, %dma_start3A_164] : memref<2x128x128xf32, #tpu.memory_space<vmem>> -> memref<1x128x128xf32, #tpu.memory_space<vmem>>
    %dma_start3A_166 = tpu.memref_squeeze %dma_start3A_165 : memref<1x128x128xf32, #tpu.memory_space<vmem>> -> memref<128x128xf32, #tpu.memory_space<vmem>>
    %dma_start3A_167 = arith.constant 0 : i32
    %dma_start3A_168 = tpu.memref_slice %arg2[%add3A_161, %dma_start3A_167] : memref<16384x128xf32, #tpu.memory_space<hbm>> -> memref<128x128xf32, #tpu.memory_space<hbm>>
    %dma_start3A_169 = arith.constant 0 : i32
    %dma_start3A_170 = arith.constant 0 : i32
    %dma_start3A_171 = tpu.memref_slice %arg7[%dma_start3A_162, %dma_start3A_169, %dma_start3A_170] : memref<2x128x128xf32, #tpu.memory_space<vmem>> -> memref<1x128x128xf32, #tpu.memory_space<vmem>>
    %dma_start3A_172 = tpu.memref_squeeze %dma_start3A_171 : memref<1x128x128xf32, #tpu.memory_space<vmem>> -> memref<128x128xf32, #tpu.memory_space<vmem>>
    %dma_start3A_173 = arith.constant 0 : i32
    %dma_start3A_174 = tpu.memref_slice %arg2[%add3A_161, %dma_start3A_173] : memref<16384x128xf32, #tpu.memory_space<hbm>> -> memref<128x128xf32, #tpu.memory_space<hbm>>
    tpu.enqueue_dma source(%dma_start3A_174 : memref<128x128xf32, #tpu.memory_space<hbm>>) target(%dma_start3A_172 : memref<128x128xf32, #tpu.memory_space<vmem>>) target_semaphore(%arg11 : memref<!tpu.dma_semaphore, #tpu.memory_space<semaphore_mem>>)
    %dma_wait3A_175 = arith.constant 0 : i32
    %dma_wait3A_176 = arith.constant 0 : i32
    %dma_wait3A_177 = arith.constant 0 : i32
    %dma_wait3A_178 = tpu.memref_slice %arg8[%dma_wait3A_175, %dma_wait3A_176, %dma_wait3A_177] : memref<2x128x256xf32, #tpu.memory_space<vmem>> -> memref<1x128x256xf32, #tpu.memory_space<vmem>>
    %dma_wait3A_179 = tpu.memref_squeeze %dma_wait3A_178 : memref<1x128x256xf32, #tpu.memory_space<vmem>> -> memref<128x256xf32, #tpu.memory_space<vmem>>
    %dma_wait3A_180 = arith.constant 256 : i32
    %dma_wait3A_181 = tpu.memref_slice %arg6[%dma_wait3A_180] : memref<512xi32, #tpu.memory_space<vmem>> -> memref<128xi32, #tpu.memory_space<vmem>>
    %dma_wait3A_182 = arith.constant 0 : i32
    %dma_wait3A_183 = arith.constant 0 : i32
    %dma_wait3A_184 = tpu.memref_slice %arg4[%dma_wait3A_182, %dma_wait3A_183] : memref<1000x256xf32, #tpu.memory_space<hbm>> -> memref<1000x256xf32, #tpu.memory_space<hbm>>
    tpu.wait_indirect_dma semaphore(%arg10 : memref<!tpu.dma_semaphore, #tpu.memory_space<semaphore_mem>>) src(%dma_wait3A_184 : memref<1000x256xf32, #tpu.memory_space<hbm>>) dst(%dma_wait3A_179 : memref<128x256xf32, #tpu.memory_space<vmem>>)
    %dma_wait3A_185 = arith.constant 0 : i32
    %dma_wait3A_186 = arith.constant 0 : i32
    %dma_wait3A_187 = arith.constant 0 : i32
    %dma_wait3A_188 = tpu.memref_slice %arg7[%dma_wait3A_185, %dma_wait3A_186, %dma_wait3A_187] : memref<2x128x128xf32, #tpu.memory_space<vmem>> -> memref<1x128x128xf32, #tpu.memory_space<vmem>>
    %dma_wait3A_189 = tpu.memref_squeeze %dma_wait3A_188 : memref<1x128x128xf32, #tpu.memory_space<vmem>> -> memref<128x128xf32, #tpu.memory_space<vmem>>
    %dma_wait3A_190 = arith.constant 0 : i32
    %dma_wait3A_191 = tpu.memref_slice %arg2[%add3A_104, %dma_wait3A_190] : memref<16384x128xf32, #tpu.memory_space<hbm>> -> memref<128x128xf32, #tpu.memory_space<hbm>>
    %dma_wait3A_192 = arith.constant 0 : i32
    %dma_wait3A_193 = arith.constant 0 : i32
    %dma_wait3A_194 = tpu.memref_slice %arg7[%dma_wait3A_185, %dma_wait3A_192, %dma_wait3A_193] : memref<2x128x128xf32, #tpu.memory_space<vmem>> -> memref<1x128x128xf32, #tpu.memory_space<vmem>>
    %dma_wait3A_195 = tpu.memref_squeeze %dma_wait3A_194 : memref<1x128x128xf32, #tpu.memory_space<vmem>> -> memref<128x128xf32, #tpu.memory_space<vmem>>
    %dma_wait3A_196 = arith.constant 0 : i32
    %dma_wait3A_197 = tpu.memref_slice %arg2[%add3A_104, %dma_wait3A_196] : memref<16384x128xf32, #tpu.memory_space<hbm>> -> memref<128x128xf32, #tpu.memory_space<hbm>>
    tpu.wait_dma2 semaphore(%arg10 : memref<!tpu.dma_semaphore, #tpu.memory_space<semaphore_mem>>) src(%dma_wait3A_197 : memref<128x128xf32, #tpu.memory_space<hbm>>) dst(%dma_wait3A_195 : memref<128x128xf32, #tpu.memory_space<vmem>>)
    %scan3A_198 = arith.constant 0 : i32
    %scan3A_199 = arith.constant 0 : i32
    %scan3A_200 = arith.constant 0 : i32
    %scan3A_201 = arith.constant 0 : i32
    %scan3A_202 = arith.constant 8 : i32
    %scan3A_203 = arith.addi %scan3A_201, %scan3A_202 : i32
    %scan3A_204 = arith.constant 1 : i32
    %scan3A_205 = scf.for %scan3A_239 = %scan3A_201 to %scan3A_203 step %scan3A_204 iter_args(%scan3A_240 = %scan3A_200) -> (i32)  : i32 {
      %broadcast_in_dim3A = arith.constant 0.000000e+00 : f32
      %broadcast_in_dim3A_241 = vector.broadcast %broadcast_in_dim3A : f32 to vector<16xf32>
      %scan3A_242 = arith.constant 0 : i32
      %scan3A_243 = arith.constant 8 : i32
      %scan3A_244 = arith.addi %scan3A_242, %scan3A_243 : i32
      %scan3A_245 = arith.constant 1 : i32
      %scan3A_246 = scf.for %scan3A_256 = %scan3A_242 to %scan3A_244 step %scan3A_245 iter_args(%scan3A_257 = %broadcast_in_dim3A_241) -> (vector<16xf32>)  : i32 {
        %mul3A_258 = arith.constant 16 : i32
        %mul3A_259 = arith.muli %scan3A_239, %mul3A_258 : i32
        %add3A_260 = arith.addi %mul3A_259, %scan3A_256 : i32
        %mul3A_261 = arith.constant 16 : i32
        %mul3A_262 = arith.muli %scan3A_239, %mul3A_261 : i32
        %add3A_263 = arith.addi %mul3A_262, %scan3A_256 : i32
        %add3A_264 = arith.constant 8 : i32
        %add3A_265 = arith.addi %add3A_263, %add3A_264 : i32
        %broadcast_in_dim3A_266 = arith.constant 0.000000e+00 : f32
        %broadcast_in_dim3A_267 = vector.broadcast %broadcast_in_dim3A_266 : f32 to vector<16xf32>
        %broadcast_in_dim3A_268 = arith.constant 0.000000e+00 : f32
        %broadcast_in_dim3A_269 = vector.broadcast %broadcast_in_dim3A_268 : f32 to vector<16xf32>
        %get3A = arith.constant 0 : i32
        %get3A_270 = arith.constant 0 : i32
        %get3A_271 = tpu.memref_slice %arg7[%scan3A_198, %get3A, %get3A_270] : memref<2x128x128xf32, #tpu.memory_space<vmem>> -> memref<1x128x128xf32, #tpu.memory_space<vmem>>
        %get3A_272 = tpu.memref_squeeze %get3A_271 : memref<1x128x128xf32, #tpu.memory_space<vmem>> -> memref<128x128xf32, #tpu.memory_space<vmem>>
        %get3A_273 = arith.index_cast %add3A_260 : i32 to index
        %get3A_274 = arith.constant 0 : index
        %get3A_275 = tpu.vector_load %get3A_272[%get3A_273, %get3A_274] {strides = array<i32>} : memref<128x128xf32, #tpu.memory_space<vmem>>, vector<1x16xf32>,
        %get3A_276 = vector.shape_cast %get3A_275 : vector<1x16xf32> to vector<16xf32>
        %get3A_277 = arith.constant 0 : i32
        %get3A_278 = arith.constant 0 : i32
        %get3A_279 = tpu.memref_slice %arg8[%scan3A_199, %get3A_277, %get3A_278] : memref<2x128x256xf32, #tpu.memory_space<vmem>> -> memref<1x128x256xf32, #tpu.memory_space<vmem>>
        %get3A_280 = tpu.memref_squeeze %get3A_279 : memref<1x128x256xf32, #tpu.memory_space<vmem>> -> memref<128x256xf32, #tpu.memory_space<vmem>>
        %get3A_281 = arith.index_cast %add3A_260 : i32 to index
        %get3A_282 = arith.constant 0 : index
        %get3A_283 = tpu.vector_load %get3A_280[%get3A_281, %get3A_282] {strides = array<i32>} : memref<128x256xf32, #tpu.memory_space<vmem>>, vector<1x16xf32>,
        %get3A_284 = vector.shape_cast %get3A_283 : vector<1x16xf32> to vector<16xf32>
        %get3A_285 = arith.constant 0 : i32
        %get3A_286 = arith.constant 0 : i32
        %get3A_287 = tpu.memref_slice %arg8[%scan3A_199, %get3A_285, %get3A_286] : memref<2x128x256xf32, #tpu.memory_space<vmem>> -> memref<1x128x256xf32, #tpu.memory_space<vmem>>
        %get3A_288 = tpu.memref_squeeze %get3A_287 : memref<1x128x256xf32, #tpu.memory_space<vmem>> -> memref<128x256xf32, #tpu.memory_space<vmem>>
        %get3A_289 = arith.index_cast %add3A_260 : i32 to index
        %get3A_290 = arith.constant 128 : index
        %get3A_291 = tpu.vector_load %get3A_288[%get3A_289, %get3A_290] {strides = array<i32>} : memref<128x256xf32, #tpu.memory_space<vmem>>, vector<1x16xf32>,
        %get3A_292 = vector.shape_cast %get3A_291 : vector<1x16xf32> to vector<16xf32>
        %sub3A = arith.subf %get3A_276, %get3A_284 : vector<16xf32>
        %mul3A_293 = arith.mulf %sub3A, %sub3A : vector<16xf32>
        %neg3A = arith.constant 0.000000e+00 : f32
        %neg3A_294 = vector.broadcast %neg3A : f32 to vector<16xf32>
        %neg3A_295 = arith.subf %neg3A_294, %get3A_292 : vector<16xf32>
        %exp3A = math.exp %neg3A_295 : vector<16xf32>
        %mul3A_296 = arith.mulf %mul3A_293, %exp3A : vector<16xf32>
        %add3A_297 = arith.addf %mul3A_296, %get3A_292 : vector<16xf32>
        %add3A_298 = arith.addf %broadcast_in_dim3A_267, %add3A_297 : vector<16xf32>
        %get3A_299 = arith.constant 0 : i32
        %get3A_300 = arith.constant 0 : i32
        %get3A_301 = tpu.memref_slice %arg7[%scan3A_198, %get3A_299, %get3A_300] : memref<2x128x128xf32, #tpu.memory_space<vmem>> -> memref<1x128x128xf32, #tpu.memory_space<vmem>>
        %get3A_302 = tpu.memref_squeeze %get3A_301 : memref<1x128x128xf32, #tpu.memory_space<vmem>> -> memref<128x128xf32, #tpu.memory_space<vmem>>
        %get3A_303 = arith.index_cast %add3A_260 : i32 to index
        %get3A_304 = arith.constant 16 : index
        %get3A_305 = tpu.vector_load %get3A_302[%get3A_303, %get3A_304] {strides = array<i32>} : memref<128x128xf32, #tpu.memory_space<vmem>>, vector<1x16xf32>,
        %get3A_306 = vector.shape_cast %get3A_305 : vector<1x16xf32> to vector<16xf32>
        %get3A_307 = arith.constant 0 : i32
        %get3A_308 = arith.constant 0 : i32
        %get3A_309 = tpu.memref_slice %arg8[%scan3A_199, %get3A_307, %get3A_308] : memref<2x128x256xf32, #tpu.memory_space<vmem>> -> memref<1x128x256xf32, #tpu.memory_space<vmem>>
        %get3A_310 = tpu.memref_squeeze %get3A_309 : memref<1x128x256xf32, #tpu.memory_space<vmem>> -> memref<128x256xf32, #tpu.memory_space<vmem>>
        %get3A_311 = arith.index_cast %add3A_260 : i32 to index
        %get3A_312 = arith.constant 16 : index
        %get3A_313 = tpu.vector_load %get3A_310[%get3A_311, %get3A_312] {strides = array<i32>} : memref<128x256xf32, #tpu.memory_space<vmem>>, vector<1x16xf32>,
        %get3A_314 = vector.shape_cast %get3A_313 : vector<1x16xf32> to vector<16xf32>
        %get3A_315 = arith.constant 0 : i32
        %get3A_316 = arith.constant 0 : i32
        %get3A_317 = tpu.memref_slice %arg8[%scan3A_199, %get3A_315, %get3A_316] : memref<2x128x256xf32, #tpu.memory_space<vmem>> -> memref<1x128x256xf32, #tpu.memory_space<vmem>>
        %get3A_318 = tpu.memref_squeeze %get3A_317 : memref<1x128x256xf32, #tpu.memory_space<vmem>> -> memref<128x256xf32, #tpu.memory_space<vmem>>
        %get3A_319 = arith.index_cast %add3A_260 : i32 to index
        %get3A_320 = arith.constant 144 : index
        %get3A_321 = tpu.vector_load %get3A_318[%get3A_319, %get3A_320] {strides = array<i32>} : memref<128x256xf32, #tpu.memory_space<vmem>>, vector<1x16xf32>,
        %get3A_322 = vector.shape_cast %get3A_321 : vector<1x16xf32> to vector<16xf32>
        %sub3A_323 = arith.subf %get3A_306, %get3A_314 : vector<16xf32>
        %mul3A_324 = arith.mulf %sub3A_323, %sub3A_323 : vector<16xf32>
        %neg3A_325 = arith.constant 0.000000e+00 : f32
        %neg3A_326 = vector.broadcast %neg3A_325 : f32 to vector<16xf32>
        %neg3A_327 = arith.subf %neg3A_326, %get3A_322 : vector<16xf32>
        %exp3A_328 = math.exp %neg3A_327 : vector<16xf32>
        %mul3A_329 = arith.mulf %mul3A_324, %exp3A_328 : vector<16xf32>
        %add3A_330 = arith.addf %mul3A_329, %get3A_322 : vector<16xf32>
        %add3A_331 = arith.addf %broadcast_in_dim3A_269, %add3A_330 : vector<16xf32>
        %get3A_332 = arith.constant 0 : i32
        %get3A_333 = arith.constant 0 : i32
        %get3A_334 = tpu.memref_slice %arg7[%scan3A_198, %get3A_332, %get3A_333] : memref<2x128x128xf32, #tpu.memory_space<vmem>> -> memref<1x128x128xf32, #tpu.memory_space<vmem>>
        %get3A_335 = tpu.memref_squeeze %get3A_334 : memref<1x128x128xf32, #tpu.memory_space<vmem>> -> memref<128x128xf32, #tpu.memory_space<vmem>>
        %get3A_336 = arith.index_cast %add3A_260 : i32 to index
        %get3A_337 = arith.constant 32 : index
        %get3A_338 = tpu.vector_load %get3A_335[%get3A_336, %get3A_337] {strides = array<i32>} : memref<128x128xf32, #tpu.memory_space<vmem>>, vector<1x16xf32>,
        %get3A_339 = vector.shape_cast %get3A_338 : vector<1x16xf32> to vector<16xf32>
        %get3A_340 = arith.constant 0 : i32
        %get3A_341 = arith.constant 0 : i32
        %get3A_342 = tpu.memref_slice %arg8[%scan3A_199, %get3A_340, %get3A_341] : memref<2x128x256xf32, #tpu.memory_space<vmem>> -> memref<1x128x256xf32, #tpu.memory_space<vmem>>
        %get3A_343 = tpu.memref_squeeze %get3A_342 : memref<1x128x256xf32, #tpu.memory_space<vmem>> -> memref<128x256xf32, #tpu.memory_space<vmem>>
        %get3A_344 = arith.index_cast %add3A_260 : i32 to index
        %get3A_345 = arith.constant 32 : index
        %get3A_346 = tpu.vector_load %get3A_343[%get3A_344, %get3A_345] {strides = array<i32>} : memref<128x256xf32, #tpu.memory_space<vmem>>, vector<1x16xf32>,
        %get3A_347 = vector.shape_cast %get3A_346 : vector<1x16xf32> to vector<16xf32>
        %get3A_348 = arith.constant 0 : i32
        %get3A_349 = arith.constant 0 : i32
        %get3A_350 = tpu.memref_slice %arg8[%scan3A_199, %get3A_348, %get3A_349] : memref<2x128x256xf32, #tpu.memory_space<vmem>> -> memref<1x128x256xf32, #tpu.memory_space<vmem>>
        %get3A_351 = tpu.memref_squeeze %get3A_350 : memref<1x128x256xf32, #tpu.memory_space<vmem>> -> memref<128x256xf32, #tpu.memory_space<vmem>>
        %get3A_352 = arith.index_cast %add3A_260 : i32 to index
        %get3A_353 = arith.constant 160 : index
        %get3A_354 = tpu.vector_load %get3A_351[%get3A_352, %get3A_353] {strides = array<i32>} : memref<128x256xf32, #tpu.memory_space<vmem>>, vector<1x16xf32>,
        %get3A_355 = vector.shape_cast %get3A_354 : vector<1x16xf32> to vector<16xf32>
        %sub3A_356 = arith.subf %get3A_339, %get3A_347 : vector<16xf32>
        %mul3A_357 = arith.mulf %sub3A_356, %sub3A_356 : vector<16xf32>
        %neg3A_358 = arith.constant 0.000000e+00 : f32
        %neg3A_359 = vector.broadcast %neg3A_358 : f32 to vector<16xf32>
        %neg3A_360 = arith.subf %neg3A_359, %get3A_355 : vector<16xf32>
        %exp3A_361 = math.exp %neg3A_360 : vector<16xf32>
        %mul3A_362 = arith.mulf %mul3A_357, %exp3A_361 : vector<16xf32>
        %add3A_363 = arith.addf %mul3A_362, %get3A_355 : vector<16xf32>
        %add3A_364 = arith.addf %add3A_298, %add3A_363 : vector<16xf32>
        %get3A_365 = arith.constant 0 : i32
        %get3A_366 = arith.constant 0 : i32
        %get3A_367 = tpu.memref_slice %arg7[%scan3A_198, %get3A_365, %get3A_366] : memref<2x128x128xf32, #tpu.memory_space<vmem>> -> memref<1x128x128xf32, #tpu.memory_space<vmem>>
        %get3A_368 = tpu.memref_squeeze %get3A_367 : memref<1x128x128xf32, #tpu.memory_space<vmem>> -> memref<128x128xf32, #tpu.memory_space<vmem>>
        %get3A_369 = arith.index_cast %add3A_260 : i32 to index
        %get3A_370 = arith.constant 48 : index
        %get3A_371 = tpu.vector_load %get3A_368[%get3A_369, %get3A_370] {strides = array<i32>} : memref<128x128xf32, #tpu.memory_space<vmem>>, vector<1x16xf32>,
        %get3A_372 = vector.shape_cast %get3A_371 : vector<1x16xf32> to vector<16xf32>
        %get3A_373 = arith.constant 0 : i32
        %get3A_374 = arith.constant 0 : i32
        %get3A_375 = tpu.memref_slice %arg8[%scan3A_199, %get3A_373, %get3A_374] : memref<2x128x256xf32, #tpu.memory_space<vmem>> -> memref<1x128x256xf32, #tpu.memory_space<vmem>>
        %get3A_376 = tpu.memref_squeeze %get3A_375 : memref<1x128x256xf32, #tpu.memory_space<vmem>> -> memref<128x256xf32, #tpu.memory_space<vmem>>
        %get3A_377 = arith.index_cast %add3A_260 : i32 to index
        %get3A_378 = arith.constant 48 : index
        %get3A_379 = tpu.vector_load %get3A_376[%get3A_377, %get3A_378] {strides = array<i32>} : memref<128x256xf32, #tpu.memory_space<vmem>>, vector<1x16xf32>,
        %get3A_380 = vector.shape_cast %get3A_379 : vector<1x16xf32> to vector<16xf32>
        %get3A_381 = arith.constant 0 : i32
        %get3A_382 = arith.constant 0 : i32
        %get3A_383 = tpu.memref_slice %arg8[%scan3A_199, %get3A_381, %get3A_382] : memref<2x128x256xf32, #tpu.memory_space<vmem>> -> memref<1x128x256xf32, #tpu.memory_space<vmem>>
        %get3A_384 = tpu.memref_squeeze %get3A_383 : memref<1x128x256xf32, #tpu.memory_space<vmem>> -> memref<128x256xf32, #tpu.memory_space<vmem>>
        %get3A_385 = arith.index_cast %add3A_260 : i32 to index
        %get3A_386 = arith.constant 176 : index
        %get3A_387 = tpu.vector_load %get3A_384[%get3A_385, %get3A_386] {strides = array<i32>} : memref<128x256xf32, #tpu.memory_space<vmem>>, vector<1x16xf32>,
        %get3A_388 = vector.shape_cast %get3A_387 : vector<1x16xf32> to vector<16xf32>
        %sub3A_389 = arith.subf %get3A_372, %get3A_380 : vector<16xf32>
        %mul3A_390 = arith.mulf %sub3A_389, %sub3A_389 : vector<16xf32>
        %neg3A_391 = arith.constant 0.000000e+00 : f32
        %neg3A_392 = vector.broadcast %neg3A_391 : f32 to vector<16xf32>
        %neg3A_393 = arith.subf %neg3A_392, %get3A_388 : vector<16xf32>
        %exp3A_394 = math.exp %neg3A_393 : vector<16xf32>
        %mul3A_395 = arith.mulf %mul3A_390, %exp3A_394 : vector<16xf32>
        %add3A_396 = arith.addf %mul3A_395, %get3A_388 : vector<16xf32>
        %add3A_397 = arith.addf %add3A_331, %add3A_396 : vector<16xf32>
        %get3A_398 = arith.constant 0 : i32
        %get3A_399 = arith.constant 0 : i32
        %get3A_400 = tpu.memref_slice %arg7[%scan3A_198, %get3A_398, %get3A_399] : memref<2x128x128xf32, #tpu.memory_space<vmem>> -> memref<1x128x128xf32, #tpu.memory_space<vmem>>
        %get3A_401 = tpu.memref_squeeze %get3A_400 : memref<1x128x128xf32, #tpu.memory_space<vmem>> -> memref<128x128xf32, #tpu.memory_space<vmem>>
        %get3A_402 = arith.index_cast %add3A_260 : i32 to index
        %get3A_403 = arith.constant 64 : index
        %get3A_404 = tpu.vector_load %get3A_401[%get3A_402, %get3A_403] {strides = array<i32>} : memref<128x128xf32, #tpu.memory_space<vmem>>, vector<1x16xf32>,
        %get3A_405 = vector.shape_cast %get3A_404 : vector<1x16xf32> to vector<16xf32>
        %get3A_406 = arith.constant 0 : i32
        %get3A_407 = arith.constant 0 : i32
        %get3A_408 = tpu.memref_slice %arg8[%scan3A_199, %get3A_406, %get3A_407] : memref<2x128x256xf32, #tpu.memory_space<vmem>> -> memref<1x128x256xf32, #tpu.memory_space<vmem>>
        %get3A_409 = tpu.memref_squeeze %get3A_408 : memref<1x128x256xf32, #tpu.memory_space<vmem>> -> memref<128x256xf32, #tpu.memory_space<vmem>>
        %get3A_410 = arith.index_cast %add3A_260 : i32 to index
        %get3A_411 = arith.constant 64 : index
        %get3A_412 = tpu.vector_load %get3A_409[%get3A_410, %get3A_411] {strides = array<i32>} : memref<128x256xf32, #tpu.memory_space<vmem>>, vector<1x16xf32>,
        %get3A_413 = vector.shape_cast %get3A_412 : vector<1x16xf32> to vector<16xf32>
        %get3A_414 = arith.constant 0 : i32
        %get3A_415 = arith.constant 0 : i32
        %get3A_416 = tpu.memref_slice %arg8[%scan3A_199, %get3A_414, %get3A_415] : memref<2x128x256xf32, #tpu.memory_space<vmem>> -> memref<1x128x256xf32, #tpu.memory_space<vmem>>
        %get3A_417 = tpu.memref_squeeze %get3A_416 : memref<1x128x256xf32, #tpu.memory_space<vmem>> -> memref<128x256xf32, #tpu.memory_space<vmem>>
        %get3A_418 = arith.index_cast %add3A_260 : i32 to index
        %get3A_419 = arith.constant 192 : index
        %get3A_420 = tpu.vector_load %get3A_417[%get3A_418, %get3A_419] {strides = array<i32>} : memref<128x256xf32, #tpu.memory_space<vmem>>, vector<1x16xf32>,
        %get3A_421 = vector.shape_cast %get3A_420 : vector<1x16xf32> to vector<16xf32>
        %sub3A_422 = arith.subf %get3A_405, %get3A_413 : vector<16xf32>
        %mul3A_423 = arith.mulf %sub3A_422, %sub3A_422 : vector<16xf32>
        %neg3A_424 = arith.constant 0.000000e+00 : f32
        %neg3A_425 = vector.broadcast %neg3A_424 : f32 to vector<16xf32>
        %neg3A_426 = arith.subf %neg3A_425, %get3A_421 : vector<16xf32>
        %exp3A_427 = math.exp %neg3A_426 : vector<16xf32>
        %mul3A_428 = arith.mulf %mul3A_423, %exp3A_427 : vector<16xf32>
        %add3A_429 = arith.addf %mul3A_428, %get3A_421 : vector<16xf32>
        %add3A_430 = arith.addf %add3A_364, %add3A_429 : vector<16xf32>
        %get3A_431 = arith.constant 0 : i32
        %get3A_432 = arith.constant 0 : i32
        %get3A_433 = tpu.memref_slice %arg7[%scan3A_198, %get3A_431, %get3A_432] : memref<2x128x128xf32, #tpu.memory_space<vmem>> -> memref<1x128x128xf32, #tpu.memory_space<vmem>>
        %get3A_434 = tpu.memref_squeeze %get3A_433 : memref<1x128x128xf32, #tpu.memory_space<vmem>> -> memref<128x128xf32, #tpu.memory_space<vmem>>
        %get3A_435 = arith.index_cast %add3A_260 : i32 to index
        %get3A_436 = arith.constant 80 : index
        %get3A_437 = tpu.vector_load %get3A_434[%get3A_435, %get3A_436] {strides = array<i32>} : memref<128x128xf32, #tpu.memory_space<vmem>>, vector<1x16xf32>,
        %get3A_438 = vector.shape_cast %get3A_437 : vector<1x16xf32> to vector<16xf32>
        %get3A_439 = arith.constant 0 : i32
        %get3A_440 = arith.constant 0 : i32
        %get3A_441 = tpu.memref_slice %arg8[%scan3A_199, %get3A_439, %get3A_440] : memref<2x128x256xf32, #tpu.memory_space<vmem>> -> memref<1x128x256xf32, #tpu.memory_space<vmem>>
        %get3A_442 = tpu.memref_squeeze %get3A_441 : memref<1x128x256xf32, #tpu.memory_space<vmem>> -> memref<128x256xf32, #tpu.memory_space<vmem>>
        %get3A_443 = arith.index_cast %add3A_260 : i32 to index
        %get3A_444 = arith.constant 80 : index
        %get3A_445 = tpu.vector_load %get3A_442[%get3A_443, %get3A_444] {strides = array<i32>} : memref<128x256xf32, #tpu.memory_space<vmem>>, vector<1x16xf32>,
        %get3A_446 = vector.shape_cast %get3A_445 : vector<1x16xf32> to vector<16xf32>
        %get3A_447 = arith.constant 0 : i32
        %get3A_448 = arith.constant 0 : i32
        %get3A_449 = tpu.memref_slice %arg8[%scan3A_199, %get3A_447, %get3A_448] : memref<2x128x256xf32, #tpu.memory_space<vmem>> -> memref<1x128x256xf32, #tpu.memory_space<vmem>>
        %get3A_450 = tpu.memref_squeeze %get3A_449 : memref<1x128x256xf32, #tpu.memory_space<vmem>> -> memref<128x256xf32, #tpu.memory_space<vmem>>
        %get3A_451 = arith.index_cast %add3A_260 : i32 to index
        %get3A_452 = arith.constant 208 : index
        %get3A_453 = tpu.vector_load %get3A_450[%get3A_451, %get3A_452] {strides = array<i32>} : memref<128x256xf32, #tpu.memory_space<vmem>>, vector<1x16xf32>,
        %get3A_454 = vector.shape_cast %get3A_453 : vector<1x16xf32> to vector<16xf32>
        %sub3A_455 = arith.subf %get3A_438, %get3A_446 : vector<16xf32>
        %mul3A_456 = arith.mulf %sub3A_455, %sub3A_455 : vector<16xf32>
        %neg3A_457 = arith.constant 0.000000e+00 : f32
        %neg3A_458 = vector.broadcast %neg3A_457 : f32 to vector<16xf32>
        %neg3A_459 = arith.subf %neg3A_458, %get3A_454 : vector<16xf32>
        %exp3A_460 = math.exp %neg3A_459 : vector<16xf32>
        %mul3A_461 = arith.mulf %mul3A_456, %exp3A_460 : vector<16xf32>
        %add3A_462 = arith.addf %mul3A_461, %get3A_454 : vector<16xf32>
        %add3A_463 = arith.addf %add3A_397, %add3A_462 : vector<16xf32>
        %get3A_464 = arith.constant 0 : i32
        %get3A_465 = arith.constant 0 : i32
        %get3A_466 = tpu.memref_slice %arg7[%scan3A_198, %get3A_464, %get3A_465] : memref<2x128x128xf32, #tpu.memory_space<vmem>> -> memref<1x128x128xf32, #tpu.memory_space<vmem>>
        %get3A_467 = tpu.memref_squeeze %get3A_466 : memref<1x128x128xf32, #tpu.memory_space<vmem>> -> memref<128x128xf32, #tpu.memory_space<vmem>>
        %get3A_468 = arith.index_cast %add3A_260 : i32 to index
        %get3A_469 = arith.constant 96 : index
        %get3A_470 = tpu.vector_load %get3A_467[%get3A_468, %get3A_469] {strides = array<i32>} : memref<128x128xf32, #tpu.memory_space<vmem>>, vector<1x16xf32>,
        %get3A_471 = vector.shape_cast %get3A_470 : vector<1x16xf32> to vector<16xf32>
        %get3A_472 = arith.constant 0 : i32
        %get3A_473 = arith.constant 0 : i32
        %get3A_474 = tpu.memref_slice %arg8[%scan3A_199, %get3A_472, %get3A_473] : memref<2x128x256xf32, #tpu.memory_space<vmem>> -> memref<1x128x256xf32, #tpu.memory_space<vmem>>
        %get3A_475 = tpu.memref_squeeze %get3A_474 : memref<1x128x256xf32, #tpu.memory_space<vmem>> -> memref<128x256xf32, #tpu.memory_space<vmem>>
        %get3A_476 = arith.index_cast %add3A_260 : i32 to index
        %get3A_477 = arith.constant 96 : index
        %get3A_478 = tpu.vector_load %get3A_475[%get3A_476, %get3A_477] {strides = array<i32>} : memref<128x256xf32, #tpu.memory_space<vmem>>, vector<1x16xf32>,
        %get3A_479 = vector.shape_cast %get3A_478 : vector<1x16xf32> to vector<16xf32>
        %get3A_480 = arith.constant 0 : i32
        %get3A_481 = arith.constant 0 : i32
        %get3A_482 = tpu.memref_slice %arg8[%scan3A_199, %get3A_480, %get3A_481] : memref<2x128x256xf32, #tpu.memory_space<vmem>> -> memref<1x128x256xf32, #tpu.memory_space<vmem>>
        %get3A_483 = tpu.memref_squeeze %get3A_482 : memref<1x128x256xf32, #tpu.memory_space<vmem>> -> memref<128x256xf32, #tpu.memory_space<vmem>>
        %get3A_484 = arith.index_cast %add3A_260 : i32 to index
        %get3A_485 = arith.constant 224 : index
        %get3A_486 = tpu.vector_load %get3A_483[%get3A_484, %get3A_485] {strides = array<i32>} : memref<128x256xf32, #tpu.memory_space<vmem>>, vector<1x16xf32>,
        %get3A_487 = vector.shape_cast %get3A_486 : vector<1x16xf32> to vector<16xf32>
        %sub3A_488 = arith.subf %get3A_471, %get3A_479 : vector<16xf32>
        %mul3A_489 = arith.mulf %sub3A_488, %sub3A_488 : vector<16xf32>
        %neg3A_490 = arith.constant 0.000000e+00 : f32
        %neg3A_491 = vector.broadcast %neg3A_490 : f32 to vector<16xf32>
        %neg3A_492 = arith.subf %neg3A_491, %get3A_487 : vector<16xf32>
        %exp3A_493 = math.exp %neg3A_492 : vector<16xf32>
        %mul3A_494 = arith.mulf %mul3A_489, %exp3A_493 : vector<16xf32>
        %add3A_495 = arith.addf %mul3A_494, %get3A_487 : vector<16xf32>
        %add3A_496 = arith.addf %add3A_430, %add3A_495 : vector<16xf32>
        %get3A_497 = arith.constant 0 : i32
        %get3A_498 = arith.constant 0 : i32
        %get3A_499 = tpu.memref_slice %arg7[%scan3A_198, %get3A_497, %get3A_498] : memref<2x128x128xf32, #tpu.memory_space<vmem>> -> memref<1x128x128xf32, #tpu.memory_space<vmem>>
        %get3A_500 = tpu.memref_squeeze %get3A_499 : memref<1x128x128xf32, #tpu.memory_space<vmem>> -> memref<128x128xf32, #tpu.memory_space<vmem>>
        %get3A_501 = arith.index_cast %add3A_260 : i32 to index
        %get3A_502 = arith.constant 112 : index
        %get3A_503 = tpu.vector_load %get3A_500[%get3A_501, %get3A_502] {strides = array<i32>} : memref<128x128xf32, #tpu.memory_space<vmem>>, vector<1x16xf32>,
        %get3A_504 = vector.shape_cast %get3A_503 : vector<1x16xf32> to vector<16xf32>
        %get3A_505 = arith.constant 0 : i32
        %get3A_506 = arith.constant 0 : i32
        %get3A_507 = tpu.memref_slice %arg8[%scan3A_199, %get3A_505, %get3A_506] : memref<2x128x256xf32, #tpu.memory_space<vmem>> -> memref<1x128x256xf32, #tpu.memory_space<vmem>>
        %get3A_508 = tpu.memref_squeeze %get3A_507 : memref<1x128x256xf32, #tpu.memory_space<vmem>> -> memref<128x256xf32, #tpu.memory_space<vmem>>
        %get3A_509 = arith.index_cast %add3A_260 : i32 to index
        %get3A_510 = arith.constant 112 : index
        %get3A_511 = tpu.vector_load %get3A_508[%get3A_509, %get3A_510] {strides = array<i32>} : memref<128x256xf32, #tpu.memory_space<vmem>>, vector<1x16xf32>,
        %get3A_512 = vector.shape_cast %get3A_511 : vector<1x16xf32> to vector<16xf32>
        %get3A_513 = arith.constant 0 : i32
        %get3A_514 = arith.constant 0 : i32
        %get3A_515 = tpu.memref_slice %arg8[%scan3A_199, %get3A_513, %get3A_514] : memref<2x128x256xf32, #tpu.memory_space<vmem>> -> memref<1x128x256xf32, #tpu.memory_space<vmem>>
        %get3A_516 = tpu.memref_squeeze %get3A_515 : memref<1x128x256xf32, #tpu.memory_space<vmem>> -> memref<128x256xf32, #tpu.memory_space<vmem>>
        %get3A_517 = arith.index_cast %add3A_260 : i32 to index
        %get3A_518 = arith.constant 240 : index
        %get3A_519 = tpu.vector_load %get3A_516[%get3A_517, %get3A_518] {strides = array<i32>} : memref<128x256xf32, #tpu.memory_space<vmem>>, vector<1x16xf32>,
        %get3A_520 = vector.shape_cast %get3A_519 : vector<1x16xf32> to vector<16xf32>
        %sub3A_521 = arith.subf %get3A_504, %get3A_512 : vector<16xf32>
        %mul3A_522 = arith.mulf %sub3A_521, %sub3A_521 : vector<16xf32>
        %neg3A_523 = arith.constant 0.000000e+00 : f32
        %neg3A_524 = vector.broadcast %neg3A_523 : f32 to vector<16xf32>
        %neg3A_525 = arith.subf %neg3A_524, %get3A_520 : vector<16xf32>
        %exp3A_526 = math.exp %neg3A_525 : vector<16xf32>
        %mul3A_527 = arith.mulf %mul3A_522, %exp3A_526 : vector<16xf32>
        %add3A_528 = arith.addf %mul3A_527, %get3A_520 : vector<16xf32>
        %add3A_529 = arith.addf %add3A_463, %add3A_528 : vector<16xf32>
        %add3A_530 = arith.addf %add3A_496, %add3A_529 : vector<16xf32>
        %broadcast_in_dim3A_531 = vector.shape_cast %xor3A_4 : vector<16xi32> to vector<16x1xi32>
        %gather3A = vector.shape_cast %broadcast_in_dim3A_531 : vector<16x1xi32> to vector<16xi32>
        %gather3A_532 = tpu.dynamic_gather %add3A_530[%gather3A] in [0] : vector<16xf32>, vector<16xi32> -> vector<16xf32>
        %add3A_533 = arith.addf %add3A_530, %gather3A_532 : vector<16xf32>
        %broadcast_in_dim3A_534 = vector.shape_cast %xor3A_7 : vector<16xi32> to vector<16x1xi32>
        %gather3A_535 = vector.shape_cast %broadcast_in_dim3A_534 : vector<16x1xi32> to vector<16xi32>
        %gather3A_536 = tpu.dynamic_gather %add3A_533[%gather3A_535] in [0] : vector<16xf32>, vector<16xi32> -> vector<16xf32>
        %add3A_537 = arith.addf %add3A_533, %gather3A_536 : vector<16xf32>
        %broadcast_in_dim3A_538 = vector.shape_cast %xor3A_10 : vector<16xi32> to vector<16x1xi32>
        %gather3A_539 = vector.shape_cast %broadcast_in_dim3A_538 : vector<16x1xi32> to vector<16xi32>
        %gather3A_540 = tpu.dynamic_gather %add3A_537[%gather3A_539] in [0] : vector<16xf32>, vector<16xi32> -> vector<16xf32>
        %add3A_541 = arith.addf %add3A_537, %gather3A_540 : vector<16xf32>
        %broadcast_in_dim3A_542 = vector.shape_cast %xor3A_13 : vector<16xi32> to vector<16x1xi32>
        %gather3A_543 = vector.shape_cast %broadcast_in_dim3A_542 : vector<16x1xi32> to vector<16xi32>
        %gather3A_544 = tpu.dynamic_gather %add3A_541[%gather3A_543] in [0] : vector<16xf32>, vector<16xi32> -> vector<16xf32>
        %add3A_545 = arith.addf %add3A_541, %gather3A_544 : vector<16xf32>
        %add3A_546 = arith.constant 235.24826 : f32
        %add3A_547 = vector.broadcast %add3A_546 : f32 to vector<16xf32>
        %add3A_548 = arith.addf %add3A_545, %add3A_547 : vector<16xf32>
        %mul3A_549 = arith.constant -5.000000e-01 : f32
        %mul3A_550 = vector.broadcast %mul3A_549 : f32 to vector<16xf32>
        %mul3A_551 = arith.mulf %mul3A_550, %add3A_548 : vector<16xf32>
        %broadcast_in_dim3A_552 = arith.constant 0.000000e+00 : f32
        %broadcast_in_dim3A_553 = vector.broadcast %broadcast_in_dim3A_552 : f32 to vector<16xf32>
        %broadcast_in_dim3A_554 = arith.constant 0.000000e+00 : f32
        %broadcast_in_dim3A_555 = vector.broadcast %broadcast_in_dim3A_554 : f32 to vector<16xf32>
        %get3A_556 = arith.constant 0 : i32
        %get3A_557 = arith.constant 0 : i32
        %get3A_558 = tpu.memref_slice %arg7[%scan3A_198, %get3A_556, %get3A_557] : memref<2x128x128xf32, #tpu.memory_space<vmem>> -> memref<1x128x128xf32, #tpu.memory_space<vmem>>
        %get3A_559 = tpu.memref_squeeze %get3A_558 : memref<1x128x128xf32, #tpu.memory_space<vmem>> -> memref<128x128xf32, #tpu.memory_space<vmem>>
        %get3A_560 = arith.index_cast %add3A_265 : i32 to index
        %get3A_561 = arith.constant 0 : index
        %get3A_562 = tpu.vector_load %get3A_559[%get3A_560, %get3A_561] {strides = array<i32>} : memref<128x128xf32, #tpu.memory_space<vmem>>, vector<1x16xf32>,
        %get3A_563 = vector.shape_cast %get3A_562 : vector<1x16xf32> to vector<16xf32>
        %get3A_564 = arith.constant 0 : i32
        %get3A_565 = arith.constant 0 : i32
        %get3A_566 = tpu.memref_slice %arg8[%scan3A_199, %get3A_564, %get3A_565] : memref<2x128x256xf32, #tpu.memory_space<vmem>> -> memref<1x128x256xf32, #tpu.memory_space<vmem>>
        %get3A_567 = tpu.memref_squeeze %get3A_566 : memref<1x128x256xf32, #tpu.memory_space<vmem>> -> memref<128x256xf32, #tpu.memory_space<vmem>>
        %get3A_568 = arith.index_cast %add3A_265 : i32 to index
        %get3A_569 = arith.constant 0 : index
        %get3A_570 = tpu.vector_load %get3A_567[%get3A_568, %get3A_569] {strides = array<i32>} : memref<128x256xf32, #tpu.memory_space<vmem>>, vector<1x16xf32>,
        %get3A_571 = vector.shape_cast %get3A_570 : vector<1x16xf32> to vector<16xf32>
        %get3A_572 = arith.constant 0 : i32
        %get3A_573 = arith.constant 0 : i32
        %get3A_574 = tpu.memref_slice %arg8[%scan3A_199, %get3A_572, %get3A_573] : memref<2x128x256xf32, #tpu.memory_space<vmem>> -> memref<1x128x256xf32, #tpu.memory_space<vmem>>
        %get3A_575 = tpu.memref_squeeze %get3A_574 : memref<1x128x256xf32, #tpu.memory_space<vmem>> -> memref<128x256xf32, #tpu.memory_space<vmem>>
        %get3A_576 = arith.index_cast %add3A_265 : i32 to index
        %get3A_577 = arith.constant 128 : index
        %get3A_578 = tpu.vector_load %get3A_575[%get3A_576, %get3A_577] {strides = array<i32>} : memref<128x256xf32, #tpu.memory_space<vmem>>, vector<1x16xf32>,
        %get3A_579 = vector.shape_cast %get3A_578 : vector<1x16xf32> to vector<16xf32>
        %sub3A_580 = arith.subf %get3A_563, %get3A_571 : vector<16xf32>
        %mul3A_581 = arith.mulf %sub3A_580, %sub3A_580 : vector<16xf32>
        %neg3A_582 = arith.constant 0.000000e+00 : f32
        %neg3A_583 = vector.broadcast %neg3A_582 : f32 to vector<16xf32>
        %neg3A_584 = arith.subf %neg3A_583, %get3A_579 : vector<16xf32>
        %exp3A_585 = math.exp %neg3A_584 : vector<16xf32>
        %mul3A_586 = arith.mulf %mul3A_581, %exp3A_585 : vector<16xf32>
        %add3A_587 = arith.addf %mul3A_586, %get3A_579 : vector<16xf32>
        %add3A_588 = arith.addf %broadcast_in_dim3A_553, %add3A_587 : vector<16xf32>
        %get3A_589 = arith.constant 0 : i32
        %get3A_590 = arith.constant 0 : i32
        %get3A_591 = tpu.memref_slice %arg7[%scan3A_198, %get3A_589, %get3A_590] : memref<2x128x128xf32, #tpu.memory_space<vmem>> -> memref<1x128x128xf32, #tpu.memory_space<vmem>>
        %get3A_592 = tpu.memref_squeeze %get3A_591 : memref<1x128x128xf32, #tpu.memory_space<vmem>> -> memref<128x128xf32, #tpu.memory_space<vmem>>
        %get3A_593 = arith.index_cast %add3A_265 : i32 to index
        %get3A_594 = arith.constant 16 : index
        %get3A_595 = tpu.vector_load %get3A_592[%get3A_593, %get3A_594] {strides = array<i32>} : memref<128x128xf32, #tpu.memory_space<vmem>>, vector<1x16xf32>,
        %get3A_596 = vector.shape_cast %get3A_595 : vector<1x16xf32> to vector<16xf32>
        %get3A_597 = arith.constant 0 : i32
        %get3A_598 = arith.constant 0 : i32
        %get3A_599 = tpu.memref_slice %arg8[%scan3A_199, %get3A_597, %get3A_598] : memref<2x128x256xf32, #tpu.memory_space<vmem>> -> memref<1x128x256xf32, #tpu.memory_space<vmem>>
        %get3A_600 = tpu.memref_squeeze %get3A_599 : memref<1x128x256xf32, #tpu.memory_space<vmem>> -> memref<128x256xf32, #tpu.memory_space<vmem>>
        %get3A_601 = arith.index_cast %add3A_265 : i32 to index
        %get3A_602 = arith.constant 16 : index
        %get3A_603 = tpu.vector_load %get3A_600[%get3A_601, %get3A_602] {strides = array<i32>} : memref<128x256xf32, #tpu.memory_space<vmem>>, vector<1x16xf32>,
        %get3A_604 = vector.shape_cast %get3A_603 : vector<1x16xf32> to vector<16xf32>
        %get3A_605 = arith.constant 0 : i32
        %get3A_606 = arith.constant 0 : i32
        %get3A_607 = tpu.memref_slice %arg8[%scan3A_199, %get3A_605, %get3A_606] : memref<2x128x256xf32, #tpu.memory_space<vmem>> -> memref<1x128x256xf32, #tpu.memory_space<vmem>>
        %get3A_608 = tpu.memref_squeeze %get3A_607 : memref<1x128x256xf32, #tpu.memory_space<vmem>> -> memref<128x256xf32, #tpu.memory_space<vmem>>
        %get3A_609 = arith.index_cast %add3A_265 : i32 to index
        %get3A_610 = arith.constant 144 : index
        %get3A_611 = tpu.vector_load %get3A_608[%get3A_609, %get3A_610] {strides = array<i32>} : memref<128x256xf32, #tpu.memory_space<vmem>>, vector<1x16xf32>,
        %get3A_612 = vector.shape_cast %get3A_611 : vector<1x16xf32> to vector<16xf32>
        %sub3A_613 = arith.subf %get3A_596, %get3A_604 : vector<16xf32>
        %mul3A_614 = arith.mulf %sub3A_613, %sub3A_613 : vector<16xf32>
        %neg3A_615 = arith.constant 0.000000e+00 : f32
        %neg3A_616 = vector.broadcast %neg3A_615 : f32 to vector<16xf32>
        %neg3A_617 = arith.subf %neg3A_616, %get3A_612 : vector<16xf32>
        %exp3A_618 = math.exp %neg3A_617 : vector<16xf32>
        %mul3A_619 = arith.mulf %mul3A_614, %exp3A_618 : vector<16xf32>
        %add3A_620 = arith.addf %mul3A_619, %get3A_612 : vector<16xf32>
        %add3A_621 = arith.addf %broadcast_in_dim3A_555, %add3A_620 : vector<16xf32>
        %get3A_622 = arith.constant 0 : i32
        %get3A_623 = arith.constant 0 : i32
        %get3A_624 = tpu.memref_slice %arg7[%scan3A_198, %get3A_622, %get3A_623] : memref<2x128x128xf32, #tpu.memory_space<vmem>> -> memref<1x128x128xf32, #tpu.memory_space<vmem>>
        %get3A_625 = tpu.memref_squeeze %get3A_624 : memref<1x128x128xf32, #tpu.memory_space<vmem>> -> memref<128x128xf32, #tpu.memory_space<vmem>>
        %get3A_626 = arith.index_cast %add3A_265 : i32 to index
        %get3A_627 = arith.constant 32 : index
        %get3A_628 = tpu.vector_load %get3A_625[%get3A_626, %get3A_627] {strides = array<i32>} : memref<128x128xf32, #tpu.memory_space<vmem>>, vector<1x16xf32>,
        %get3A_629 = vector.shape_cast %get3A_628 : vector<1x16xf32> to vector<16xf32>
        %get3A_630 = arith.constant 0 : i32
        %get3A_631 = arith.constant 0 : i32
        %get3A_632 = tpu.memref_slice %arg8[%scan3A_199, %get3A_630, %get3A_631] : memref<2x128x256xf32, #tpu.memory_space<vmem>> -> memref<1x128x256xf32, #tpu.memory_space<vmem>>
        %get3A_633 = tpu.memref_squeeze %get3A_632 : memref<1x128x256xf32, #tpu.memory_space<vmem>> -> memref<128x256xf32, #tpu.memory_space<vmem>>
        %get3A_634 = arith.index_cast %add3A_265 : i32 to index
        %get3A_635 = arith.constant 32 : index
        %get3A_636 = tpu.vector_load %get3A_633[%get3A_634, %get3A_635] {strides = array<i32>} : memref<128x256xf32, #tpu.memory_space<vmem>>, vector<1x16xf32>,
        %get3A_637 = vector.shape_cast %get3A_636 : vector<1x16xf32> to vector<16xf32>
        %get3A_638 = arith.constant 0 : i32
        %get3A_639 = arith.constant 0 : i32
        %get3A_640 = tpu.memref_slice %arg8[%scan3A_199, %get3A_638, %get3A_639] : memref<2x128x256xf32, #tpu.memory_space<vmem>> -> memref<1x128x256xf32, #tpu.memory_space<vmem>>
        %get3A_641 = tpu.memref_squeeze %get3A_640 : memref<1x128x256xf32, #tpu.memory_space<vmem>> -> memref<128x256xf32, #tpu.memory_space<vmem>>
        %get3A_642 = arith.index_cast %add3A_265 : i32 to index
        %get3A_643 = arith.constant 160 : index
        %get3A_644 = tpu.vector_load %get3A_641[%get3A_642, %get3A_643] {strides = array<i32>} : memref<128x256xf32, #tpu.memory_space<vmem>>, vector<1x16xf32>,
        %get3A_645 = vector.shape_cast %get3A_644 : vector<1x16xf32> to vector<16xf32>
        %sub3A_646 = arith.subf %get3A_629, %get3A_637 : vector<16xf32>
        %mul3A_647 = arith.mulf %sub3A_646, %sub3A_646 : vector<16xf32>
        %neg3A_648 = arith.constant 0.000000e+00 : f32
        %neg3A_649 = vector.broadcast %neg3A_648 : f32 to vector<16xf32>
        %neg3A_650 = arith.subf %neg3A_649, %get3A_645 : vector<16xf32>
        %exp3A_651 = math.exp %neg3A_650 : vector<16xf32>
        %mul3A_652 = arith.mulf %mul3A_647, %exp3A_651 : vector<16xf32>
        %add3A_653 = arith.addf %mul3A_652, %get3A_645 : vector<16xf32>
        %add3A_654 = arith.addf %add3A_588, %add3A_653 : vector<16xf32>
        %get3A_655 = arith.constant 0 : i32
        %get3A_656 = arith.constant 0 : i32
        %get3A_657 = tpu.memref_slice %arg7[%scan3A_198, %get3A_655, %get3A_656] : memref<2x128x128xf32, #tpu.memory_space<vmem>> -> memref<1x128x128xf32, #tpu.memory_space<vmem>>
        %get3A_658 = tpu.memref_squeeze %get3A_657 : memref<1x128x128xf32, #tpu.memory_space<vmem>> -> memref<128x128xf32, #tpu.memory_space<vmem>>
        %get3A_659 = arith.index_cast %add3A_265 : i32 to index
        %get3A_660 = arith.constant 48 : index
        %get3A_661 = tpu.vector_load %get3A_658[%get3A_659, %get3A_660] {strides = array<i32>} : memref<128x128xf32, #tpu.memory_space<vmem>>, vector<1x16xf32>,
        %get3A_662 = vector.shape_cast %get3A_661 : vector<1x16xf32> to vector<16xf32>
        %get3A_663 = arith.constant 0 : i32
        %get3A_664 = arith.constant 0 : i32
        %get3A_665 = tpu.memref_slice %arg8[%scan3A_199, %get3A_663, %get3A_664] : memref<2x128x256xf32, #tpu.memory_space<vmem>> -> memref<1x128x256xf32, #tpu.memory_space<vmem>>
        %get3A_666 = tpu.memref_squeeze %get3A_665 : memref<1x128x256xf32, #tpu.memory_space<vmem>> -> memref<128x256xf32, #tpu.memory_space<vmem>>
        %get3A_667 = arith.index_cast %add3A_265 : i32 to index
        %get3A_668 = arith.constant 48 : index
        %get3A_669 = tpu.vector_load %get3A_666[%get3A_667, %get3A_668] {strides = array<i32>} : memref<128x256xf32, #tpu.memory_space<vmem>>, vector<1x16xf32>,
        %get3A_670 = vector.shape_cast %get3A_669 : vector<1x16xf32> to vector<16xf32>
        %get3A_671 = arith.constant 0 : i32
        %get3A_672 = arith.constant 0 : i32
        %get3A_673 = tpu.memref_slice %arg8[%scan3A_199, %get3A_671, %get3A_672] : memref<2x128x256xf32, #tpu.memory_space<vmem>> -> memref<1x128x256xf32, #tpu.memory_space<vmem>>
        %get3A_674 = tpu.memref_squeeze %get3A_673 : memref<1x128x256xf32, #tpu.memory_space<vmem>> -> memref<128x256xf32, #tpu.memory_space<vmem>>
        %get3A_675 = arith.index_cast %add3A_265 : i32 to index
        %get3A_676 = arith.constant 176 : index
        %get3A_677 = tpu.vector_load %get3A_674[%get3A_675, %get3A_676] {strides = array<i32>} : memref<128x256xf32, #tpu.memory_space<vmem>>, vector<1x16xf32>,
        %get3A_678 = vector.shape_cast %get3A_677 : vector<1x16xf32> to vector<16xf32>
        %sub3A_679 = arith.subf %get3A_662, %get3A_670 : vector<16xf32>
        %mul3A_680 = arith.mulf %sub3A_679, %sub3A_679 : vector<16xf32>
        %neg3A_681 = arith.constant 0.000000e+00 : f32
        %neg3A_682 = vector.broadcast %neg3A_681 : f32 to vector<16xf32>
        %neg3A_683 = arith.subf %neg3A_682, %get3A_678 : vector<16xf32>
        %exp3A_684 = math.exp %neg3A_683 : vector<16xf32>
        %mul3A_685 = arith.mulf %mul3A_680, %exp3A_684 : vector<16xf32>
        %add3A_686 = arith.addf %mul3A_685, %get3A_678 : vector<16xf32>
        %add3A_687 = arith.addf %add3A_621, %add3A_686 : vector<16xf32>
        %get3A_688 = arith.constant 0 : i32
        %get3A_689 = arith.constant 0 : i32
        %get3A_690 = tpu.memref_slice %arg7[%scan3A_198, %get3A_688, %get3A_689] : memref<2x128x128xf32, #tpu.memory_space<vmem>> -> memref<1x128x128xf32, #tpu.memory_space<vmem>>
        %get3A_691 = tpu.memref_squeeze %get3A_690 : memref<1x128x128xf32, #tpu.memory_space<vmem>> -> memref<128x128xf32, #tpu.memory_space<vmem>>
        %get3A_692 = arith.index_cast %add3A_265 : i32 to index
        %get3A_693 = arith.constant 64 : index
        %get3A_694 = tpu.vector_load %get3A_691[%get3A_692, %get3A_693] {strides = array<i32>} : memref<128x128xf32, #tpu.memory_space<vmem>>, vector<1x16xf32>,
        %get3A_695 = vector.shape_cast %get3A_694 : vector<1x16xf32> to vector<16xf32>
        %get3A_696 = arith.constant 0 : i32
        %get3A_697 = arith.constant 0 : i32
        %get3A_698 = tpu.memref_slice %arg8[%scan3A_199, %get3A_696, %get3A_697] : memref<2x128x256xf32, #tpu.memory_space<vmem>> -> memref<1x128x256xf32, #tpu.memory_space<vmem>>
        %get3A_699 = tpu.memref_squeeze %get3A_698 : memref<1x128x256xf32, #tpu.memory_space<vmem>> -> memref<128x256xf32, #tpu.memory_space<vmem>>
        %get3A_700 = arith.index_cast %add3A_265 : i32 to index
        %get3A_701 = arith.constant 64 : index
        %get3A_702 = tpu.vector_load %get3A_699[%get3A_700, %get3A_701] {strides = array<i32>} : memref<128x256xf32, #tpu.memory_space<vmem>>, vector<1x16xf32>,
        %get3A_703 = vector.shape_cast %get3A_702 : vector<1x16xf32> to vector<16xf32>
        %get3A_704 = arith.constant 0 : i32
        %get3A_705 = arith.constant 0 : i32
        %get3A_706 = tpu.memref_slice %arg8[%scan3A_199, %get3A_704, %get3A_705] : memref<2x128x256xf32, #tpu.memory_space<vmem>> -> memref<1x128x256xf32, #tpu.memory_space<vmem>>
        %get3A_707 = tpu.memref_squeeze %get3A_706 : memref<1x128x256xf32, #tpu.memory_space<vmem>> -> memref<128x256xf32, #tpu.memory_space<vmem>>
        %get3A_708 = arith.index_cast %add3A_265 : i32 to index
        %get3A_709 = arith.constant 192 : index
        %get3A_710 = tpu.vector_load %get3A_707[%get3A_708, %get3A_709] {strides = array<i32>} : memref<128x256xf32, #tpu.memory_space<vmem>>, vector<1x16xf32>,
        %get3A_711 = vector.shape_cast %get3A_710 : vector<1x16xf32> to vector<16xf32>
        %sub3A_712 = arith.subf %get3A_695, %get3A_703 : vector<16xf32>
        %mul3A_713 = arith.mulf %sub3A_712, %sub3A_712 : vector<16xf32>
        %neg3A_714 = arith.constant 0.000000e+00 : f32
        %neg3A_715 = vector.broadcast %neg3A_714 : f32 to vector<16xf32>
        %neg3A_716 = arith.subf %neg3A_715, %get3A_711 : vector<16xf32>
        %exp3A_717 = math.exp %neg3A_716 : vector<16xf32>
        %mul3A_718 = arith.mulf %mul3A_713, %exp3A_717 : vector<16xf32>
        %add3A_719 = arith.addf %mul3A_718, %get3A_711 : vector<16xf32>
        %add3A_720 = arith.addf %add3A_654, %add3A_719 : vector<16xf32>
        %get3A_721 = arith.constant 0 : i32
        %get3A_722 = arith.constant 0 : i32
        %get3A_723 = tpu.memref_slice %arg7[%scan3A_198, %get3A_721, %get3A_722] : memref<2x128x128xf32, #tpu.memory_space<vmem>> -> memref<1x128x128xf32, #tpu.memory_space<vmem>>
        %get3A_724 = tpu.memref_squeeze %get3A_723 : memref<1x128x128xf32, #tpu.memory_space<vmem>> -> memref<128x128xf32, #tpu.memory_space<vmem>>
        %get3A_725 = arith.index_cast %add3A_265 : i32 to index
        %get3A_726 = arith.constant 80 : index
        %get3A_727 = tpu.vector_load %get3A_724[%get3A_725, %get3A_726] {strides = array<i32>} : memref<128x128xf32, #tpu.memory_space<vmem>>, vector<1x16xf32>,
        %get3A_728 = vector.shape_cast %get3A_727 : vector<1x16xf32> to vector<16xf32>
        %get3A_729 = arith.constant 0 : i32
        %get3A_730 = arith.constant 0 : i32
        %get3A_731 = tpu.memref_slice %arg8[%scan3A_199, %get3A_729, %get3A_730] : memref<2x128x256xf32, #tpu.memory_space<vmem>> -> memref<1x128x256xf32, #tpu.memory_space<vmem>>
        %get3A_732 = tpu.memref_squeeze %get3A_731 : memref<1x128x256xf32, #tpu.memory_space<vmem>> -> memref<128x256xf32, #tpu.memory_space<vmem>>
        %get3A_733 = arith.index_cast %add3A_265 : i32 to index
        %get3A_734 = arith.constant 80 : index
        %get3A_735 = tpu.vector_load %get3A_732[%get3A_733, %get3A_734] {strides = array<i32>} : memref<128x256xf32, #tpu.memory_space<vmem>>, vector<1x16xf32>,
        %get3A_736 = vector.shape_cast %get3A_735 : vector<1x16xf32> to vector<16xf32>
        %get3A_737 = arith.constant 0 : i32
        %get3A_738 = arith.constant 0 : i32
        %get3A_739 = tpu.memref_slice %arg8[%scan3A_199, %get3A_737, %get3A_738] : memref<2x128x256xf32, #tpu.memory_space<vmem>> -> memref<1x128x256xf32, #tpu.memory_space<vmem>>
        %get3A_740 = tpu.memref_squeeze %get3A_739 : memref<1x128x256xf32, #tpu.memory_space<vmem>> -> memref<128x256xf32, #tpu.memory_space<vmem>>
        %get3A_741 = arith.index_cast %add3A_265 : i32 to index
        %get3A_742 = arith.constant 208 : index
        %get3A_743 = tpu.vector_load %get3A_740[%get3A_741, %get3A_742] {strides = array<i32>} : memref<128x256xf32, #tpu.memory_space<vmem>>, vector<1x16xf32>,
        %get3A_744 = vector.shape_cast %get3A_743 : vector<1x16xf32> to vector<16xf32>
        %sub3A_745 = arith.subf %get3A_728, %get3A_736 : vector<16xf32>
        %mul3A_746 = arith.mulf %sub3A_745, %sub3A_745 : vector<16xf32>
        %neg3A_747 = arith.constant 0.000000e+00 : f32
        %neg3A_748 = vector.broadcast %neg3A_747 : f32 to vector<16xf32>
        %neg3A_749 = arith.subf %neg3A_748, %get3A_744 : vector<16xf32>
        %exp3A_750 = math.exp %neg3A_749 : vector<16xf32>
        %mul3A_751 = arith.mulf %mul3A_746, %exp3A_750 : vector<16xf32>
        %add3A_752 = arith.addf %mul3A_751, %get3A_744 : vector<16xf32>
        %add3A_753 = arith.addf %add3A_687, %add3A_752 : vector<16xf32>
        %get3A_754 = arith.constant 0 : i32
        %get3A_755 = arith.constant 0 : i32
        %get3A_756 = tpu.memref_slice %arg7[%scan3A_198, %get3A_754, %get3A_755] : memref<2x128x128xf32, #tpu.memory_space<vmem>> -> memref<1x128x128xf32, #tpu.memory_space<vmem>>
        %get3A_757 = tpu.memref_squeeze %get3A_756 : memref<1x128x128xf32, #tpu.memory_space<vmem>> -> memref<128x128xf32, #tpu.memory_space<vmem>>
        %get3A_758 = arith.index_cast %add3A_265 : i32 to index
        %get3A_759 = arith.constant 96 : index
        %get3A_760 = tpu.vector_load %get3A_757[%get3A_758, %get3A_759] {strides = array<i32>} : memref<128x128xf32, #tpu.memory_space<vmem>>, vector<1x16xf32>,
        %get3A_761 = vector.shape_cast %get3A_760 : vector<1x16xf32> to vector<16xf32>
        %get3A_762 = arith.constant 0 : i32
        %get3A_763 = arith.constant 0 : i32
        %get3A_764 = tpu.memref_slice %arg8[%scan3A_199, %get3A_762, %get3A_763] : memref<2x128x256xf32, #tpu.memory_space<vmem>> -> memref<1x128x256xf32, #tpu.memory_space<vmem>>
        %get3A_765 = tpu.memref_squeeze %get3A_764 : memref<1x128x256xf32, #tpu.memory_space<vmem>> -> memref<128x256xf32, #tpu.memory_space<vmem>>
        %get3A_766 = arith.index_cast %add3A_265 : i32 to index
        %get3A_767 = arith.constant 96 : index
        %get3A_768 = tpu.vector_load %get3A_765[%get3A_766, %get3A_767] {strides = array<i32>} : memref<128x256xf32, #tpu.memory_space<vmem>>, vector<1x16xf32>,
        %get3A_769 = vector.shape_cast %get3A_768 : vector<1x16xf32> to vector<16xf32>
        %get3A_770 = arith.constant 0 : i32
        %get3A_771 = arith.constant 0 : i32
        %get3A_772 = tpu.memref_slice %arg8[%scan3A_199, %get3A_770, %get3A_771] : memref<2x128x256xf32, #tpu.memory_space<vmem>> -> memref<1x128x256xf32, #tpu.memory_space<vmem>>
        %get3A_773 = tpu.memref_squeeze %get3A_772 : memref<1x128x256xf32, #tpu.memory_space<vmem>> -> memref<128x256xf32, #tpu.memory_space<vmem>>
        %get3A_774 = arith.index_cast %add3A_265 : i32 to index
        %get3A_775 = arith.constant 224 : index
        %get3A_776 = tpu.vector_load %get3A_773[%get3A_774, %get3A_775] {strides = array<i32>} : memref<128x256xf32, #tpu.memory_space<vmem>>, vector<1x16xf32>,
        %get3A_777 = vector.shape_cast %get3A_776 : vector<1x16xf32> to vector<16xf32>
        %sub3A_778 = arith.subf %get3A_761, %get3A_769 : vector<16xf32>
        %mul3A_779 = arith.mulf %sub3A_778, %sub3A_778 : vector<16xf32>
        %neg3A_780 = arith.constant 0.000000e+00 : f32
        %neg3A_781 = vector.broadcast %neg3A_780 : f32 to vector<16xf32>
        %neg3A_782 = arith.subf %neg3A_781, %get3A_777 : vector<16xf32>
        %exp3A_783 = math.exp %neg3A_782 : vector<16xf32>
        %mul3A_784 = arith.mulf %mul3A_779, %exp3A_783 : vector<16xf32>
        %add3A_785 = arith.addf %mul3A_784, %get3A_777 : vector<16xf32>
        %add3A_786 = arith.addf %add3A_720, %add3A_785 : vector<16xf32>
        %get3A_787 = arith.constant 0 : i32
        %get3A_788 = arith.constant 0 : i32
        %get3A_789 = tpu.memref_slice %arg7[%scan3A_198, %get3A_787, %get3A_788] : memref<2x128x128xf32, #tpu.memory_space<vmem>> -> memref<1x128x128xf32, #tpu.memory_space<vmem>>
        %get3A_790 = tpu.memref_squeeze %get3A_789 : memref<1x128x128xf32, #tpu.memory_space<vmem>> -> memref<128x128xf32, #tpu.memory_space<vmem>>
        %get3A_791 = arith.index_cast %add3A_265 : i32 to index
        %get3A_792 = arith.constant 112 : index
        %get3A_793 = tpu.vector_load %get3A_790[%get3A_791, %get3A_792] {strides = array<i32>} : memref<128x128xf32, #tpu.memory_space<vmem>>, vector<1x16xf32>,
        %get3A_794 = vector.shape_cast %get3A_793 : vector<1x16xf32> to vector<16xf32>
        %get3A_795 = arith.constant 0 : i32
        %get3A_796 = arith.constant 0 : i32
        %get3A_797 = tpu.memref_slice %arg8[%scan3A_199, %get3A_795, %get3A_796] : memref<2x128x256xf32, #tpu.memory_space<vmem>> -> memref<1x128x256xf32, #tpu.memory_space<vmem>>
        %get3A_798 = tpu.memref_squeeze %get3A_797 : memref<1x128x256xf32, #tpu.memory_space<vmem>> -> memref<128x256xf32, #tpu.memory_space<vmem>>
        %get3A_799 = arith.index_cast %add3A_265 : i32 to index
        %get3A_800 = arith.constant 112 : index
        %get3A_801 = tpu.vector_load %get3A_798[%get3A_799, %get3A_800] {strides = array<i32>} : memref<128x256xf32, #tpu.memory_space<vmem>>, vector<1x16xf32>,
        %get3A_802 = vector.shape_cast %get3A_801 : vector<1x16xf32> to vector<16xf32>
        %get3A_803 = arith.constant 0 : i32
        %get3A_804 = arith.constant 0 : i32
        %get3A_805 = tpu.memref_slice %arg8[%scan3A_199, %get3A_803, %get3A_804] : memref<2x128x256xf32, #tpu.memory_space<vmem>> -> memref<1x128x256xf32, #tpu.memory_space<vmem>>
        %get3A_806 = tpu.memref_squeeze %get3A_805 : memref<1x128x256xf32, #tpu.memory_space<vmem>> -> memref<128x256xf32, #tpu.memory_space<vmem>>
        %get3A_807 = arith.index_cast %add3A_265 : i32 to index
        %get3A_808 = arith.constant 240 : index
        %get3A_809 = tpu.vector_load %get3A_806[%get3A_807, %get3A_808] {strides = array<i32>} : memref<128x256xf32, #tpu.memory_space<vmem>>, vector<1x16xf32>,
        %get3A_810 = vector.shape_cast %get3A_809 : vector<1x16xf32> to vector<16xf32>
        %sub3A_811 = arith.subf %get3A_794, %get3A_802 : vector<16xf32>
        %mul3A_812 = arith.mulf %sub3A_811, %sub3A_811 : vector<16xf32>
        %neg3A_813 = arith.constant 0.000000e+00 : f32
        %neg3A_814 = vector.broadcast %neg3A_813 : f32 to vector<16xf32>
        %neg3A_815 = arith.subf %neg3A_814, %get3A_810 : vector<16xf32>
        %exp3A_816 = math.exp %neg3A_815 : vector<16xf32>
        %mul3A_817 = arith.mulf %mul3A_812, %exp3A_816 : vector<16xf32>
        %add3A_818 = arith.addf %mul3A_817, %get3A_810 : vector<16xf32>
        %add3A_819 = arith.addf %add3A_753, %add3A_818 : vector<16xf32>
        %add3A_820 = arith.addf %add3A_786, %add3A_819 : vector<16xf32>
        %broadcast_in_dim3A_821 = vector.shape_cast %xor3A_4 : vector<16xi32> to vector<16x1xi32>
        %gather3A_822 = vector.shape_cast %broadcast_in_dim3A_821 : vector<16x1xi32> to vector<16xi32>
        %gather3A_823 = tpu.dynamic_gather %add3A_820[%gather3A_822] in [0] : vector<16xf32>, vector<16xi32> -> vector<16xf32>
        %add3A_824 = arith.addf %add3A_820, %gather3A_823 : vector<16xf32>
        %broadcast_in_dim3A_825 = vector.shape_cast %xor3A_7 : vector<16xi32> to vector<16x1xi32>
        %gather3A_826 = vector.shape_cast %broadcast_in_dim3A_825 : vector<16x1xi32> to vector<16xi32>
        %gather3A_827 = tpu.dynamic_gather %add3A_824[%gather3A_826] in [0] : vector<16xf32>, vector<16xi32> -> vector<16xf32>
        %add3A_828 = arith.addf %add3A_824, %gather3A_827 : vector<16xf32>
        %broadcast_in_dim3A_829 = vector.shape_cast %xor3A_10 : vector<16xi32> to vector<16x1xi32>
        %gather3A_830 = vector.shape_cast %broadcast_in_dim3A_829 : vector<16x1xi32> to vector<16xi32>
        %gather3A_831 = tpu.dynamic_gather %add3A_828[%gather3A_830] in [0] : vector<16xf32>, vector<16xi32> -> vector<16xf32>
        %add3A_832 = arith.addf %add3A_828, %gather3A_831 : vector<16xf32>
        %broadcast_in_dim3A_833 = vector.shape_cast %xor3A_13 : vector<16xi32> to vector<16x1xi32>
        %gather3A_834 = vector.shape_cast %broadcast_in_dim3A_833 : vector<16x1xi32> to vector<16xi32>
        %gather3A_835 = tpu.dynamic_gather %add3A_832[%gather3A_834] in [0] : vector<16xf32>, vector<16xi32> -> vector<16xf32>
        %add3A_836 = arith.addf %add3A_832, %gather3A_835 : vector<16xf32>
        %add3A_837 = arith.constant 235.24826 : f32
        %add3A_838 = vector.broadcast %add3A_837 : f32 to vector<16xf32>
        %add3A_839 = arith.addf %add3A_836, %add3A_838 : vector<16xf32>
        %mul3A_840 = arith.constant -5.000000e-01 : f32
        %mul3A_841 = vector.broadcast %mul3A_840 : f32 to vector<16xf32>
        %mul3A_842 = arith.mulf %mul3A_841, %add3A_839 : vector<16xf32>
        %eq3A = vector.broadcast %scan3A_256 : i32 to vector<16xi32>
        %eq3A_843 = arith.cmpi eq, %iota3A, %eq3A : vector<16xi32>
        %select_n3A = arith.select %eq3A_843, %mul3A_551, %scan3A_257 : vector<16xi1>, vector<16xf32>
        %add3A_844 = arith.constant 8 : i32
        %add3A_845 = arith.addi %scan3A_256, %add3A_844 : i32
        %eq3A_846 = vector.broadcast %add3A_845 : i32 to vector<16xi32>
        %eq3A_847 = arith.cmpi eq, %iota3A, %eq3A_846 : vector<16xi32>
        %select_n3A_848 = arith.select %eq3A_847, %mul3A_842, %select_n3A : vector<16xi1>, vector<16xf32>
        scf.yield %select_n3A_848 : vector<16xf32>
      }
      %scan3A_247 = arith.constant 8 : i32
      %mul3A_248 = arith.constant 16 : i32
      %mul3A_249 = arith.muli %scan3A_239, %mul3A_248 : i32
      %add3A_250 = arith.constant 256 : i32
      %add3A_251 = arith.addi %add3A_250, %mul3A_249 : i32
      %swap3A = arith.index_cast %add3A_251 : i32 to index
      %swap3A_252 = tpu.vector_load %arg9[%swap3A] {strides = array<i32>} : memref<512xf32, #tpu.memory_space<vmem>>, vector<16xf32>,
      %swap3A_253 = vector.shape_cast %swap3A_252 : vector<16xf32> to vector<16xf32>
      %swap3A_254 = vector.shape_cast %scan3A_246 : vector<16xf32> to vector<16xf32>
      tpu.vector_store %arg9[%swap3A], %swap3A_254 {strides = array<i32>} : memref<512xf32, #tpu.memory_space<vmem>>, vector<16xf32>,
      %scan3A_255 = arith.constant 0 : i32
      scf.yield %scan3A_255 : i32
    }
    %scan3A_206 = arith.constant 8 : i32
    %dma_wait3A_207 = arith.constant 1 : i32
    %dma_wait3A_208 = arith.constant 0 : i32
    %dma_wait3A_209 = arith.constant 0 : i32
    %dma_wait3A_210 = tpu.memref_slice %arg8[%dma_wait3A_207, %dma_wait3A_208, %dma_wait3A_209] : memref<2x128x256xf32, #tpu.memory_space<vmem>> -> memref<1x128x256xf32, #tpu.memory_space<vmem>>
    %dma_wait3A_211 = tpu.memref_squeeze %dma_wait3A_210 : memref<1x128x256xf32, #tpu.memory_space<vmem>> -> memref<128x256xf32, #tpu.memory_space<vmem>>
    %dma_wait3A_212 = arith.constant 384 : i32
    %dma_wait3A_213 = tpu.memref_slice %arg6[%dma_wait3A_212] : memref<512xi32, #tpu.memory_space<vmem>> -> memref<128xi32, #tpu.memory_space<vmem>>
    %dma_wait3A_214 = arith.constant 0 : i32
    %dma_wait3A_215 = arith.constant 0 : i32
    %dma_wait3A_216 = tpu.memref_slice %arg4[%dma_wait3A_214, %dma_wait3A_215] : memref<1000x256xf32, #tpu.memory_space<hbm>> -> memref<1000x256xf32, #tpu.memory_space<hbm>>
    tpu.wait_indirect_dma semaphore(%arg11 : memref<!tpu.dma_semaphore, #tpu.memory_space<semaphore_mem>>) src(%dma_wait3A_216 : memref<1000x256xf32, #tpu.memory_space<hbm>>) dst(%dma_wait3A_211 : memref<128x256xf32, #tpu.memory_space<vmem>>)
    %dma_wait3A_217 = arith.constant 1 : i32
    %dma_wait3A_218 = arith.constant 0 : i32
    %dma_wait3A_219 = arith.constant 0 : i32
    %dma_wait3A_220 = tpu.memref_slice %arg7[%dma_wait3A_217, %dma_wait3A_218, %dma_wait3A_219] : memref<2x128x128xf32, #tpu.memory_space<vmem>> -> memref<1x128x128xf32, #tpu.memory_space<vmem>>
    %dma_wait3A_221 = tpu.memref_squeeze %dma_wait3A_220 : memref<1x128x128xf32, #tpu.memory_space<vmem>> -> memref<128x128xf32, #tpu.memory_space<vmem>>
    %dma_wait3A_222 = arith.constant 0 : i32
    %dma_wait3A_223 = tpu.memref_slice %arg2[%add3A_161, %dma_wait3A_222] : memref<16384x128xf32, #tpu.memory_space<hbm>> -> memref<128x128xf32, #tpu.memory_space<hbm>>
    %dma_wait3A_224 = arith.constant 0 : i32
    %dma_wait3A_225 = arith.constant 0 : i32
    %dma_wait3A_226 = tpu.memref_slice %arg7[%dma_wait3A_217, %dma_wait3A_224, %dma_wait3A_225] : memref<2x128x128xf32, #tpu.memory_space<vmem>> -> memref<1x128x128xf32, #tpu.memory_space<vmem>>
    %dma_wait3A_227 = tpu.memref_squeeze %dma_wait3A_226 : memref<1x128x128xf32, #tpu.memory_space<vmem>> -> memref<128x128xf32, #tpu.memory_space<vmem>>
    %dma_wait3A_228 = arith.constant 0 : i32
    %dma_wait3A_229 = tpu.memref_slice %arg2[%add3A_161, %dma_wait3A_228] : memref<16384x128xf32, #tpu.memory_space<hbm>> -> memref<128x128xf32, #tpu.memory_space<hbm>>
    tpu.wait_dma2 semaphore(%arg11 : memref<!tpu.dma_semaphore, #tpu.memory_space<semaphore_mem>>) src(%dma_wait3A_229 : memref<128x128xf32, #tpu.memory_space<hbm>>) dst(%dma_wait3A_227 : memref<128x128xf32, #tpu.memory_space<vmem>>)
    %scan3A_230 = arith.constant 1 : i32
    %scan3A_231 = arith.constant 1 : i32
    %scan3A_232 = arith.constant 0 : i32
    %scan3A_233 = arith.constant 0 : i32
    %scan3A_234 = arith.constant 8 : i32
    %scan3A_235 = arith.addi %scan3A_233, %scan3A_234 : i32
    %scan3A_236 = arith.constant 1 : i32
    %scan3A_237 = scf.for %scan3A_239 = %scan3A_233 to %scan3A_235 step %scan3A_236 iter_args(%scan3A_240 = %scan3A_232) -> (i32)  : i32 {
      %broadcast_in_dim3A = arith.constant 0.000000e+00 : f32
      %broadcast_in_dim3A_241 = vector.broadcast %broadcast_in_dim3A : f32 to vector<16xf32>
      %scan3A_242 = arith.constant 0 : i32
      %scan3A_243 = arith.constant 8 : i32
      %scan3A_244 = arith.addi %scan3A_242, %scan3A_243 : i32
      %scan3A_245 = arith.constant 1 : i32
      %scan3A_246 = scf.for %scan3A_256 = %scan3A_242 to %scan3A_244 step %scan3A_245 iter_args(%scan3A_257 = %broadcast_in_dim3A_241) -> (vector<16xf32>)  : i32 {
        %mul3A_258 = arith.constant 16 : i32
        %mul3A_259 = arith.muli %scan3A_239, %mul3A_258 : i32
        %add3A_260 = arith.addi %mul3A_259, %scan3A_256 : i32
        %mul3A_261 = arith.constant 16 : i32
        %mul3A_262 = arith.muli %scan3A_239, %mul3A_261 : i32
        %add3A_263 = arith.addi %mul3A_262, %scan3A_256 : i32
        %add3A_264 = arith.constant 8 : i32
        %add3A_265 = arith.addi %add3A_263, %add3A_264 : i32
        %broadcast_in_dim3A_266 = arith.constant 0.000000e+00 : f32
        %broadcast_in_dim3A_267 = vector.broadcast %broadcast_in_dim3A_266 : f32 to vector<16xf32>
        %broadcast_in_dim3A_268 = arith.constant 0.000000e+00 : f32
        %broadcast_in_dim3A_269 = vector.broadcast %broadcast_in_dim3A_268 : f32 to vector<16xf32>
        %get3A = arith.constant 0 : i32
        %get3A_270 = arith.constant 0 : i32
        %get3A_271 = tpu.memref_slice %arg7[%scan3A_230, %get3A, %get3A_270] : memref<2x128x128xf32, #tpu.memory_space<vmem>> -> memref<1x128x128xf32, #tpu.memory_space<vmem>>
        %get3A_272 = tpu.memref_squeeze %get3A_271 : memref<1x128x128xf32, #tpu.memory_space<vmem>> -> memref<128x128xf32, #tpu.memory_space<vmem>>
        %get3A_273 = arith.index_cast %add3A_260 : i32 to index
        %get3A_274 = arith.constant 0 : index
        %get3A_275 = tpu.vector_load %get3A_272[%get3A_273, %get3A_274] {strides = array<i32>} : memref<128x128xf32, #tpu.memory_space<vmem>>, vector<1x16xf32>,
        %get3A_276 = vector.shape_cast %get3A_275 : vector<1x16xf32> to vector<16xf32>
        %get3A_277 = arith.constant 0 : i32
        %get3A_278 = arith.constant 0 : i32
        %get3A_279 = tpu.memref_slice %arg8[%scan3A_231, %get3A_277, %get3A_278] : memref<2x128x256xf32, #tpu.memory_space<vmem>> -> memref<1x128x256xf32, #tpu.memory_space<vmem>>
        %get3A_280 = tpu.memref_squeeze %get3A_279 : memref<1x128x256xf32, #tpu.memory_space<vmem>> -> memref<128x256xf32, #tpu.memory_space<vmem>>
        %get3A_281 = arith.index_cast %add3A_260 : i32 to index
        %get3A_282 = arith.constant 0 : index
        %get3A_283 = tpu.vector_load %get3A_280[%get3A_281, %get3A_282] {strides = array<i32>} : memref<128x256xf32, #tpu.memory_space<vmem>>, vector<1x16xf32>,
        %get3A_284 = vector.shape_cast %get3A_283 : vector<1x16xf32> to vector<16xf32>
        %get3A_285 = arith.constant 0 : i32
        %get3A_286 = arith.constant 0 : i32
        %get3A_287 = tpu.memref_slice %arg8[%scan3A_231, %get3A_285, %get3A_286] : memref<2x128x256xf32, #tpu.memory_space<vmem>> -> memref<1x128x256xf32, #tpu.memory_space<vmem>>
        %get3A_288 = tpu.memref_squeeze %get3A_287 : memref<1x128x256xf32, #tpu.memory_space<vmem>> -> memref<128x256xf32, #tpu.memory_space<vmem>>
        %get3A_289 = arith.index_cast %add3A_260 : i32 to index
        %get3A_290 = arith.constant 128 : index
        %get3A_291 = tpu.vector_load %get3A_288[%get3A_289, %get3A_290] {strides = array<i32>} : memref<128x256xf32, #tpu.memory_space<vmem>>, vector<1x16xf32>,
        %get3A_292 = vector.shape_cast %get3A_291 : vector<1x16xf32> to vector<16xf32>
        %sub3A = arith.subf %get3A_276, %get3A_284 : vector<16xf32>
        %mul3A_293 = arith.mulf %sub3A, %sub3A : vector<16xf32>
        %neg3A = arith.constant 0.000000e+00 : f32
        %neg3A_294 = vector.broadcast %neg3A : f32 to vector<16xf32>
        %neg3A_295 = arith.subf %neg3A_294, %get3A_292 : vector<16xf32>
        %exp3A = math.exp %neg3A_295 : vector<16xf32>
        %mul3A_296 = arith.mulf %mul3A_293, %exp3A : vector<16xf32>
        %add3A_297 = arith.addf %mul3A_296, %get3A_292 : vector<16xf32>
        %add3A_298 = arith.addf %broadcast_in_dim3A_267, %add3A_297 : vector<16xf32>
        %get3A_299 = arith.constant 0 : i32
        %get3A_300 = arith.constant 0 : i32
        %get3A_301 = tpu.memref_slice %arg7[%scan3A_230, %get3A_299, %get3A_300] : memref<2x128x128xf32, #tpu.memory_space<vmem>> -> memref<1x128x128xf32, #tpu.memory_space<vmem>>
        %get3A_302 = tpu.memref_squeeze %get3A_301 : memref<1x128x128xf32, #tpu.memory_space<vmem>> -> memref<128x128xf32, #tpu.memory_space<vmem>>
        %get3A_303 = arith.index_cast %add3A_260 : i32 to index
        %get3A_304 = arith.constant 16 : index
        %get3A_305 = tpu.vector_load %get3A_302[%get3A_303, %get3A_304] {strides = array<i32>} : memref<128x128xf32, #tpu.memory_space<vmem>>, vector<1x16xf32>,
        %get3A_306 = vector.shape_cast %get3A_305 : vector<1x16xf32> to vector<16xf32>
        %get3A_307 = arith.constant 0 : i32
        %get3A_308 = arith.constant 0 : i32
        %get3A_309 = tpu.memref_slice %arg8[%scan3A_231, %get3A_307, %get3A_308] : memref<2x128x256xf32, #tpu.memory_space<vmem>> -> memref<1x128x256xf32, #tpu.memory_space<vmem>>
        %get3A_310 = tpu.memref_squeeze %get3A_309 : memref<1x128x256xf32, #tpu.memory_space<vmem>> -> memref<128x256xf32, #tpu.memory_space<vmem>>
        %get3A_311 = arith.index_cast %add3A_260 : i32 to index
        %get3A_312 = arith.constant 16 : index
        %get3A_313 = tpu.vector_load %get3A_310[%get3A_311, %get3A_312] {strides = array<i32>} : memref<128x256xf32, #tpu.memory_space<vmem>>, vector<1x16xf32>,
        %get3A_314 = vector.shape_cast %get3A_313 : vector<1x16xf32> to vector<16xf32>
        %get3A_315 = arith.constant 0 : i32
        %get3A_316 = arith.constant 0 : i32
        %get3A_317 = tpu.memref_slice %arg8[%scan3A_231, %get3A_315, %get3A_316] : memref<2x128x256xf32, #tpu.memory_space<vmem>> -> memref<1x128x256xf32, #tpu.memory_space<vmem>>
        %get3A_318 = tpu.memref_squeeze %get3A_317 : memref<1x128x256xf32, #tpu.memory_space<vmem>> -> memref<128x256xf32, #tpu.memory_space<vmem>>
        %get3A_319 = arith.index_cast %add3A_260 : i32 to index
        %get3A_320 = arith.constant 144 : index
        %get3A_321 = tpu.vector_load %get3A_318[%get3A_319, %get3A_320] {strides = array<i32>} : memref<128x256xf32, #tpu.memory_space<vmem>>, vector<1x16xf32>,
        %get3A_322 = vector.shape_cast %get3A_321 : vector<1x16xf32> to vector<16xf32>
        %sub3A_323 = arith.subf %get3A_306, %get3A_314 : vector<16xf32>
        %mul3A_324 = arith.mulf %sub3A_323, %sub3A_323 : vector<16xf32>
        %neg3A_325 = arith.constant 0.000000e+00 : f32
        %neg3A_326 = vector.broadcast %neg3A_325 : f32 to vector<16xf32>
        %neg3A_327 = arith.subf %neg3A_326, %get3A_322 : vector<16xf32>
        %exp3A_328 = math.exp %neg3A_327 : vector<16xf32>
        %mul3A_329 = arith.mulf %mul3A_324, %exp3A_328 : vector<16xf32>
        %add3A_330 = arith.addf %mul3A_329, %get3A_322 : vector<16xf32>
        %add3A_331 = arith.addf %broadcast_in_dim3A_269, %add3A_330 : vector<16xf32>
        %get3A_332 = arith.constant 0 : i32
        %get3A_333 = arith.constant 0 : i32
        %get3A_334 = tpu.memref_slice %arg7[%scan3A_230, %get3A_332, %get3A_333] : memref<2x128x128xf32, #tpu.memory_space<vmem>> -> memref<1x128x128xf32, #tpu.memory_space<vmem>>
        %get3A_335 = tpu.memref_squeeze %get3A_334 : memref<1x128x128xf32, #tpu.memory_space<vmem>> -> memref<128x128xf32, #tpu.memory_space<vmem>>
        %get3A_336 = arith.index_cast %add3A_260 : i32 to index
        %get3A_337 = arith.constant 32 : index
        %get3A_338 = tpu.vector_load %get3A_335[%get3A_336, %get3A_337] {strides = array<i32>} : memref<128x128xf32, #tpu.memory_space<vmem>>, vector<1x16xf32>,
        %get3A_339 = vector.shape_cast %get3A_338 : vector<1x16xf32> to vector<16xf32>
        %get3A_340 = arith.constant 0 : i32
        %get3A_341 = arith.constant 0 : i32
        %get3A_342 = tpu.memref_slice %arg8[%scan3A_231, %get3A_340, %get3A_341] : memref<2x128x256xf32, #tpu.memory_space<vmem>> -> memref<1x128x256xf32, #tpu.memory_space<vmem>>
        %get3A_343 = tpu.memref_squeeze %get3A_342 : memref<1x128x256xf32, #tpu.memory_space<vmem>> -> memref<128x256xf32, #tpu.memory_space<vmem>>
        %get3A_344 = arith.index_cast %add3A_260 : i32 to index
        %get3A_345 = arith.constant 32 : index
        %get3A_346 = tpu.vector_load %get3A_343[%get3A_344, %get3A_345] {strides = array<i32>} : memref<128x256xf32, #tpu.memory_space<vmem>>, vector<1x16xf32>,
        %get3A_347 = vector.shape_cast %get3A_346 : vector<1x16xf32> to vector<16xf32>
        %get3A_348 = arith.constant 0 : i32
        %get3A_349 = arith.constant 0 : i32
        %get3A_350 = tpu.memref_slice %arg8[%scan3A_231, %get3A_348, %get3A_349] : memref<2x128x256xf32, #tpu.memory_space<vmem>> -> memref<1x128x256xf32, #tpu.memory_space<vmem>>
        %get3A_351 = tpu.memref_squeeze %get3A_350 : memref<1x128x256xf32, #tpu.memory_space<vmem>> -> memref<128x256xf32, #tpu.memory_space<vmem>>
        %get3A_352 = arith.index_cast %add3A_260 : i32 to index
        %get3A_353 = arith.constant 160 : index
        %get3A_354 = tpu.vector_load %get3A_351[%get3A_352, %get3A_353] {strides = array<i32>} : memref<128x256xf32, #tpu.memory_space<vmem>>, vector<1x16xf32>,
        %get3A_355 = vector.shape_cast %get3A_354 : vector<1x16xf32> to vector<16xf32>
        %sub3A_356 = arith.subf %get3A_339, %get3A_347 : vector<16xf32>
        %mul3A_357 = arith.mulf %sub3A_356, %sub3A_356 : vector<16xf32>
        %neg3A_358 = arith.constant 0.000000e+00 : f32
        %neg3A_359 = vector.broadcast %neg3A_358 : f32 to vector<16xf32>
        %neg3A_360 = arith.subf %neg3A_359, %get3A_355 : vector<16xf32>
        %exp3A_361 = math.exp %neg3A_360 : vector<16xf32>
        %mul3A_362 = arith.mulf %mul3A_357, %exp3A_361 : vector<16xf32>
        %add3A_363 = arith.addf %mul3A_362, %get3A_355 : vector<16xf32>
        %add3A_364 = arith.addf %add3A_298, %add3A_363 : vector<16xf32>
        %get3A_365 = arith.constant 0 : i32
        %get3A_366 = arith.constant 0 : i32
        %get3A_367 = tpu.memref_slice %arg7[%scan3A_230, %get3A_365, %get3A_366] : memref<2x128x128xf32, #tpu.memory_space<vmem>> -> memref<1x128x128xf32, #tpu.memory_space<vmem>>
        %get3A_368 = tpu.memref_squeeze %get3A_367 : memref<1x128x128xf32, #tpu.memory_space<vmem>> -> memref<128x128xf32, #tpu.memory_space<vmem>>
        %get3A_369 = arith.index_cast %add3A_260 : i32 to index
        %get3A_370 = arith.constant 48 : index
        %get3A_371 = tpu.vector_load %get3A_368[%get3A_369, %get3A_370] {strides = array<i32>} : memref<128x128xf32, #tpu.memory_space<vmem>>, vector<1x16xf32>,
        %get3A_372 = vector.shape_cast %get3A_371 : vector<1x16xf32> to vector<16xf32>
        %get3A_373 = arith.constant 0 : i32
        %get3A_374 = arith.constant 0 : i32
        %get3A_375 = tpu.memref_slice %arg8[%scan3A_231, %get3A_373, %get3A_374] : memref<2x128x256xf32, #tpu.memory_space<vmem>> -> memref<1x128x256xf32, #tpu.memory_space<vmem>>
        %get3A_376 = tpu.memref_squeeze %get3A_375 : memref<1x128x256xf32, #tpu.memory_space<vmem>> -> memref<128x256xf32, #tpu.memory_space<vmem>>
        %get3A_377 = arith.index_cast %add3A_260 : i32 to index
        %get3A_378 = arith.constant 48 : index
        %get3A_379 = tpu.vector_load %get3A_376[%get3A_377, %get3A_378] {strides = array<i32>} : memref<128x256xf32, #tpu.memory_space<vmem>>, vector<1x16xf32>,
        %get3A_380 = vector.shape_cast %get3A_379 : vector<1x16xf32> to vector<16xf32>
        %get3A_381 = arith.constant 0 : i32
        %get3A_382 = arith.constant 0 : i32
        %get3A_383 = tpu.memref_slice %arg8[%scan3A_231, %get3A_381, %get3A_382] : memref<2x128x256xf32, #tpu.memory_space<vmem>> -> memref<1x128x256xf32, #tpu.memory_space<vmem>>
        %get3A_384 = tpu.memref_squeeze %get3A_383 : memref<1x128x256xf32, #tpu.memory_space<vmem>> -> memref<128x256xf32, #tpu.memory_space<vmem>>
        %get3A_385 = arith.index_cast %add3A_260 : i32 to index
        %get3A_386 = arith.constant 176 : index
        %get3A_387 = tpu.vector_load %get3A_384[%get3A_385, %get3A_386] {strides = array<i32>} : memref<128x256xf32, #tpu.memory_space<vmem>>, vector<1x16xf32>,
        %get3A_388 = vector.shape_cast %get3A_387 : vector<1x16xf32> to vector<16xf32>
        %sub3A_389 = arith.subf %get3A_372, %get3A_380 : vector<16xf32>
        %mul3A_390 = arith.mulf %sub3A_389, %sub3A_389 : vector<16xf32>
        %neg3A_391 = arith.constant 0.000000e+00 : f32
        %neg3A_392 = vector.broadcast %neg3A_391 : f32 to vector<16xf32>
        %neg3A_393 = arith.subf %neg3A_392, %get3A_388 : vector<16xf32>
        %exp3A_394 = math.exp %neg3A_393 : vector<16xf32>
        %mul3A_395 = arith.mulf %mul3A_390, %exp3A_394 : vector<16xf32>
        %add3A_396 = arith.addf %mul3A_395, %get3A_388 : vector<16xf32>
        %add3A_397 = arith.addf %add3A_331, %add3A_396 : vector<16xf32>
        %get3A_398 = arith.constant 0 : i32
        %get3A_399 = arith.constant 0 : i32
        %get3A_400 = tpu.memref_slice %arg7[%scan3A_230, %get3A_398, %get3A_399] : memref<2x128x128xf32, #tpu.memory_space<vmem>> -> memref<1x128x128xf32, #tpu.memory_space<vmem>>
        %get3A_401 = tpu.memref_squeeze %get3A_400 : memref<1x128x128xf32, #tpu.memory_space<vmem>> -> memref<128x128xf32, #tpu.memory_space<vmem>>
        %get3A_402 = arith.index_cast %add3A_260 : i32 to index
        %get3A_403 = arith.constant 64 : index
        %get3A_404 = tpu.vector_load %get3A_401[%get3A_402, %get3A_403] {strides = array<i32>} : memref<128x128xf32, #tpu.memory_space<vmem>>, vector<1x16xf32>,
        %get3A_405 = vector.shape_cast %get3A_404 : vector<1x16xf32> to vector<16xf32>
        %get3A_406 = arith.constant 0 : i32
        %get3A_407 = arith.constant 0 : i32
        %get3A_408 = tpu.memref_slice %arg8[%scan3A_231, %get3A_406, %get3A_407] : memref<2x128x256xf32, #tpu.memory_space<vmem>> -> memref<1x128x256xf32, #tpu.memory_space<vmem>>
        %get3A_409 = tpu.memref_squeeze %get3A_408 : memref<1x128x256xf32, #tpu.memory_space<vmem>> -> memref<128x256xf32, #tpu.memory_space<vmem>>
        %get3A_410 = arith.index_cast %add3A_260 : i32 to index
        %get3A_411 = arith.constant 64 : index
        %get3A_412 = tpu.vector_load %get3A_409[%get3A_410, %get3A_411] {strides = array<i32>} : memref<128x256xf32, #tpu.memory_space<vmem>>, vector<1x16xf32>,
        %get3A_413 = vector.shape_cast %get3A_412 : vector<1x16xf32> to vector<16xf32>
        %get3A_414 = arith.constant 0 : i32
        %get3A_415 = arith.constant 0 : i32
        %get3A_416 = tpu.memref_slice %arg8[%scan3A_231, %get3A_414, %get3A_415] : memref<2x128x256xf32, #tpu.memory_space<vmem>> -> memref<1x128x256xf32, #tpu.memory_space<vmem>>
        %get3A_417 = tpu.memref_squeeze %get3A_416 : memref<1x128x256xf32, #tpu.memory_space<vmem>> -> memref<128x256xf32, #tpu.memory_space<vmem>>
        %get3A_418 = arith.index_cast %add3A_260 : i32 to index
        %get3A_419 = arith.constant 192 : index
        %get3A_420 = tpu.vector_load %get3A_417[%get3A_418, %get3A_419] {strides = array<i32>} : memref<128x256xf32, #tpu.memory_space<vmem>>, vector<1x16xf32>,
        %get3A_421 = vector.shape_cast %get3A_420 : vector<1x16xf32> to vector<16xf32>
        %sub3A_422 = arith.subf %get3A_405, %get3A_413 : vector<16xf32>
        %mul3A_423 = arith.mulf %sub3A_422, %sub3A_422 : vector<16xf32>
        %neg3A_424 = arith.constant 0.000000e+00 : f32
        %neg3A_425 = vector.broadcast %neg3A_424 : f32 to vector<16xf32>
        %neg3A_426 = arith.subf %neg3A_425, %get3A_421 : vector<16xf32>
        %exp3A_427 = math.exp %neg3A_426 : vector<16xf32>
        %mul3A_428 = arith.mulf %mul3A_423, %exp3A_427 : vector<16xf32>
        %add3A_429 = arith.addf %mul3A_428, %get3A_421 : vector<16xf32>
        %add3A_430 = arith.addf %add3A_364, %add3A_429 : vector<16xf32>
        %get3A_431 = arith.constant 0 : i32
        %get3A_432 = arith.constant 0 : i32
        %get3A_433 = tpu.memref_slice %arg7[%scan3A_230, %get3A_431, %get3A_432] : memref<2x128x128xf32, #tpu.memory_space<vmem>> -> memref<1x128x128xf32, #tpu.memory_space<vmem>>
        %get3A_434 = tpu.memref_squeeze %get3A_433 : memref<1x128x128xf32, #tpu.memory_space<vmem>> -> memref<128x128xf32, #tpu.memory_space<vmem>>
        %get3A_435 = arith.index_cast %add3A_260 : i32 to index
        %get3A_436 = arith.constant 80 : index
        %get3A_437 = tpu.vector_load %get3A_434[%get3A_435, %get3A_436] {strides = array<i32>} : memref<128x128xf32, #tpu.memory_space<vmem>>, vector<1x16xf32>,
        %get3A_438 = vector.shape_cast %get3A_437 : vector<1x16xf32> to vector<16xf32>
        %get3A_439 = arith.constant 0 : i32
        %get3A_440 = arith.constant 0 : i32
        %get3A_441 = tpu.memref_slice %arg8[%scan3A_231, %get3A_439, %get3A_440] : memref<2x128x256xf32, #tpu.memory_space<vmem>> -> memref<1x128x256xf32, #tpu.memory_space<vmem>>
        %get3A_442 = tpu.memref_squeeze %get3A_441 : memref<1x128x256xf32, #tpu.memory_space<vmem>> -> memref<128x256xf32, #tpu.memory_space<vmem>>
        %get3A_443 = arith.index_cast %add3A_260 : i32 to index
        %get3A_444 = arith.constant 80 : index
        %get3A_445 = tpu.vector_load %get3A_442[%get3A_443, %get3A_444] {strides = array<i32>} : memref<128x256xf32, #tpu.memory_space<vmem>>, vector<1x16xf32>,
        %get3A_446 = vector.shape_cast %get3A_445 : vector<1x16xf32> to vector<16xf32>
        %get3A_447 = arith.constant 0 : i32
        %get3A_448 = arith.constant 0 : i32
        %get3A_449 = tpu.memref_slice %arg8[%scan3A_231, %get3A_447, %get3A_448] : memref<2x128x256xf32, #tpu.memory_space<vmem>> -> memref<1x128x256xf32, #tpu.memory_space<vmem>>
        %get3A_450 = tpu.memref_squeeze %get3A_449 : memref<1x128x256xf32, #tpu.memory_space<vmem>> -> memref<128x256xf32, #tpu.memory_space<vmem>>
        %get3A_451 = arith.index_cast %add3A_260 : i32 to index
        %get3A_452 = arith.constant 208 : index
        %get3A_453 = tpu.vector_load %get3A_450[%get3A_451, %get3A_452] {strides = array<i32>} : memref<128x256xf32, #tpu.memory_space<vmem>>, vector<1x16xf32>,
        %get3A_454 = vector.shape_cast %get3A_453 : vector<1x16xf32> to vector<16xf32>
        %sub3A_455 = arith.subf %get3A_438, %get3A_446 : vector<16xf32>
        %mul3A_456 = arith.mulf %sub3A_455, %sub3A_455 : vector<16xf32>
        %neg3A_457 = arith.constant 0.000000e+00 : f32
        %neg3A_458 = vector.broadcast %neg3A_457 : f32 to vector<16xf32>
        %neg3A_459 = arith.subf %neg3A_458, %get3A_454 : vector<16xf32>
        %exp3A_460 = math.exp %neg3A_459 : vector<16xf32>
        %mul3A_461 = arith.mulf %mul3A_456, %exp3A_460 : vector<16xf32>
        %add3A_462 = arith.addf %mul3A_461, %get3A_454 : vector<16xf32>
        %add3A_463 = arith.addf %add3A_397, %add3A_462 : vector<16xf32>
        %get3A_464 = arith.constant 0 : i32
        %get3A_465 = arith.constant 0 : i32
        %get3A_466 = tpu.memref_slice %arg7[%scan3A_230, %get3A_464, %get3A_465] : memref<2x128x128xf32, #tpu.memory_space<vmem>> -> memref<1x128x128xf32, #tpu.memory_space<vmem>>
        %get3A_467 = tpu.memref_squeeze %get3A_466 : memref<1x128x128xf32, #tpu.memory_space<vmem>> -> memref<128x128xf32, #tpu.memory_space<vmem>>
        %get3A_468 = arith.index_cast %add3A_260 : i32 to index
        %get3A_469 = arith.constant 96 : index
        %get3A_470 = tpu.vector_load %get3A_467[%get3A_468, %get3A_469] {strides = array<i32>} : memref<128x128xf32, #tpu.memory_space<vmem>>, vector<1x16xf32>,
        %get3A_471 = vector.shape_cast %get3A_470 : vector<1x16xf32> to vector<16xf32>
        %get3A_472 = arith.constant 0 : i32
        %get3A_473 = arith.constant 0 : i32
        %get3A_474 = tpu.memref_slice %arg8[%scan3A_231, %get3A_472, %get3A_473] : memref<2x128x256xf32, #tpu.memory_space<vmem>> -> memref<1x128x256xf32, #tpu.memory_space<vmem>>
        %get3A_475 = tpu.memref_squeeze %get3A_474 : memref<1x128x256xf32, #tpu.memory_space<vmem>> -> memref<128x256xf32, #tpu.memory_space<vmem>>
        %get3A_476 = arith.index_cast %add3A_260 : i32 to index
        %get3A_477 = arith.constant 96 : index
        %get3A_478 = tpu.vector_load %get3A_475[%get3A_476, %get3A_477] {strides = array<i32>} : memref<128x256xf32, #tpu.memory_space<vmem>>, vector<1x16xf32>,
        %get3A_479 = vector.shape_cast %get3A_478 : vector<1x16xf32> to vector<16xf32>
        %get3A_480 = arith.constant 0 : i32
        %get3A_481 = arith.constant 0 : i32
        %get3A_482 = tpu.memref_slice %arg8[%scan3A_231, %get3A_480, %get3A_481] : memref<2x128x256xf32, #tpu.memory_space<vmem>> -> memref<1x128x256xf32, #tpu.memory_space<vmem>>
        %get3A_483 = tpu.memref_squeeze %get3A_482 : memref<1x128x256xf32, #tpu.memory_space<vmem>> -> memref<128x256xf32, #tpu.memory_space<vmem>>
        %get3A_484 = arith.index_cast %add3A_260 : i32 to index
        %get3A_485 = arith.constant 224 : index
        %get3A_486 = tpu.vector_load %get3A_483[%get3A_484, %get3A_485] {strides = array<i32>} : memref<128x256xf32, #tpu.memory_space<vmem>>, vector<1x16xf32>,
        %get3A_487 = vector.shape_cast %get3A_486 : vector<1x16xf32> to vector<16xf32>
        %sub3A_488 = arith.subf %get3A_471, %get3A_479 : vector<16xf32>
        %mul3A_489 = arith.mulf %sub3A_488, %sub3A_488 : vector<16xf32>
        %neg3A_490 = arith.constant 0.000000e+00 : f32
        %neg3A_491 = vector.broadcast %neg3A_490 : f32 to vector<16xf32>
        %neg3A_492 = arith.subf %neg3A_491, %get3A_487 : vector<16xf32>
        %exp3A_493 = math.exp %neg3A_492 : vector<16xf32>
        %mul3A_494 = arith.mulf %mul3A_489, %exp3A_493 : vector<16xf32>
        %add3A_495 = arith.addf %mul3A_494, %get3A_487 : vector<16xf32>
        %add3A_496 = arith.addf %add3A_430, %add3A_495 : vector<16xf32>
        %get3A_497 = arith.constant 0 : i32
        %get3A_498 = arith.constant 0 : i32
        %get3A_499 = tpu.memref_slice %arg7[%scan3A_230, %get3A_497, %get3A_498] : memref<2x128x128xf32, #tpu.memory_space<vmem>> -> memref<1x128x128xf32, #tpu.memory_space<vmem>>
        %get3A_500 = tpu.memref_squeeze %get3A_499 : memref<1x128x128xf32, #tpu.memory_space<vmem>> -> memref<128x128xf32, #tpu.memory_space<vmem>>
        %get3A_501 = arith.index_cast %add3A_260 : i32 to index
        %get3A_502 = arith.constant 112 : index
        %get3A_503 = tpu.vector_load %get3A_500[%get3A_501, %get3A_502] {strides = array<i32>} : memref<128x128xf32, #tpu.memory_space<vmem>>, vector<1x16xf32>,
        %get3A_504 = vector.shape_cast %get3A_503 : vector<1x16xf32> to vector<16xf32>
        %get3A_505 = arith.constant 0 : i32
        %get3A_506 = arith.constant 0 : i32
        %get3A_507 = tpu.memref_slice %arg8[%scan3A_231, %get3A_505, %get3A_506] : memref<2x128x256xf32, #tpu.memory_space<vmem>> -> memref<1x128x256xf32, #tpu.memory_space<vmem>>
        %get3A_508 = tpu.memref_squeeze %get3A_507 : memref<1x128x256xf32, #tpu.memory_space<vmem>> -> memref<128x256xf32, #tpu.memory_space<vmem>>
        %get3A_509 = arith.index_cast %add3A_260 : i32 to index
        %get3A_510 = arith.constant 112 : index
        %get3A_511 = tpu.vector_load %get3A_508[%get3A_509, %get3A_510] {strides = array<i32>} : memref<128x256xf32, #tpu.memory_space<vmem>>, vector<1x16xf32>,
        %get3A_512 = vector.shape_cast %get3A_511 : vector<1x16xf32> to vector<16xf32>
        %get3A_513 = arith.constant 0 : i32
        %get3A_514 = arith.constant 0 : i32
        %get3A_515 = tpu.memref_slice %arg8[%scan3A_231, %get3A_513, %get3A_514] : memref<2x128x256xf32, #tpu.memory_space<vmem>> -> memref<1x128x256xf32, #tpu.memory_space<vmem>>
        %get3A_516 = tpu.memref_squeeze %get3A_515 : memref<1x128x256xf32, #tpu.memory_space<vmem>> -> memref<128x256xf32, #tpu.memory_space<vmem>>
        %get3A_517 = arith.index_cast %add3A_260 : i32 to index
        %get3A_518 = arith.constant 240 : index
        %get3A_519 = tpu.vector_load %get3A_516[%get3A_517, %get3A_518] {strides = array<i32>} : memref<128x256xf32, #tpu.memory_space<vmem>>, vector<1x16xf32>,
        %get3A_520 = vector.shape_cast %get3A_519 : vector<1x16xf32> to vector<16xf32>
        %sub3A_521 = arith.subf %get3A_504, %get3A_512 : vector<16xf32>
        %mul3A_522 = arith.mulf %sub3A_521, %sub3A_521 : vector<16xf32>
        %neg3A_523 = arith.constant 0.000000e+00 : f32
        %neg3A_524 = vector.broadcast %neg3A_523 : f32 to vector<16xf32>
        %neg3A_525 = arith.subf %neg3A_524, %get3A_520 : vector<16xf32>
        %exp3A_526 = math.exp %neg3A_525 : vector<16xf32>
        %mul3A_527 = arith.mulf %mul3A_522, %exp3A_526 : vector<16xf32>
        %add3A_528 = arith.addf %mul3A_527, %get3A_520 : vector<16xf32>
        %add3A_529 = arith.addf %add3A_463, %add3A_528 : vector<16xf32>
        %add3A_530 = arith.addf %add3A_496, %add3A_529 : vector<16xf32>
        %broadcast_in_dim3A_531 = vector.shape_cast %xor3A_4 : vector<16xi32> to vector<16x1xi32>
        %gather3A = vector.shape_cast %broadcast_in_dim3A_531 : vector<16x1xi32> to vector<16xi32>
        %gather3A_532 = tpu.dynamic_gather %add3A_530[%gather3A] in [0] : vector<16xf32>, vector<16xi32> -> vector<16xf32>
        %add3A_533 = arith.addf %add3A_530, %gather3A_532 : vector<16xf32>
        %broadcast_in_dim3A_534 = vector.shape_cast %xor3A_7 : vector<16xi32> to vector<16x1xi32>
        %gather3A_535 = vector.shape_cast %broadcast_in_dim3A_534 : vector<16x1xi32> to vector<16xi32>
        %gather3A_536 = tpu.dynamic_gather %add3A_533[%gather3A_535] in [0] : vector<16xf32>, vector<16xi32> -> vector<16xf32>
        %add3A_537 = arith.addf %add3A_533, %gather3A_536 : vector<16xf32>
        %broadcast_in_dim3A_538 = vector.shape_cast %xor3A_10 : vector<16xi32> to vector<16x1xi32>
        %gather3A_539 = vector.shape_cast %broadcast_in_dim3A_538 : vector<16x1xi32> to vector<16xi32>
        %gather3A_540 = tpu.dynamic_gather %add3A_537[%gather3A_539] in [0] : vector<16xf32>, vector<16xi32> -> vector<16xf32>
        %add3A_541 = arith.addf %add3A_537, %gather3A_540 : vector<16xf32>
        %broadcast_in_dim3A_542 = vector.shape_cast %xor3A_13 : vector<16xi32> to vector<16x1xi32>
        %gather3A_543 = vector.shape_cast %broadcast_in_dim3A_542 : vector<16x1xi32> to vector<16xi32>
        %gather3A_544 = tpu.dynamic_gather %add3A_541[%gather3A_543] in [0] : vector<16xf32>, vector<16xi32> -> vector<16xf32>
        %add3A_545 = arith.addf %add3A_541, %gather3A_544 : vector<16xf32>
        %add3A_546 = arith.constant 235.24826 : f32
        %add3A_547 = vector.broadcast %add3A_546 : f32 to vector<16xf32>
        %add3A_548 = arith.addf %add3A_545, %add3A_547 : vector<16xf32>
        %mul3A_549 = arith.constant -5.000000e-01 : f32
        %mul3A_550 = vector.broadcast %mul3A_549 : f32 to vector<16xf32>
        %mul3A_551 = arith.mulf %mul3A_550, %add3A_548 : vector<16xf32>
        %broadcast_in_dim3A_552 = arith.constant 0.000000e+00 : f32
        %broadcast_in_dim3A_553 = vector.broadcast %broadcast_in_dim3A_552 : f32 to vector<16xf32>
        %broadcast_in_dim3A_554 = arith.constant 0.000000e+00 : f32
        %broadcast_in_dim3A_555 = vector.broadcast %broadcast_in_dim3A_554 : f32 to vector<16xf32>
        %get3A_556 = arith.constant 0 : i32
        %get3A_557 = arith.constant 0 : i32
        %get3A_558 = tpu.memref_slice %arg7[%scan3A_230, %get3A_556, %get3A_557] : memref<2x128x128xf32, #tpu.memory_space<vmem>> -> memref<1x128x128xf32, #tpu.memory_space<vmem>>
        %get3A_559 = tpu.memref_squeeze %get3A_558 : memref<1x128x128xf32, #tpu.memory_space<vmem>> -> memref<128x128xf32, #tpu.memory_space<vmem>>
        %get3A_560 = arith.index_cast %add3A_265 : i32 to index
        %get3A_561 = arith.constant 0 : index
        %get3A_562 = tpu.vector_load %get3A_559[%get3A_560, %get3A_561] {strides = array<i32>} : memref<128x128xf32, #tpu.memory_space<vmem>>, vector<1x16xf32>,
        %get3A_563 = vector.shape_cast %get3A_562 : vector<1x16xf32> to vector<16xf32>
        %get3A_564 = arith.constant 0 : i32
        %get3A_565 = arith.constant 0 : i32
        %get3A_566 = tpu.memref_slice %arg8[%scan3A_231, %get3A_564, %get3A_565] : memref<2x128x256xf32, #tpu.memory_space<vmem>> -> memref<1x128x256xf32, #tpu.memory_space<vmem>>
        %get3A_567 = tpu.memref_squeeze %get3A_566 : memref<1x128x256xf32, #tpu.memory_space<vmem>> -> memref<128x256xf32, #tpu.memory_space<vmem>>
        %get3A_568 = arith.index_cast %add3A_265 : i32 to index
        %get3A_569 = arith.constant 0 : index
        %get3A_570 = tpu.vector_load %get3A_567[%get3A_568, %get3A_569] {strides = array<i32>} : memref<128x256xf32, #tpu.memory_space<vmem>>, vector<1x16xf32>,
        %get3A_571 = vector.shape_cast %get3A_570 : vector<1x16xf32> to vector<16xf32>
        %get3A_572 = arith.constant 0 : i32
        %get3A_573 = arith.constant 0 : i32
        %get3A_574 = tpu.memref_slice %arg8[%scan3A_231, %get3A_572, %get3A_573] : memref<2x128x256xf32, #tpu.memory_space<vmem>> -> memref<1x128x256xf32, #tpu.memory_space<vmem>>
        %get3A_575 = tpu.memref_squeeze %get3A_574 : memref<1x128x256xf32, #tpu.memory_space<vmem>> -> memref<128x256xf32, #tpu.memory_space<vmem>>
        %get3A_576 = arith.index_cast %add3A_265 : i32 to index
        %get3A_577 = arith.constant 128 : index
        %get3A_578 = tpu.vector_load %get3A_575[%get3A_576, %get3A_577] {strides = array<i32>} : memref<128x256xf32, #tpu.memory_space<vmem>>, vector<1x16xf32>,
        %get3A_579 = vector.shape_cast %get3A_578 : vector<1x16xf32> to vector<16xf32>
        %sub3A_580 = arith.subf %get3A_563, %get3A_571 : vector<16xf32>
        %mul3A_581 = arith.mulf %sub3A_580, %sub3A_580 : vector<16xf32>
        %neg3A_582 = arith.constant 0.000000e+00 : f32
        %neg3A_583 = vector.broadcast %neg3A_582 : f32 to vector<16xf32>
        %neg3A_584 = arith.subf %neg3A_583, %get3A_579 : vector<16xf32>
        %exp3A_585 = math.exp %neg3A_584 : vector<16xf32>
        %mul3A_586 = arith.mulf %mul3A_581, %exp3A_585 : vector<16xf32>
        %add3A_587 = arith.addf %mul3A_586, %get3A_579 : vector<16xf32>
        %add3A_588 = arith.addf %broadcast_in_dim3A_553, %add3A_587 : vector<16xf32>
        %get3A_589 = arith.constant 0 : i32
        %get3A_590 = arith.constant 0 : i32
        %get3A_591 = tpu.memref_slice %arg7[%scan3A_230, %get3A_589, %get3A_590] : memref<2x128x128xf32, #tpu.memory_space<vmem>> -> memref<1x128x128xf32, #tpu.memory_space<vmem>>
        %get3A_592 = tpu.memref_squeeze %get3A_591 : memref<1x128x128xf32, #tpu.memory_space<vmem>> -> memref<128x128xf32, #tpu.memory_space<vmem>>
        %get3A_593 = arith.index_cast %add3A_265 : i32 to index
        %get3A_594 = arith.constant 16 : index
        %get3A_595 = tpu.vector_load %get3A_592[%get3A_593, %get3A_594] {strides = array<i32>} : memref<128x128xf32, #tpu.memory_space<vmem>>, vector<1x16xf32>,
        %get3A_596 = vector.shape_cast %get3A_595 : vector<1x16xf32> to vector<16xf32>
        %get3A_597 = arith.constant 0 : i32
        %get3A_598 = arith.constant 0 : i32
        %get3A_599 = tpu.memref_slice %arg8[%scan3A_231, %get3A_597, %get3A_598] : memref<2x128x256xf32, #tpu.memory_space<vmem>> -> memref<1x128x256xf32, #tpu.memory_space<vmem>>
        %get3A_600 = tpu.memref_squeeze %get3A_599 : memref<1x128x256xf32, #tpu.memory_space<vmem>> -> memref<128x256xf32, #tpu.memory_space<vmem>>
        %get3A_601 = arith.index_cast %add3A_265 : i32 to index
        %get3A_602 = arith.constant 16 : index
        %get3A_603 = tpu.vector_load %get3A_600[%get3A_601, %get3A_602] {strides = array<i32>} : memref<128x256xf32, #tpu.memory_space<vmem>>, vector<1x16xf32>,
        %get3A_604 = vector.shape_cast %get3A_603 : vector<1x16xf32> to vector<16xf32>
        %get3A_605 = arith.constant 0 : i32
        %get3A_606 = arith.constant 0 : i32
        %get3A_607 = tpu.memref_slice %arg8[%scan3A_231, %get3A_605, %get3A_606] : memref<2x128x256xf32, #tpu.memory_space<vmem>> -> memref<1x128x256xf32, #tpu.memory_space<vmem>>
        %get3A_608 = tpu.memref_squeeze %get3A_607 : memref<1x128x256xf32, #tpu.memory_space<vmem>> -> memref<128x256xf32, #tpu.memory_space<vmem>>
        %get3A_609 = arith.index_cast %add3A_265 : i32 to index
        %get3A_610 = arith.constant 144 : index
        %get3A_611 = tpu.vector_load %get3A_608[%get3A_609, %get3A_610] {strides = array<i32>} : memref<128x256xf32, #tpu.memory_space<vmem>>, vector<1x16xf32>,
        %get3A_612 = vector.shape_cast %get3A_611 : vector<1x16xf32> to vector<16xf32>
        %sub3A_613 = arith.subf %get3A_596, %get3A_604 : vector<16xf32>
        %mul3A_614 = arith.mulf %sub3A_613, %sub3A_613 : vector<16xf32>
        %neg3A_615 = arith.constant 0.000000e+00 : f32
        %neg3A_616 = vector.broadcast %neg3A_615 : f32 to vector<16xf32>
        %neg3A_617 = arith.subf %neg3A_616, %get3A_612 : vector<16xf32>
        %exp3A_618 = math.exp %neg3A_617 : vector<16xf32>
        %mul3A_619 = arith.mulf %mul3A_614, %exp3A_618 : vector<16xf32>
        %add3A_620 = arith.addf %mul3A_619, %get3A_612 : vector<16xf32>
        %add3A_621 = arith.addf %broadcast_in_dim3A_555, %add3A_620 : vector<16xf32>
        %get3A_622 = arith.constant 0 : i32
        %get3A_623 = arith.constant 0 : i32
        %get3A_624 = tpu.memref_slice %arg7[%scan3A_230, %get3A_622, %get3A_623] : memref<2x128x128xf32, #tpu.memory_space<vmem>> -> memref<1x128x128xf32, #tpu.memory_space<vmem>>
        %get3A_625 = tpu.memref_squeeze %get3A_624 : memref<1x128x128xf32, #tpu.memory_space<vmem>> -> memref<128x128xf32, #tpu.memory_space<vmem>>
        %get3A_626 = arith.index_cast %add3A_265 : i32 to index
        %get3A_627 = arith.constant 32 : index
        %get3A_628 = tpu.vector_load %get3A_625[%get3A_626, %get3A_627] {strides = array<i32>} : memref<128x128xf32, #tpu.memory_space<vmem>>, vector<1x16xf32>,
        %get3A_629 = vector.shape_cast %get3A_628 : vector<1x16xf32> to vector<16xf32>
        %get3A_630 = arith.constant 0 : i32
        %get3A_631 = arith.constant 0 : i32
        %get3A_632 = tpu.memref_slice %arg8[%scan3A_231, %get3A_630, %get3A_631] : memref<2x128x256xf32, #tpu.memory_space<vmem>> -> memref<1x128x256xf32, #tpu.memory_space<vmem>>
        %get3A_633 = tpu.memref_squeeze %get3A_632 : memref<1x128x256xf32, #tpu.memory_space<vmem>> -> memref<128x256xf32, #tpu.memory_space<vmem>>
        %get3A_634 = arith.index_cast %add3A_265 : i32 to index
        %get3A_635 = arith.constant 32 : index
        %get3A_636 = tpu.vector_load %get3A_633[%get3A_634, %get3A_635] {strides = array<i32>} : memref<128x256xf32, #tpu.memory_space<vmem>>, vector<1x16xf32>,
        %get3A_637 = vector.shape_cast %get3A_636 : vector<1x16xf32> to vector<16xf32>
        %get3A_638 = arith.constant 0 : i32
        %get3A_639 = arith.constant 0 : i32
        %get3A_640 = tpu.memref_slice %arg8[%scan3A_231, %get3A_638, %get3A_639] : memref<2x128x256xf32, #tpu.memory_space<vmem>> -> memref<1x128x256xf32, #tpu.memory_space<vmem>>
        %get3A_641 = tpu.memref_squeeze %get3A_640 : memref<1x128x256xf32, #tpu.memory_space<vmem>> -> memref<128x256xf32, #tpu.memory_space<vmem>>
        %get3A_642 = arith.index_cast %add3A_265 : i32 to index
        %get3A_643 = arith.constant 160 : index
        %get3A_644 = tpu.vector_load %get3A_641[%get3A_642, %get3A_643] {strides = array<i32>} : memref<128x256xf32, #tpu.memory_space<vmem>>, vector<1x16xf32>,
        %get3A_645 = vector.shape_cast %get3A_644 : vector<1x16xf32> to vector<16xf32>
        %sub3A_646 = arith.subf %get3A_629, %get3A_637 : vector<16xf32>
        %mul3A_647 = arith.mulf %sub3A_646, %sub3A_646 : vector<16xf32>
        %neg3A_648 = arith.constant 0.000000e+00 : f32
        %neg3A_649 = vector.broadcast %neg3A_648 : f32 to vector<16xf32>
        %neg3A_650 = arith.subf %neg3A_649, %get3A_645 : vector<16xf32>
        %exp3A_651 = math.exp %neg3A_650 : vector<16xf32>
        %mul3A_652 = arith.mulf %mul3A_647, %exp3A_651 : vector<16xf32>
        %add3A_653 = arith.addf %mul3A_652, %get3A_645 : vector<16xf32>
        %add3A_654 = arith.addf %add3A_588, %add3A_653 : vector<16xf32>
        %get3A_655 = arith.constant 0 : i32
        %get3A_656 = arith.constant 0 : i32
        %get3A_657 = tpu.memref_slice %arg7[%scan3A_230, %get3A_655, %get3A_656] : memref<2x128x128xf32, #tpu.memory_space<vmem>> -> memref<1x128x128xf32, #tpu.memory_space<vmem>>
        %get3A_658 = tpu.memref_squeeze %get3A_657 : memref<1x128x128xf32, #tpu.memory_space<vmem>> -> memref<128x128xf32, #tpu.memory_space<vmem>>
        %get3A_659 = arith.index_cast %add3A_265 : i32 to index
        %get3A_660 = arith.constant 48 : index
        %get3A_661 = tpu.vector_load %get3A_658[%get3A_659, %get3A_660] {strides = array<i32>} : memref<128x128xf32, #tpu.memory_space<vmem>>, vector<1x16xf32>,
        %get3A_662 = vector.shape_cast %get3A_661 : vector<1x16xf32> to vector<16xf32>
        %get3A_663 = arith.constant 0 : i32
        %get3A_664 = arith.constant 0 : i32
        %get3A_665 = tpu.memref_slice %arg8[%scan3A_231, %get3A_663, %get3A_664] : memref<2x128x256xf32, #tpu.memory_space<vmem>> -> memref<1x128x256xf32, #tpu.memory_space<vmem>>
        %get3A_666 = tpu.memref_squeeze %get3A_665 : memref<1x128x256xf32, #tpu.memory_space<vmem>> -> memref<128x256xf32, #tpu.memory_space<vmem>>
        %get3A_667 = arith.index_cast %add3A_265 : i32 to index
        %get3A_668 = arith.constant 48 : index
        %get3A_669 = tpu.vector_load %get3A_666[%get3A_667, %get3A_668] {strides = array<i32>} : memref<128x256xf32, #tpu.memory_space<vmem>>, vector<1x16xf32>,
        %get3A_670 = vector.shape_cast %get3A_669 : vector<1x16xf32> to vector<16xf32>
        %get3A_671 = arith.constant 0 : i32
        %get3A_672 = arith.constant 0 : i32
        %get3A_673 = tpu.memref_slice %arg8[%scan3A_231, %get3A_671, %get3A_672] : memref<2x128x256xf32, #tpu.memory_space<vmem>> -> memref<1x128x256xf32, #tpu.memory_space<vmem>>
        %get3A_674 = tpu.memref_squeeze %get3A_673 : memref<1x128x256xf32, #tpu.memory_space<vmem>> -> memref<128x256xf32, #tpu.memory_space<vmem>>
        %get3A_675 = arith.index_cast %add3A_265 : i32 to index
        %get3A_676 = arith.constant 176 : index
        %get3A_677 = tpu.vector_load %get3A_674[%get3A_675, %get3A_676] {strides = array<i32>} : memref<128x256xf32, #tpu.memory_space<vmem>>, vector<1x16xf32>,
        %get3A_678 = vector.shape_cast %get3A_677 : vector<1x16xf32> to vector<16xf32>
        %sub3A_679 = arith.subf %get3A_662, %get3A_670 : vector<16xf32>
        %mul3A_680 = arith.mulf %sub3A_679, %sub3A_679 : vector<16xf32>
        %neg3A_681 = arith.constant 0.000000e+00 : f32
        %neg3A_682 = vector.broadcast %neg3A_681 : f32 to vector<16xf32>
        %neg3A_683 = arith.subf %neg3A_682, %get3A_678 : vector<16xf32>
        %exp3A_684 = math.exp %neg3A_683 : vector<16xf32>
        %mul3A_685 = arith.mulf %mul3A_680, %exp3A_684 : vector<16xf32>
        %add3A_686 = arith.addf %mul3A_685, %get3A_678 : vector<16xf32>
        %add3A_687 = arith.addf %add3A_621, %add3A_686 : vector<16xf32>
        %get3A_688 = arith.constant 0 : i32
        %get3A_689 = arith.constant 0 : i32
        %get3A_690 = tpu.memref_slice %arg7[%scan3A_230, %get3A_688, %get3A_689] : memref<2x128x128xf32, #tpu.memory_space<vmem>> -> memref<1x128x128xf32, #tpu.memory_space<vmem>>
        %get3A_691 = tpu.memref_squeeze %get3A_690 : memref<1x128x128xf32, #tpu.memory_space<vmem>> -> memref<128x128xf32, #tpu.memory_space<vmem>>
        %get3A_692 = arith.index_cast %add3A_265 : i32 to index
        %get3A_693 = arith.constant 64 : index
        %get3A_694 = tpu.vector_load %get3A_691[%get3A_692, %get3A_693] {strides = array<i32>} : memref<128x128xf32, #tpu.memory_space<vmem>>, vector<1x16xf32>,
        %get3A_695 = vector.shape_cast %get3A_694 : vector<1x16xf32> to vector<16xf32>
        %get3A_696 = arith.constant 0 : i32
        %get3A_697 = arith.constant 0 : i32
        %get3A_698 = tpu.memref_slice %arg8[%scan3A_231, %get3A_696, %get3A_697] : memref<2x128x256xf32, #tpu.memory_space<vmem>> -> memref<1x128x256xf32, #tpu.memory_space<vmem>>
        %get3A_699 = tpu.memref_squeeze %get3A_698 : memref<1x128x256xf32, #tpu.memory_space<vmem>> -> memref<128x256xf32, #tpu.memory_space<vmem>>
        %get3A_700 = arith.index_cast %add3A_265 : i32 to index
        %get3A_701 = arith.constant 64 : index
        %get3A_702 = tpu.vector_load %get3A_699[%get3A_700, %get3A_701] {strides = array<i32>} : memref<128x256xf32, #tpu.memory_space<vmem>>, vector<1x16xf32>,
        %get3A_703 = vector.shape_cast %get3A_702 : vector<1x16xf32> to vector<16xf32>
        %get3A_704 = arith.constant 0 : i32
        %get3A_705 = arith.constant 0 : i32
        %get3A_706 = tpu.memref_slice %arg8[%scan3A_231, %get3A_704, %get3A_705] : memref<2x128x256xf32, #tpu.memory_space<vmem>> -> memref<1x128x256xf32, #tpu.memory_space<vmem>>
        %get3A_707 = tpu.memref_squeeze %get3A_706 : memref<1x128x256xf32, #tpu.memory_space<vmem>> -> memref<128x256xf32, #tpu.memory_space<vmem>>
        %get3A_708 = arith.index_cast %add3A_265 : i32 to index
        %get3A_709 = arith.constant 192 : index
        %get3A_710 = tpu.vector_load %get3A_707[%get3A_708, %get3A_709] {strides = array<i32>} : memref<128x256xf32, #tpu.memory_space<vmem>>, vector<1x16xf32>,
        %get3A_711 = vector.shape_cast %get3A_710 : vector<1x16xf32> to vector<16xf32>
        %sub3A_712 = arith.subf %get3A_695, %get3A_703 : vector<16xf32>
        %mul3A_713 = arith.mulf %sub3A_712, %sub3A_712 : vector<16xf32>
        %neg3A_714 = arith.constant 0.000000e+00 : f32
        %neg3A_715 = vector.broadcast %neg3A_714 : f32 to vector<16xf32>
        %neg3A_716 = arith.subf %neg3A_715, %get3A_711 : vector<16xf32>
        %exp3A_717 = math.exp %neg3A_716 : vector<16xf32>
        %mul3A_718 = arith.mulf %mul3A_713, %exp3A_717 : vector<16xf32>
        %add3A_719 = arith.addf %mul3A_718, %get3A_711 : vector<16xf32>
        %add3A_720 = arith.addf %add3A_654, %add3A_719 : vector<16xf32>
        %get3A_721 = arith.constant 0 : i32
        %get3A_722 = arith.constant 0 : i32
        %get3A_723 = tpu.memref_slice %arg7[%scan3A_230, %get3A_721, %get3A_722] : memref<2x128x128xf32, #tpu.memory_space<vmem>> -> memref<1x128x128xf32, #tpu.memory_space<vmem>>
        %get3A_724 = tpu.memref_squeeze %get3A_723 : memref<1x128x128xf32, #tpu.memory_space<vmem>> -> memref<128x128xf32, #tpu.memory_space<vmem>>
        %get3A_725 = arith.index_cast %add3A_265 : i32 to index
        %get3A_726 = arith.constant 80 : index
        %get3A_727 = tpu.vector_load %get3A_724[%get3A_725, %get3A_726] {strides = array<i32>} : memref<128x128xf32, #tpu.memory_space<vmem>>, vector<1x16xf32>,
        %get3A_728 = vector.shape_cast %get3A_727 : vector<1x16xf32> to vector<16xf32>
        %get3A_729 = arith.constant 0 : i32
        %get3A_730 = arith.constant 0 : i32
        %get3A_731 = tpu.memref_slice %arg8[%scan3A_231, %get3A_729, %get3A_730] : memref<2x128x256xf32, #tpu.memory_space<vmem>> -> memref<1x128x256xf32, #tpu.memory_space<vmem>>
        %get3A_732 = tpu.memref_squeeze %get3A_731 : memref<1x128x256xf32, #tpu.memory_space<vmem>> -> memref<128x256xf32, #tpu.memory_space<vmem>>
        %get3A_733 = arith.index_cast %add3A_265 : i32 to index
        %get3A_734 = arith.constant 80 : index
        %get3A_735 = tpu.vector_load %get3A_732[%get3A_733, %get3A_734] {strides = array<i32>} : memref<128x256xf32, #tpu.memory_space<vmem>>, vector<1x16xf32>,
        %get3A_736 = vector.shape_cast %get3A_735 : vector<1x16xf32> to vector<16xf32>
        %get3A_737 = arith.constant 0 : i32
        %get3A_738 = arith.constant 0 : i32
        %get3A_739 = tpu.memref_slice %arg8[%scan3A_231, %get3A_737, %get3A_738] : memref<2x128x256xf32, #tpu.memory_space<vmem>> -> memref<1x128x256xf32, #tpu.memory_space<vmem>>
        %get3A_740 = tpu.memref_squeeze %get3A_739 : memref<1x128x256xf32, #tpu.memory_space<vmem>> -> memref<128x256xf32, #tpu.memory_space<vmem>>
        %get3A_741 = arith.index_cast %add3A_265 : i32 to index
        %get3A_742 = arith.constant 208 : index
        %get3A_743 = tpu.vector_load %get3A_740[%get3A_741, %get3A_742] {strides = array<i32>} : memref<128x256xf32, #tpu.memory_space<vmem>>, vector<1x16xf32>,
        %get3A_744 = vector.shape_cast %get3A_743 : vector<1x16xf32> to vector<16xf32>
        %sub3A_745 = arith.subf %get3A_728, %get3A_736 : vector<16xf32>
        %mul3A_746 = arith.mulf %sub3A_745, %sub3A_745 : vector<16xf32>
        %neg3A_747 = arith.constant 0.000000e+00 : f32
        %neg3A_748 = vector.broadcast %neg3A_747 : f32 to vector<16xf32>
        %neg3A_749 = arith.subf %neg3A_748, %get3A_744 : vector<16xf32>
        %exp3A_750 = math.exp %neg3A_749 : vector<16xf32>
        %mul3A_751 = arith.mulf %mul3A_746, %exp3A_750 : vector<16xf32>
        %add3A_752 = arith.addf %mul3A_751, %get3A_744 : vector<16xf32>
        %add3A_753 = arith.addf %add3A_687, %add3A_752 : vector<16xf32>
        %get3A_754 = arith.constant 0 : i32
        %get3A_755 = arith.constant 0 : i32
        %get3A_756 = tpu.memref_slice %arg7[%scan3A_230, %get3A_754, %get3A_755] : memref<2x128x128xf32, #tpu.memory_space<vmem>> -> memref<1x128x128xf32, #tpu.memory_space<vmem>>
        %get3A_757 = tpu.memref_squeeze %get3A_756 : memref<1x128x128xf32, #tpu.memory_space<vmem>> -> memref<128x128xf32, #tpu.memory_space<vmem>>
        %get3A_758 = arith.index_cast %add3A_265 : i32 to index
        %get3A_759 = arith.constant 96 : index
        %get3A_760 = tpu.vector_load %get3A_757[%get3A_758, %get3A_759] {strides = array<i32>} : memref<128x128xf32, #tpu.memory_space<vmem>>, vector<1x16xf32>,
        %get3A_761 = vector.shape_cast %get3A_760 : vector<1x16xf32> to vector<16xf32>
        %get3A_762 = arith.constant 0 : i32
        %get3A_763 = arith.constant 0 : i32
        %get3A_764 = tpu.memref_slice %arg8[%scan3A_231, %get3A_762, %get3A_763] : memref<2x128x256xf32, #tpu.memory_space<vmem>> -> memref<1x128x256xf32, #tpu.memory_space<vmem>>
        %get3A_765 = tpu.memref_squeeze %get3A_764 : memref<1x128x256xf32, #tpu.memory_space<vmem>> -> memref<128x256xf32, #tpu.memory_space<vmem>>
        %get3A_766 = arith.index_cast %add3A_265 : i32 to index
        %get3A_767 = arith.constant 96 : index
        %get3A_768 = tpu.vector_load %get3A_765[%get3A_766, %get3A_767] {strides = array<i32>} : memref<128x256xf32, #tpu.memory_space<vmem>>, vector<1x16xf32>,
        %get3A_769 = vector.shape_cast %get3A_768 : vector<1x16xf32> to vector<16xf32>
        %get3A_770 = arith.constant 0 : i32
        %get3A_771 = arith.constant 0 : i32
        %get3A_772 = tpu.memref_slice %arg8[%scan3A_231, %get3A_770, %get3A_771] : memref<2x128x256xf32, #tpu.memory_space<vmem>> -> memref<1x128x256xf32, #tpu.memory_space<vmem>>
        %get3A_773 = tpu.memref_squeeze %get3A_772 : memref<1x128x256xf32, #tpu.memory_space<vmem>> -> memref<128x256xf32, #tpu.memory_space<vmem>>
        %get3A_774 = arith.index_cast %add3A_265 : i32 to index
        %get3A_775 = arith.constant 224 : index
        %get3A_776 = tpu.vector_load %get3A_773[%get3A_774, %get3A_775] {strides = array<i32>} : memref<128x256xf32, #tpu.memory_space<vmem>>, vector<1x16xf32>,
        %get3A_777 = vector.shape_cast %get3A_776 : vector<1x16xf32> to vector<16xf32>
        %sub3A_778 = arith.subf %get3A_761, %get3A_769 : vector<16xf32>
        %mul3A_779 = arith.mulf %sub3A_778, %sub3A_778 : vector<16xf32>
        %neg3A_780 = arith.constant 0.000000e+00 : f32
        %neg3A_781 = vector.broadcast %neg3A_780 : f32 to vector<16xf32>
        %neg3A_782 = arith.subf %neg3A_781, %get3A_777 : vector<16xf32>
        %exp3A_783 = math.exp %neg3A_782 : vector<16xf32>
        %mul3A_784 = arith.mulf %mul3A_779, %exp3A_783 : vector<16xf32>
        %add3A_785 = arith.addf %mul3A_784, %get3A_777 : vector<16xf32>
        %add3A_786 = arith.addf %add3A_720, %add3A_785 : vector<16xf32>
        %get3A_787 = arith.constant 0 : i32
        %get3A_788 = arith.constant 0 : i32
        %get3A_789 = tpu.memref_slice %arg7[%scan3A_230, %get3A_787, %get3A_788] : memref<2x128x128xf32, #tpu.memory_space<vmem>> -> memref<1x128x128xf32, #tpu.memory_space<vmem>>
        %get3A_790 = tpu.memref_squeeze %get3A_789 : memref<1x128x128xf32, #tpu.memory_space<vmem>> -> memref<128x128xf32, #tpu.memory_space<vmem>>
        %get3A_791 = arith.index_cast %add3A_265 : i32 to index
        %get3A_792 = arith.constant 112 : index
        %get3A_793 = tpu.vector_load %get3A_790[%get3A_791, %get3A_792] {strides = array<i32>} : memref<128x128xf32, #tpu.memory_space<vmem>>, vector<1x16xf32>,
        %get3A_794 = vector.shape_cast %get3A_793 : vector<1x16xf32> to vector<16xf32>
        %get3A_795 = arith.constant 0 : i32
        %get3A_796 = arith.constant 0 : i32
        %get3A_797 = tpu.memref_slice %arg8[%scan3A_231, %get3A_795, %get3A_796] : memref<2x128x256xf32, #tpu.memory_space<vmem>> -> memref<1x128x256xf32, #tpu.memory_space<vmem>>
        %get3A_798 = tpu.memref_squeeze %get3A_797 : memref<1x128x256xf32, #tpu.memory_space<vmem>> -> memref<128x256xf32, #tpu.memory_space<vmem>>
        %get3A_799 = arith.index_cast %add3A_265 : i32 to index
        %get3A_800 = arith.constant 112 : index
        %get3A_801 = tpu.vector_load %get3A_798[%get3A_799, %get3A_800] {strides = array<i32>} : memref<128x256xf32, #tpu.memory_space<vmem>>, vector<1x16xf32>,
        %get3A_802 = vector.shape_cast %get3A_801 : vector<1x16xf32> to vector<16xf32>
        %get3A_803 = arith.constant 0 : i32
        %get3A_804 = arith.constant 0 : i32
        %get3A_805 = tpu.memref_slice %arg8[%scan3A_231, %get3A_803, %get3A_804] : memref<2x128x256xf32, #tpu.memory_space<vmem>> -> memref<1x128x256xf32, #tpu.memory_space<vmem>>
        %get3A_806 = tpu.memref_squeeze %get3A_805 : memref<1x128x256xf32, #tpu.memory_space<vmem>> -> memref<128x256xf32, #tpu.memory_space<vmem>>
        %get3A_807 = arith.index_cast %add3A_265 : i32 to index
        %get3A_808 = arith.constant 240 : index
        %get3A_809 = tpu.vector_load %get3A_806[%get3A_807, %get3A_808] {strides = array<i32>} : memref<128x256xf32, #tpu.memory_space<vmem>>, vector<1x16xf32>,
        %get3A_810 = vector.shape_cast %get3A_809 : vector<1x16xf32> to vector<16xf32>
        %sub3A_811 = arith.subf %get3A_794, %get3A_802 : vector<16xf32>
        %mul3A_812 = arith.mulf %sub3A_811, %sub3A_811 : vector<16xf32>
        %neg3A_813 = arith.constant 0.000000e+00 : f32
        %neg3A_814 = vector.broadcast %neg3A_813 : f32 to vector<16xf32>
        %neg3A_815 = arith.subf %neg3A_814, %get3A_810 : vector<16xf32>
        %exp3A_816 = math.exp %neg3A_815 : vector<16xf32>
        %mul3A_817 = arith.mulf %mul3A_812, %exp3A_816 : vector<16xf32>
        %add3A_818 = arith.addf %mul3A_817, %get3A_810 : vector<16xf32>
        %add3A_819 = arith.addf %add3A_753, %add3A_818 : vector<16xf32>
        %add3A_820 = arith.addf %add3A_786, %add3A_819 : vector<16xf32>
        %broadcast_in_dim3A_821 = vector.shape_cast %xor3A_4 : vector<16xi32> to vector<16x1xi32>
        %gather3A_822 = vector.shape_cast %broadcast_in_dim3A_821 : vector<16x1xi32> to vector<16xi32>
        %gather3A_823 = tpu.dynamic_gather %add3A_820[%gather3A_822] in [0] : vector<16xf32>, vector<16xi32> -> vector<16xf32>
        %add3A_824 = arith.addf %add3A_820, %gather3A_823 : vector<16xf32>
        %broadcast_in_dim3A_825 = vector.shape_cast %xor3A_7 : vector<16xi32> to vector<16x1xi32>
        %gather3A_826 = vector.shape_cast %broadcast_in_dim3A_825 : vector<16x1xi32> to vector<16xi32>
        %gather3A_827 = tpu.dynamic_gather %add3A_824[%gather3A_826] in [0] : vector<16xf32>, vector<16xi32> -> vector<16xf32>
        %add3A_828 = arith.addf %add3A_824, %gather3A_827 : vector<16xf32>
        %broadcast_in_dim3A_829 = vector.shape_cast %xor3A_10 : vector<16xi32> to vector<16x1xi32>
        %gather3A_830 = vector.shape_cast %broadcast_in_dim3A_829 : vector<16x1xi32> to vector<16xi32>
        %gather3A_831 = tpu.dynamic_gather %add3A_828[%gather3A_830] in [0] : vector<16xf32>, vector<16xi32> -> vector<16xf32>
        %add3A_832 = arith.addf %add3A_828, %gather3A_831 : vector<16xf32>
        %broadcast_in_dim3A_833 = vector.shape_cast %xor3A_13 : vector<16xi32> to vector<16x1xi32>
        %gather3A_834 = vector.shape_cast %broadcast_in_dim3A_833 : vector<16x1xi32> to vector<16xi32>
        %gather3A_835 = tpu.dynamic_gather %add3A_832[%gather3A_834] in [0] : vector<16xf32>, vector<16xi32> -> vector<16xf32>
        %add3A_836 = arith.addf %add3A_832, %gather3A_835 : vector<16xf32>
        %add3A_837 = arith.constant 235.24826 : f32
        %add3A_838 = vector.broadcast %add3A_837 : f32 to vector<16xf32>
        %add3A_839 = arith.addf %add3A_836, %add3A_838 : vector<16xf32>
        %mul3A_840 = arith.constant -5.000000e-01 : f32
        %mul3A_841 = vector.broadcast %mul3A_840 : f32 to vector<16xf32>
        %mul3A_842 = arith.mulf %mul3A_841, %add3A_839 : vector<16xf32>
        %eq3A = vector.broadcast %scan3A_256 : i32 to vector<16xi32>
        %eq3A_843 = arith.cmpi eq, %iota3A, %eq3A : vector<16xi32>
        %select_n3A = arith.select %eq3A_843, %mul3A_551, %scan3A_257 : vector<16xi1>, vector<16xf32>
        %add3A_844 = arith.constant 8 : i32
        %add3A_845 = arith.addi %scan3A_256, %add3A_844 : i32
        %eq3A_846 = vector.broadcast %add3A_845 : i32 to vector<16xi32>
        %eq3A_847 = arith.cmpi eq, %iota3A, %eq3A_846 : vector<16xi32>
        %select_n3A_848 = arith.select %eq3A_847, %mul3A_842, %select_n3A : vector<16xi1>, vector<16xf32>
        scf.yield %select_n3A_848 : vector<16xf32>
      }
      %scan3A_247 = arith.constant 8 : i32
      %mul3A_248 = arith.constant 16 : i32
      %mul3A_249 = arith.muli %scan3A_239, %mul3A_248 : i32
      %add3A_250 = arith.constant 384 : i32
      %add3A_251 = arith.addi %add3A_250, %mul3A_249 : i32
      %swap3A = arith.index_cast %add3A_251 : i32 to index
      %swap3A_252 = tpu.vector_load %arg9[%swap3A] {strides = array<i32>} : memref<512xf32, #tpu.memory_space<vmem>>, vector<16xf32>,
      %swap3A_253 = vector.shape_cast %swap3A_252 : vector<16xf32> to vector<16xf32>
      %swap3A_254 = vector.shape_cast %scan3A_246 : vector<16xf32> to vector<16xf32>
      tpu.vector_store %arg9[%swap3A], %swap3A_254 {strides = array<i32>} : memref<512xf32, #tpu.memory_space<vmem>>, vector<16xf32>,
      %scan3A_255 = arith.constant 0 : i32
      scf.yield %scan3A_255 : i32
    }
    %scan3A_238 = arith.constant 8 : i32
    "tpu.region"() ({
      %run_scoped3A = tpu.sem_alloc : memref<!tpu.dma_semaphore, #tpu.memory_space<semaphore_mem>>
      %dma_start3A_239 = tpu.memref_slice %arg5[%mul3A_2] : memref<16384xf32, #tpu.memory_space<hbm>> -> memref<512xf32, #tpu.memory_space<hbm>>
      %dma_start3A_240 = tpu.memref_slice %arg5[%mul3A_2] : memref<16384xf32, #tpu.memory_space<hbm>> -> memref<512xf32, #tpu.memory_space<hbm>>
      tpu.enqueue_dma source(%arg9 : memref<512xf32, #tpu.memory_space<vmem>>) target(%dma_start3A_240 : memref<512xf32, #tpu.memory_space<hbm>>) target_semaphore(%run_scoped3A : memref<!tpu.dma_semaphore, #tpu.memory_space<semaphore_mem>>)
      %dma_wait3A_241 = tpu.memref_slice %arg5[%mul3A_2] : memref<16384xf32, #tpu.memory_space<hbm>> -> memref<512xf32, #tpu.memory_space<hbm>>
      %dma_wait3A_242 = tpu.memref_slice %arg5[%mul3A_2] : memref<16384xf32, #tpu.memory_space<hbm>> -> memref<512xf32, #tpu.memory_space<hbm>>
      tpu.wait_dma2 semaphore(%run_scoped3A : memref<!tpu.dma_semaphore, #tpu.memory_space<semaphore_mem>>) src(%arg9 : memref<512xf32, #tpu.memory_space<vmem>>) dst(%dma_wait3A_242 : memref<512xf32, #tpu.memory_space<hbm>>)
      tpu.yield
    }) : () -> ()
    return
  }
}

</mosaic_0001>

<sc_bundles>
// kernel: kernel.3.cloned.1.call-start
scs
__scs_entry_jumppad:
0x0: {  	(pc) =	sbr.rel $0x88, $3  }
0x1: {  	(tag) =	ssettag $0x0;
	lr =	simm.s32 $0x1  }
0x2: {  	[smem:$0x3F9D] =	sst lr;
	_ =	strace $0xD0000000  }
0x3: {  	_ = 	snop  }
0x4: {  	_ = 	snop  }
0x5: {  	_ = 	snop  }
0x6: {  	_ = 	snop  }
0x7: {  	_ = 	snop  }
__scs_overlays_trampoline_lowered:
0x8: {  	[smem:$0x3FAC] =	sst s0  }
0x9: {  	[smem:$0x3FAD] =	sst s1  }
0xa: {  	[smem:$0x3FAE] =	sst s2  }
0xb: {  	[smem:$0x3FAF] =	sst s3  }
0xc: {  	[smem:$0x3FB0] =	sst s4  }
0xd: {  	[smem:$0x3FB1] =	sst s5  }
0xe: {  	[smem:$0x3FB2] =	sst s6  }
0xf: {  	[smem:$0x3FB3] =	sst s7  }
0x10: {  	[smem:$0x3FB4] =	sst s8  }
0x11: {  	[smem:$0x3FB5] =	sst s9;
	s0 =	simm.s32 @!p0 $0x0  }
0x12: {  	s1 =	sld [smem:$0x3F9B];
	s0 =	simm.s32 @p0 $0x1  }
0x13: {  	[smem:$0x3FB6] =	sst s0;
	s0 =	simm.s32 @!p1 $0x0  }
0x14: {  	s2 =	sld [smem:$0x3F9A];
	s0 =	simm.s32 @p1 $0x1  }
0x15: {  	[smem:$0x3FB7] =	sst s0;
	s0 =	simm.s32 @!p2 $0x0  }
0x16: {  	s3 =	sld [smem:$0x3FDB];
	s0 =	simm.s32 @p2 $0x1  }
0x17: {  	s4 =	simm.s32 $0x1BF5;
	[smem:$0x3FB9] =	sst s0  }
0x18: {  	s0 =	sld [smem:$0x3F9C];
	_ =	swait.ge [sflag:s4], $0x0  }
0x19: {  	s7 =	sld [smem:$0x3F9D]  }
0x1a: {  	s8 =	sadd.s32 $0xFFFFE003, lr  }
0x1b: {  	s9 =	sadd.s32 $0xFFFFFEF7, lr;
	s5 =	simm.s32 $0xFFFFFFFF;
	p2 =	slt.u32 s8, $0xFFFFF086  }
0x1c: {  	p1 =	slt.u32 s9, $0xF7A;
	s5 =	simm.s32 @!p2 $0x0  }
0x1d: {  	s5 =	simm.s32 @p1 $0x1;
	p0 =	seq.s32 s7, s2  }
0x1e: {  	s7 =	smul.u32 @!p0 $0xF7A, s2;
	p2 =	seq.s32 @!p0 s5, $0x0  }
0x1f: {  	s9 =	smul.u32 $0xF7A, s1;
	s8 =	simm.s32 @!p0 $0x1BF5;
	p2 =	por !p2, p0  }
0x20: {  	[sflag:s8] =	ssyncset.s32 @!p0 $0xFFFFF086;
	s6 =	sadd.s32 @!p0 s3, s7;
	s7 =	simm.s32 @!p0 $0x108  }
0x21: {  	s3 =	sadd.s32 s3, s9;
	s6 =	sadd.s32 @!p0 $0x88, s6;
	s7 =	simm.s32 @p2 $0x1082  }
0x22: {  	[simem:s7], [sflag:s8] =	dma.local @!p0 [hbm:s6], $0xF7A  }
0x23: {  	s9 =	sor.u32 $0xD0000000, s2;
	s6 =	simm.s32 $0x108;
	_ =	swait.ge @!p0 [sflag:s8], $0x0  }
0x24: {  	s3 =	sadd.s32 $0x88, s3;
	s6 =	simm.s32 @!p1 $0x1082;
	[sflag:s4] =	ssyncset.s32 $0xFFFFF086  }
0x25: {  	[simem:s6], [sflag:s4] =	dma.local [hbm:s3], $0xF7A  }
0x26: {  	[smem:$0x3F9D] =	sst s1;
	(tag) =	ssettag s2;
	_ =	strace s9  }
0x27: {  	s1 =	sld [smem:$0x3FAD]  }
0x28: {  	s2 =	sld [smem:$0x3FAE]  }
0x29: {  	s4 =	sld [smem:$0x3FB0]  }
0x2a: {  	p0 =	seq.s32 s5, $0x0;
	s5 =	sld [smem:$0x3FB1]  }
0x2b: {  	s6 =	sld [smem:$0x3FB2]  }
0x2c: {  	s7 =	sld [smem:$0x3FB3]  }
0x2d: {  	s3 =	simm.s32 $0x108;
	s8 =	sld [smem:$0x3FB4]  }
0x2e: {  	s3 =	simm.s32 @!p0 $0x1082;
	s9 =	sld [smem:$0x3FB5]  }
0x2f: {  	lr =	sadd.s32 s0, s3;
	s0 =	sld [smem:$0x3FAC]  }
0x30: {  	s3 =	sld [smem:$0x3FAF]  }
0x31: {  	[smem:$0x3FB8] =	sst s10  }
0x32: {  	s10 =	sld [smem:$0x3FB6];
	_ =	sdelay $0x3  }
0x33: {  	p0 =	seq.s32 s10, $0x1;
	s10 =	sld [smem:$0x3FB8];
	_ =	sdelay $0x3  }
0x34: {  	[smem:$0x3FB8] =	sst s10  }
0x35: {  	s10 =	sld [smem:$0x3FB7];
	_ =	sdelay $0x3  }
0x36: {  	p1 =	seq.s32 s10, $0x1;
	s10 =	sld [smem:$0x3FB8];
	_ =	sdelay $0x3  }
0x37: {  	[smem:$0x3FB8] =	sst s10  }
0x38: {  	s10 =	sld [smem:$0x3FB9]  }
0x39: {  	_ = 	snop;
	(pc) =	sbr.ind lr, $3  }
0x3a: {  	_ = 	snop  }
0x3b: {  	_ = 	snop  }
0x3c: {  	p2 =	seq.s32 s10, $0x1;
	s10 =	sld [smem:$0x3FB8]  }
0x3d: {  	_ =	shalt  }
0x3e: {  	_ =	shalt  }
0x3f: {  	_ =	shalt  }
0x40: {  	_ =	shalt  }
0x41: {  	_ =	shalt  }
0x42: {  	_ =	shalt  }
0x43: {  	_ =	shalt  }
0x44: {  	_ =	shalt  }
0x45: {  	_ =	shalt  }
0x46: {  	_ =	shalt  }
0x47: {  	_ =	shalt  }
0x48: {  	_ =	shalt  }
0x49: {  	_ =	shalt  }
0x4a: {  	_ =	shalt  }
0x4b: {  	_ =	shalt  }
0x4c: {  	_ =	shalt  }
0x4d: {  	_ =	shalt  }
0x4e: {  	_ =	shalt  }
0x4f: {  	_ =	shalt  }
0x50: {  	_ =	shalt  }
0x51: {  	_ =	shalt  }
0x52: {  	_ =	shalt  }
0x53: {  	_ =	shalt  }
0x54: {  	_ =	shalt  }
0x55: {  	_ =	shalt  }
0x56: {  	_ =	shalt  }
0x57: {  	_ =	shalt  }
0x58: {  	_ =	shalt  }
0x59: {  	_ =	shalt  }
0x5a: {  	_ =	shalt  }
0x5b: {  	_ =	shalt  }
0x5c: {  	_ =	shalt  }
0x5d: {  	_ =	shalt  }
0x5e: {  	_ =	shalt  }
0x5f: {  	_ =	shalt  }
0x60: {  	_ =	shalt  }
0x61: {  	_ =	shalt  }
0x62: {  	_ =	shalt  }
0x63: {  	_ =	shalt  }
0x64: {  	_ =	shalt  }
0x65: {  	_ =	shalt  }
0x66: {  	_ =	shalt  }
0x67: {  	_ =	shalt  }
0x68: {  	_ =	shalt  }
0x69: {  	_ =	shalt  }
0x6a: {  	_ =	shalt  }
0x6b: {  	_ =	shalt  }
0x6c: {  	_ =	shalt  }
0x6d: {  	_ =	shalt  }
0x6e: {  	_ =	shalt  }
0x6f: {  	_ =	shalt  }
0x70: {  	_ =	shalt  }
0x71: {  	_ =	shalt  }
0x72: {  	_ =	shalt  }
0x73: {  	_ =	shalt  }
0x74: {  	_ =	shalt  }
0x75: {  	_ =	shalt  }
0x76: {  	_ =	shalt  }
0x77: {  	_ =	shalt  }
0x78: {  	_ =	shalt  }
0x79: {  	_ =	shalt  }
0x7a: {  	_ =	shalt  }
0x7b: {  	_ =	shalt  }
0x7c: {  	_ =	shalt  }
0x7d: {  	_ =	shalt  }
0x7e: {  	_ =	shalt  }
0x7f: {  	_ =	shalt  }
0x80: {  	_ =	shalt  }
0x81: {  	_ =	shalt  }
0x82: {  	_ =	shalt  }
0x83: {  	_ =	shalt  }
0x84: {  	_ =	shalt  }
0x85: {  	_ =	shalt  }
0x86: {  	_ =	shalt  }
0x87: {  	_ =	shalt  }
.Lfunc_end0:
.L_simem_size_0:
called_computation_lowered:
.L_overlay_start_0:
0x88: {  	s2 =	sld [smem:$0x3FD9]  }
0x89: {  	s3 =	sld [smem:$0x3FFE];
	_ =	sdelay $0x1  }
0x8a: {  	s1 =	srdreg.scid  }
0x8b: {  	s0 =	sand.u32 $0x1, s1  }
0x8c: {  	s17 =	sshll.u32 s0, $0xA;
	s2 =	sadd.s32 s3, s2  }
0x8d: {  	s2 =	sadd.s32 s2, s17  }
0x8e: {  	[smem:$0x3FC4] =	sst s2  }
0x8f: {  	_ = 	snop  }
0x90: {  	s2 =	sld [smem:$0x3FC9]  }
0x91: {  	s18 =	sld [smem:$0x3FC8]  }
0x92: {  	s4 =	sld [smem:$0x3FD0];
	(tm) =	ssettm $0x1  }
0x93: {  	s5 =	sld [smem:$0x3FFB];
	_ =	sdelay $0x3  }
0x94: {  	_ =	strace s5  }
0x95: {  	s5 =	sld [smem:$0x3FFC];
	_ =	sdelay $0x3  }
0x96: {  	_ =	strace s5  }
0x97: {  	s5 =	sld [smem:$0x3FFD];
	_ =	sdelay $0x3  }
0x98: {  	_ =	strace s5  }
0x99: {  	_ =	strace $0x8FFFFFFF  }
0x9a: {  	s19 =	sld [smem:$0x3FDB];
	_ =	sdelay $0x1  }
0x9b: {  	s6 =	simm.s32 $_scs_section_size  }
0x9c: {  	s7 =	simm.s32 $_size__tile_overlayer_lowered;
	s8 =	simm.s32 $_tile_overlayer_lowered  }
0x9d: {  	s22 =	simm.s32 $0x1BFF;
	s21 =	sshll.u32 s8, $0x1;
	s5 =	sadd.s32 s6, s19  }
0x9e: {  	s9 =	simm.s32 $0x0;
	s20 =	sshll.u32 s7, $0x1;
	s7 =	sadd.s32 s21, s5  }
0x9f: {  	[timem:s9], [sflag:s22] =	dma.local [hbm:s7], s20  }
0xa0: {  	_ =	swait.ge [sflag:s22], s20  }
0xa1: {  	s6 =	ssub.s32 $0x0, s20;
	[sflag:s22] =	ssyncset.done $0x0  }
0xa2: {  	[sflag:s22] =	ssyncadd.s32 s6;
	_ =	sdelay $0x1  }
0xa3: {  	s23 =	simm.s32 $0x1B8B  }
0xa4: {  	_ =	swait.ge [sflag:s23], $0x1  }
0xa5: {  	[sflag:s23] =	ssyncset.done $0x0  }
0xa6: {  	s25 =	simm.s32 $0x1B8E;
	s24 =	sld [smem:$0x3FFE];
	[sflag:s23] =	ssyncadd.s32 $0xFFFFFFFF  }
0xa7: {  	s26 =	simm.s32 $execute0_lowered;
	[smem:$0x3FD2] =	sst s25  }
0xa8: {  	s7 =	sshll.u32 s26, $0x1;
	_ =	strace $0x80000046;
	[dreg:$0x1] =	wrdreg $0xFFFFFFFF  }
0xa9: {  	s28 =	simm.s32 $_size_execute0_lowered;
	s5 =	sadd.s32 s5, s7;
	[dreg:$0x0] =	wrdreg $0x0  }
0xaa: {  	s7 =	sshll.u32 s28, $0x1;
	[dreg:$0x2] =	wrdreg s5  }
0xab: {  	[dreg:$0x3] =	wrdreg s7  }
0xac: {  	[dreg:$0x4] =	wrdreg $0xC0  }
0xad: {  	_ =	task [dreg:s9], $0x5FFFF  }
0xae: {  	[dreg:$0x1] =	wrdreg $0xFFFFFFFF  }
0xaf: {  	[dreg:$0x0] =	wrdreg $0x60  }
0xb0: {  	[dreg:$0x2] =	wrdreg s2  }
0xb1: {  	[dreg:$0x3] =	wrdreg s18  }
0xb2: {  	[dreg:$0x4] =	wrdreg s24  }
0xb3: {  	[dreg:$0x5] =	wrdreg s4  }
0xb4: {  	[dreg:$0x6] =	wrdreg $0x9  }
0xb5: {  	_ =	task.clear_ibuf [dreg:s9], $0x7FFFF;
	_ =	strace $0x90000046  }
0xb6: {  	s29 =	simm.s32 $0x9;
	_ =	strace $0x80000048  }
0xb7: {  	_ =	swait.ge [sflag:s29], $0x1  }
0xb8: {  	[sflag:s29] =	ssyncadd.s32 $0xFFFFFFFF  }
0xb9: {  	_ =	strace $0x90000048  }
0xba: {  	_ =	sfence  }
0xbb: {  	s30 =	sld [smem:$0x0];
	_ =	sdelay $0x2  }
0xbc: {  	s31 =	sshll.u32 s1, $0xD;
	s1 =	sshrl.u32 s1, $0x2  }
0xbd: {  	s3 =	sand.u32 $0x4000, s31;
	s1 =	sadd.s32 s1, s30  }
0xbe: {  	s0 =	sor.u32 s3, s0;
	s1 =	sshll.u32 s1, $0x11  }
0xbf: {  	s0 =	sor.u32 s1, s0  }
0xc0: {  	s0 =	sadd.s32 $0x8F2B, s0  }
0xc1: {  	[sflag:s0] =	ssyncadd.remote.s32 $0x1  }
0xc2: {  	_ =	sfence.sel $0xFFFF  }
0xc3: {  	[dreg:$0x0] =	wrdreg $0xFFFFFFFF;
	(pc) =	sbr.abs _section_cstart, $3  }
0xc4: {  	[dreg:$0x1] =	wrdreg $0xFFFFFFFF  }
0xc5: {  	_ =	task.clear_ibuf [dreg:s9], $0x2FFFF;
	_ =	strace $0x9FFFFFFF  }
0xc6: {  	(tm) =	ssettm $0x7FFFFFFF  }
0xc7: {  	_ =	shalt  }
tec
execute0_lowered:
.L_overlay_start_1:
0x0: {  	(tag) =	ssettag $0x1  }
0x1: {  	s0 =	rddreg [dreg:$0x0]  }
0x2: {  	s1 =	rddreg [dreg:$0x1]  }
0x3: {  	s2 =	srdreg.scid;
	s4 =	rddreg [dreg:$0x2];
	v0 =	vimm.s32 $0xBA98FEDC  }
0x4: {  	s6 =	stileid.u32;
	s5 =	rddreg [dreg:$0x3];
	v1 =	vimm.s32 $0x32107654;
	v4 =	vimm.s32 $0x76543210;
	v5 =	vimm.s32 $0xFEDCBA98  }
0x5: {  	s11 =	simm.s32 $0x8A00;
	v7 =	vimm.s32 $0xEFCDAB89;
	s12 =	simm.s32 $0x14A00;
	s13 =	simm.s32 $0x15200;
	v2 =	vunpack.c.l.s4.s8 v0;
	v1 =	vunpack.c.l.s4.s8 v1  }
0x6: {  	v8 =	vimm.s32 $0x67452301;
	s14 =	simm.s32 $0x15A00;
	s15 =	simm.s32 $0x16200;
	s16 =	simm.s32 $0x16A00  }
0x7: {  	s17 =	simm.s32 $0x17200;
	vm0 =	vmmov $0xffff;
	s18 =	simm.s32 $0x17A00;
	s19 =	simm.s32 $0x4200;
	v2 =	vunpack.c.0.s8.s32 v2;
	v3 =	vunpack.c.0.s8.s32 v1  }
0x8: {  	s21 =	simm.s32 $0x1;
	s22 =	simm.s32 $0x2;
	s3 =	sand.u32 $0x1, s2;
	v5 =	vunpack.c.l.s4.s8 v5;
	v7 =	vunpack.c.l.s4.s8 v7;
	v8 =	vunpack.c.l.s4.s8 v8  }
0x9: {  	s6 =	sshll.u32 s6, $0xA;
	s2 =	simm.s32 $0x0;
	s7 =	sshll.u32 s3, $0x9;
	v6 =	vcombine.low v3, v2;
	v2 =	vimm.s32 $0xDCFE98BA;
	v3 =	vimm.s32 $0x54761032  }
0xa: {  	s4 =	sadd.s32 $0x400, s4;
	v4 =	vunpack.c.l.s4.s8 v4;
	s25 =	ssub.s32 $0x2, s3;
	s6 =	sor.u32 s7, s6;
	v2 =	vunpack.c.l.s4.s8 v2;
	v3 =	vunpack.c.l.s4.s8 v3  }
0xb: {  	[smem:$0x7FF] =	sst s2;
	s8 =	sshrl.u32 s25, $0x1;
	v5 =	vunpack.c.0.s8.s32 v5;
	v7 =	vunpack.c.0.s8.s32 v7;
	v8 =	vunpack.c.0.s8.s32 v8;
	s26 =	sshll.u32 s6, $0x4  }
0xc: {  	_ =	strace $0x80000047;
	v4 =	vunpack.c.0.s8.s32 v4;
	s28 =	ssub.s32 s25, s8;
	s3 =	sadd.s32 s0, s26;
	v2 =	vunpack.c.0.s8.s32 v2;
	v3 =	vunpack.c.0.s8.s32 v3  }
0xd: {  	v0 =	vlaneseq.u32;
	s6 =	sshrl.u32 s6, $0x3;
	s25 =	simm.s32 $0x3;
	v5 =	vand.u32 $0xF, v5;
	v7 =	vcombine.low v8, v7;
	s29 =	sadd.s32 $0x800, s3  }
0xe: {  	v1 =	vand.u32 $0x7, v0;
	s20 =	sadd.s32 s1, s6;
	s30 =	sadd.s32 $0x1000, s3;
	v4 =	vcombine.low v5, v4;
	[dreg:$0x5] =	wrdreg s29;
	v9 =	vcombine.low v3, v2  }
0xf: {  	s23 =	sadd.s32 s5, s6;
	s31 =	sadd.s32 $0x1800, s3;
	[dreg:$0x6] =	wrdreg s30;
	v5 =	vand.u32 $0xF, v6;
	v7 =	vand.u32 $0xF, v7;
	v2 =	vshrl.u32 v0, $0x3  }
0x10: {  	s24 =	smax.u32 s28, $0x1;
	s26 =	simm.s32 $0x0;
	[dreg:$0x7] =	wrdreg s31;
	v3 =	vor.u32 $0x8, v0;
	v2 =	vmul.u32 $0x8, v2;
	v6 =	vand.u32 $0xF, v9  }
.LBB2_1:
0x11: {  	[tilespmem:s2], [sflag:$0x3] =	stream.linear.gather [hbm4b:s20+s2], $0x200, $0x38;
	[tilespmem:$0x18400] =	vst v63  }
0x12: {  	_ =	swait.ge [sflag:s25], $0x200  }
0x13: {  	[sflag:s25] =	ssyncset.done $0x0  }
0x14: {  	[sflag:s25] =	ssyncadd.s32 $0xFFFFFE00  }
0x15: {  	v8 =	vld [tilespmem:$0x0];
	_ =	sdelay $0x4  }
0x16: {  	v9 =	vshll.u32 v8, $0x1  }
0x17: {  	v8 =	vand.u32 $0x7, v8;
	v9 =	vand.u32 $0xFFFFFFF0, v9  }
0x18: {  	v8 =	vor.u32 v8, v9  }
0x19: {  	v9 =	vperm.xlane v8, v1;
	_ =	sdelay $0x1  }
0x1a: {  	v8 =	vperm.xlane v8, v3;
	v9 =	vadd.s32 v2, v9;
	_ =	sdelay $0x1  }
0x1b: {  	v8 =	vadd.s32 v2, v8;
	_ =	sdelay $0x1  }
0x1c: {  	s0 =	simm.s32 $0x8200  }
0x1d: {  	[tilespmem:s0], [sflag:$0x1] =	stream.indirect_vreg.gather [hbm4b:s4+s2], $0x80, v9, vm0, $0xb8;
	[tilespmem:$0x18400] =	vst v63  }
0x1e: {  	_ = 	snop  }
0x1f: {  	[tilespmem:s11], [sflag:$0x1] =	stream.indirect_vreg.gather [hbm4b:s4+s2], $0x80, v8, vm0, $0xb8;
	[tilespmem:$0x18400] =	vst v63  }
0x20: {  	v8 =	vld [tilespmem:$0x10];
	_ =	sdelay $0x4  }
0x21: {  	v49 =	vshll.u32 v8, $0x1  }
0x22: {  	v8 =	vand.u32 $0x7, v8;
	v9 =	vand.u32 $0xFFFFFFF0, v49  }
0x23: {  	v8 =	vor.u32 v8, v9  }
0x24: {  	v9 =	vperm.xlane v8, v1;
	_ =	sdelay $0x1  }
0x25: {  	v8 =	vperm.xlane v8, v3;
	v9 =	vadd.s32 v2, v9;
	_ =	sdelay $0x1  }
0x26: {  	v8 =	vadd.s32 v2, v8;
	_ =	sdelay $0x1  }
0x27: {  	s29 =	simm.s32 $0x9200  }
0x28: {  	[tilespmem:s29], [sflag:$0x1] =	stream.indirect_vreg.gather [hbm4b:s4+s2], $0x80, v9, vm0, $0xb8;
	[tilespmem:$0x18400] =	vst v63  }
0x29: {  	s1 =	simm.s32 $0x9A00  }
0x2a: {  	[tilespmem:s1], [sflag:$0x1] =	stream.indirect_vreg.gather [hbm4b:s4+s2], $0x80, v8, vm0, $0xb8;
	[tilespmem:$0x18400] =	vst v63  }
0x2b: {  	v8 =	vld [tilespmem:$0x20];
	_ =	sdelay $0x4  }
0x2c: {  	v50 =	vshll.u32 v8, $0x1  }
0x2d: {  	v8 =	vand.u32 $0x7, v8;
	v9 =	vand.u32 $0xFFFFFFF0, v50  }
0x2e: {  	v8 =	vor.u32 v8, v9  }
0x2f: {  	v9 =	vperm.xlane v8, v1;
	_ =	sdelay $0x1  }
0x30: {  	v8 =	vperm.xlane v8, v3;
	v9 =	vadd.s32 v2, v9;
	_ =	sdelay $0x1  }
0x31: {  	v8 =	vadd.s32 v2, v8;
	_ =	sdelay $0x1  }
0x32: {  	s5 =	simm.s32 $0xA200  }
0x33: {  	[tilespmem:s5], [sflag:$0x1] =	stream.indirect_vreg.gather [hbm4b:s4+s2], $0x80, v9, vm0, $0xb8;
	[tilespmem:$0x18400] =	vst v63  }
0x34: {  	s6 =	simm.s32 $0xAA00  }
0x35: {  	[tilespmem:s6], [sflag:$0x1] =	stream.indirect_vreg.gather [hbm4b:s4+s2], $0x80, v8, vm0, $0xb8;
	[tilespmem:$0x18400] =	vst v63  }
0x36: {  	v8 =	vld [tilespmem:$0x30];
	_ =	sdelay $0x4  }
0x37: {  	v51 =	vshll.u32 v8, $0x1  }
0x38: {  	v8 =	vand.u32 $0x7, v8;
	v9 =	vand.u32 $0xFFFFFFF0, v51  }
0x39: {  	v8 =	vor.u32 v8, v9  }
0x3a: {  	v9 =	vperm.xlane v8, v1;
	_ =	sdelay $0x1  }
0x3b: {  	v8 =	vperm.xlane v8, v3;
	v9 =	vadd.s32 v2, v9;
	_ =	sdelay $0x1  }
0x3c: {  	v8 =	vadd.s32 v2, v8;
	_ =	sdelay $0x1  }
0x3d: {  	s7 =	simm.s32 $0xB200  }
0x3e: {  	[tilespmem:s7], [sflag:$0x1] =	stream.indirect_vreg.gather [hbm4b:s4+s2], $0x80, v9, vm0, $0xb8;
	[tilespmem:$0x18400] =	vst v63  }
0x3f: {  	s8 =	simm.s32 $0xBA00  }
0x40: {  	[tilespmem:s8], [sflag:$0x1] =	stream.indirect_vreg.gather [hbm4b:s4+s2], $0x80, v8, vm0, $0xb8;
	[tilespmem:$0x18400] =	vst v63  }
0x41: {  	v8 =	vld [tilespmem:$0x40];
	_ =	sdelay $0x4  }
0x42: {  	v52 =	vshll.u32 v8, $0x1  }
0x43: {  	v8 =	vand.u32 $0x7, v8;
	v9 =	vand.u32 $0xFFFFFFF0, v52  }
0x44: {  	v8 =	vor.u32 v8, v9  }
0x45: {  	v9 =	vperm.xlane v8, v1;
	_ =	sdelay $0x1  }
0x46: {  	v8 =	vperm.xlane v8, v3;
	v9 =	vadd.s32 v2, v9;
	_ =	sdelay $0x1  }
0x47: {  	v8 =	vadd.s32 v2, v8;
	_ =	sdelay $0x1  }
0x48: {  	s9 =	simm.s32 $0xC200  }
0x49: {  	[tilespmem:s9], [sflag:$0x1] =	stream.indirect_vreg.gather [hbm4b:s4+s2], $0x80, v9, vm0, $0xb8;
	[tilespmem:$0x18400] =	vst v63  }
0x4a: {  	s10 =	simm.s32 $0xCA00  }
0x4b: {  	[tilespmem:s10], [sflag:$0x1] =	stream.indirect_vreg.gather [hbm4b:s4+s2], $0x80, v8, vm0, $0xb8;
	[tilespmem:$0x18400] =	vst v63  }
0x4c: {  	v8 =	vld [tilespmem:$0x50];
	_ =	sdelay $0x4  }
0x4d: {  	v53 =	vshll.u32 v8, $0x1  }
0x4e: {  	v8 =	vand.u32 $0x7, v8;
	v9 =	vand.u32 $0xFFFFFFF0, v53  }
0x4f: {  	v8 =	vor.u32 v8, v9  }
0x50: {  	v9 =	vperm.xlane v8, v1;
	_ =	sdelay $0x1  }
0x51: {  	v8 =	vperm.xlane v8, v3;
	v9 =	vadd.s32 v2, v9;
	_ =	sdelay $0x1  }
0x52: {  	v8 =	vadd.s32 v2, v8;
	_ =	sdelay $0x1  }
0x53: {  	s29 =	simm.s32 $0xD200  }
0x54: {  	[tilespmem:s29], [sflag:$0x1] =	stream.indirect_vreg.gather [hbm4b:s4+s2], $0x80, v9, vm0, $0xb8;
	[tilespmem:$0x18400] =	vst v63  }
0x55: {  	s1 =	simm.s32 $0xDA00  }
0x56: {  	[tilespmem:s1], [sflag:$0x1] =	stream.indirect_vreg.gather [hbm4b:s4+s2], $0x80, v8, vm0, $0xb8;
	[tilespmem:$0x18400] =	vst v63  }
0x57: {  	v8 =	vld [tilespmem:$0x60];
	_ =	sdelay $0x4  }
0x58: {  	v54 =	vshll.u32 v8, $0x1  }
0x59: {  	v8 =	vand.u32 $0x7, v8;
	v9 =	vand.u32 $0xFFFFFFF0, v54  }
0x5a: {  	v8 =	vor.u32 v8, v9  }
0x5b: {  	v9 =	vperm.xlane v8, v1;
	_ =	sdelay $0x1  }
0x5c: {  	v8 =	vperm.xlane v8, v3;
	v9 =	vadd.s32 v2, v9;
	_ =	sdelay $0x1  }
0x5d: {  	v8 =	vadd.s32 v2, v8;
	_ =	sdelay $0x1  }
0x5e: {  	s5 =	simm.s32 $0xE200  }
0x5f: {  	[tilespmem:s5], [sflag:$0x1] =	stream.indirect_vreg.gather [hbm4b:s4+s2], $0x80, v9, vm0, $0xb8;
	[tilespmem:$0x18400] =	vst v63  }
0x60: {  	s6 =	simm.s32 $0xEA00  }
0x61: {  	[tilespmem:s6], [sflag:$0x1] =	stream.indirect_vreg.gather [hbm4b:s4+s2], $0x80, v8, vm0, $0xb8;
	[tilespmem:$0x18400] =	vst v63  }
0x62: {  	v8 =	vld [tilespmem:$0x70];
	_ =	sdelay $0x4  }
0x63: {  	v55 =	vshll.u32 v8, $0x1  }
0x64: {  	v8 =	vand.u32 $0x7, v8;
	v9 =	vand.u32 $0xFFFFFFF0, v55  }
0x65: {  	v8 =	vor.u32 v8, v9  }
0x66: {  	v9 =	vperm.xlane v8, v1;
	_ =	sdelay $0x1  }
0x67: {  	v8 =	vperm.xlane v8, v3;
	v9 =	vadd.s32 v2, v9;
	_ =	sdelay $0x1  }
0x68: {  	v8 =	vadd.s32 v2, v8;
	_ =	sdelay $0x1  }
0x69: {  	s7 =	simm.s32 $0xF200  }
0x6a: {  	[tilespmem:s7], [sflag:$0x1] =	stream.indirect_vreg.gather [hbm4b:s4+s2], $0x80, v9, vm0, $0xb8;
	[tilespmem:$0x18400] =	vst v63  }
0x6b: {  	s8 =	simm.s32 $0xFA00  }
0x6c: {  	[tilespmem:s8], [sflag:$0x1] =	stream.indirect_vreg.gather [hbm4b:s4+s2], $0x80, v8, vm0, $0xb8;
	[tilespmem:$0x18400] =	vst v63  }
0x6d: {  	s9 =	simm.s32 $0x200  }
0x6e: {  	[tilespmem:s9], [sflag:$0x1] =	stream.linear.gather [hbm4b:s3+s2], $0x4000, $0x38;
	[tilespmem:$0x18400] =	vst v63  }
0x6f: {  	v8 =	vld [tilespmem:$0x80];
	_ =	sdelay $0x4  }
0x70: {  	v56 =	vshll.u32 v8, $0x1  }
0x71: {  	v8 =	vand.u32 $0x7, v8;
	v9 =	vand.u32 $0xFFFFFFF0, v56  }
0x72: {  	v8 =	vor.u32 v8, v9  }
0x73: {  	v9 =	vperm.xlane v8, v1;
	_ =	sdelay $0x1  }
0x74: {  	v8 =	vperm.xlane v8, v3;
	v9 =	vadd.s32 v2, v9;
	_ =	sdelay $0x1  }
0x75: {  	v8 =	vadd.s32 v2, v8;
	_ =	sdelay $0x1  }
0x76: {  	s10 =	simm.s32 $0x10200  }
0x77: {  	[tilespmem:s10], [sflag:$0x2] =	stream.indirect_vreg.gather [hbm4b:s4+s2], $0x80, v9, vm0, $0xb8;
	[tilespmem:$0x18400] =	vst v63  }
0x78: {  	s29 =	simm.s32 $0x10A00  }
0x79: {  	[tilespmem:s29], [sflag:$0x2] =	stream.indirect_vreg.gather [hbm4b:s4+s2], $0x80, v8, vm0, $0xb8;
	[tilespmem:$0x18400] =	vst v63  }
0x7a: {  	v8 =	vld [tilespmem:$0x90];
	_ =	sdelay $0x4  }
0x7b: {  	v57 =	vshll.u32 v8, $0x1  }
0x7c: {  	v8 =	vand.u32 $0x7, v8;
	v9 =	vand.u32 $0xFFFFFFF0, v57  }
0x7d: {  	v8 =	vor.u32 v8, v9  }
0x7e: {  	v9 =	vperm.xlane v8, v1;
	_ =	sdelay $0x1  }
0x7f: {  	v8 =	vperm.xlane v8, v3;
	v9 =	vadd.s32 v2, v9;
	_ =	sdelay $0x1  }
0x80: {  	v8 =	vadd.s32 v2, v8;
	_ =	sdelay $0x1  }
0x81: {  	s1 =	simm.s32 $0x11200  }
0x82: {  	[tilespmem:s1], [sflag:$0x2] =	stream.indirect_vreg.gather [hbm4b:s4+s2], $0x80, v9, vm0, $0xb8;
	[tilespmem:$0x18400] =	vst v63  }
0x83: {  	s5 =	simm.s32 $0x11A00  }
0x84: {  	[tilespmem:s5], [sflag:$0x2] =	stream.indirect_vreg.gather [hbm4b:s4+s2], $0x80, v8, vm0, $0xb8;
	[tilespmem:$0x18400] =	vst v63  }
0x85: {  	v8 =	vld [tilespmem:$0xA0];
	_ =	sdelay $0x4  }
0x86: {  	v58 =	vshll.u32 v8, $0x1  }
0x87: {  	v8 =	vand.u32 $0x7, v8;
	v9 =	vand.u32 $0xFFFFFFF0, v58  }
0x88: {  	v8 =	vor.u32 v8, v9  }
0x89: {  	v9 =	vperm.xlane v8, v1;
	_ =	sdelay $0x1  }
0x8a: {  	v8 =	vperm.xlane v8, v3;
	v9 =	vadd.s32 v2, v9;
	_ =	sdelay $0x1  }
0x8b: {  	v8 =	vadd.s32 v2, v8;
	_ =	sdelay $0x1  }
0x8c: {  	s6 =	simm.s32 $0x12200  }
0x8d: {  	[tilespmem:s6], [sflag:$0x2] =	stream.indirect_vreg.gather [hbm4b:s4+s2], $0x80, v9, vm0, $0xb8;
	[tilespmem:$0x18400] =	vst v63  }
0x8e: {  	s7 =	simm.s32 $0x12A00  }
0x8f: {  	[tilespmem:s7], [sflag:$0x2] =	stream.indirect_vreg.gather [hbm4b:s4+s2], $0x80, v8, vm0, $0xb8;
	[tilespmem:$0x18400] =	vst v63  }
0x90: {  	v8 =	vld [tilespmem:$0xB0];
	_ =	sdelay $0x4  }
0x91: {  	v59 =	vshll.u32 v8, $0x1  }
0x92: {  	v8 =	vand.u32 $0x7, v8;
	v9 =	vand.u32 $0xFFFFFFF0, v59  }
0x93: {  	v8 =	vor.u32 v8, v9  }
0x94: {  	v9 =	vperm.xlane v8, v1;
	_ =	sdelay $0x1  }
0x95: {  	v8 =	vperm.xlane v8, v3;
	v9 =	vadd.s32 v2, v9;
	_ =	sdelay $0x1  }
0x96: {  	v8 =	vadd.s32 v2, v8;
	_ =	sdelay $0x1  }
0x97: {  	s8 =	simm.s32 $0x13200  }
0x98: {  	[tilespmem:s8], [sflag:$0x2] =	stream.indirect_vreg.gather [hbm4b:s4+s2], $0x80, v9, vm0, $0xb8;
	[tilespmem:$0x18400] =	vst v63  }
0x99: {  	s9 =	simm.s32 $0x13A00  }
0x9a: {  	[tilespmem:s9], [sflag:$0x2] =	stream.indirect_vreg.gather [hbm4b:s4+s2], $0x80, v8, vm0, $0xb8;
	[tilespmem:$0x18400] =	vst v63  }
0x9b: {  	v8 =	vld [tilespmem:$0xC0];
	_ =	sdelay $0x4  }
0x9c: {  	v60 =	vshll.u32 v8, $0x1  }
0x9d: {  	v8 =	vand.u32 $0x7, v8;
	v9 =	vand.u32 $0xFFFFFFF0, v60  }
0x9e: {  	v8 =	vor.u32 v8, v9  }
0x9f: {  	v9 =	vperm.xlane v8, v1;
	_ =	sdelay $0x1  }
0xa0: {  	v8 =	vperm.xlane v8, v3;
	v9 =	vadd.s32 v2, v9;
	_ =	sdelay $0x1  }
0xa1: {  	v8 =	vadd.s32 v2, v8;
	_ =	sdelay $0x1  }
0xa2: {  	s10 =	simm.s32 $0x14200  }
0xa3: {  	[tilespmem:s10], [sflag:$0x2] =	stream.indirect_vreg.gather [hbm4b:s4+s2], $0x80, v9, vm0, $0xb8;
	[tilespmem:$0x18400] =	vst v63  }
0xa4: {  	_ = 	snop  }
0xa5: {  	[tilespmem:s12], [sflag:$0x2] =	stream.indirect_vreg.gather [hbm4b:s4+s2], $0x80, v8, vm0, $0xb8;
	[tilespmem:$0x18400] =	vst v63  }
0xa6: {  	v8 =	vld [tilespmem:$0xD0];
	_ =	sdelay $0x4  }
0xa7: {  	v61 =	vshll.u32 v8, $0x1  }
0xa8: {  	v8 =	vand.u32 $0x7, v8;
	v9 =	vand.u32 $0xFFFFFFF0, v61  }
0xa9: {  	v8 =	vor.u32 v8, v9  }
0xaa: {  	v9 =	vperm.xlane v8, v1;
	_ =	sdelay $0x1  }
0xab: {  	v8 =	vperm.xlane v8, v3;
	v9 =	vadd.s32 v2, v9;
	_ =	sdelay $0x1  }
0xac: {  	v8 =	vadd.s32 v2, v8;
	_ =	sdelay $0x2  }
0xad: {  	[tilespmem:s13], [sflag:$0x2] =	stream.indirect_vreg.gather [hbm4b:s4+s2], $0x80, v9, vm0, $0xb8;
	[tilespmem:$0x18400] =	vst v63  }
0xae: {  	_ = 	snop  }
0xaf: {  	[tilespmem:s14], [sflag:$0x2] =	stream.indirect_vreg.gather [hbm4b:s4+s2], $0x80, v8, vm0, $0xb8;
	[tilespmem:$0x18400] =	vst v63  }
0xb0: {  	v8 =	vld [tilespmem:$0xE0];
	_ =	sdelay $0x4  }
0xb1: {  	v62 =	vshll.u32 v8, $0x1  }
0xb2: {  	v8 =	vand.u32 $0x7, v8;
	v9 =	vand.u32 $0xFFFFFFF0, v62  }
0xb3: {  	v8 =	vor.u32 v8, v9  }
0xb4: {  	v9 =	vperm.xlane v8, v1;
	_ =	sdelay $0x1  }
0xb5: {  	v8 =	vperm.xlane v8, v3;
	v9 =	vadd.s32 v2, v9;
	_ =	sdelay $0x1  }
0xb6: {  	v8 =	vadd.s32 v2, v8;
	_ =	sdelay $0x2  }
0xb7: {  	[tilespmem:s15], [sflag:$0x2] =	stream.indirect_vreg.gather [hbm4b:s4+s2], $0x80, v9, vm0, $0xb8;
	[tilespmem:$0x18400] =	vst v63  }
0xb8: {  	_ = 	snop  }
0xb9: {  	[tilespmem:s16], [sflag:$0x2] =	stream.indirect_vreg.gather [hbm4b:s4+s2], $0x80, v8, vm0, $0xb8;
	[tilespmem:$0x18400] =	vst v63  }
0xba: {  	v8 =	vld [tilespmem:$0xF0];
	_ =	sdelay $0x4  }
0xbb: {  	v63 =	vshll.u32 v8, $0x1  }
0xbc: {  	v8 =	vand.u32 $0x7, v8;
	v9 =	vand.u32 $0xFFFFFFF0, v63  }
0xbd: {  	v8 =	vor.u32 v8, v9  }
0xbe: {  	v9 =	vperm.xlane v8, v1;
	_ =	sdelay $0x1  }
0xbf: {  	v8 =	vperm.xlane v8, v3;
	v9 =	vadd.s32 v2, v9;
	_ =	sdelay $0x1  }
0xc0: {  	v8 =	vadd.s32 v2, v8;
	_ =	sdelay $0x2  }
0xc1: {  	[tilespmem:s17], [sflag:$0x2] =	stream.indirect_vreg.gather [hbm4b:s4+s2], $0x80, v9, vm0, $0xb8;
	[tilespmem:$0x18400] =	vst v63  }
0xc2: {  	_ = 	snop  }
0xc3: {  	[tilespmem:s18], [sflag:$0x2] =	stream.indirect_vreg.gather [hbm4b:s4+s2], $0x80, v8, vm0, $0xb8;
	[tilespmem:$0x18400] =	vst v63  }
0xc4: {  	s29 =	rddreg [dreg:$0x5]  }
0xc5: {  	[tilespmem:s19], [sflag:$0x2] =	stream.linear.gather [hbm4b:s29+s2], $0x4000, $0x38;
	[tilespmem:$0x18400] =	vst v63  }
0xc6: {  	_ =	swait.ge [sflag:s21], $0x8000  }
0xc7: {  	[sflag:s21] =	ssyncset.done $0x0  }
0xc8: {  	[sflag:s21] =	ssyncadd.s32 $0xFFFF8000  }
0xc9: {  	_ =	swait.ge [sflag:s21], $0x4000  }
0xca: {  	s28 =	simm.s32 $0x600;
	s30 =	simm.s32 $0x8670;
	[sflag:s21] =	ssyncset.done $0x0  }
0xcb: {  	s31 =	simm.s32 $0x0;
	s1 =	simm.s32 $0x800;
	[sflag:s21] =	ssyncadd.s32 $0xFFFFC000  }
.LBB2_2:
0xcc: {  	s0 =	sand.u32 $0x3FFFF800, s1  }
0xcd: {  	s0 =	sadd.s32 $0x0, s0  }
0xce: {  	v22 =	vld [tilespmem:s0+$0x8230]  }
0xcf: {  	v23 =	vld [tilespmem:s0+$0x8270]  }
0xd0: {  	v24 =	vld [tilespmem:s0+$0x8210]  }
0xd1: {  	v26 =	vld [tilespmem:s0+$0x8670]  }
0xd2: {  	v10 =	vmov s28;
	v17 =	vld [tilespmem:s0+$0x8600]  }
0xd3: {  	v32 =	vld [tilespmem:s0+$0x8200]  }
0xd4: {  	v33 =	vld [tilespmem:s0+$0x8650]  }
0xd5: {  	v9 =	vmov s30;
	v35 =	vld [tilespmem:s0+$0x8630]  }
0xd6: {  	s5 =	simm.s32 $0x0;
	v37 =	vld [tilespmem:s0+$0x8610]  }
0xd7: {  	v18 =	vld.idx.msk [tilespmem:v10+s5+$0xFFFFFC40 ss:$0x1], $0xffff  }
0xd8: {  	v19 =	vld.idx.msk [tilespmem:v10+s5+$0x10 ss:$0x1], $0xffff  }
0xd9: {  	v20 =	vld.idx.msk [tilespmem:v10+s5+$0xFFFFFC20 ss:$0x1], $0xffff  }
0xda: {  	v15 =	vld.idx.msk [tilespmem:v9+s5+$0xFFFFFBC0 ss:$0x1], $0xffff  }
0xdb: {  	v21 =	vld.idx.msk [tilespmem:v10+s5+$0x70 ss:$0x1], $0xffff  }
0xdc: {  	v25 =	vld.idx.msk [tilespmem:v9+s5+$0xFFFFFBB0 ss:$0x1], $0xffff  }
0xdd: {  	v27 =	vld.idx.msk [tilespmem:v10+s5+$0xFFFFFC00 ss:$0x1], $0xffff  }
0xde: {  	v28 =	vld.idx.msk [tilespmem:v9+s5+$0xFFFFFB90 ss:$0x1], $0xffff  }
0xdf: {  	v29 =	vld.idx.msk [tilespmem:v10+s5+$0xFFFFFC30 ss:$0x1], $0xffff  }
0xe0: {  	v13 =	vld.idx.msk [tilespmem:v9+s5+$0xFFFFFFD0 ss:$0x1], $0xffff  }
0xe1: {  	v30 =	vld.idx.msk [tilespmem:v9+s5+$0xFFFFFFB0 ss:$0x1], $0xffff  }
0xe2: {  	v31 =	vld.idx.msk [tilespmem:v10+s5+$0x0 ss:$0x1], $0xffff  }
0xe3: {  	v12 =	vld.idx.msk [tilespmem:v9+s5+$0x0 ss:$0x1], $0xffff  }
0xe4: {  	v34 =	vld.idx.msk [tilespmem:v10+s5+$0x30 ss:$0x1], $0xffff  }
0xe5: {  	v11 =	vld.idx.msk [tilespmem:v9+s5+$0xFFFFFF90 ss:$0x1], $0xffff  }
0xe6: {  	v16 =	vld.idx.msk [tilespmem:v9+s5+$0xFFFFFFC0 ss:$0x1], $0xffff;
	v41 =	vsub.f32 $0.0e+00, v33;
	v44 =	vsub.f32 $0.0e+00, v37  }
0xe7: {  	v39 =	vld.idx.msk [tilespmem:v9+s5+$0xFFFFFFA0 ss:$0x1], $0xffff;
	v40 =	vsub.f32 $0.0e+00, v17;
	v63 =	vsub.f32 $0.0e+00, v26  }
0xe8: {  	v42 =	vld.idx.msk [tilespmem:v9+s5+$0xFFFFFBD0 ss:$0x1], $0xffff;
	v51 =	vsub.f32 $0.0e+00, v35;
	v48 =	vmul.f32 $1.442695020e+00, v41;
	v50 =	vmul.f32 $1.442695020e+00, v44  }
0xe9: {  	v43 =	vld.idx.msk [tilespmem:v10+s5+$0xFFFFFC70 ss:$0x1], $0xffff;
	v40 =	vmul.f32 $1.442695020e+00, v40;
	v36 =	vsub.f32 $0.0e+00, v30;
	v38 =	vsub.f32 $0.0e+00, v13  }
0xea: {  	v49 =	vld.idx.msk [tilespmem:v9+s5+$0xFFFFFC00 ss:$0x1], $0xffff;
	v53 =	vmul.f32 $1.442695020e+00, v51;
	v27 =	vsub.f32 v27, v28;
	v62 =	vsub.f32 $0.0e+00, v12  }
0xeb: {  	v55 =	vld.idx.msk [tilespmem:v10+s5+$0xFFFFFC60 ss:$0x1], $0xffff;
	v29 =	vsub.f32 v29, v15;
	v19 =	vsub.f32 v19, v24;
	v28 =	vmul.f32 $1.442695020e+00, v36  }
0xec: {  	v57 =	vld.idx.msk [tilespmem:v9+s5+$0xFFFFFBF0 ss:$0x1], $0xffff;
	v22 =	vsub.f32 v34, v22;
	v38 =	vmul.f32 $1.442695020e+00, v38;
	v36 =	vmul.f32 $1.442695020e+00, v63  }
0xed: {  	v52 =	vld.idx.msk [tilespmem:v10+s5+$0x50 ss:$0x1], $0xffff;
	v21 =	vsub.f32 v21, v23;
	(erf) = vpow2.f32 v28;
	v28 =	vmul.f32 $1.442695020e+00, v62  }
0xee: {  	v24 =	vld.idx.msk [tilespmem:v10+s5+$0xFFFFFC10 ss:$0x1], $0xffff;
	v20 =	vsub.f32 v20, v25;
	v29 =	vmul.f32 v29, v29;
	(erf) = vpow2.f32 v38  }
0xef: {  	v25 =	vld [tilespmem:s0+$0x8250];
	v18 =	vsub.f32 v18, v42;
	v19 =	vmul.f32 v19, v19;
	(erf) = vpow2.f32 v28  }
0xf0: {  	v41 =	vsub.f32 v43, v49;
	v23 =	vld.idx.msk [tilespmem:v9+s5+$0xFFFFFFE0 ss:$0x1], $0xffff;
	v54 =	vmul.f32 v20, v20;
	(erf) = vpow2.f32 v48  }
0xf1: {  	v42 =	vsub.f32 v55, v57;
	v18 =	vmul.f32 v18, v18;
	v38 =	vld.idx.msk [tilespmem:v9+s5+$0xFFFFFFF0 ss:$0x1], $0xffff;
	(erf) = vpow2.f32 v36  }
0xf2: {  	v31 =	vsub.f32 v31, v32;
	v47 =	vmul.f32 v21, v21;
	v28 =	vld.idx.msk [tilespmem:v9+s5+$0xFFFFFBA0 ss:$0x1], $0xffff;
	(erf) = vpow2.f32 v50  }
0xf3: {  	v20 =	vsub.f32 $0.0e+00, v16;
	v41 =	vmul.f32 v41, v41;
	v22 =	vmul.f32 v22, v22  }
0xf4: {  	v15 =	vld [tilespmem:s0+$0x8620];
	v31 =	vmul.f32 v31, v31;
	v25 =	vsub.f32 v52, v25;
	(erf) = vpow2.f32 v53  }
0xf5: {  	v57 =	vld.idx.msk [tilespmem:v10+s5+$0x20 ss:$0x1], $0xffff;
	v27 =	vmul.f32 v27, v27;
	v62 =	vsub.f32 $0.0e+00, v23;
	v48 =	vmul.f32 $1.442695020e+00, v20  }
0xf6: {  	v21 =	vld [tilespmem:s0+$0x8660];
	v25 =	vmul.f32 v25, v25;
	v50 =	vsub.f32 $0.0e+00, v11;
	v51 =	vsub.f32 $0.0e+00, v38;
	v56 =	vpop (erf)  }
0xf7: {  	v52 =	vld [tilespmem:s0+$0x8240];
	v62 =	vmul.f32 $1.442695020e+00, v62;
	v24 =	vsub.f32 v24, v28;
	v28 =	vsub.f32 $0.0e+00, v39;
	v45 =	vpop (erf)  }
0xf8: {  	s6 =	simm.s32 $0x8;
	v8 =	vimm.f32 $0.0e+00;
	v20 =	vld [tilespmem:s0+$0x8640];
	v60 =	vmul.f32 $1.442695020e+00, v50;
	v51 =	vmul.f32 $1.442695020e+00, v51;
	v58 =	vpop (erf)  }
0xf9: {  	v14 =	vmov s6;
	v53 =	vld [tilespmem:s0+$0x8260];
	v24 =	vmul.f32 v24, v24;
	v28 =	vmul.f32 $1.442695020e+00, v28;
	v49 =	vpop (erf)  }
0xfa: {  	vm1 =	veq.s32 v14, v0;
	v36 =	vmul.f32 v56, v54;
	v56 =	vld.idx.msk [tilespmem:v10+s5+$0x40 ss:$0x1], $0xffff;
	(erf) = vpow2.f32 v40;
	v59 =	vpop (erf)  }
0xfb: {  	v46 =	vsub.f32 $0.0e+00, v15;
	v18 =	vmul.f32 v45, v18;
	v40 =	vld.idx.msk [tilespmem:v10+s5+$0xFFFFFC50 ss:$0x1], $0xffff;
	(erf) = vpow2.f32 v28;
	v61 =	vpop (erf)  }
0xfc: {  	v30 =	vadd.f32 v36, v30;
	v36 =	vld.idx.msk [tilespmem:v10+s5+$0x60 ss:$0x1], $0xffff;
	v34 =	vmul.f32 v58, v41;
	v19 =	vmul.f32 v61, v19  }
0xfd: {  	v58 =	vsub.f32 $0.0e+00, v20;
	v28 =	vld [tilespmem:s0+$0x8220];
	v43 =	vmul.f32 v59, v47;
	(erf) = vpow2.f32 v60;
	v63 =	vpop (erf)  }
0xfe: {  	s8 =	sadd.s32 $0x100, s1;
	s0 =	simm.s32 $0x80;
	v59 =	vsub.f32 $0.0e+00, v21;
	v60 =	vld.idx.msk [tilespmem:v9+s5+$0xFFFFFBE0 ss:$0x1], $0xffff;
	v22 =	vmul.f32 v63, v22;
	v19 =	vadd.f32 v19, v37  }
0xff: {  	s7 =	sand.u32 $0x3FFFF800, s8;
	v25 =	vmul.f32 v49, v25;
	v45 =	vld.idx.msk [tilespmem:v10+s0+$0xFFFFFC40 ss:$0x1], $0xffff;
	v34 =	vadd.f32 v34, v12;
	v32 =	vsub.f32 v56, v52  }
0x100: {  	s5 =	sadd.s32 $0x80, s7;
	v12 =	vld.idx.msk [tilespmem:v9+s0+$0x0 ss:$0x1], $0xffff;
	(erf) = vpow2.f32 v51;
	v22 =	vadd.f32 v22, v35;
	v19 =	vadd.f32 $0.0e+00, v19  }
0x101: {  	v25 =	vadd.f32 v25, v33;
	v33 =	vld [tilespmem:s5+$0x8270];
	(erf) = vpow2.f32 v48;
	v36 =	vsub.f32 v36, v53  }
0x102: {  	v14 =	vld [tilespmem:s5+$0x8600];
	v50 =	vmul.f32 $1.442695020e+00, v59;
	v32 =	vmul.f32 v32, v32;
	v19 =	vadd.f32 v22, v19  }
0x103: {  	v48 =	vld.idx.msk [tilespmem:v9+s0+$0xFFFFFB90 ss:$0x1], $0xffff;
	v35 =	vmul.f32 $1.442695020e+00, v58;
	v37 =	vsub.f32 v57, v28;
	v36 =	vmul.f32 v36, v36;
	v61 =	vpop (erf)  }
0x104: {  	s10 =	simm.s32 $0x0;
	v59 =	vld.idx.msk [tilespmem:v10+s0+$0x30 ss:$0x1], $0xffff;
	v22 =	vadd.f32 v43, v26;
	v31 =	vmul.f32 v61, v31;
	v63 =	vpop (erf);
	v19 =	vadd.f32 v25, v19  }
0x105: {  	v51 =	vmov s10;
	v53 =	vld [tilespmem:s5+$0x8210];
	v55 =	vmul.f32 v37, v37;
	v43 =	vmul.f32 v63, v24  }
0x106: {  	v26 =	vld.idx.msk [tilespmem:v10+s0+$0x10 ss:$0x1], $0xffff;
	(erf) = vpow2.f32 v62;
	v17 =	vadd.f32 v31, v17;
	v24 =	vadd.f32 v22, v19  }
0x107: {  	v31 =	vld.idx.msk [tilespmem:v10+s0+$0x70 ss:$0x1], $0xffff;
	v19 =	vadd.f32 v43, v39;
	v22 =	vmul.f32 $1.442695020e+00, v46;
	v43 =	vadd.f32 v18, v13;
	v18 =	vpop (erf)  }
0x108: {  	vm2 =	veq.s32 v51, v0;
	v39 =	vld [tilespmem:s5+$0x8230];
	v13 =	vmul.f32 v42, v42;
	v18 =	vmul.f32 v18, v27  }
0x109: {  	v58 =	vsub.f32 $0.0e+00, v14;
	v61 =	vsub.f32 $0.0e+00, v12;
	v28 =	vpop (erf);
	(erf) = vpow2.f32 v22;
	v22 =	vld.idx.msk [tilespmem:v10+s0+$0xFFFFFC00 ss:$0x1], $0xffff  }
0x10a: {  	v27 =	vsub.f32 v40, v60;
	v49 =	vmul.f32 v28, v13;
	v28 =	vld.idx.msk [tilespmem:v9+s0+$0xFFFFFFB0 ss:$0x1], $0xffff;
	v18 =	vadd.f32 v18, v11  }
0x10b: {  	v40 =	vadd.f32 $0.0e+00, v17;
	v44 =	vsub.f32 v26, v53;
	v13 =	vld.idx.msk [tilespmem:v9+s0+$0xFFFFFFD0 ss:$0x1], $0xffff;
	(erf) = vpow2.f32 v35  }
0x10c: {  	s9 =	simm.s32 $0x9;
	v25 =	vld.idx.msk [tilespmem:v9+s0+$0xFFFFFBC0 ss:$0x1], $0xffff;
	v42 =	vmul.f32 $1.442695020e+00, v58;
	v54 =	vadd.f32 $0.0e+00, v19;
	v18 =	vadd.f32 $0.0e+00, v18  }
0x10d: {  	v26 =	vld [tilespmem:s5+$0x8630];
	v52 =	vpop (erf);
	v11 =	vmov s9;
	(erf) = vpow2.f32 v50;
	v31 =	vsub.f32 v31, v33  }
0x10e: {  	v39 =	vsub.f32 v59, v39;
	v59 =	vld [tilespmem:s5+$0x8250];
	v30 =	vadd.f32 v30, v18;
	v18 =	vmul.f32 v52, v29  }
0x10f: {  	v27 =	vmul.f32 v27, v27;
	v19 =	vsub.f32 v22, v48;
	v22 =	vld [tilespmem:s5+$0x8650];
	v57 =	vsub.f32 $0.0e+00, v28  }
0x110: {  	v38 =	vadd.f32 v49, v38;
	v46 =	vmul.f32 v31, v31;
	v29 =	vld.idx.msk [tilespmem:v10+s0+$0xFFFFFC30 ss:$0x1], $0xffff;
	v56 =	vsub.f32 $0.0e+00, v13  }
0x111: {  	v52 =	vld.idx.msk [tilespmem:v9+s0+$0xFFFFFBA0 ss:$0x1], $0xffff;
	v16 =	vadd.f32 v18, v16;
	v60 =	vmul.f32 $1.442695020e+00, v57;
	v30 =	vadd.f32 v43, v30  }
0x112: {  	v37 =	vmul.f32 $1.442695020e+00, v56;
	v43 =	vmul.f32 v44, v44;
	v56 =	vsub.f32 $0.0e+00, v26;
	v57 =	vld.idx.msk [tilespmem:v10+s0+$0x50 ss:$0x1], $0xffff;
	v18 =	vpop (erf)  }
0x113: {  	v16 =	vadd.f32 v16, v54;
	(erf) = vpow2.f32 v60;
	v30 =	vadd.f32 v38, v30;
	v54 =	vld.idx.msk [tilespmem:v10+s0+$0xFFFFFC10 ss:$0x1], $0xffff;
	v17 =	vpop (erf)  }
0x114: {  	v27 =	vmul.f32 v18, v27;
	v18 =	vld [tilespmem:s5+$0x8670];
	v62 =	vsub.f32 $0.0e+00, v22;
	v35 =	vmul.f32 v17, v55;
	v17 =	vpop (erf)  }
0x115: {  	v47 =	vld.idx.msk [tilespmem:v10+s0+$0xFFFFFC20 ss:$0x1], $0xffff;
	v25 =	vsub.f32 v29, v25;
	(erf) = vpow2.f32 v37;
	v29 =	vmul.f32 v17, v32  }
0x116: {  	v23 =	vadd.f32 v27, v23;
	v27 =	vld.idx.msk [tilespmem:v9+s0+$0xFFFFFBB0 ss:$0x1], $0xffff;
	v32 =	vmul.f32 $1.442695020e+00, v61;
	v48 =	vmul.f32 $1.442695020e+00, v62  }
0x117: {  	v55 =	vld [tilespmem:s5+$0x8610];
	v51 =	vpop (erf);
	v62 =	vmul.f32 $1.442695020e+00, v56;
	v57 =	vsub.f32 v57, v59;
	v35 =	vadd.f32 v35, v15  }
0x118: {  	v49 =	vld.idx.msk [tilespmem:v9+s0+$0xFFFFFBD0 ss:$0x1], $0xffff;
	v33 =	vmul.f32 v51, v36;
	v29 =	vadd.f32 v29, v20;
	v23 =	vadd.f32 v23, v16  }
0x119: {  	v50 =	vld.idx.msk [tilespmem:v10+s0+$0xFFFFFC70 ss:$0x1], $0xffff;
	v20 =	vmul.f32 v25, v25;
	v56 =	vsub.f32 v54, v52;
	v63 =	vsub.f32 $0.0e+00, v18  }
0x11a: {  	v15 =	vld.idx.msk [tilespmem:v9+s0+$0xFFFFFFC0 ss:$0x1], $0xffff;
	(erf) = vpow2.f32 v32;
	v35 =	vadd.f32 v35, v40;
	v21 =	vadd.f32 v33, v21  }
0x11b: {  	v25 =	vld.idx.msk [tilespmem:v9+s0+$0xFFFFFC00 ss:$0x1], $0xffff;
	(erf) = vpow2.f32 v48;
	v23 =	vadd.f32 v34, v23;
	v27 =	vsub.f32 v47, v27  }
0x11c: {  	v16 =	vld [tilespmem:s5+$0x8620];
	v53 =	vsub.f32 $0.0e+00, v55;
	v34 =	vmul.f32 v56, v56;
	v41 =	vmul.f32 $1.442695020e+00, v63  }
0x11d: {  	v17 =	vld.idx.msk [tilespmem:v9+s0+$0xFFFFFF90 ss:$0x1], $0xffff;
	v29 =	vadd.f32 v29, v35;
	v36 =	vmul.f32 v27, v27;
	v27 =	vsub.f32 v45, v49  }
0x11e: {  	v54 =	vld [tilespmem:s5+$0x8200];
	v47 =	vmul.f32 v57, v57;
	v23 =	vadd.f32 v23, v30;
	v30 =	vmul.f32 $1.442695020e+00, v53  }
0x11f: {  	(erf) = vpow2.f32 v41;
	v21 =	vadd.f32 v21, v29;
	v37 =	vmul.f32 v27, v27;
	v27 =	vld.idx.msk [tilespmem:v9+s0+$0xFFFFFFA0 ss:$0x1], $0xffff  }
0x120: {  	v63 =	vld.idx.msk [tilespmem:v10+s0+$0xFFFFFC60 ss:$0x1], $0xffff;
	v61 =	vsub.f32 $0.0e+00, v15;
	v58 =	vsub.f32 v50, v25;
	v60 =	vperm.xlane v23, v4  }
0x121: {  	v25 =	vld.idx.msk [tilespmem:v9+s0+$0xFFFFFFF0 ss:$0x1], $0xffff;
	v29 =	vsub.f32 $0.0e+00, v16;
	(erf) = vpow2.f32 v30;
	v21 =	vadd.f32 v24, v21  }
0x122: {  	v30 =	vld.idx.msk [tilespmem:v9+s0+$0xFFFFFBF0 ss:$0x1], $0xffff;
	v32 =	vmul.f32 $1.442695020e+00, v61;
	(erf) = vpow2.f32 v62;
	v23 =	vadd.f32 v23, v60  }
0x123: {  	v53 =	vld.idx.msk [tilespmem:v10+s0+$0x0 ss:$0x1], $0xffff;
	v59 =	vpop (erf);
	v45 =	vmul.f32 v58, v58;
	v62 =	vsub.f32 $0.0e+00, v17;
	v58 =	vperm.xlane v21, v4  }
0x124: {  	v33 =	vld [tilespmem:s5+$0x8220];
	v36 =	vmul.f32 v59, v36;
	v31 =	vperm.xlane v23, v5;
	v60 =	vsub.f32 $0.0e+00, v27  }
0x125: {  	v44 =	vpop (erf);
	v24 =	vld.idx.msk [tilespmem:v9+s0+$0xFFFFFFE0 ss:$0x1], $0xffff;
	v59 =	vmul.f32 v39, v39;
	(erf) = vpow2.f32 v42;
	v56 =	vadd.f32 v21, v58  }
0x126: {  	v57 =	vpop (erf);
	v51 =	vmul.f32 $1.442695020e+00, v62;
	v28 =	vadd.f32 v36, v28;
	v21 =	vld [tilespmem:s5+$0x8660];
	v61 =	vadd.f32 v23, v31  }
0x127: {  	v40 =	vsub.f32 $0.0e+00, v25;
	v49 =	vpop (erf);
	v38 =	vsub.f32 v63, v30;
	v23 =	vld [tilespmem:s5+$0x8640];
	v63 =	vperm.xlane v56, v5  }
0x128: {  	v35 =	vld [tilespmem:s5+$0x8240];
	v53 =	vsub.f32 v53, v54;
	v58 =	vmul.f32 $1.442695020e+00, v60;
	v30 =	vperm.xlane v61, v6;
	v60 =	vpop (erf)  }
0x129: {  	v41 =	vld.idx.msk [tilespmem:v10+s0+$0x40 ss:$0x1], $0xffff;
	v54 =	vmul.f32 $1.442695020e+00, v40;
	v52 =	vmul.f32 v60, v46;
	v60 =	vadd.f32 v56, v63  }
0x12a: {  	v39 =	vld [tilespmem:s5+$0x8260];
	v42 =	vadd.f32 v61, v30;
	v30 =	vmul.f32 v57, v45;
	(erf) = vpow2.f32 v58;
	v61 =	vpop (erf)  }
0x12b: {  	v36 =	vld.idx.msk [tilespmem:v10+s0+$0x60 ss:$0x1], $0xffff;
	v48 =	vsub.f32 $0.0e+00, v24;
	v43 =	vmul.f32 v61, v43;
	v62 =	vperm.xlane v60, v6  }
0x12c: {  	v31 =	vld.idx.msk [tilespmem:v10+s0+$0xFFFFFC50 ss:$0x1], $0xffff;
	v40 =	vsub.f32 $0.0e+00, v21;
	v50 =	vsub.f32 $0.0e+00, v23;
	v63 =	vpop (erf);
	v46 =	vperm.xlane v42, v7  }
0x12d: {  	s29 =	simm.s32 $0x1;
	s7 =	simm.s32 $0x2;
	s5 =	simm.s32 $0x400;
	v45 =	vld.idx.msk [tilespmem:v10+s0+$0x20 ss:$0x1], $0xffff;
	v56 =	vmul.f32 v63, v59;
	v55 =	vadd.f32 v43, v55;
	v43 =	vadd.f32 v60, v62  }
.LBB2_3:
0x12e: {  	v58 =	vld.idx.msk [tilespmem:v9+s0+$0xFFFFFBE0 ss:$0x1], $0xffff;
	s0 =	sshra.s32 s5, $0x2  }
0x12f: {  	v57 =	vmul.f32 v44, v37;
	v59 =	vmul.f32 v49, v47;
	s8 =	sadd.s32 $0x100, s8;
	v46 =	vadd.f32 v42, v46;
	s9 =	smov.u32 s7;
	s6 =	sadd.s32 $0x1, s7  }
0x130: {  	p0 =	sne.s32 s7, $0x7;
	v18 =	vadd.f32 v52, v18;
	s10 =	sand.u32 $0x3FFFF800, s8;
	v37 =	vld.idx.msk [tilespmem:v10+s0+$0xFFFFFC40 ss:$0x1], $0xffff;
	(erf) = vpow2.f32 v51;
	v47 =	vperm.xlane v43, v7  }
0x131: {  	v51 =	vmul.f32 v53, v53;
	v53 =	vadd.f32 $0.0e+00, v55;
	v26 =	vadd.f32 v56, v26;
	s7 =	sadd.s32 s0, s10;
	v49 =	vld.idx.msk [tilespmem:v10+s0+$0x10 ss:$0x1], $0xffff  }
0x132: {  	v22 =	vadd.f32 v59, v22;
	v42 =	vld.idx.msk [tilespmem:v10+s0+$0xFFFFFC20 ss:$0x1], $0xffff;
	(erf) = vpow2.f32 v54;
	v44 =	vpop (erf);
	v43 =	vadd.f32 v43, v47  }
0x133: {  	v46 =	vadd.f32 $2.352482600e+02, v46;
	v26 =	vadd.f32 v26, v53;
	v47 =	vld.idx.msk [tilespmem:v9+s0+$0xFFFFFBC0 ss:$0x1], $0xffff;
	v51 =	vmul.f32 v44, v51  }
0x134: {  	v48 =	vmul.f32 $1.442695020e+00, v48;
	v50 =	vmul.f32 $1.442695020e+00, v50;
	v44 =	vld.idx.msk [tilespmem:v10+s0+$0x70 ss:$0x1], $0xffff;
	v52 =	vpop (erf);
	v43 =	vadd.f32 $2.352482600e+02, v43  }
0x135: {  	v22 =	vadd.f32 v22, v26;
	v26 =	vmul.f32 $-5.000000000e-01, v46;
	v53 =	vld [tilespmem:s7+$0x8230];
	v52 =	vmul.f32 v52, v34  }
0x136: {  	v51 =	vadd.f32 v51, v14;
	v46 =	vld [tilespmem:s7+$0x8270];
	(erf) = vpow2.f32 v32;
	v43 =	vmul.f32 $-5.000000000e-01, v43  }
0x137: {  	v19 =	vmul.f32 v19, v19;
	v34 =	vadd.f32 v18, v22;
	v8 =	vsel vm2, v26, v8;
	v32 =	vld [tilespmem:s7+$0x8210]  }
0x138: {  	v26 =	vmul.f32 $1.442695020e+00, v29;
	v22 =	vadd.f32 v52, v27;
	v54 =	vld.idx.msk [tilespmem:v9+s0+$0xFFFFFBB0 ss:$0x1], $0xffff;
	v8 =	vsel vm1, v43, v8  }
0x139: {  	v29 =	vadd.f32 v57, v13;
	v13 =	vmul.f32 v38, v38;
	v18 =	vld [tilespmem:s7+$0x8670];
	v14 =	vpop (erf);
	(erf) = vpow2.f32 v48  }
0x13a: {  	v27 =	vld.idx.msk [tilespmem:v10+s0+$0xFFFFFC00 ss:$0x1], $0xffff;
	v14 =	vmul.f32 v14, v19;
	v19 =	vsub.f32 v31, v58;
	(erf) = vpow2.f32 v26  }
0x13b: {  	v31 =	vsub.f32 v45, v33;
	v33 =	vsub.f32 v41, v35;
	v26 =	vld.idx.msk [tilespmem:v9+s0+$0xFFFFFB90 ss:$0x1], $0xffff;
	v35 =	vpop (erf);
	(erf) = vpow2.f32 v50  }
0x13c: {  	s10 =	sadd.s32 $0x8, s9;
	v38 =	vld.idx.msk [tilespmem:v10+s0+$0xFFFFFC30 ss:$0x1], $0xffff;
	v14 =	vadd.f32 v14, v17;
	v17 =	vmul.f32 v35, v13;
	v35 =	vsub.f32 v36, v39  }
0x13d: {  	vm1 =	veq.s32 v11, v0;
	v11 =	vmov s10;
	v36 =	vmul.f32 v19, v19;
	v13 =	vld.idx.msk [tilespmem:v9+s0+$0xFFFFFFD0 ss:$0x1], $0xffff  }
0x13e: {  	v39 =	vld.idx.msk [tilespmem:v9+s0+$0xFFFFFFB0 ss:$0x1], $0xffff;
	v19 =	vadd.f32 $0.0e+00, v14;
	v25 =	vadd.f32 v17, v25;
	v35 =	vmul.f32 v35, v35  }
0x13f: {  	v41 =	vmov s29;
	s29 =	smov.u32 s9;
	v33 =	vmul.f32 v33, v33;
	v17 =	vmul.f32 $1.442695020e+00, v40;
	v14 =	vld [tilespmem:s7+$0x8600];
	v43 =	vpop (erf)  }
0x140: {  	vm2 =	veq.s32 v41, v0;
	v40 =	vld.idx.msk [tilespmem:v10+s0+$0x0 ss:$0x1], $0xffff;
	v28 =	vadd.f32 v28, v19;
	v45 =	vmul.f32 v43, v20  }
0x141: {  	v30 =	vadd.f32 v30, v12;
	v43 =	vadd.f32 $0.0e+00, v22;
	v12 =	vld.idx.msk [tilespmem:v9+s0+$0x0 ss:$0x1], $0xffff;
	(erf) = vpow2.f32 v17  }
0x142: {  	v19 =	vsub.f32 v27, v26;
	v17 =	vmul.f32 v31, v31;
	v41 =	vld [tilespmem:s7+$0x8200];
	v15 =	vadd.f32 v45, v15;
	v20 =	vpop (erf)  }
0x143: {  	v31 =	vadd.f32 $0.0e+00, v51;
	v26 =	vsub.f32 $0.0e+00, v13;
	v22 =	vld [tilespmem:s7+$0x8650];
	v20 =	vmul.f32 v20, v36;
	v27 =	vpop (erf)  }
0x144: {  	v36 =	vsub.f32 $0.0e+00, v39;
	v45 =	vsub.f32 $0.0e+00, v14;
	v48 =	vld.idx.msk [tilespmem:v10+s0+$0x30 ss:$0x1], $0xffff;
	v27 =	vmul.f32 v27, v17;
	v50 =	vpop (erf)  }
0x145: {  	v51 =	vmul.f32 $1.442695020e+00, v26;
	v52 =	vadd.f32 v15, v43;
	v17 =	vld.idx.msk [tilespmem:v9+s0+$0xFFFFFF90 ss:$0x1], $0xffff;
	v24 =	vadd.f32 v20, v24  }
0x146: {  	v20 =	vmul.f32 $1.442695020e+00, v36;
	v36 =	vsub.f32 v38, v47;
	v33 =	vmul.f32 v50, v33;
	v26 =	vld [tilespmem:s7+$0x8630]  }
0x147: {  	v32 =	vsub.f32 v49, v32;
	v38 =	vsub.f32 $0.0e+00, v12;
	v45 =	vmul.f32 $1.442695020e+00, v45;
	v43 =	vld [tilespmem:s7+$0x8610]  }
0x148: {  	v16 =	vadd.f32 v27, v16;
	v15 =	vld.idx.msk [tilespmem:v9+s0+$0xFFFFFFC0 ss:$0x1], $0xffff;
	v47 =	vsub.f32 $0.0e+00, v22;
	(erf) = vpow2.f32 v20  }
0x149: {  	v38 =	vmul.f32 $1.442695020e+00, v38;
	v20 =	vsub.f32 $0.0e+00, v18;
	v27 =	vld.idx.msk [tilespmem:v9+s0+$0xFFFFFFA0 ss:$0x1], $0xffff;
	(erf) = vpow2.f32 v51  }
0x14a: {  	v23 =	vadd.f32 v33, v23;
	v50 =	vsub.f32 v48, v53;
	v49 =	vld.idx.msk [tilespmem:v9+s0+$0xFFFFFBD0 ss:$0x1], $0xffff;
	v47 =	vmul.f32 $1.442695020e+00, v47;
	v33 =	vpop (erf)  }
0x14b: {  	v28 =	vadd.f32 v29, v28;
	v29 =	vadd.f32 v16, v31;
	v51 =	vmul.f32 $1.442695020e+00, v20;
	v48 =	vld.idx.msk [tilespmem:v10+s0+$0xFFFFFC70 ss:$0x1], $0xffff  }
0x14c: {  	v24 =	vadd.f32 v24, v52;
	v20 =	vmul.f32 v36, v36;
	v36 =	vsub.f32 v44, v46;
	v31 =	vld.idx.msk [tilespmem:v9+s0+$0xFFFFFC00 ss:$0x1], $0xffff  }
0x14d: {  	v28 =	vadd.f32 v25, v28;
	v46 =	vmul.f32 v32, v32;
	v23 =	vadd.f32 v23, v29;
	v16 =	vld [tilespmem:s7+$0x8620]  }
0x14e: {  	v25 =	vsub.f32 v42, v54;
	v24 =	vadd.f32 v30, v24;
	v32 =	vld.idx.msk [tilespmem:v9+s0+$0xFFFFFBA0 ss:$0x1], $0xffff;
	(erf) = vpow2.f32 v38  }
0x14f: {  	v33 =	vmul.f32 v33, v35;
	v29 =	vsub.f32 $0.0e+00, v43;
	v30 =	vld.idx.msk [tilespmem:v10+s0+$0xFFFFFC10 ss:$0x1], $0xffff;
	(erf) = vpow2.f32 v47  }
0x150: {  	v35 =	vmul.f32 v25, v25;
	v24 =	vadd.f32 v24, v28;
	v37 =	vsub.f32 v37, v49;
	v25 =	vld.idx.msk [tilespmem:v9+s0+$0xFFFFFFF0 ss:$0x1], $0xffff  }
0x151: {  	v21 =	vadd.f32 v33, v21;
	v28 =	vmul.f32 $1.442695020e+00, v29;
	v38 =	vsub.f32 $0.0e+00, v26;
	v42 =	vld.idx.msk [tilespmem:v10+s0+$0x50 ss:$0x1], $0xffff;
	v52 =	vpop (erf)  }
0x152: {  	v47 =	vperm.xlane v24, v4;
	v33 =	vsub.f32 v48, v31;
	v31 =	vld [tilespmem:s7+$0x8250];
	v44 =	vpop (erf);
	(erf) = vpow2.f32 v51  }
0x153: {  	v21 =	vadd.f32 v21, v23;
	v48 =	vsub.f32 $0.0e+00, v15;
	v37 =	vmul.f32 v37, v37;
	v51 =	vld.idx.msk [tilespmem:v10+s0+$0xFFFFFC60 ss:$0x1], $0xffff  }
0x154: {  	v38 =	vmul.f32 $1.442695020e+00, v38;
	v54 =	vadd.f32 v24, v47;
	v29 =	vsub.f32 $0.0e+00, v16;
	v53 =	vld.idx.msk [tilespmem:v9+s0+$0xFFFFFBF0 ss:$0x1], $0xffff  }
0x155: {  	v55 =	vmul.f32 v36, v36;
	v30 =	vsub.f32 v30, v32;
	v24 =	vld.idx.msk [tilespmem:v9+s0+$0xFFFFFFE0 ss:$0x1], $0xffff;
	(erf) = vpow2.f32 v28  }
0x156: {  	v36 =	vadd.f32 v34, v21;
	v32 =	vmul.f32 $1.442695020e+00, v48;
	v28 =	vperm.xlane v54, v5;
	v23 =	vld [tilespmem:s7+$0x8640]  }
0x157: {  	v34 =	vmul.f32 v30, v30;
	v30 =	vsub.f32 v42, v31;
	v21 =	vld [tilespmem:s7+$0x8660];
	v56 =	vpop (erf);
	(erf) = vpow2.f32 v38  }
0x158: {  	v58 =	vmul.f32 v33, v33;
	v57 =	vsub.f32 $0.0e+00, v25;
	v38 =	vperm.xlane v36, v4;
	v31 =	vld.idx.msk [tilespmem:v10+s0+$0xFFFFFC50 ss:$0x1], $0xffff;
	v49 =	vpop (erf)  }
0x159: {  	v42 =	vsub.f32 $0.0e+00, v27;
	v33 =	vld [tilespmem:s7+$0x8220];
	v47 =	vmul.f32 v30, v30;
	v30 =	vadd.f32 v54, v28  }
0x15a: {  	v48 =	vmul.f32 v52, v35;
	v28 =	vsub.f32 $0.0e+00, v17;
	v54 =	vadd.f32 v36, v38;
	v35 =	vld [tilespmem:s7+$0x8240]  }
0x15b: {  	v59 =	vmul.f32 $1.442695020e+00, v42;
	v38 =	vsub.f32 v51, v53;
	v36 =	vld.idx.msk [tilespmem:v10+s0+$0x60 ss:$0x1], $0xffff;
	v52 =	vpop (erf);
	v42 =	vperm.xlane v30, v6  }
0x15c: {  	v51 =	vmul.f32 $1.442695020e+00, v28;
	v28 =	vadd.f32 v48, v39;
	v53 =	vperm.xlane v54, v5;
	v39 =	vld [tilespmem:s7+$0x8260]  }
0x15d: {  	v48 =	vsub.f32 $0.0e+00, v24;
	(erf) = vpow2.f32 v45;
	v42 =	vadd.f32 v30, v42  }
.Ltmp0:
0x15e: {  	v60 =	vmul.f32 v50, v50;
	v52 =	vmul.f32 v52, v55;
	v61 =	vadd.f32 v54, v53;
	v45 =	vpop (erf);
	(pc) =	sbr.rel @p0 .LBB2_3-.Ltmp0, $4  }
0x15f: {  	v50 =	vsub.f32 $0.0e+00, v23;
	v30 =	vmul.f32 v56, v58;
	(erf) = vpow2.f32 v59  }
0x160: {  	v53 =	vsub.f32 v40, v41;
	v45 =	vmul.f32 v45, v46;
	v58 =	vperm.xlane v61, v6;
	v56 =	vpop (erf)  }
0x161: {  	v54 =	vmul.f32 $1.442695020e+00, v57;
	v40 =	vsub.f32 $0.0e+00, v21;
	v46 =	vperm.xlane v42, v7;
	v41 =	vld.idx.msk [tilespmem:v10+s0+$0x40 ss:$0x1], $0xffff  }
0x162: {  	s5 =	sadd.s32 $0x200, s5;
	s7 =	smov.u32 s6;
	v55 =	vadd.f32 v45, v43;
	v56 =	vmul.f32 v56, v60;
	v43 =	vadd.f32 v61, v58;
	v45 =	vld.idx.msk [tilespmem:v10+s0+$0x20 ss:$0x1], $0xffff  }
0x163: {  	(erf) = vpow2.f32 v51;
	v10 =	vmul.f32 v44, v37  }
0x164: {  	v63 =	vmul.f32 v49, v47;
	v53 =	vmul.f32 v53, v53  }
0x165: {  	v48 =	vmul.f32 $1.442695020e+00, v48;
	(erf) = vpow2.f32 v54  }
0x166: {  	v29 =	vmul.f32 $1.442695020e+00, v29;
	v58 =	vpop (erf);
	(erf) = vpow2.f32 v32  }
0x167: {  	v60 =	vmul.f32 $1.442695020e+00, v50;
	v18 =	vadd.f32 v52, v18;
	(erf) = vpow2.f32 v48  }
0x168: {  	v44 =	vsub.f32 v36, v39;
	v12 =	vadd.f32 v30, v12;
	v61 =	vpop (erf);
	(erf) = vpow2.f32 v29  }
0x169: {  	v9 =	vld.idx.msk [tilespmem:v9+s0+$0xFFFFFBE0 ss:$0x1], $0xffff;
	v19 =	vmul.f32 v19, v19;
	v57 =	vadd.f32 $0.0e+00, v55;
	v26 =	vadd.f32 v56, v26  }
0x16a: {  	v22 =	vadd.f32 v63, v22;
	v63 =	vmul.f32 $1.442695020e+00, v40;
	(erf) = vpow2.f32 v60  }
0x16b: {  	v37 =	vmul.f32 v38, v38;
	v10 =	vadd.f32 v10, v13;
	v26 =	vadd.f32 v26, v57  }
0x16c: {  	v47 =	vsub.f32 v41, v35;
	v59 =	vmul.f32 v58, v53;
	v32 =	vpop (erf);
	(erf) = vpow2.f32 v63  }
0x16d: {  	v38 =	vsub.f32 v45, v33;
	v22 =	vadd.f32 v22, v26;
	v62 =	vmul.f32 v61, v34  }
0x16e: {  	v9 =	vsub.f32 v31, v9;
	v14 =	vadd.f32 v59, v14;
	v34 =	vmul.f32 v32, v19;
	v40 =	vpop (erf)  }
0x16f: {  	v49 =	vmul.f32 v47, v47;
	v26 =	vmul.f32 v38, v38;
	v27 =	vadd.f32 v62, v27;
	v45 =	vpop (erf)  }
0x170: {  	v9 =	vmul.f32 v9, v9;
	v14 =	vadd.f32 $0.0e+00, v14;
	v13 =	vadd.f32 v34, v17;
	v48 =	vpop (erf)  }
0x171: {  	v27 =	vadd.f32 $0.0e+00, v27;
	v19 =	vmul.f32 v40, v37;
	v20 =	vmul.f32 v45, v20;
	v50 =	vpop (erf)  }
0x172: {  	v17 =	vmul.f32 v44, v44;
	v13 =	vadd.f32 $0.0e+00, v13;
	v26 =	vmul.f32 v50, v26  }
0x173: {  	v19 =	vadd.f32 v19, v25;
	v9 =	vmul.f32 v48, v9;
	v15 =	vadd.f32 v20, v15;
	v51 =	vpop (erf)  }
0x174: {  	v13 =	vadd.f32 v28, v13;
	v20 =	vmul.f32 v51, v49;
	v16 =	vadd.f32 v26, v16  }
0x175: {  	v9 =	vadd.f32 v9, v24;
	v15 =	vadd.f32 v15, v27;
	v52 =	vpop (erf)  }
0x176: {  	v20 =	vadd.f32 v20, v23;
	v14 =	vadd.f32 v16, v14;
	v53 =	vmul.f32 v52, v17  }
0x177: {  	v10 =	vadd.f32 v10, v13;
	v9 =	vadd.f32 v9, v15  }
0x178: {  	v54 =	vadd.f32 v20, v14;
	v55 =	vadd.f32 v53, v21  }
0x179: {  	v10 =	vadd.f32 v19, v10;
	v9 =	vadd.f32 v12, v9  }
0x17a: {  	v56 =	vadd.f32 v18, v22;
	v13 =	vadd.f32 v55, v54  }
0x17b: {  	v9 =	vadd.f32 v9, v10  }
0x17c: {  	v57 =	vadd.f32 v56, v13  }
0x17d: {  	v58 =	vperm.xlane v9, v4  }
0x17e: {  	v13 =	vperm.xlane v57, v4  }
0x17f: {  	v9 =	vadd.f32 v9, v58  }
0x180: {  	v10 =	vadd.f32 v57, v13  }
0x181: {  	v12 =	vperm.xlane v9, v5  }
0x182: {  	v13 =	vperm.xlane v10, v5  }
0x183: {  	v9 =	vadd.f32 v9, v12  }
0x184: {  	v10 =	vadd.f32 v10, v13  }
0x185: {  	v12 =	vperm.xlane v9, v6  }
0x186: {  	v13 =	vperm.xlane v10, v6  }
0x187: {  	v9 =	vadd.f32 v9, v12  }
0x188: {  	v59 =	vperm.xlane v43, v7;
	v10 =	vadd.f32 v10, v13  }
0x189: {  	v60 =	vadd.f32 v42, v46;
	v61 =	vperm.xlane v9, v7  }
0x18a: {  	v12 =	vadd.f32 v43, v59;
	v62 =	vperm.xlane v10, v7  }
0x18b: {  	v13 =	vadd.f32 $2.352482600e+02, v60;
	v9 =	vadd.f32 v9, v61  }
0x18c: {  	v12 =	vadd.f32 $2.352482600e+02, v12;
	v10 =	vadd.f32 v10, v62  }
0x18d: {  	v63 =	vmov s29;
	s29 =	sshll.u32 s31, $0x4;
	s31 =	sadd.s32 $0x1, s31;
	v13 =	vmul.f32 $-5.000000000e-01, v13;
	v9 =	vadd.f32 $2.352482600e+02, v9  }
0x18e: {  	p0 =	sne.s32 s31, $0x8;
	v12 =	vmul.f32 $-5.000000000e-01, v12;
	v10 =	vadd.f32 $2.352482600e+02, v10  }
.Ltmp1:
0x18f: {  	v8 =	vsel vm2, v13, v8;
	v9 =	vmul.f32 $-5.000000000e-01, v9;
	(pc) =	sbr.rel @p0 .LBB2_2-.Ltmp1, $4  }
0x190: {  	v8 =	vsel vm1, v12, v8;
	vm1 =	veq.s32 v63, v0;
	v10 =	vmul.f32 $-5.000000000e-01, v10  }
0x191: {  	vm2 =	veq.s32 v11, v0;
	v8 =	vsel vm1, v9, v8  }
0x192: {  	s0 =	sand.u32 $0x3FFFFFF0, s29;
	v8 =	vsel vm2, v10, v8  }
0x193: {  	s1 =	sadd.s32 $0x1000, s1;
	s28 =	sadd.s32 $0x800, s28;
	s30 =	sadd.s32 $0x1000, s30;
	[tilespmem:s0+$0x18200] =	vst v8  }
0x194: {  	v8 =	vld [tilespmem:$0x100];
	_ =	sdelay $0x4  }
0x195: {  	v9 =	vshll.u32 v8, $0x1  }
0x196: {  	v8 =	vand.u32 $0x7, v8;
	v9 =	vand.u32 $0xFFFFFFF0, v9  }
0x197: {  	v8 =	vor.u32 v8, v9  }
0x198: {  	v9 =	vperm.xlane v8, v1;
	_ =	sdelay $0x1  }
0x199: {  	v8 =	vperm.xlane v8, v3;
	v9 =	vadd.s32 v2, v9;
	_ =	sdelay $0x1  }
0x19a: {  	v8 =	vadd.s32 v2, v8;
	_ =	sdelay $0x1  }
0x19b: {  	s28 =	simm.s32 $0x0;
	s30 =	simm.s32 $0x8200  }
0x19c: {  	[tilespmem:s30], [sflag:$0x1] =	stream.indirect_vreg.gather [hbm4b:s4+s28], $0x80, v9, vm0, $0xb8;
	[tilespmem:$0x18400] =	vst v63  }
0x19d: {  	_ = 	snop  }
0x19e: {  	[tilespmem:s11], [sflag:$0x1] =	stream.indirect_vreg.gather [hbm4b:s4+s28], $0x80, v8, vm0, $0xb8;
	[tilespmem:$0x18400] =	vst v63  }
0x19f: {  	v8 =	vld [tilespmem:$0x110];
	_ =	sdelay $0x4  }
0x1a0: {  	v57 =	vshll.u32 v8, $0x1  }
0x1a1: {  	v8 =	vand.u32 $0x7, v8;
	v9 =	vand.u32 $0xFFFFFFF0, v57  }
0x1a2: {  	v8 =	vor.u32 v8, v9  }
0x1a3: {  	v9 =	vperm.xlane v8, v1;
	_ =	sdelay $0x1  }
0x1a4: {  	v8 =	vperm.xlane v8, v3;
	v9 =	vadd.s32 v2, v9;
	_ =	sdelay $0x1  }
0x1a5: {  	v8 =	vadd.s32 v2, v8;
	_ =	sdelay $0x1  }
0x1a6: {  	s0 =	simm.s32 $0x9200  }
0x1a7: {  	[tilespmem:s0], [sflag:$0x1] =	stream.indirect_vreg.gather [hbm4b:s4+s28], $0x80, v9, vm0, $0xb8;
	[tilespmem:$0x18400] =	vst v63  }
0x1a8: {  	s8 =	simm.s32 $0x9A00  }
0x1a9: {  	[tilespmem:s8], [sflag:$0x1] =	stream.indirect_vreg.gather [hbm4b:s4+s28], $0x80, v8, vm0, $0xb8;
	[tilespmem:$0x18400] =	vst v63  }
0x1aa: {  	v8 =	vld [tilespmem:$0x120];
	_ =	sdelay $0x4  }
0x1ab: {  	v58 =	vshll.u32 v8, $0x1  }
0x1ac: {  	v8 =	vand.u32 $0x7, v8;
	v9 =	vand.u32 $0xFFFFFFF0, v58  }
0x1ad: {  	v8 =	vor.u32 v8, v9  }
0x1ae: {  	v9 =	vperm.xlane v8, v1;
	_ =	sdelay $0x1  }
0x1af: {  	v8 =	vperm.xlane v8, v3;
	v9 =	vadd.s32 v2, v9;
	_ =	sdelay $0x1  }
0x1b0: {  	v8 =	vadd.s32 v2, v8;
	_ =	sdelay $0x1  }
0x1b1: {  	s9 =	simm.s32 $0xA200  }
0x1b2: {  	[tilespmem:s9], [sflag:$0x1] =	stream.indirect_vreg.gather [hbm4b:s4+s28], $0x80, v9, vm0, $0xb8;
	[tilespmem:$0x18400] =	vst v63  }
0x1b3: {  	s10 =	simm.s32 $0xAA00  }
0x1b4: {  	[tilespmem:s10], [sflag:$0x1] =	stream.indirect_vreg.gather [hbm4b:s4+s28], $0x80, v8, vm0, $0xb8;
	[tilespmem:$0x18400] =	vst v63  }
0x1b5: {  	v8 =	vld [tilespmem:$0x130];
	_ =	sdelay $0x4  }
0x1b6: {  	v59 =	vshll.u32 v8, $0x1  }
0x1b7: {  	v8 =	vand.u32 $0x7, v8;
	v9 =	vand.u32 $0xFFFFFFF0, v59  }
0x1b8: {  	v8 =	vor.u32 v8, v9  }
0x1b9: {  	v9 =	vperm.xlane v8, v1;
	_ =	sdelay $0x1  }
0x1ba: {  	v8 =	vperm.xlane v8, v3;
	v9 =	vadd.s32 v2, v9;
	_ =	sdelay $0x1  }
0x1bb: {  	v8 =	vadd.s32 v2, v8;
	_ =	sdelay $0x1  }
0x1bc: {  	s11 =	simm.s32 $0xB200  }
0x1bd: {  	[tilespmem:s11], [sflag:$0x1] =	stream.indirect_vreg.gather [hbm4b:s4+s28], $0x80, v9, vm0, $0xb8;
	[tilespmem:$0x18400] =	vst v63  }
0x1be: {  	s29 =	simm.s32 $0xBA00  }
0x1bf: {  	[tilespmem:s29], [sflag:$0x1] =	stream.indirect_vreg.gather [hbm4b:s4+s28], $0x80, v8, vm0, $0xb8;
	[tilespmem:$0x18400] =	vst v63  }
0x1c0: {  	v8 =	vld [tilespmem:$0x140];
	_ =	sdelay $0x4  }
0x1c1: {  	v60 =	vshll.u32 v8, $0x1  }
0x1c2: {  	v8 =	vand.u32 $0x7, v8;
	v9 =	vand.u32 $0xFFFFFFF0, v60  }
0x1c3: {  	v8 =	vor.u32 v8, v9  }
0x1c4: {  	v9 =	vperm.xlane v8, v1;
	_ =	sdelay $0x1  }
0x1c5: {  	v8 =	vperm.xlane v8, v3;
	v9 =	vadd.s32 v2, v9;
	_ =	sdelay $0x1  }
0x1c6: {  	v8 =	vadd.s32 v2, v8;
	_ =	sdelay $0x1  }
0x1c7: {  	s1 =	simm.s32 $0xC200  }
0x1c8: {  	[tilespmem:s1], [sflag:$0x1] =	stream.indirect_vreg.gather [hbm4b:s4+s28], $0x80, v9, vm0, $0xb8;
	[tilespmem:$0x18400] =	vst v63  }
0x1c9: {  	s5 =	simm.s32 $0xCA00  }
0x1ca: {  	[tilespmem:s5], [sflag:$0x1] =	stream.indirect_vreg.gather [hbm4b:s4+s28], $0x80, v8, vm0, $0xb8;
	[tilespmem:$0x18400] =	vst v63  }
0x1cb: {  	v8 =	vld [tilespmem:$0x150];
	_ =	sdelay $0x4  }
0x1cc: {  	v61 =	vshll.u32 v8, $0x1  }
0x1cd: {  	v8 =	vand.u32 $0x7, v8;
	v9 =	vand.u32 $0xFFFFFFF0, v61  }
0x1ce: {  	v8 =	vor.u32 v8, v9  }
0x1cf: {  	v9 =	vperm.xlane v8, v1;
	_ =	sdelay $0x1  }
0x1d0: {  	v8 =	vperm.xlane v8, v3;
	v9 =	vadd.s32 v2, v9;
	_ =	sdelay $0x1  }
0x1d1: {  	v8 =	vadd.s32 v2, v8;
	_ =	sdelay $0x1  }
0x1d2: {  	s6 =	simm.s32 $0xD200  }
0x1d3: {  	[tilespmem:s6], [sflag:$0x1] =	stream.indirect_vreg.gather [hbm4b:s4+s28], $0x80, v9, vm0, $0xb8;
	[tilespmem:$0x18400] =	vst v63  }
0x1d4: {  	s7 =	simm.s32 $0xDA00  }
0x1d5: {  	[tilespmem:s7], [sflag:$0x1] =	stream.indirect_vreg.gather [hbm4b:s4+s28], $0x80, v8, vm0, $0xb8;
	[tilespmem:$0x18400] =	vst v63  }
0x1d6: {  	v8 =	vld [tilespmem:$0x160];
	_ =	sdelay $0x4  }
0x1d7: {  	v62 =	vshll.u32 v8, $0x1  }
0x1d8: {  	v8 =	vand.u32 $0x7, v8;
	v9 =	vand.u32 $0xFFFFFFF0, v62  }
0x1d9: {  	v8 =	vor.u32 v8, v9  }
0x1da: {  	v9 =	vperm.xlane v8, v1;
	_ =	sdelay $0x1  }
0x1db: {  	v8 =	vperm.xlane v8, v3;
	v9 =	vadd.s32 v2, v9;
	_ =	sdelay $0x1  }
0x1dc: {  	v8 =	vadd.s32 v2, v8;
	_ =	sdelay $0x1  }
0x1dd: {  	s8 =	simm.s32 $0xE200  }
0x1de: {  	[tilespmem:s8], [sflag:$0x1] =	stream.indirect_vreg.gather [hbm4b:s4+s28], $0x80, v9, vm0, $0xb8;
	[tilespmem:$0x18400] =	vst v63  }
0x1df: {  	s9 =	simm.s32 $0xEA00  }
0x1e0: {  	[tilespmem:s9], [sflag:$0x1] =	stream.indirect_vreg.gather [hbm4b:s4+s28], $0x80, v8, vm0, $0xb8;
	[tilespmem:$0x18400] =	vst v63  }
0x1e1: {  	v8 =	vld [tilespmem:$0x170];
	_ =	sdelay $0x4  }
0x1e2: {  	v63 =	vshll.u32 v8, $0x1  }
0x1e3: {  	v8 =	vand.u32 $0x7, v8;
	v9 =	vand.u32 $0xFFFFFFF0, v63  }
0x1e4: {  	v8 =	vor.u32 v8, v9  }
0x1e5: {  	v9 =	vperm.xlane v8, v1;
	_ =	sdelay $0x1  }
0x1e6: {  	v8 =	vperm.xlane v8, v3;
	v9 =	vadd.s32 v2, v9;
	_ =	sdelay $0x1  }
0x1e7: {  	v8 =	vadd.s32 v2, v8;
	_ =	sdelay $0x1  }
0x1e8: {  	s10 =	simm.s32 $0xF200  }
0x1e9: {  	[tilespmem:s10], [sflag:$0x1] =	stream.indirect_vreg.gather [hbm4b:s4+s28], $0x80, v9, vm0, $0xb8;
	[tilespmem:$0x18400] =	vst v63  }
0x1ea: {  	s11 =	simm.s32 $0xFA00  }
0x1eb: {  	[tilespmem:s11], [sflag:$0x1] =	stream.indirect_vreg.gather [hbm4b:s4+s28], $0x80, v8, vm0, $0xb8;
	[tilespmem:$0x18400] =	vst v63  }
0x1ec: {  	s31 =	simm.s32 $0x200;
	s29 =	rddreg [dreg:$0x6]  }
0x1ed: {  	[tilespmem:s31], [sflag:$0x1] =	stream.linear.gather [hbm4b:s29+s28], $0x4000, $0x38;
	[tilespmem:$0x18400] =	vst v63  }
0x1ee: {  	_ =	swait.ge [sflag:s22], $0x8000  }
0x1ef: {  	[sflag:s22] =	ssyncset.done $0x0  }
0x1f0: {  	[sflag:s22] =	ssyncadd.s32 $0xFFFF8000  }
0x1f1: {  	_ =	swait.ge [sflag:s22], $0x4000  }
0x1f2: {  	[sflag:s22] =	ssyncset.done $0x0  }
0x1f3: {  	s1 =	simm.s32 $0x800;
	[sflag:s22] =	ssyncadd.s32 $0xFFFFC000  }
.LBB2_6:
0x1f4: {  	s5 =	sand.u32 $0x3FFFF800, s1  }
0x1f5: {  	s5 =	sadd.s32 $0x0, s5  }
0x1f6: {  	s5 =	sadd.s32 $0x8200, s5  }
0x1f7: {  	v20 =	vld [tilespmem:s5+$0x8050]  }
0x1f8: {  	v12 =	vld [tilespmem:s5+$0x8040]  }
0x1f9: {  	v16 =	vld [tilespmem:s5+$0x8020]  }
0x1fa: {  	v22 =	vld [tilespmem:s5+$0x8470]  }
0x1fb: {  	v23 =	vld [tilespmem:s5+$0x8060]  }
0x1fc: {  	v25 =	vld [tilespmem:s5+$0x8450]  }
0x1fd: {  	v26 =	vld [tilespmem:s5+$0x8030]  }
0x1fe: {  	v8 =	vmov s30;
	v27 =	vld [tilespmem:s5+$0x8440]  }
0x1ff: {  	v9 =	vmov s31;
	v28 =	vld [tilespmem:s5+$0x8010]  }
0x200: {  	v13 =	vld [tilespmem:s5+$0x8420]  }
0x201: {  	v32 =	vld [tilespmem:s5+$0x8000]  }
0x202: {  	s0 =	simm.s32 $0x0;
	v36 =	vld [tilespmem:s5+$0x8070]  }
0x203: {  	v17 =	vld.idx.msk [tilespmem:v8+s0+$0x8020 ss:$0x1], $0xffff  }
0x204: {  	v10 =	vld.idx.msk [tilespmem:v9+s0+$0x4440 ss:$0x1], $0xffff  }
0x205: {  	v18 =	vld.idx.msk [tilespmem:v9+s0+$0x4450 ss:$0x1], $0xffff  }
0x206: {  	v11 =	vld.idx.msk [tilespmem:v9+s0+$0x4460 ss:$0x1], $0xffff  }
0x207: {  	v15 =	vld.idx.msk [tilespmem:v8+s0+$0x8070 ss:$0x1], $0xffff  }
0x208: {  	v21 =	vld.idx.msk [tilespmem:v8+s0+$0x8470 ss:$0x1], $0xffff  }
0x209: {  	v24 =	vld.idx.msk [tilespmem:v9+s0+$0x4070 ss:$0x1], $0xffff  }
0x20a: {  	v14 =	vld.idx.msk [tilespmem:v9+s0+$0x4420 ss:$0x1], $0xffff  }
0x20b: {  	v30 =	vld.idx.msk [tilespmem:v9+s0+$0x4410 ss:$0x1], $0xffff  }
0x20c: {  	v33 =	vld.idx.msk [tilespmem:v9+s0+$0x4400 ss:$0x1], $0xffff  }
0x20d: {  	v19 =	vld.idx.msk [tilespmem:v9+s0+$0x4470 ss:$0x1], $0xffff;
	v31 =	vsub.f32 $0.0e+00, v21;
	v11 =	vsub.f32 v11, v23  }
0x20e: {  	v47 =	vld.idx.msk [tilespmem:v9+s0+$0x4020 ss:$0x1], $0xffff;
	v23 =	vsub.f32 $0.0e+00, v27;
	v15 =	vsub.f32 v24, v15  }
0x20f: {  	v34 =	vld [tilespmem:s5+$0x8430];
	v14 =	vsub.f32 v14, v16;
	v16 =	vsub.f32 $0.0e+00, v25;
	v31 =	vmul.f32 $1.442695020e+00, v31  }
0x210: {  	v29 =	vld.idx.msk [tilespmem:v9+s0+$0x4430 ss:$0x1], $0xffff;
	v12 =	vsub.f32 v10, v12;
	v28 =	vsub.f32 v30, v28;
	v23 =	vmul.f32 $1.442695020e+00, v23  }
0x211: {  	v41 =	vld.idx.msk [tilespmem:v9+s0+$0x4000 ss:$0x1], $0xffff;
	v32 =	vsub.f32 v33, v32;
	v18 =	vsub.f32 v18, v20;
	(erf) = vpow2.f32 v31  }
0x212: {  	v24 =	vld [tilespmem:s5+$0x8410];
	v19 =	vsub.f32 v19, v36;
	v11 =	vmul.f32 v11, v11;
	(erf) = vpow2.f32 v23  }
0x213: {  	v44 =	vld.idx.msk [tilespmem:v8+s0+$0x8460 ss:$0x1], $0xffff;
	v17 =	vsub.f32 v47, v17;
	v35 =	vmul.f32 v15, v15;
	v30 =	vmul.f32 v12, v12  }
0x214: {  	v10 =	vld.idx.msk [tilespmem:v8+s0+$0x8400 ss:$0x1], $0xffff;
	v15 =	vsub.f32 $0.0e+00, v22;
	v32 =	vmul.f32 v32, v32;
	v28 =	vmul.f32 v28, v28  }
0x215: {  	v20 =	vld.idx.msk [tilespmem:v8+s0+$0x8000 ss:$0x1], $0xffff;
	v18 =	vmul.f32 v18, v18;
	v23 =	vsub.f32 v29, v26;
	v26 =	vmul.f32 $1.442695020e+00, v16  }
0x216: {  	v33 =	vld [tilespmem:s5+$0x8460];
	v29 =	vmul.f32 v14, v14;
	v14 =	vmul.f32 $1.442695020e+00, v15;
	v15 =	vsub.f32 $0.0e+00, v34  }
0x217: {  	v19 =	vmul.f32 v19, v19;
	v17 =	vmul.f32 v17, v17;
	v31 =	vld [tilespmem:s5+$0x8400];
	v39 =	vsub.f32 $0.0e+00, v24  }
0x218: {  	v60 =	vsub.f32 $0.0e+00, v44;
	v16 =	vld.idx.msk [tilespmem:v8+s0+$0x8410 ss:$0x1], $0xffff;
	(erf) = vpow2.f32 v26;
	v56 =	vmul.f32 $1.442695020e+00, v15  }
0x219: {  	v40 =	vsub.f32 $0.0e+00, v10;
	v39 =	vmul.f32 $1.442695020e+00, v39;
	(erf) = vpow2.f32 v14  }
0x21a: {  	v37 =	vld.idx.msk [tilespmem:v8+s0+$0x8420 ss:$0x1], $0xffff;
	v20 =	vsub.f32 v41, v20;
	v41 =	vmul.f32 $1.442695020e+00, v60;
	(erf) = vpow2.f32 v56;
	v43 =	vpop (erf)  }
0x21b: {  	v49 =	vsub.f32 $0.0e+00, v33;
	v26 =	vsub.f32 $0.0e+00, v13;
	v15 =	vld.idx.msk [tilespmem:v8+s0+$0x8450 ss:$0x1], $0xffff;
	v57 =	vpop (erf);
	(erf) = vpow2.f32 v39  }
0x21c: {  	v40 =	vmul.f32 $1.442695020e+00, v40;
	v23 =	vmul.f32 v23, v23;
	v14 =	vld.idx.msk [tilespmem:v8+s0+$0x8430 ss:$0x1], $0xffff;
	v38 =	vsub.f32 $0.0e+00, v31  }
0x21d: {  	v54 =	vld.idx.msk [tilespmem:v9+s0+$0x4060 ss:$0x1], $0xffff;
	v55 =	vmul.f32 $1.442695020e+00, v49;
	v26 =	vmul.f32 $1.442695020e+00, v26;
	v42 =	vsub.f32 $0.0e+00, v16  }
0x21e: {  	v12 =	vld.idx.msk [tilespmem:v8+s0+$0x8440 ss:$0x1], $0xffff;
	v20 =	vmul.f32 v20, v20;
	v38 =	vmul.f32 $1.442695020e+00, v38  }
0x21f: {  	v58 =	vsub.f32 $0.0e+00, v37;
	v56 =	vld.idx.msk [tilespmem:v8+s0+$0x8060 ss:$0x1], $0xffff;
	v42 =	vmul.f32 $1.442695020e+00, v42;
	(erf) = vpow2.f32 v26  }
0x220: {  	v59 =	vld.idx.msk [tilespmem:v9+s0+$0x4010 ss:$0x1], $0xffff;
	v48 =	vsub.f32 $0.0e+00, v15;
	v30 =	vmul.f32 v57, v30;
	(erf) = vpow2.f32 v38  }
0x221: {  	v46 =	vsub.f32 $0.0e+00, v14;
	v39 =	vmul.f32 $1.442695020e+00, v58;
	v35 =	vmul.f32 v43, v35;
	v26 =	vpop (erf);
	v38 =	vld.idx.msk [tilespmem:v9+s0+$0x4030 ss:$0x1], $0xffff  }
0x222: {  	v53 =	vmul.f32 $1.442695020e+00, v48;
	v27 =	vadd.f32 v30, v27;
	v30 =	vld.idx.msk [tilespmem:v8+s0+$0x8010 ss:$0x1], $0xffff;
	v18 =	vmul.f32 v26, v18;
	v26 =	vpop (erf)  }
0x223: {  	v45 =	vsub.f32 $0.0e+00, v12;
	v61 =	vmul.f32 $1.442695020e+00, v46;
	(erf) = vpow2.f32 v42;
	v42 =	vld.idx.msk [tilespmem:v8+s0+$0x8050 ss:$0x1], $0xffff;
	v62 =	vpop (erf)  }
0x224: {  	v21 =	vadd.f32 v35, v21;
	v35 =	vsub.f32 v54, v56;
	v19 =	vmul.f32 v26, v19;
	v26 =	vld.idx.msk [tilespmem:v8+s0+$0x8030 ss:$0x1], $0xffff;
	v52 =	vpop (erf)  }
0x225: {  	(erf) = vpow2.f32 v40;
	v18 =	vadd.f32 v18, v25;
	v25 =	vld.idx.msk [tilespmem:v9+s0+$0x4050 ss:$0x1], $0xffff;
	v28 =	vmul.f32 v52, v28  }
0x226: {  	s8 =	simm.s32 $0x80;
	s6 =	sadd.s32 $0x100, s1;
	v63 =	vld.idx.msk [tilespmem:v9+s0+$0x4040 ss:$0x1], $0xffff;
	v40 =	vmul.f32 $1.442695020e+00, v45;
	v23 =	vmul.f32 v62, v23  }
0x227: {  	s10 =	sand.u32 $0x3FFFF800, s6;
	v51 =	vld.idx.msk [tilespmem:v9+s8+$0x4430 ss:$0x1], $0xffff;
	v35 =	vmul.f32 v35, v35;
	v19 =	vadd.f32 v19, v22;
	(erf) = vpow2.f32 v39  }
0x228: {  	v22 =	vld.idx.msk [tilespmem:v8+s0+$0x8040 ss:$0x1], $0xffff;
	s0 =	sadd.s32 $0x80, s10;
	v23 =	vadd.f32 v23, v34;
	v30 =	vsub.f32 v59, v30;
	(erf) = vpow2.f32 v41;
	v57 =	vpop (erf)  }
0x229: {  	v60 =	vld.idx.msk [tilespmem:v9+s8+$0x4470 ss:$0x1], $0xffff;
	s0 =	sadd.s32 $0x8200, s0;
	v26 =	vsub.f32 v38, v26;
	(erf) = vpow2.f32 v53;
	v24 =	vadd.f32 v28, v24;
	v28 =	vpop (erf)  }
0x22a: {  	v25 =	vsub.f32 v25, v42;
	v42 =	vld [tilespmem:s0+$0x8430];
	(erf) = vpow2.f32 v55;
	v28 =	vmul.f32 v28, v32  }
0x22b: {  	v30 =	vmul.f32 v30, v30;
	v53 =	vld [tilespmem:s0+$0x8070];
	v24 =	vadd.f32 $0.0e+00, v24;
	(erf) = vpow2.f32 v61  }
0x22c: {  	v49 =	vld.idx.msk [tilespmem:v9+s8+$0x4070 ss:$0x1], $0xffff;
	v29 =	vmul.f32 v57, v29;
	v61 =	vpop (erf);
	(erf) = vpow2.f32 v40;
	v28 =	vadd.f32 v28, v31  }
0x22d: {  	v58 =	vld.idx.msk [tilespmem:v9+s8+$0x4440 ss:$0x1], $0xffff;
	v22 =	vsub.f32 v63, v22;
	v26 =	vmul.f32 v26, v26;
	v23 =	vadd.f32 v23, v24  }
0x22e: {  	v13 =	vadd.f32 v29, v13;
	v40 =	vld [tilespmem:s0+$0x8410];
	v63 =	vpop (erf);
	v30 =	vmul.f32 v61, v30;
	v28 =	vadd.f32 $0.0e+00, v28  }
0x22f: {  	v59 =	vld.idx.msk [tilespmem:v9+s8+$0x4450 ss:$0x1], $0xffff;
	v54 =	vsub.f32 $0.0e+00, v42;
	v20 =	vmul.f32 v63, v20;
	v18 =	vadd.f32 v18, v23  }
0x230: {  	v25 =	vmul.f32 v25, v25;
	v34 =	vsub.f32 v60, v53;
	v31 =	vld [tilespmem:s0+$0x8050];
	v45 =	vpop (erf);
	v16 =	vadd.f32 v30, v16  }
0x231: {  	v48 =	vld.idx.msk [tilespmem:v8+s8+$0x8070 ss:$0x1], $0xffff;
	v17 =	vmul.f32 v45, v17;
	v47 =	vpop (erf);
	v20 =	vadd.f32 v20, v10;
	v18 =	vadd.f32 v19, v18  }
0x232: {  	v22 =	vmul.f32 v22, v22;
	v24 =	vld.idx.msk [tilespmem:v8+s8+$0x8470 ss:$0x1], $0xffff;
	v16 =	vadd.f32 $0.0e+00, v16;
	v13 =	vadd.f32 v13, v28;
	v28 =	vpop (erf)  }
0x233: {  	v62 =	vld.idx.msk [tilespmem:v9+s8+$0x4460 ss:$0x1], $0xffff;
	v30 =	vmul.f32 v47, v35;
	v57 =	vsub.f32 $0.0e+00, v40;
	v17 =	vadd.f32 v17, v37;
	v23 =	vpop (erf)  }
0x234: {  	v20 =	vadd.f32 $0.0e+00, v20;
	v25 =	vmul.f32 v28, v25;
	v11 =	vmul.f32 v23, v11;
	v19 =	vpop (erf);
	v23 =	vld [tilespmem:s0+$0x8060]  }
0x235: {  	v46 =	vld [tilespmem:s0+$0x8040];
	v31 =	vsub.f32 v59, v31;
	v13 =	vadd.f32 v27, v13;
	v19 =	vmul.f32 v19, v26;
	v26 =	vpop (erf)  }
0x236: {  	v29 =	vld.idx.msk [tilespmem:v9+s8+$0x4420 ss:$0x1], $0xffff;
	v15 =	vadd.f32 v25, v15;
	v25 =	vadd.f32 v30, v44;
	v22 =	vmul.f32 v26, v22  }
0x237: {  	v11 =	vadd.f32 v11, v33;
	v26 =	vsub.f32 $0.0e+00, v24;
	v33 =	vld [tilespmem:s0+$0x8440]  }
0x238: {  	v28 =	vld [tilespmem:s0+$0x8020];
	v14 =	vadd.f32 v19, v14;
	v22 =	vadd.f32 v22, v12  }
0x239: {  	v10 =	vimm.f32 $0.0e+00;
	v19 =	vld [tilespmem:s0+$0x8030];
	v12 =	vadd.f32 v11, v13;
	v23 =	vsub.f32 v62, v23  }
0x23a: {  	v36 =	vld [tilespmem:s0+$0x8450];
	v31 =	vmul.f32 v31, v31;
	v14 =	vadd.f32 v14, v16;
	v16 =	vadd.f32 v17, v20  }
0x23b: {  	v50 =	vld [tilespmem:s0+$0x8010];
	v26 =	vmul.f32 $1.442695020e+00, v26;
	v17 =	vsub.f32 v49, v48;
	v18 =	vadd.f32 v18, v12  }
0x23c: {  	v13 =	vld [tilespmem:s0+$0x8420];
	v12 =	vmul.f32 v23, v23;
	v23 =	vsub.f32 $0.0e+00, v33;
	v14 =	vadd.f32 v15, v14  }
0x23d: {  	v20 =	vld.idx.msk [tilespmem:v9+s8+$0x4410 ss:$0x1], $0xffff;
	(erf) = vpow2.f32 v26;
	v15 =	vadd.f32 v22, v16;
	v16 =	vsub.f32 v29, v28  }
0x23e: {  	v27 =	vld [tilespmem:s0+$0x8470];
	v29 =	vmul.f32 v17, v17;
	v52 =	vperm.xlane v18, v4;
	v28 =	vsub.f32 v51, v19  }
0x23f: {  	v26 =	vld [tilespmem:s0+$0x8000];
	v22 =	vmul.f32 $1.442695020e+00, v23;
	v17 =	vadd.f32 v21, v14;
	v14 =	vsub.f32 v58, v46  }
0x240: {  	s7 =	simm.s32 $0x8;
	v23 =	vld.idx.msk [tilespmem:v9+s8+$0x4400 ss:$0x1], $0xffff;
	v19 =	vmul.f32 v16, v16;
	v16 =	vsub.f32 $0.0e+00, v36;
	v15 =	vadd.f32 v25, v15  }
0x241: {  	v61 =	vld.idx.msk [tilespmem:v9+s8+$0x4000 ss:$0x1], $0xffff;
	v30 =	vmov s7;
	v25 =	vsub.f32 $0.0e+00, v13;
	v41 =	vadd.f32 v18, v52  }
0x242: {  	v21 =	vld [tilespmem:s0+$0x8400];
	v20 =	vsub.f32 v20, v50;
	(erf) = vpow2.f32 v22;
	v37 =	vmul.f32 v14, v14  }
0x243: {  	v18 =	vld.idx.msk [tilespmem:v8+s8+$0x8410 ss:$0x1], $0xffff;
	v22 =	vsub.f32 $0.0e+00, v27;
	v16 =	vmul.f32 $1.442695020e+00, v16;
	v44 =	vmul.f32 $1.442695020e+00, v25  }
0x244: {  	v14 =	vld.idx.msk [tilespmem:v8+s8+$0x8400 ss:$0x1], $0xffff;
	v17 =	vadd.f32 v17, v15;
	v39 =	vperm.xlane v41, v5;
	v51 =	vmul.f32 v20, v20  }
0x245: {  	v63 =	vld.idx.msk [tilespmem:v8+s8+$0x8020 ss:$0x1], $0xffff;
	v55 =	vmul.f32 $1.442695020e+00, v22;
	(erf) = vpow2.f32 v16;
	v23 =	vsub.f32 v23, v26  }
0x246: {  	vm1 =	veq.s32 v30, v0;
	v15 =	vld.idx.msk [tilespmem:v8+s8+$0x8440 ss:$0x1], $0xffff;
	v56 =	vperm.xlane v17, v4;
	v26 =	vmul.f32 $1.442695020e+00, v54  }
0x247: {  	v62 =	vld.idx.msk [tilespmem:v8+s8+$0x8000 ss:$0x1], $0xffff;
	(erf) = vpow2.f32 v55;
	v43 =	vmul.f32 v23, v23;
	v23 =	vsub.f32 $0.0e+00, v21  }
0x248: {  	v52 =	vld.idx.msk [tilespmem:v9+s8+$0x4020 ss:$0x1], $0xffff;
	v25 =	vadd.f32 v17, v56;
	v59 =	vsub.f32 $0.0e+00, v18;
	(erf) = vpow2.f32 v26  }
0x249: {  	s11 =	simm.s32 $0x9;
	v22 =	vld.idx.msk [tilespmem:v8+s8+$0x8420 ss:$0x1], $0xffff;
	v58 =	vsub.f32 $0.0e+00, v14;
	v60 =	vmul.f32 $1.442695020e+00, v23;
	v23 =	vmul.f32 $1.442695020e+00, v57  }
0x24a: {  	v11 =	vmov s11;
	v17 =	vld.idx.msk [tilespmem:v8+s8+$0x8450 ss:$0x1], $0xffff;
	v32 =	vmul.f32 $1.442695020e+00, v59;
	v30 =	vperm.xlane v25, v5  }
0x24b: {  	v50 =	vsub.f32 $0.0e+00, v15;
	v56 =	vpop (erf);
	v38 =	vmul.f32 $1.442695020e+00, v58;
	(erf) = vpow2.f32 v23  }
0x24c: {  	v47 =	vsub.f32 v61, v62;
	v16 =	vld.idx.msk [tilespmem:v8+s8+$0x8430 ss:$0x1], $0xffff;
	v58 =	vmul.f32 v34, v34;
	v34 =	vmul.f32 v28, v28  }
0x24d: {  	v46 =	vsub.f32 v52, v63;
	v35 =	vmul.f32 $1.442695020e+00, v50;
	v26 =	vpop (erf);
	v23 =	vld.idx.msk [tilespmem:v8+s8+$0x8460 ss:$0x1], $0xffff;
	(erf) = vpow2.f32 v44  }
0x24e: {  	v53 =	vld.idx.msk [tilespmem:v9+s8+$0x4050 ss:$0x1], $0xffff;
	v48 =	vsub.f32 $0.0e+00, v22;
	v20 =	vmul.f32 v26, v37;
	(erf) = vpow2.f32 v60  }
0x24f: {  	v45 =	vld.idx.msk [tilespmem:v9+s8+$0x4010 ss:$0x1], $0xffff;
	v61 =	vmul.f32 v56, v29;
	v44 =	vsub.f32 $0.0e+00, v17;
	v59 =	vpop (erf);
	(erf) = vpow2.f32 v32  }
0x250: {  	v26 =	vadd.f32 v20, v33;
	v20 =	vld [tilespmem:s0+$0x8460];
	v31 =	vmul.f32 v59, v31;
	v60 =	vpop (erf);
	(erf) = vpow2.f32 v38  }
0x251: {  	v57 =	vsub.f32 $0.0e+00, v16;
	v63 =	vmul.f32 $1.442695020e+00, v48;
	v32 =	vld.idx.msk [tilespmem:v8+s8+$0x8010 ss:$0x1], $0xffff;
	v49 =	vmul.f32 $1.442695020e+00, v44  }
0x252: {  	v52 =	vld.idx.msk [tilespmem:v9+s8+$0x4040 ss:$0x1], $0xffff;
	v33 =	vmul.f32 v60, v58;
	v28 =	vadd.f32 v31, v36;
	v31 =	vsub.f32 $0.0e+00, v23  }
0x253: {  	v56 =	vld.idx.msk [tilespmem:v8+s8+$0x8040 ss:$0x1], $0xffff;
	v24 =	vadd.f32 v61, v24;
	v38 =	vmul.f32 $1.442695020e+00, v57;
	v62 =	vpop (erf);
	(erf) = vpow2.f32 v63  }
0x254: {  	v54 =	vld.idx.msk [tilespmem:v8+s8+$0x8050 ss:$0x1], $0xffff;
	v34 =	vmul.f32 v62, v34;
	v29 =	vadd.f32 v33, v27;
	v55 =	vmul.f32 $1.442695020e+00, v31;
	v27 =	vpop (erf)  }
0x255: {  	v31 =	vadd.f32 v41, v39;
	v33 =	vmul.f32 v47, v47;
	v60 =	vmul.f32 v27, v51  }
0x256: {  	v37 =	vld.idx.msk [tilespmem:v8+s8+$0x8030 ss:$0x1], $0xffff;
	v61 =	vsub.f32 $0.0e+00, v20;
	(erf) = vpow2.f32 v55;
	v27 =	vsub.f32 v45, v32;
	v41 =	vpop (erf)  }
0x257: {  	v32 =	vmul.f32 v46, v46;
	v46 =	vadd.f32 v34, v42;
	v42 =	vld.idx.msk [tilespmem:v9+s8+$0x4060 ss:$0x1], $0xffff;
	v63 =	vpop (erf);
	v62 =	vadd.f32 v60, v40  }
0x258: {  	s9 =	simm.s32 $0x2;
	s29 =	simm.s32 $0x400;
	v44 =	vsub.f32 v52, v56;
	v39 =	vperm.xlane v31, v6;
	v45 =	vmul.f32 v63, v43;
	v48 =	vpop (erf);
	v43 =	vld.idx.msk [tilespmem:v8+s8+$0x8060 ss:$0x1], $0xffff  }
0x259: {  	s5 =	simm.s32 $0x0;
	s0 =	simm.s32 $0x1;
	v36 =	vld.idx.msk [tilespmem:v9+s8+$0x4030 ss:$0x1], $0xffff;
	v47 =	vmul.f32 $1.442695020e+00, v61;
	v40 =	vsub.f32 v53, v54;
	s8 =	sadd.s32 $0x100, s6;
	v34 =	vpop (erf);
	v50 =	vadd.f32 $0.0e+00, v62  }
.LBB2_7:
0x25a: {  	s10 =	sand.u32 $0x3FFFF800, s8  }
0x25b: {  	s7 =	sshra.s32 s29, $0x2;
	v51 =	vmul.f32 v27, v27;
	(erf) = vpow2.f32 v49;
	v49 =	vadd.f32 v25, v30;
	s11 =	smov.u32 s9;
	s6 =	sadd.s32 $0x1, s9  }
0x25c: {  	p0 =	sne.s32 s9, $0x7;
	v46 =	vadd.f32 v46, v50;
	s10 =	sadd.s32 s7, s10;
	v27 =	vld.idx.msk [tilespmem:v8+s7+$0x8020 ss:$0x1], $0xffff;
	(erf) = vpow2.f32 v47;
	v31 =	vadd.f32 v31, v39  }
0x25d: {  	v42 =	vsub.f32 v42, v43;
	s9 =	sadd.s32 $0x8200, s10;
	v39 =	vld.idx.msk [tilespmem:v9+s7+$0x4440 ss:$0x1], $0xffff;
	v47 =	vmul.f32 v48, v51;
	v43 =	vperm.xlane v49, v6  }
0x25e: {  	v21 =	vadd.f32 v45, v21;
	v19 =	vmul.f32 v41, v19;
	v30 =	vld.idx.msk [tilespmem:v9+s7+$0x4450 ss:$0x1], $0xffff;
	(erf) = vpow2.f32 v38  }
0x25f: {  	v36 =	vsub.f32 v36, v37;
	v37 =	vmul.f32 v44, v44;
	v25 =	vld.idx.msk [tilespmem:v9+s7+$0x4470 ss:$0x1], $0xffff;
	v38 =	vpop (erf);
	v41 =	vadd.f32 v49, v43  }
0x260: {  	v21 =	vadd.f32 $0.0e+00, v21;
	v43 =	vld.idx.msk [tilespmem:v9+s7+$0x4460 ss:$0x1], $0xffff;
	v32 =	vmul.f32 v38, v32;
	(erf) = vpow2.f32 v35  }
0x261: {  	v36 =	vmul.f32 v36, v36;
	v13 =	vadd.f32 v19, v13;
	v35 =	vld [tilespmem:s9+$0x8050];
	v19 =	vperm.xlane v41, v7  }
0x262: {  	v44 =	vperm.xlane v31, v7;
	v38 =	vld [tilespmem:s9+$0x8040];
	v22 =	vadd.f32 v32, v22;
	v32 =	vmul.f32 v40, v40;
	v40 =	vpop (erf)  }
0x263: {  	v18 =	vadd.f32 v47, v18;
	v45 =	vld.idx.msk [tilespmem:v9+s7+$0x4420 ss:$0x1], $0xffff;
	v19 =	vadd.f32 v41, v19;
	v41 =	vmov s5;
	s5 =	smov.u32 s0;
	s0 =	smov.u32 s11  }
0x264: {  	v42 =	vmul.f32 v42, v42;
	v13 =	vadd.f32 v13, v21;
	v44 =	vadd.f32 v31, v44;
	v47 =	vld.idx.msk [tilespmem:v8+s7+$0x8070 ss:$0x1], $0xffff;
	v21 =	vpop (erf)  }
0x265: {  	v48 =	vadd.f32 v28, v46;
	vm2 =	veq.s32 v41, v0;
	v31 =	vld.idx.msk [tilespmem:v8+s7+$0x8470 ss:$0x1], $0xffff;
	v21 =	vmul.f32 v21, v32;
	v46 =	vpop (erf)  }
0x266: {  	v13 =	vadd.f32 v26, v13;
	v40 =	vmul.f32 v40, v42;
	v19 =	vadd.f32 $2.352482600e+02, v19;
	v41 =	vld [tilespmem:s9+$0x8020]  }
0x267: {  	v26 =	vadd.f32 v29, v48;
	v29 =	vadd.f32 $2.352482600e+02, v44;
	v12 =	vmul.f32 v46, v12;
	v32 =	vld [tilespmem:s9+$0x8470];
	v28 =	vpop (erf)  }
0x268: {  	v33 =	vmul.f32 v34, v33;
	v18 =	vadd.f32 $0.0e+00, v18;
	v19 =	vmul.f32 $-5.000000000e-01, v19;
	v42 =	vld [tilespmem:s9+$0x8060]  }
0x269: {  	v23 =	vadd.f32 v40, v23;
	v17 =	vadd.f32 v21, v17;
	v36 =	vmul.f32 v28, v36;
	v34 =	vld.idx.msk [tilespmem:v9+s7+$0x4070 ss:$0x1], $0xffff;
	v21 =	vpop (erf)  }
0x26a: {  	v12 =	vadd.f32 v12, v20;
	v20 =	vmul.f32 $-5.000000000e-01, v29;
	v28 =	vld [tilespmem:s9+$0x8450];
	v21 =	vmul.f32 v21, v37  }
0x26b: {  	v14 =	vadd.f32 v33, v14;
	v10 =	vsel vm2, v19, v10;
	v29 =	vsub.f32 $0.0e+00, v31;
	v37 =	vld [tilespmem:s9+$0x8030]  }
0x26c: {  	v16 =	vadd.f32 v36, v16;
	v10 =	vsel vm1, v20, v10;
	v33 =	vld [tilespmem:s9+$0x8440];
	v15 =	vadd.f32 v21, v15  }
0x26d: {  	s10 =	sadd.s32 $0x8, s0;
	v19 =	vmul.f32 $1.442695020e+00, v29;
	v29 =	vadd.f32 v12, v13;
	v20 =	vld [tilespmem:s9+$0x8010];
	v21 =	vsub.f32 v43, v42  }
0x26e: {  	v14 =	vadd.f32 $0.0e+00, v14;
	v40 =	vmov s10;
	v16 =	vadd.f32 v16, v18;
	v36 =	vld.idx.msk [tilespmem:v9+s7+$0x4430 ss:$0x1], $0xffff  }
0x26f: {  	v18 =	vadd.f32 v26, v29;
	v13 =	vld [tilespmem:s9+$0x8420];
	v12 =	vmul.f32 v21, v21;
	(erf) = vpow2.f32 v19  }
0x270: {  	v14 =	vadd.f32 v22, v14;
	v19 =	vsub.f32 v34, v47;
	v26 =	vld.idx.msk [tilespmem:v9+s7+$0x4410 ss:$0x1], $0xffff  }
0x271: {  	v16 =	vadd.f32 v17, v16;
	v17 =	vperm.xlane v18, v4;
	v29 =	vld [tilespmem:s9+$0x8000];
	v21 =	vsub.f32 $0.0e+00, v33  }
0x272: {  	v15 =	vadd.f32 v15, v14;
	v42 =	vld.idx.msk [tilespmem:v9+s7+$0x4400 ss:$0x1], $0xffff  }
0x273: {  	v14 =	vsub.f32 v45, v41;
	v41 =	vadd.f32 v18, v17;
	v34 =	vld [tilespmem:s9+$0x8430];
	v22 =	vmul.f32 $1.442695020e+00, v21  }
0x274: {  	v16 =	vadd.f32 v24, v16;
	v43 =	vmul.f32 v19, v19;
	v45 =	vsub.f32 v36, v37;
	v44 =	vld [tilespmem:s9+$0x8410]  }
0x275: {  	v19 =	vmul.f32 v14, v14;
	v17 =	vsub.f32 v39, v38;
	v39 =	vperm.xlane v41, v5;
	v21 =	vld [tilespmem:s9+$0x8400]  }
0x276: {  	v24 =	vsub.f32 v26, v20;
	v20 =	vsub.f32 $0.0e+00, v28;
	v26 =	vld [tilespmem:s9+$0x8070];
	(erf) = vpow2.f32 v22  }
0x277: {  	v15 =	vadd.f32 v23, v15;
	v36 =	vmul.f32 v17, v17;
	v17 =	vsub.f32 $0.0e+00, v32;
	v14 =	vld.idx.msk [tilespmem:v8+s7+$0x8400 ss:$0x1], $0xffff  }
0x278: {  	v23 =	vsub.f32 $0.0e+00, v13;
	v20 =	vmul.f32 $1.442695020e+00, v20;
	v18 =	vld.idx.msk [tilespmem:v8+s7+$0x8410 ss:$0x1], $0xffff;
	v37 =	vsub.f32 $0.0e+00, v34;
	v38 =	vpop (erf)  }
0x279: {  	v30 =	vsub.f32 v30, v35;
	v35 =	vadd.f32 v16, v15;
	v17 =	vmul.f32 $1.442695020e+00, v17;
	v22 =	vld.idx.msk [tilespmem:v8+s7+$0x8420 ss:$0x1], $0xffff  }
0x27a: {  	v29 =	vsub.f32 v42, v29;
	v15 =	vld.idx.msk [tilespmem:v8+s7+$0x8440 ss:$0x1], $0xffff;
	v37 =	vmul.f32 $1.442695020e+00, v37;
	(erf) = vpow2.f32 v20  }
0x27b: {  	v20 =	vperm.xlane v35, v4;
	v16 =	vld.idx.msk [tilespmem:v8+s7+$0x8430 ss:$0x1], $0xffff;
	v42 =	vsub.f32 v25, v26;
	(erf) = vpow2.f32 v17  }
0x27c: {  	v48 =	vmul.f32 v29, v29;
	v29 =	vsub.f32 $0.0e+00, v44;
	v26 =	vsub.f32 $0.0e+00, v21;
	v17 =	vld.idx.msk [tilespmem:v8+s7+$0x8450 ss:$0x1], $0xffff  }
0x27d: {  	v49 =	vmul.f32 $1.442695020e+00, v23;
	v47 =	vsub.f32 $0.0e+00, v14;
	v25 =	vadd.f32 v35, v20;
	v46 =	vld.idx.msk [tilespmem:v9+s7+$0x4000 ss:$0x1], $0xffff  }
0x27e: {  	v23 =	vsub.f32 $0.0e+00, v18;
	v50 =	vmul.f32 $1.442695020e+00, v26;
	v26 =	vmul.f32 $1.442695020e+00, v29;
	v35 =	vld.idx.msk [tilespmem:v8+s7+$0x8000 ss:$0x1], $0xffff  }
0x27f: {  	vm1 =	veq.s32 v11, v0;
	v29 =	vmul.f32 $1.442695020e+00, v47;
	v20 =	vld [tilespmem:s9+$0x8460];
	(erf) = vpow2.f32 v37;
	v37 =	vpop (erf)  }
0x280: {  	v11 =	vmovc v40;
	v51 =	vsub.f32 $0.0e+00, v22;
	v47 =	vmul.f32 $1.442695020e+00, v23;
	v23 =	vld.idx.msk [tilespmem:v8+s7+$0x8460 ss:$0x1], $0xffff;
	(erf) = vpow2.f32 v26  }
0x281: {  	v53 =	vmul.f32 v24, v24;
	v52 =	vsub.f32 $0.0e+00, v15;
	v24 =	vmul.f32 v37, v36;
	v40 =	vld.idx.msk [tilespmem:v9+s7+$0x4010 ss:$0x1], $0xffff  }
0x282: {  	v55 =	vsub.f32 $0.0e+00, v16;
	v37 =	vmul.f32 v30, v30;
	v30 =	vperm.xlane v25, v5;
	v54 =	vld.idx.msk [tilespmem:v9+s7+$0x4020 ss:$0x1], $0xffff  }
0x283: {  	v26 =	vadd.f32 v24, v33;
	v24 =	vmul.f32 v42, v42;
	v56 =	vld.idx.msk [tilespmem:v8+s7+$0x8010 ss:$0x1], $0xffff;
	(erf) = vpow2.f32 v49;
	v33 =	vpop (erf)  }
0x284: {  	v49 =	vsub.f32 $0.0e+00, v17;
	v36 =	vld.idx.msk [tilespmem:v9+s7+$0x4030 ss:$0x1], $0xffff;
	v33 =	vmul.f32 v33, v37;
	(erf) = vpow2.f32 v50;
	v42 =	vpop (erf)  }
0x285: {  	v46 =	vsub.f32 v46, v35;
	v37 =	vld.idx.msk [tilespmem:v8+s7+$0x8030 ss:$0x1], $0xffff;
	v24 =	vmul.f32 v42, v24;
	(erf) = vpow2.f32 v47  }
0x286: {  	v45 =	vmul.f32 v45, v45;
	v57 =	vld.idx.msk [tilespmem:v9+s7+$0x4050 ss:$0x1], $0xffff;
	v28 =	vadd.f32 v33, v28;
	(erf) = vpow2.f32 v29  }
0x287: {  	v35 =	vmul.f32 $1.442695020e+00, v52;
	v42 =	vmul.f32 v38, v43;
	v33 =	vsub.f32 $0.0e+00, v23;
	v52 =	vld.idx.msk [tilespmem:v8+s7+$0x8050 ss:$0x1], $0xffff  }
0x288: {  	v38 =	vmul.f32 $1.442695020e+00, v55;
	v43 =	vsub.f32 v54, v27;
	v29 =	vadd.f32 v24, v32;
	v54 =	vld.idx.msk [tilespmem:v9+s7+$0x4040 ss:$0x1], $0xffff;
	v32 =	vpop (erf)  }
0x289: {  	v47 =	vmul.f32 $1.442695020e+00, v51;
	v24 =	vadd.f32 v42, v31;
	v55 =	vmul.f32 $1.442695020e+00, v33;
	v51 =	vld.idx.msk [tilespmem:v8+s7+$0x8040 ss:$0x1], $0xffff;
	v27 =	vpop (erf)  }
0x28a: {  	v31 =	vadd.f32 v41, v39;
	v42 =	vld.idx.msk [tilespmem:v9+s7+$0x4060 ss:$0x1], $0xffff;
	v50 =	vmul.f32 v27, v53;
	v53 =	vsub.f32 $0.0e+00, v20  }
.Ltmp2:
0x28b: {  	v39 =	vmul.f32 v32, v45;
	v27 =	vsub.f32 v40, v56;
	(erf) = vpow2.f32 v47;
	(pc) =	sbr.rel @p0 .LBB2_7-.Ltmp2, $4  }
0x28c: {  	v33 =	vmul.f32 v46, v46;
	v32 =	vmul.f32 v43, v43;
	v43 =	vld.idx.msk [tilespmem:v8+s7+$0x8060 ss:$0x1], $0xffff;
	v40 =	vadd.f32 v50, v44;
	v41 =	vpop (erf)  }
0x28d: {  	v49 =	vmul.f32 $1.442695020e+00, v49;
	v46 =	vadd.f32 v39, v34;
	v47 =	vmul.f32 $1.442695020e+00, v53;
	v34 =	vpop (erf)  }
0x28e: {  	v45 =	vmul.f32 v34, v48;
	v50 =	vadd.f32 $0.0e+00, v40;
	v48 =	vpop (erf);
	(erf) = vpow2.f32 v55  }
0x28f: {  	s8 =	sadd.s32 $0x100, s8;
	s29 =	sadd.s32 $0x200, s29;
	s9 =	smov.u32 s6;
	v39 =	vperm.xlane v31, v6;
	v44 =	vsub.f32 v54, v51;
	v40 =	vsub.f32 v57, v52;
	v34 =	vpop (erf)  }
0x290: {  	(erf) = vpow2.f32 v49  }
0x291: {  	(erf) = vpow2.f32 v47  }
0x292: {  	(erf) = vpow2.f32 v38;
	_ =	sdelay $0x1  }
0x293: {  	(erf) = vpow2.f32 v35;
	_ =	sdelay $0x1  }
0x294: {  	v8 =	vmul.f32 v27, v27  }
0x295: {  	v9 =	vadd.f32 v46, v50;
	v21 =	vadd.f32 v45, v21;
	v19 =	vmul.f32 v41, v19;
	v56 =	vpop (erf)  }
0x296: {  	v57 =	vsub.f32 v36, v37;
	v41 =	vmul.f32 v34, v33;
	v60 =	vmul.f32 v44, v44;
	v59 =	vpop (erf)  }
0x297: {  	v58 =	vsub.f32 v42, v43;
	v42 =	vmul.f32 v40, v40;
	v8 =	vmul.f32 v48, v8;
	v61 =	vpop (erf)  }
0x298: {  	v21 =	vadd.f32 $0.0e+00, v21;
	v13 =	vadd.f32 v19, v13;
	v35 =	vmul.f32 v57, v57;
	v63 =	vpop (erf)  }
0x299: {  	v14 =	vadd.f32 v41, v14;
	v9 =	vadd.f32 v28, v9;
	v27 =	vmul.f32 v56, v32;
	v44 =	vpop (erf)  }
0x29a: {  	v43 =	vmul.f32 v58, v58;
	v8 =	vadd.f32 v8, v18;
	v45 =	vmul.f32 v44, v35  }
0x29b: {  	v14 =	vadd.f32 $0.0e+00, v14;
	v62 =	vadd.f32 v27, v22;
	v47 =	vmul.f32 v61, v42;
	v46 =	vpop (erf)  }
0x29c: {  	v8 =	vadd.f32 $0.0e+00, v8;
	v48 =	vmul.f32 v46, v60;
	v16 =	vadd.f32 v45, v16  }
0x29d: {  	v18 =	vmul.f32 v59, v43;
	v14 =	vadd.f32 v62, v14;
	v17 =	vadd.f32 v47, v17  }
0x29e: {  	v15 =	vadd.f32 v48, v15;
	v8 =	vadd.f32 v16, v8  }
0x29f: {  	v13 =	vadd.f32 v13, v21;
	v49 =	vadd.f32 v18, v23;
	v12 =	vmul.f32 v63, v12  }
0x2a0: {  	v14 =	vadd.f32 v15, v14;
	v8 =	vadd.f32 v17, v8  }
0x2a1: {  	v13 =	vadd.f32 v26, v13;
	v12 =	vadd.f32 v12, v20  }
0x2a2: {  	v14 =	vadd.f32 v49, v14;
	v8 =	vadd.f32 v24, v8  }
0x2a3: {  	v9 =	vadd.f32 v29, v9;
	v12 =	vadd.f32 v12, v13  }
0x2a4: {  	v8 =	vadd.f32 v8, v14  }
0x2a5: {  	v9 =	vadd.f32 v9, v12  }
0x2a6: {  	v50 =	vperm.xlane v8, v4  }
0x2a7: {  	v51 =	vperm.xlane v9, v4  }
0x2a8: {  	v8 =	vadd.f32 v8, v50  }
0x2a9: {  	v9 =	vadd.f32 v9, v51  }
0x2aa: {  	v52 =	vadd.f32 v25, v30;
	v53 =	vperm.xlane v8, v5  }
0x2ab: {  	v54 =	vperm.xlane v9, v5  }
0x2ac: {  	v55 =	vperm.xlane v52, v6;
	v8 =	vadd.f32 v8, v53  }
0x2ad: {  	v9 =	vadd.f32 v9, v54  }
0x2ae: {  	v12 =	vadd.f32 v52, v55;
	v13 =	vperm.xlane v8, v6  }
0x2af: {  	v56 =	vadd.f32 v31, v39;
	v57 =	vperm.xlane v9, v6  }
0x2b0: {  	v58 =	vperm.xlane v12, v7;
	v8 =	vadd.f32 v8, v13  }
0x2b1: {  	v59 =	vperm.xlane v56, v7;
	v9 =	vadd.f32 v9, v57  }
0x2b2: {  	v12 =	vadd.f32 v12, v58;
	v60 =	vperm.xlane v8, v7  }
0x2b3: {  	v61 =	vperm.xlane v9, v7;
	v13 =	vadd.f32 v56, v59  }
0x2b4: {  	v12 =	vadd.f32 $2.352482600e+02, v12;
	v8 =	vadd.f32 v8, v60  }
0x2b5: {  	v9 =	vadd.f32 v9, v61;
	v13 =	vadd.f32 $2.352482600e+02, v13  }
0x2b6: {  	s29 =	sshll.u32 s28, $0x4;
	s28 =	sadd.s32 $0x1, s28;
	v62 =	vmov s5;
	v12 =	vmul.f32 $-5.000000000e-01, v12;
	v8 =	vadd.f32 $2.352482600e+02, v8  }
0x2b7: {  	p0 =	sne.s32 s28, $0x8;
	vm2 =	veq.s32 v62, v0;
	v9 =	vadd.f32 $2.352482600e+02, v9;
	v13 =	vmul.f32 $-5.000000000e-01, v13  }
.Ltmp3:
0x2b8: {  	v63 =	vmov s0;
	v10 =	vsel vm2, v12, v10;
	v8 =	vmul.f32 $-5.000000000e-01, v8;
	(pc) =	sbr.rel @p0 .LBB2_6-.Ltmp3, $4  }
0x2b9: {  	v9 =	vmul.f32 $-5.000000000e-01, v9;
	v10 =	vsel vm1, v13, v10;
	vm1 =	veq.s32 v63, v0  }
0x2ba: {  	vm2 =	veq.s32 v11, v0;
	v8 =	vsel vm1, v8, v10  }
0x2bb: {  	s0 =	sand.u32 $0x3FFFFFF0, s29;
	v8 =	vsel vm2, v9, v8  }
0x2bc: {  	s1 =	sadd.s32 $0x1000, s1;
	s30 =	sadd.s32 $0x1000, s30;
	s31 =	sadd.s32 $0x800, s31;
	[tilespmem:s0+$0x18280] =	vst v8  }
0x2bd: {  	v8 =	vld [tilespmem:$0x180];
	_ =	sdelay $0x4  }
0x2be: {  	v9 =	vshll.u32 v8, $0x1  }
0x2bf: {  	v8 =	vand.u32 $0x7, v8;
	v9 =	vand.u32 $0xFFFFFFF0, v9  }
0x2c0: {  	v8 =	vor.u32 v8, v9  }
0x2c1: {  	v9 =	vperm.xlane v8, v1;
	_ =	sdelay $0x1  }
0x2c2: {  	v8 =	vperm.xlane v8, v3;
	v9 =	vadd.s32 v2, v9;
	_ =	sdelay $0x1  }
0x2c3: {  	v8 =	vadd.s32 v2, v8;
	_ =	sdelay $0x1  }
0x2c4: {  	s28 =	simm.s32 $0x0;
	s0 =	simm.s32 $0x10200  }
0x2c5: {  	[tilespmem:s0], [sflag:$0x2] =	stream.indirect_vreg.gather [hbm4b:s4+s28], $0x80, v9, vm0, $0xb8;
	[tilespmem:$0x18400] =	vst v63  }
0x2c6: {  	s1 =	simm.s32 $0x10A00  }
0x2c7: {  	[tilespmem:s1], [sflag:$0x2] =	stream.indirect_vreg.gather [hbm4b:s4+s28], $0x80, v8, vm0, $0xb8;
	[tilespmem:$0x18400] =	vst v63  }
0x2c8: {  	v8 =	vld [tilespmem:$0x190];
	_ =	sdelay $0x4  }
0x2c9: {  	v57 =	vshll.u32 v8, $0x1  }
0x2ca: {  	v8 =	vand.u32 $0x7, v8;
	v9 =	vand.u32 $0xFFFFFFF0, v57  }
0x2cb: {  	v8 =	vor.u32 v8, v9  }
0x2cc: {  	v9 =	vperm.xlane v8, v1;
	_ =	sdelay $0x1  }
0x2cd: {  	v8 =	vperm.xlane v8, v3;
	v9 =	vadd.s32 v2, v9;
	_ =	sdelay $0x1  }
0x2ce: {  	v8 =	vadd.s32 v2, v8;
	_ =	sdelay $0x1  }
0x2cf: {  	s5 =	simm.s32 $0x11200  }
0x2d0: {  	[tilespmem:s5], [sflag:$0x2] =	stream.indirect_vreg.gather [hbm4b:s4+s28], $0x80, v9, vm0, $0xb8;
	[tilespmem:$0x18400] =	vst v63  }
0x2d1: {  	s6 =	simm.s32 $0x11A00  }
0x2d2: {  	[tilespmem:s6], [sflag:$0x2] =	stream.indirect_vreg.gather [hbm4b:s4+s28], $0x80, v8, vm0, $0xb8;
	[tilespmem:$0x18400] =	vst v63  }
0x2d3: {  	v8 =	vld [tilespmem:$0x1A0];
	_ =	sdelay $0x4  }
0x2d4: {  	v58 =	vshll.u32 v8, $0x1  }
0x2d5: {  	v8 =	vand.u32 $0x7, v8;
	v9 =	vand.u32 $0xFFFFFFF0, v58  }
0x2d6: {  	v8 =	vor.u32 v8, v9  }
0x2d7: {  	v9 =	vperm.xlane v8, v1;
	_ =	sdelay $0x1  }
0x2d8: {  	v8 =	vperm.xlane v8, v3;
	v9 =	vadd.s32 v2, v9;
	_ =	sdelay $0x1  }
0x2d9: {  	v8 =	vadd.s32 v2, v8;
	_ =	sdelay $0x1  }
0x2da: {  	s7 =	simm.s32 $0x12200  }
0x2db: {  	[tilespmem:s7], [sflag:$0x2] =	stream.indirect_vreg.gather [hbm4b:s4+s28], $0x80, v9, vm0, $0xb8;
	[tilespmem:$0x18400] =	vst v63  }
0x2dc: {  	s8 =	simm.s32 $0x12A00  }
0x2dd: {  	[tilespmem:s8], [sflag:$0x2] =	stream.indirect_vreg.gather [hbm4b:s4+s28], $0x80, v8, vm0, $0xb8;
	[tilespmem:$0x18400] =	vst v63  }
0x2de: {  	v8 =	vld [tilespmem:$0x1B0];
	_ =	sdelay $0x4  }
0x2df: {  	v59 =	vshll.u32 v8, $0x1  }
0x2e0: {  	v8 =	vand.u32 $0x7, v8;
	v9 =	vand.u32 $0xFFFFFFF0, v59  }
0x2e1: {  	v8 =	vor.u32 v8, v9  }
0x2e2: {  	v9 =	vperm.xlane v8, v1;
	_ =	sdelay $0x1  }
0x2e3: {  	v8 =	vperm.xlane v8, v3;
	v9 =	vadd.s32 v2, v9;
	_ =	sdelay $0x1  }
0x2e4: {  	v8 =	vadd.s32 v2, v8;
	_ =	sdelay $0x1  }
0x2e5: {  	s9 =	simm.s32 $0x13200  }
0x2e6: {  	[tilespmem:s9], [sflag:$0x2] =	stream.indirect_vreg.gather [hbm4b:s4+s28], $0x80, v9, vm0, $0xb8;
	[tilespmem:$0x18400] =	vst v63  }
0x2e7: {  	s10 =	simm.s32 $0x13A00  }
0x2e8: {  	[tilespmem:s10], [sflag:$0x2] =	stream.indirect_vreg.gather [hbm4b:s4+s28], $0x80, v8, vm0, $0xb8;
	[tilespmem:$0x18400] =	vst v63  }
0x2e9: {  	v8 =	vld [tilespmem:$0x1C0];
	_ =	sdelay $0x4  }
0x2ea: {  	v60 =	vshll.u32 v8, $0x1  }
0x2eb: {  	v8 =	vand.u32 $0x7, v8;
	v9 =	vand.u32 $0xFFFFFFF0, v60  }
0x2ec: {  	v8 =	vor.u32 v8, v9  }
0x2ed: {  	v9 =	vperm.xlane v8, v1;
	_ =	sdelay $0x1  }
0x2ee: {  	v8 =	vperm.xlane v8, v3;
	v9 =	vadd.s32 v2, v9;
	_ =	sdelay $0x1  }
0x2ef: {  	v8 =	vadd.s32 v2, v8;
	_ =	sdelay $0x1  }
0x2f0: {  	s11 =	simm.s32 $0x14200  }
0x2f1: {  	[tilespmem:s11], [sflag:$0x2] =	stream.indirect_vreg.gather [hbm4b:s4+s28], $0x80, v9, vm0, $0xb8;
	[tilespmem:$0x18400] =	vst v63  }
0x2f2: {  	_ = 	snop  }
0x2f3: {  	[tilespmem:s12], [sflag:$0x2] =	stream.indirect_vreg.gather [hbm4b:s4+s28], $0x80, v8, vm0, $0xb8;
	[tilespmem:$0x18400] =	vst v63  }
0x2f4: {  	v8 =	vld [tilespmem:$0x1D0];
	_ =	sdelay $0x4  }
0x2f5: {  	v61 =	vshll.u32 v8, $0x1  }
0x2f6: {  	v8 =	vand.u32 $0x7, v8;
	v9 =	vand.u32 $0xFFFFFFF0, v61  }
0x2f7: {  	v8 =	vor.u32 v8, v9  }
0x2f8: {  	v9 =	vperm.xlane v8, v1;
	_ =	sdelay $0x1  }
0x2f9: {  	v8 =	vperm.xlane v8, v3;
	v9 =	vadd.s32 v2, v9;
	_ =	sdelay $0x1  }
0x2fa: {  	v8 =	vadd.s32 v2, v8;
	_ =	sdelay $0x2  }
0x2fb: {  	[tilespmem:s13], [sflag:$0x2] =	stream.indirect_vreg.gather [hbm4b:s4+s28], $0x80, v9, vm0, $0xb8;
	[tilespmem:$0x18400] =	vst v63  }
0x2fc: {  	_ = 	snop  }
0x2fd: {  	[tilespmem:s14], [sflag:$0x2] =	stream.indirect_vreg.gather [hbm4b:s4+s28], $0x80, v8, vm0, $0xb8;
	[tilespmem:$0x18400] =	vst v63  }
0x2fe: {  	v8 =	vld [tilespmem:$0x1E0];
	_ =	sdelay $0x4  }
0x2ff: {  	v62 =	vshll.u32 v8, $0x1  }
0x300: {  	v8 =	vand.u32 $0x7, v8;
	v9 =	vand.u32 $0xFFFFFFF0, v62  }
0x301: {  	v8 =	vor.u32 v8, v9  }
0x302: {  	v9 =	vperm.xlane v8, v1;
	_ =	sdelay $0x1  }
0x303: {  	v8 =	vperm.xlane v8, v3;
	v9 =	vadd.s32 v2, v9;
	_ =	sdelay $0x1  }
0x304: {  	v8 =	vadd.s32 v2, v8;
	_ =	sdelay $0x2  }
0x305: {  	[tilespmem:s15], [sflag:$0x2] =	stream.indirect_vreg.gather [hbm4b:s4+s28], $0x80, v9, vm0, $0xb8;
	[tilespmem:$0x18400] =	vst v63  }
0x306: {  	_ = 	snop  }
0x307: {  	[tilespmem:s16], [sflag:$0x2] =	stream.indirect_vreg.gather [hbm4b:s4+s28], $0x80, v8, vm0, $0xb8;
	[tilespmem:$0x18400] =	vst v63  }
0x308: {  	v8 =	vld [tilespmem:$0x1F0];
	_ =	sdelay $0x4  }
0x309: {  	v63 =	vshll.u32 v8, $0x1  }
0x30a: {  	v8 =	vand.u32 $0x7, v8;
	v9 =	vand.u32 $0xFFFFFFF0, v63  }
0x30b: {  	v8 =	vor.u32 v8, v9  }
0x30c: {  	v9 =	vperm.xlane v8, v1;
	_ =	sdelay $0x1  }
0x30d: {  	v8 =	vperm.xlane v8, v3;
	v9 =	vadd.s32 v2, v9;
	_ =	sdelay $0x1  }
0x30e: {  	v8 =	vadd.s32 v2, v8;
	_ =	sdelay $0x2  }
0x30f: {  	[tilespmem:s17], [sflag:$0x2] =	stream.indirect_vreg.gather [hbm4b:s4+s28], $0x80, v9, vm0, $0xb8;
	[tilespmem:$0x18400] =	vst v63  }
0x310: {  	_ = 	snop  }
0x311: {  	[tilespmem:s18], [sflag:$0x2] =	stream.indirect_vreg.gather [hbm4b:s4+s28], $0x80, v8, vm0, $0xb8;
	[tilespmem:$0x18400] =	vst v63  }
0x312: {  	s29 =	rddreg [dreg:$0x7]  }
0x313: {  	[tilespmem:s19], [sflag:$0x2] =	stream.linear.gather [hbm4b:s29+s28], $0x4000, $0x38;
	[tilespmem:$0x18400] =	vst v63  }
0x314: {  	_ =	swait.ge [sflag:s21], $0x8000  }
0x315: {  	[sflag:s21] =	ssyncset.done $0x0  }
0x316: {  	[sflag:s21] =	ssyncadd.s32 $0xFFFF8000  }
0x317: {  	_ =	swait.ge [sflag:s21], $0x4000  }
0x318: {  	s30 =	simm.s32 $0x600;
	s31 =	simm.s32 $0x8670;
	[sflag:s21] =	ssyncset.done $0x0  }
0x319: {  	s0 =	simm.s32 $0x0;
	s1 =	simm.s32 $0x800;
	[sflag:s21] =	ssyncadd.s32 $0xFFFFC000  }
.LBB2_10:
0x31a: {  	s6 =	sand.u32 $0x3FFFF800, s1  }
0x31b: {  	s6 =	sadd.s32 $0x0, s6  }
0x31c: {  	v22 =	vld [tilespmem:s6+$0x8230]  }
0x31d: {  	v23 =	vld [tilespmem:s6+$0x8270]  }
0x31e: {  	v24 =	vld [tilespmem:s6+$0x8210]  }
0x31f: {  	v26 =	vld [tilespmem:s6+$0x8670]  }
0x320: {  	v10 =	vmov s30;
	v17 =	vld [tilespmem:s6+$0x8600]  }
0x321: {  	v32 =	vld [tilespmem:s6+$0x8200]  }
0x322: {  	v33 =	vld [tilespmem:s6+$0x8650]  }
0x323: {  	v9 =	vmov s31;
	v35 =	vld [tilespmem:s6+$0x8630]  }
0x324: {  	s5 =	simm.s32 $0x0;
	v37 =	vld [tilespmem:s6+$0x8610]  }
0x325: {  	v18 =	vld.idx.msk [tilespmem:v10+s5+$0xFFFFFC40 ss:$0x1], $0xffff  }
0x326: {  	v19 =	vld.idx.msk [tilespmem:v10+s5+$0x10 ss:$0x1], $0xffff  }
0x327: {  	v20 =	vld.idx.msk [tilespmem:v10+s5+$0xFFFFFC20 ss:$0x1], $0xffff  }
0x328: {  	v15 =	vld.idx.msk [tilespmem:v9+s5+$0xFFFFFBC0 ss:$0x1], $0xffff  }
0x329: {  	v21 =	vld.idx.msk [tilespmem:v10+s5+$0x70 ss:$0x1], $0xffff  }
0x32a: {  	v25 =	vld.idx.msk [tilespmem:v9+s5+$0xFFFFFBB0 ss:$0x1], $0xffff  }
0x32b: {  	v27 =	vld.idx.msk [tilespmem:v10+s5+$0xFFFFFC00 ss:$0x1], $0xffff  }
0x32c: {  	v28 =	vld.idx.msk [tilespmem:v9+s5+$0xFFFFFB90 ss:$0x1], $0xffff  }
0x32d: {  	v29 =	vld.idx.msk [tilespmem:v10+s5+$0xFFFFFC30 ss:$0x1], $0xffff  }
0x32e: {  	v13 =	vld.idx.msk [tilespmem:v9+s5+$0xFFFFFFD0 ss:$0x1], $0xffff  }
0x32f: {  	v30 =	vld.idx.msk [tilespmem:v9+s5+$0xFFFFFFB0 ss:$0x1], $0xffff  }
0x330: {  	v31 =	vld.idx.msk [tilespmem:v10+s5+$0x0 ss:$0x1], $0xffff  }
0x331: {  	v12 =	vld.idx.msk [tilespmem:v9+s5+$0x0 ss:$0x1], $0xffff  }
0x332: {  	v34 =	vld.idx.msk [tilespmem:v10+s5+$0x30 ss:$0x1], $0xffff  }
0x333: {  	v11 =	vld.idx.msk [tilespmem:v9+s5+$0xFFFFFF90 ss:$0x1], $0xffff  }
0x334: {  	v16 =	vld.idx.msk [tilespmem:v9+s5+$0xFFFFFFC0 ss:$0x1], $0xffff;
	v41 =	vsub.f32 $0.0e+00, v33;
	v44 =	vsub.f32 $0.0e+00, v37  }
0x335: {  	v39 =	vld.idx.msk [tilespmem:v9+s5+$0xFFFFFFA0 ss:$0x1], $0xffff;
	v40 =	vsub.f32 $0.0e+00, v17;
	v63 =	vsub.f32 $0.0e+00, v26  }
0x336: {  	v42 =	vld.idx.msk [tilespmem:v9+s5+$0xFFFFFBD0 ss:$0x1], $0xffff;
	v51 =	vsub.f32 $0.0e+00, v35;
	v48 =	vmul.f32 $1.442695020e+00, v41;
	v50 =	vmul.f32 $1.442695020e+00, v44  }
0x337: {  	v43 =	vld.idx.msk [tilespmem:v10+s5+$0xFFFFFC70 ss:$0x1], $0xffff;
	v40 =	vmul.f32 $1.442695020e+00, v40;
	v36 =	vsub.f32 $0.0e+00, v30;
	v38 =	vsub.f32 $0.0e+00, v13  }
0x338: {  	v49 =	vld.idx.msk [tilespmem:v9+s5+$0xFFFFFC00 ss:$0x1], $0xffff;
	v53 =	vmul.f32 $1.442695020e+00, v51;
	v27 =	vsub.f32 v27, v28;
	v62 =	vsub.f32 $0.0e+00, v12  }
0x339: {  	v55 =	vld.idx.msk [tilespmem:v10+s5+$0xFFFFFC60 ss:$0x1], $0xffff;
	v29 =	vsub.f32 v29, v15;
	v19 =	vsub.f32 v19, v24;
	v28 =	vmul.f32 $1.442695020e+00, v36  }
0x33a: {  	v57 =	vld.idx.msk [tilespmem:v9+s5+$0xFFFFFBF0 ss:$0x1], $0xffff;
	v22 =	vsub.f32 v34, v22;
	v38 =	vmul.f32 $1.442695020e+00, v38;
	v36 =	vmul.f32 $1.442695020e+00, v63  }
0x33b: {  	v52 =	vld.idx.msk [tilespmem:v10+s5+$0x50 ss:$0x1], $0xffff;
	v21 =	vsub.f32 v21, v23;
	(erf) = vpow2.f32 v28;
	v28 =	vmul.f32 $1.442695020e+00, v62  }
0x33c: {  	v24 =	vld.idx.msk [tilespmem:v10+s5+$0xFFFFFC10 ss:$0x1], $0xffff;
	v20 =	vsub.f32 v20, v25;
	v29 =	vmul.f32 v29, v29;
	(erf) = vpow2.f32 v38  }
0x33d: {  	v25 =	vld [tilespmem:s6+$0x8250];
	v18 =	vsub.f32 v18, v42;
	v19 =	vmul.f32 v19, v19;
	(erf) = vpow2.f32 v28  }
0x33e: {  	v41 =	vsub.f32 v43, v49;
	v23 =	vld.idx.msk [tilespmem:v9+s5+$0xFFFFFFE0 ss:$0x1], $0xffff;
	v54 =	vmul.f32 v20, v20;
	(erf) = vpow2.f32 v48  }
0x33f: {  	v42 =	vsub.f32 v55, v57;
	v18 =	vmul.f32 v18, v18;
	v38 =	vld.idx.msk [tilespmem:v9+s5+$0xFFFFFFF0 ss:$0x1], $0xffff;
	(erf) = vpow2.f32 v36  }
0x340: {  	v31 =	vsub.f32 v31, v32;
	v47 =	vmul.f32 v21, v21;
	v28 =	vld.idx.msk [tilespmem:v9+s5+$0xFFFFFBA0 ss:$0x1], $0xffff;
	(erf) = vpow2.f32 v50  }
0x341: {  	v20 =	vsub.f32 $0.0e+00, v16;
	v41 =	vmul.f32 v41, v41;
	v22 =	vmul.f32 v22, v22  }
0x342: {  	v15 =	vld [tilespmem:s6+$0x8620];
	v31 =	vmul.f32 v31, v31;
	v25 =	vsub.f32 v52, v25;
	(erf) = vpow2.f32 v53  }
0x343: {  	v57 =	vld.idx.msk [tilespmem:v10+s5+$0x20 ss:$0x1], $0xffff;
	v27 =	vmul.f32 v27, v27;
	v62 =	vsub.f32 $0.0e+00, v23;
	v48 =	vmul.f32 $1.442695020e+00, v20  }
0x344: {  	v21 =	vld [tilespmem:s6+$0x8660];
	v25 =	vmul.f32 v25, v25;
	v50 =	vsub.f32 $0.0e+00, v11;
	v51 =	vsub.f32 $0.0e+00, v38;
	v56 =	vpop (erf)  }
0x345: {  	v52 =	vld [tilespmem:s6+$0x8240];
	v62 =	vmul.f32 $1.442695020e+00, v62;
	v24 =	vsub.f32 v24, v28;
	v28 =	vsub.f32 $0.0e+00, v39;
	v45 =	vpop (erf)  }
0x346: {  	s7 =	simm.s32 $0x8;
	v8 =	vimm.f32 $0.0e+00;
	v20 =	vld [tilespmem:s6+$0x8640];
	v60 =	vmul.f32 $1.442695020e+00, v50;
	v51 =	vmul.f32 $1.442695020e+00, v51;
	v58 =	vpop (erf)  }
0x347: {  	v14 =	vmov s7;
	v53 =	vld [tilespmem:s6+$0x8260];
	v24 =	vmul.f32 v24, v24;
	v28 =	vmul.f32 $1.442695020e+00, v28;
	v49 =	vpop (erf)  }
0x348: {  	s8 =	simm.s32 $0x80;
	vm1 =	veq.s32 v14, v0;
	v36 =	vmul.f32 v56, v54;
	v56 =	vld.idx.msk [tilespmem:v10+s5+$0x40 ss:$0x1], $0xffff;
	(erf) = vpow2.f32 v40;
	v59 =	vpop (erf)  }
0x349: {  	v46 =	vsub.f32 $0.0e+00, v15;
	v18 =	vmul.f32 v45, v18;
	v45 =	vld.idx.msk [tilespmem:v10+s8+$0xFFFFFC40 ss:$0x1], $0xffff;
	(erf) = vpow2.f32 v28;
	v61 =	vpop (erf)  }
0x34a: {  	v30 =	vadd.f32 v36, v30;
	v36 =	vld.idx.msk [tilespmem:v10+s5+$0x60 ss:$0x1], $0xffff;
	v34 =	vmul.f32 v58, v41;
	v19 =	vmul.f32 v61, v19  }
0x34b: {  	v40 =	vld.idx.msk [tilespmem:v10+s5+$0xFFFFFC50 ss:$0x1], $0xffff;
	v58 =	vsub.f32 $0.0e+00, v20;
	v43 =	vmul.f32 v59, v47;
	(erf) = vpow2.f32 v60;
	v63 =	vpop (erf)  }
0x34c: {  	s29 =	sadd.s32 $0x100, s1;
	v28 =	vld [tilespmem:s6+$0x8220];
	v59 =	vsub.f32 $0.0e+00, v21;
	v22 =	vmul.f32 v63, v22;
	v19 =	vadd.f32 v19, v37  }
0x34d: {  	s10 =	sand.u32 $0x3FFFF800, s29;
	v25 =	vmul.f32 v49, v25;
	v60 =	vld.idx.msk [tilespmem:v9+s5+$0xFFFFFBE0 ss:$0x1], $0xffff;
	v34 =	vadd.f32 v34, v12;
	v32 =	vsub.f32 v56, v52  }
0x34e: {  	s5 =	sadd.s32 $0x80, s10;
	v12 =	vld.idx.msk [tilespmem:v9+s8+$0x0 ss:$0x1], $0xffff;
	(erf) = vpow2.f32 v51;
	v22 =	vadd.f32 v22, v35;
	v19 =	vadd.f32 $0.0e+00, v19  }
0x34f: {  	v25 =	vadd.f32 v25, v33;
	v33 =	vld [tilespmem:s5+$0x8270];
	(erf) = vpow2.f32 v48;
	v36 =	vsub.f32 v36, v53  }
0x350: {  	v14 =	vld [tilespmem:s5+$0x8600];
	v50 =	vmul.f32 $1.442695020e+00, v59;
	v32 =	vmul.f32 v32, v32;
	v19 =	vadd.f32 v22, v19  }
0x351: {  	v48 =	vld.idx.msk [tilespmem:v9+s8+$0xFFFFFB90 ss:$0x1], $0xffff;
	v35 =	vmul.f32 $1.442695020e+00, v58;
	v37 =	vsub.f32 v57, v28;
	v36 =	vmul.f32 v36, v36;
	v61 =	vpop (erf)  }
0x352: {  	v59 =	vld.idx.msk [tilespmem:v10+s8+$0x30 ss:$0x1], $0xffff;
	v22 =	vadd.f32 v43, v26;
	v31 =	vmul.f32 v61, v31;
	v63 =	vpop (erf);
	v19 =	vadd.f32 v25, v19  }
0x353: {  	v51 =	vmov s28;
	v53 =	vld [tilespmem:s5+$0x8210];
	v55 =	vmul.f32 v37, v37;
	v43 =	vmul.f32 v63, v24  }
0x354: {  	v26 =	vld.idx.msk [tilespmem:v10+s8+$0x10 ss:$0x1], $0xffff;
	(erf) = vpow2.f32 v62;
	v17 =	vadd.f32 v31, v17;
	v24 =	vadd.f32 v22, v19  }
0x355: {  	v31 =	vld.idx.msk [tilespmem:v10+s8+$0x70 ss:$0x1], $0xffff;
	v19 =	vadd.f32 v43, v39;
	v22 =	vmul.f32 $1.442695020e+00, v46;
	v43 =	vadd.f32 v18, v13;
	v18 =	vpop (erf)  }
0x356: {  	vm2 =	veq.s32 v51, v0;
	v39 =	vld [tilespmem:s5+$0x8230];
	v13 =	vmul.f32 v42, v42;
	v18 =	vmul.f32 v18, v27  }
0x357: {  	v58 =	vsub.f32 $0.0e+00, v14;
	v61 =	vsub.f32 $0.0e+00, v12;
	v28 =	vpop (erf);
	(erf) = vpow2.f32 v22;
	v22 =	vld.idx.msk [tilespmem:v10+s8+$0xFFFFFC00 ss:$0x1], $0xffff  }
0x358: {  	v27 =	vsub.f32 v40, v60;
	v49 =	vmul.f32 v28, v13;
	v28 =	vld.idx.msk [tilespmem:v9+s8+$0xFFFFFFB0 ss:$0x1], $0xffff;
	v18 =	vadd.f32 v18, v11  }
0x359: {  	v40 =	vadd.f32 $0.0e+00, v17;
	v44 =	vsub.f32 v26, v53;
	v13 =	vld.idx.msk [tilespmem:v9+s8+$0xFFFFFFD0 ss:$0x1], $0xffff;
	(erf) = vpow2.f32 v35  }
0x35a: {  	s11 =	simm.s32 $0x9;
	v25 =	vld.idx.msk [tilespmem:v9+s8+$0xFFFFFBC0 ss:$0x1], $0xffff;
	v42 =	vmul.f32 $1.442695020e+00, v58;
	v54 =	vadd.f32 $0.0e+00, v19;
	v18 =	vadd.f32 $0.0e+00, v18  }
0x35b: {  	v26 =	vld [tilespmem:s5+$0x8630];
	v52 =	vpop (erf);
	v11 =	vmov s11;
	(erf) = vpow2.f32 v50;
	v31 =	vsub.f32 v31, v33  }
0x35c: {  	v39 =	vsub.f32 v59, v39;
	v59 =	vld [tilespmem:s5+$0x8250];
	v30 =	vadd.f32 v30, v18;
	v18 =	vmul.f32 v52, v29  }
0x35d: {  	v27 =	vmul.f32 v27, v27;
	v19 =	vsub.f32 v22, v48;
	v22 =	vld [tilespmem:s5+$0x8650];
	v57 =	vsub.f32 $0.0e+00, v28  }
0x35e: {  	v38 =	vadd.f32 v49, v38;
	v46 =	vmul.f32 v31, v31;
	v29 =	vld.idx.msk [tilespmem:v10+s8+$0xFFFFFC30 ss:$0x1], $0xffff;
	v56 =	vsub.f32 $0.0e+00, v13  }
0x35f: {  	v52 =	vld.idx.msk [tilespmem:v9+s8+$0xFFFFFBA0 ss:$0x1], $0xffff;
	v16 =	vadd.f32 v18, v16;
	v60 =	vmul.f32 $1.442695020e+00, v57;
	v30 =	vadd.f32 v43, v30  }
0x360: {  	v37 =	vmul.f32 $1.442695020e+00, v56;
	v43 =	vmul.f32 v44, v44;
	v56 =	vsub.f32 $0.0e+00, v26;
	v57 =	vld.idx.msk [tilespmem:v10+s8+$0x50 ss:$0x1], $0xffff;
	v18 =	vpop (erf)  }
0x361: {  	v16 =	vadd.f32 v16, v54;
	(erf) = vpow2.f32 v60;
	v30 =	vadd.f32 v38, v30;
	v54 =	vld.idx.msk [tilespmem:v10+s8+$0xFFFFFC10 ss:$0x1], $0xffff;
	v17 =	vpop (erf)  }
0x362: {  	v27 =	vmul.f32 v18, v27;
	v18 =	vld [tilespmem:s5+$0x8670];
	v62 =	vsub.f32 $0.0e+00, v22;
	v35 =	vmul.f32 v17, v55;
	v17 =	vpop (erf)  }
0x363: {  	v47 =	vld.idx.msk [tilespmem:v10+s8+$0xFFFFFC20 ss:$0x1], $0xffff;
	v25 =	vsub.f32 v29, v25;
	(erf) = vpow2.f32 v37;
	v29 =	vmul.f32 v17, v32  }
0x364: {  	v23 =	vadd.f32 v27, v23;
	v27 =	vld.idx.msk [tilespmem:v9+s8+$0xFFFFFBB0 ss:$0x1], $0xffff;
	v32 =	vmul.f32 $1.442695020e+00, v61;
	v48 =	vmul.f32 $1.442695020e+00, v62  }
0x365: {  	v55 =	vld [tilespmem:s5+$0x8610];
	v51 =	vpop (erf);
	v62 =	vmul.f32 $1.442695020e+00, v56;
	v57 =	vsub.f32 v57, v59;
	v35 =	vadd.f32 v35, v15  }
0x366: {  	v49 =	vld.idx.msk [tilespmem:v9+s8+$0xFFFFFBD0 ss:$0x1], $0xffff;
	v33 =	vmul.f32 v51, v36;
	v29 =	vadd.f32 v29, v20;
	v23 =	vadd.f32 v23, v16  }
0x367: {  	v50 =	vld.idx.msk [tilespmem:v10+s8+$0xFFFFFC70 ss:$0x1], $0xffff;
	v20 =	vmul.f32 v25, v25;
	v56 =	vsub.f32 v54, v52;
	v63 =	vsub.f32 $0.0e+00, v18  }
0x368: {  	v15 =	vld.idx.msk [tilespmem:v9+s8+$0xFFFFFFC0 ss:$0x1], $0xffff;
	(erf) = vpow2.f32 v32;
	v35 =	vadd.f32 v35, v40;
	v21 =	vadd.f32 v33, v21  }
0x369: {  	v25 =	vld.idx.msk [tilespmem:v9+s8+$0xFFFFFC00 ss:$0x1], $0xffff;
	(erf) = vpow2.f32 v48;
	v23 =	vadd.f32 v34, v23;
	v27 =	vsub.f32 v47, v27  }
0x36a: {  	v16 =	vld [tilespmem:s5+$0x8620];
	v53 =	vsub.f32 $0.0e+00, v55;
	v34 =	vmul.f32 v56, v56;
	v41 =	vmul.f32 $1.442695020e+00, v63  }
0x36b: {  	v17 =	vld.idx.msk [tilespmem:v9+s8+$0xFFFFFF90 ss:$0x1], $0xffff;
	v29 =	vadd.f32 v29, v35;
	v36 =	vmul.f32 v27, v27;
	v27 =	vsub.f32 v45, v49  }
0x36c: {  	v54 =	vld [tilespmem:s5+$0x8200];
	v47 =	vmul.f32 v57, v57;
	v23 =	vadd.f32 v23, v30;
	v30 =	vmul.f32 $1.442695020e+00, v53  }
0x36d: {  	(erf) = vpow2.f32 v41;
	v21 =	vadd.f32 v21, v29;
	v37 =	vmul.f32 v27, v27;
	v27 =	vld.idx.msk [tilespmem:v9+s8+$0xFFFFFFA0 ss:$0x1], $0xffff  }
0x36e: {  	v63 =	vld.idx.msk [tilespmem:v10+s8+$0xFFFFFC60 ss:$0x1], $0xffff;
	v61 =	vsub.f32 $0.0e+00, v15;
	v58 =	vsub.f32 v50, v25;
	v60 =	vperm.xlane v23, v4  }
0x36f: {  	v25 =	vld.idx.msk [tilespmem:v9+s8+$0xFFFFFFF0 ss:$0x1], $0xffff;
	v29 =	vsub.f32 $0.0e+00, v16;
	(erf) = vpow2.f32 v30;
	v21 =	vadd.f32 v24, v21  }
0x370: {  	v30 =	vld.idx.msk [tilespmem:v9+s8+$0xFFFFFBF0 ss:$0x1], $0xffff;
	v32 =	vmul.f32 $1.442695020e+00, v61;
	(erf) = vpow2.f32 v62;
	v23 =	vadd.f32 v23, v60  }
0x371: {  	v53 =	vld.idx.msk [tilespmem:v10+s8+$0x0 ss:$0x1], $0xffff;
	v59 =	vpop (erf);
	v45 =	vmul.f32 v58, v58;
	v62 =	vsub.f32 $0.0e+00, v17;
	v58 =	vperm.xlane v21, v4  }
0x372: {  	v33 =	vld [tilespmem:s5+$0x8220];
	v36 =	vmul.f32 v59, v36;
	v31 =	vperm.xlane v23, v5;
	v60 =	vsub.f32 $0.0e+00, v27  }
0x373: {  	v44 =	vpop (erf);
	v24 =	vld.idx.msk [tilespmem:v9+s8+$0xFFFFFFE0 ss:$0x1], $0xffff;
	v59 =	vmul.f32 v39, v39;
	(erf) = vpow2.f32 v42;
	v56 =	vadd.f32 v21, v58  }
0x374: {  	v57 =	vpop (erf);
	v51 =	vmul.f32 $1.442695020e+00, v62;
	v28 =	vadd.f32 v36, v28;
	v21 =	vld [tilespmem:s5+$0x8660];
	v61 =	vadd.f32 v23, v31  }
0x375: {  	v40 =	vsub.f32 $0.0e+00, v25;
	v49 =	vpop (erf);
	v38 =	vsub.f32 v63, v30;
	v23 =	vld [tilespmem:s5+$0x8640];
	v63 =	vperm.xlane v56, v5  }
0x376: {  	v35 =	vld [tilespmem:s5+$0x8240];
	v53 =	vsub.f32 v53, v54;
	v58 =	vmul.f32 $1.442695020e+00, v60;
	v30 =	vperm.xlane v61, v6;
	v60 =	vpop (erf)  }
0x377: {  	v41 =	vld.idx.msk [tilespmem:v10+s8+$0x40 ss:$0x1], $0xffff;
	v54 =	vmul.f32 $1.442695020e+00, v40;
	v52 =	vmul.f32 v60, v46;
	v60 =	vadd.f32 v56, v63  }
0x378: {  	v39 =	vld [tilespmem:s5+$0x8260];
	v42 =	vadd.f32 v61, v30;
	v30 =	vmul.f32 v57, v45;
	(erf) = vpow2.f32 v58;
	v61 =	vpop (erf)  }
0x379: {  	v36 =	vld.idx.msk [tilespmem:v10+s8+$0x60 ss:$0x1], $0xffff;
	v48 =	vsub.f32 $0.0e+00, v24;
	v43 =	vmul.f32 v61, v43;
	v62 =	vperm.xlane v60, v6  }
0x37a: {  	v31 =	vld.idx.msk [tilespmem:v10+s8+$0xFFFFFC50 ss:$0x1], $0xffff;
	v40 =	vsub.f32 $0.0e+00, v21;
	v50 =	vsub.f32 $0.0e+00, v23;
	v63 =	vpop (erf);
	v46 =	vperm.xlane v42, v7  }
0x37b: {  	s9 =	simm.s32 $0x2;
	s6 =	simm.s32 $0x400;
	s5 =	simm.s32 $0x1;
	v45 =	vld.idx.msk [tilespmem:v10+s8+$0x20 ss:$0x1], $0xffff;
	v56 =	vmul.f32 v63, v59;
	v55 =	vadd.f32 v43, v55;
	v43 =	vadd.f32 v60, v62  }
.LBB2_11:
0x37c: {  	v58 =	vld.idx.msk [tilespmem:v9+s8+$0xFFFFFBE0 ss:$0x1], $0xffff;
	s8 =	sshra.s32 s6, $0x2  }
0x37d: {  	v57 =	vmul.f32 v44, v37;
	v59 =	vmul.f32 v49, v47;
	s29 =	sadd.s32 $0x100, s29;
	v46 =	vadd.f32 v42, v46;
	s10 =	smov.u32 s9;
	s7 =	sadd.s32 $0x1, s9  }
0x37e: {  	p0 =	sne.s32 s9, $0x7;
	v18 =	vadd.f32 v52, v18;
	s11 =	sand.u32 $0x3FFFF800, s29;
	v37 =	vld.idx.msk [tilespmem:v10+s8+$0xFFFFFC40 ss:$0x1], $0xffff;
	(erf) = vpow2.f32 v51;
	v47 =	vperm.xlane v43, v7  }
0x37f: {  	v51 =	vmul.f32 v53, v53;
	v53 =	vadd.f32 $0.0e+00, v55;
	v26 =	vadd.f32 v56, v26;
	s9 =	sadd.s32 s8, s11;
	v49 =	vld.idx.msk [tilespmem:v10+s8+$0x10 ss:$0x1], $0xffff  }
0x380: {  	v22 =	vadd.f32 v59, v22;
	v42 =	vld.idx.msk [tilespmem:v10+s8+$0xFFFFFC20 ss:$0x1], $0xffff;
	(erf) = vpow2.f32 v54;
	v44 =	vpop (erf);
	v43 =	vadd.f32 v43, v47  }
0x381: {  	v46 =	vadd.f32 $2.352482600e+02, v46;
	v26 =	vadd.f32 v26, v53;
	v47 =	vld.idx.msk [tilespmem:v9+s8+$0xFFFFFBC0 ss:$0x1], $0xffff;
	v51 =	vmul.f32 v44, v51  }
0x382: {  	v48 =	vmul.f32 $1.442695020e+00, v48;
	v50 =	vmul.f32 $1.442695020e+00, v50;
	v44 =	vld.idx.msk [tilespmem:v10+s8+$0x70 ss:$0x1], $0xffff;
	v52 =	vpop (erf);
	v43 =	vadd.f32 $2.352482600e+02, v43  }
0x383: {  	v22 =	vadd.f32 v22, v26;
	v26 =	vmul.f32 $-5.000000000e-01, v46;
	v53 =	vld [tilespmem:s9+$0x8230];
	v52 =	vmul.f32 v52, v34  }
0x384: {  	v51 =	vadd.f32 v51, v14;
	v46 =	vld [tilespmem:s9+$0x8270];
	(erf) = vpow2.f32 v32;
	v43 =	vmul.f32 $-5.000000000e-01, v43  }
0x385: {  	v19 =	vmul.f32 v19, v19;
	v34 =	vadd.f32 v18, v22;
	v8 =	vsel vm2, v26, v8;
	v32 =	vld [tilespmem:s9+$0x8210]  }
0x386: {  	v26 =	vmul.f32 $1.442695020e+00, v29;
	v22 =	vadd.f32 v52, v27;
	v54 =	vld.idx.msk [tilespmem:v9+s8+$0xFFFFFBB0 ss:$0x1], $0xffff;
	v8 =	vsel vm1, v43, v8  }
0x387: {  	v29 =	vadd.f32 v57, v13;
	v13 =	vmul.f32 v38, v38;
	v18 =	vld [tilespmem:s9+$0x8670];
	v14 =	vpop (erf);
	(erf) = vpow2.f32 v48  }
0x388: {  	v27 =	vld.idx.msk [tilespmem:v10+s8+$0xFFFFFC00 ss:$0x1], $0xffff;
	v14 =	vmul.f32 v14, v19;
	v19 =	vsub.f32 v31, v58;
	(erf) = vpow2.f32 v26  }
0x389: {  	v31 =	vsub.f32 v45, v33;
	v33 =	vsub.f32 v41, v35;
	v26 =	vld.idx.msk [tilespmem:v9+s8+$0xFFFFFB90 ss:$0x1], $0xffff;
	v35 =	vpop (erf);
	(erf) = vpow2.f32 v50  }
0x38a: {  	s11 =	sadd.s32 $0x8, s10;
	v38 =	vld.idx.msk [tilespmem:v10+s8+$0xFFFFFC30 ss:$0x1], $0xffff;
	v14 =	vadd.f32 v14, v17;
	v17 =	vmul.f32 v35, v13;
	v35 =	vsub.f32 v36, v39  }
0x38b: {  	vm1 =	veq.s32 v11, v0;
	v11 =	vmov s11;
	v36 =	vmul.f32 v19, v19;
	v13 =	vld.idx.msk [tilespmem:v9+s8+$0xFFFFFFD0 ss:$0x1], $0xffff  }
0x38c: {  	v39 =	vld.idx.msk [tilespmem:v9+s8+$0xFFFFFFB0 ss:$0x1], $0xffff;
	v19 =	vadd.f32 $0.0e+00, v14;
	v25 =	vadd.f32 v17, v25;
	v35 =	vmul.f32 v35, v35  }
0x38d: {  	v41 =	vmov s5;
	s5 =	smov.u32 s10;
	v33 =	vmul.f32 v33, v33;
	v17 =	vmul.f32 $1.442695020e+00, v40;
	v14 =	vld [tilespmem:s9+$0x8600];
	v43 =	vpop (erf)  }
0x38e: {  	vm2 =	veq.s32 v41, v0;
	v40 =	vld.idx.msk [tilespmem:v10+s8+$0x0 ss:$0x1], $0xffff;
	v28 =	vadd.f32 v28, v19;
	v45 =	vmul.f32 v43, v20  }
0x38f: {  	v30 =	vadd.f32 v30, v12;
	v43 =	vadd.f32 $0.0e+00, v22;
	v12 =	vld.idx.msk [tilespmem:v9+s8+$0x0 ss:$0x1], $0xffff;
	(erf) = vpow2.f32 v17  }
0x390: {  	v19 =	vsub.f32 v27, v26;
	v17 =	vmul.f32 v31, v31;
	v41 =	vld [tilespmem:s9+$0x8200];
	v15 =	vadd.f32 v45, v15;
	v20 =	vpop (erf)  }
0x391: {  	v31 =	vadd.f32 $0.0e+00, v51;
	v26 =	vsub.f32 $0.0e+00, v13;
	v22 =	vld [tilespmem:s9+$0x8650];
	v20 =	vmul.f32 v20, v36;
	v27 =	vpop (erf)  }
0x392: {  	v36 =	vsub.f32 $0.0e+00, v39;
	v45 =	vsub.f32 $0.0e+00, v14;
	v48 =	vld.idx.msk [tilespmem:v10+s8+$0x30 ss:$0x1], $0xffff;
	v27 =	vmul.f32 v27, v17;
	v50 =	vpop (erf)  }
0x393: {  	v51 =	vmul.f32 $1.442695020e+00, v26;
	v52 =	vadd.f32 v15, v43;
	v17 =	vld.idx.msk [tilespmem:v9+s8+$0xFFFFFF90 ss:$0x1], $0xffff;
	v24 =	vadd.f32 v20, v24  }
0x394: {  	v20 =	vmul.f32 $1.442695020e+00, v36;
	v36 =	vsub.f32 v38, v47;
	v33 =	vmul.f32 v50, v33;
	v26 =	vld [tilespmem:s9+$0x8630]  }
0x395: {  	v32 =	vsub.f32 v49, v32;
	v38 =	vsub.f32 $0.0e+00, v12;
	v45 =	vmul.f32 $1.442695020e+00, v45;
	v43 =	vld [tilespmem:s9+$0x8610]  }
0x396: {  	v16 =	vadd.f32 v27, v16;
	v15 =	vld.idx.msk [tilespmem:v9+s8+$0xFFFFFFC0 ss:$0x1], $0xffff;
	v47 =	vsub.f32 $0.0e+00, v22;
	(erf) = vpow2.f32 v20  }
0x397: {  	v38 =	vmul.f32 $1.442695020e+00, v38;
	v20 =	vsub.f32 $0.0e+00, v18;
	v27 =	vld.idx.msk [tilespmem:v9+s8+$0xFFFFFFA0 ss:$0x1], $0xffff;
	(erf) = vpow2.f32 v51  }
0x398: {  	v23 =	vadd.f32 v33, v23;
	v50 =	vsub.f32 v48, v53;
	v49 =	vld.idx.msk [tilespmem:v9+s8+$0xFFFFFBD0 ss:$0x1], $0xffff;
	v47 =	vmul.f32 $1.442695020e+00, v47;
	v33 =	vpop (erf)  }
0x399: {  	v28 =	vadd.f32 v29, v28;
	v29 =	vadd.f32 v16, v31;
	v51 =	vmul.f32 $1.442695020e+00, v20;
	v48 =	vld.idx.msk [tilespmem:v10+s8+$0xFFFFFC70 ss:$0x1], $0xffff  }
0x39a: {  	v24 =	vadd.f32 v24, v52;
	v20 =	vmul.f32 v36, v36;
	v36 =	vsub.f32 v44, v46;
	v31 =	vld.idx.msk [tilespmem:v9+s8+$0xFFFFFC00 ss:$0x1], $0xffff  }
0x39b: {  	v28 =	vadd.f32 v25, v28;
	v46 =	vmul.f32 v32, v32;
	v23 =	vadd.f32 v23, v29;
	v16 =	vld [tilespmem:s9+$0x8620]  }
0x39c: {  	v25 =	vsub.f32 v42, v54;
	v24 =	vadd.f32 v30, v24;
	v32 =	vld.idx.msk [tilespmem:v9+s8+$0xFFFFFBA0 ss:$0x1], $0xffff;
	(erf) = vpow2.f32 v38  }
0x39d: {  	v33 =	vmul.f32 v33, v35;
	v29 =	vsub.f32 $0.0e+00, v43;
	v30 =	vld.idx.msk [tilespmem:v10+s8+$0xFFFFFC10 ss:$0x1], $0xffff;
	(erf) = vpow2.f32 v47  }
0x39e: {  	v35 =	vmul.f32 v25, v25;
	v24 =	vadd.f32 v24, v28;
	v37 =	vsub.f32 v37, v49;
	v25 =	vld.idx.msk [tilespmem:v9+s8+$0xFFFFFFF0 ss:$0x1], $0xffff  }
0x39f: {  	v21 =	vadd.f32 v33, v21;
	v28 =	vmul.f32 $1.442695020e+00, v29;
	v38 =	vsub.f32 $0.0e+00, v26;
	v42 =	vld.idx.msk [tilespmem:v10+s8+$0x50 ss:$0x1], $0xffff;
	v52 =	vpop (erf)  }
0x3a0: {  	v47 =	vperm.xlane v24, v4;
	v33 =	vsub.f32 v48, v31;
	v31 =	vld [tilespmem:s9+$0x8250];
	v44 =	vpop (erf);
	(erf) = vpow2.f32 v51  }
0x3a1: {  	v21 =	vadd.f32 v21, v23;
	v48 =	vsub.f32 $0.0e+00, v15;
	v37 =	vmul.f32 v37, v37;
	v51 =	vld.idx.msk [tilespmem:v10+s8+$0xFFFFFC60 ss:$0x1], $0xffff  }
0x3a2: {  	v38 =	vmul.f32 $1.442695020e+00, v38;
	v54 =	vadd.f32 v24, v47;
	v29 =	vsub.f32 $0.0e+00, v16;
	v53 =	vld.idx.msk [tilespmem:v9+s8+$0xFFFFFBF0 ss:$0x1], $0xffff  }
0x3a3: {  	v55 =	vmul.f32 v36, v36;
	v30 =	vsub.f32 v30, v32;
	v24 =	vld.idx.msk [tilespmem:v9+s8+$0xFFFFFFE0 ss:$0x1], $0xffff;
	(erf) = vpow2.f32 v28  }
0x3a4: {  	v36 =	vadd.f32 v34, v21;
	v32 =	vmul.f32 $1.442695020e+00, v48;
	v28 =	vperm.xlane v54, v5;
	v23 =	vld [tilespmem:s9+$0x8640]  }
0x3a5: {  	v34 =	vmul.f32 v30, v30;
	v30 =	vsub.f32 v42, v31;
	v21 =	vld [tilespmem:s9+$0x8660];
	v56 =	vpop (erf);
	(erf) = vpow2.f32 v38  }
0x3a6: {  	v58 =	vmul.f32 v33, v33;
	v57 =	vsub.f32 $0.0e+00, v25;
	v38 =	vperm.xlane v36, v4;
	v31 =	vld.idx.msk [tilespmem:v10+s8+$0xFFFFFC50 ss:$0x1], $0xffff;
	v49 =	vpop (erf)  }
0x3a7: {  	v42 =	vsub.f32 $0.0e+00, v27;
	v33 =	vld [tilespmem:s9+$0x8220];
	v47 =	vmul.f32 v30, v30;
	v30 =	vadd.f32 v54, v28  }
0x3a8: {  	v48 =	vmul.f32 v52, v35;
	v28 =	vsub.f32 $0.0e+00, v17;
	v54 =	vadd.f32 v36, v38;
	v35 =	vld [tilespmem:s9+$0x8240]  }
0x3a9: {  	v59 =	vmul.f32 $1.442695020e+00, v42;
	v38 =	vsub.f32 v51, v53;
	v36 =	vld.idx.msk [tilespmem:v10+s8+$0x60 ss:$0x1], $0xffff;
	v52 =	vpop (erf);
	v42 =	vperm.xlane v30, v6  }
0x3aa: {  	v51 =	vmul.f32 $1.442695020e+00, v28;
	v28 =	vadd.f32 v48, v39;
	v53 =	vperm.xlane v54, v5;
	v39 =	vld [tilespmem:s9+$0x8260]  }
0x3ab: {  	v48 =	vsub.f32 $0.0e+00, v24;
	(erf) = vpow2.f32 v45;
	v42 =	vadd.f32 v30, v42  }
.Ltmp4:
0x3ac: {  	v60 =	vmul.f32 v50, v50;
	v52 =	vmul.f32 v52, v55;
	v61 =	vadd.f32 v54, v53;
	v45 =	vpop (erf);
	(pc) =	sbr.rel @p0 .LBB2_11-.Ltmp4, $4  }
0x3ad: {  	v50 =	vsub.f32 $0.0e+00, v23;
	v30 =	vmul.f32 v56, v58;
	(erf) = vpow2.f32 v59  }
0x3ae: {  	v53 =	vsub.f32 v40, v41;
	v45 =	vmul.f32 v45, v46;
	v58 =	vperm.xlane v61, v6;
	v56 =	vpop (erf)  }
0x3af: {  	v54 =	vmul.f32 $1.442695020e+00, v57;
	v40 =	vsub.f32 $0.0e+00, v21;
	v46 =	vperm.xlane v42, v7;
	v41 =	vld.idx.msk [tilespmem:v10+s8+$0x40 ss:$0x1], $0xffff  }
0x3b0: {  	s6 =	sadd.s32 $0x200, s6;
	s9 =	smov.u32 s7;
	v55 =	vadd.f32 v45, v43;
	v56 =	vmul.f32 v56, v60;
	v43 =	vadd.f32 v61, v58;
	v45 =	vld.idx.msk [tilespmem:v10+s8+$0x20 ss:$0x1], $0xffff  }
0x3b1: {  	(erf) = vpow2.f32 v51;
	v10 =	vmul.f32 v44, v37  }
0x3b2: {  	v63 =	vmul.f32 v49, v47;
	v53 =	vmul.f32 v53, v53  }
0x3b3: {  	v48 =	vmul.f32 $1.442695020e+00, v48;
	(erf) = vpow2.f32 v54  }
0x3b4: {  	v29 =	vmul.f32 $1.442695020e+00, v29;
	v58 =	vpop (erf);
	(erf) = vpow2.f32 v32  }
0x3b5: {  	v60 =	vmul.f32 $1.442695020e+00, v50;
	v18 =	vadd.f32 v52, v18;
	(erf) = vpow2.f32 v48  }
0x3b6: {  	v44 =	vsub.f32 v36, v39;
	v12 =	vadd.f32 v30, v12;
	v61 =	vpop (erf);
	(erf) = vpow2.f32 v29  }
0x3b7: {  	v9 =	vld.idx.msk [tilespmem:v9+s8+$0xFFFFFBE0 ss:$0x1], $0xffff;
	v19 =	vmul.f32 v19, v19;
	v57 =	vadd.f32 $0.0e+00, v55;
	v26 =	vadd.f32 v56, v26  }
0x3b8: {  	v22 =	vadd.f32 v63, v22;
	v63 =	vmul.f32 $1.442695020e+00, v40;
	(erf) = vpow2.f32 v60  }
0x3b9: {  	v37 =	vmul.f32 v38, v38;
	v10 =	vadd.f32 v10, v13;
	v26 =	vadd.f32 v26, v57  }
0x3ba: {  	v47 =	vsub.f32 v41, v35;
	v59 =	vmul.f32 v58, v53;
	v32 =	vpop (erf);
	(erf) = vpow2.f32 v63  }
0x3bb: {  	v38 =	vsub.f32 v45, v33;
	v22 =	vadd.f32 v22, v26;
	v62 =	vmul.f32 v61, v34  }
0x3bc: {  	v9 =	vsub.f32 v31, v9;
	v14 =	vadd.f32 v59, v14;
	v34 =	vmul.f32 v32, v19;
	v40 =	vpop (erf)  }
0x3bd: {  	v49 =	vmul.f32 v47, v47;
	v26 =	vmul.f32 v38, v38;
	v27 =	vadd.f32 v62, v27;
	v45 =	vpop (erf)  }
0x3be: {  	v9 =	vmul.f32 v9, v9;
	v14 =	vadd.f32 $0.0e+00, v14;
	v13 =	vadd.f32 v34, v17;
	v48 =	vpop (erf)  }
0x3bf: {  	v27 =	vadd.f32 $0.0e+00, v27;
	v19 =	vmul.f32 v40, v37;
	v20 =	vmul.f32 v45, v20;
	v50 =	vpop (erf)  }
0x3c0: {  	v17 =	vmul.f32 v44, v44;
	v13 =	vadd.f32 $0.0e+00, v13;
	v26 =	vmul.f32 v50, v26  }
0x3c1: {  	v19 =	vadd.f32 v19, v25;
	v9 =	vmul.f32 v48, v9;
	v15 =	vadd.f32 v20, v15;
	v51 =	vpop (erf)  }
0x3c2: {  	v13 =	vadd.f32 v28, v13;
	v20 =	vmul.f32 v51, v49;
	v16 =	vadd.f32 v26, v16  }
0x3c3: {  	v9 =	vadd.f32 v9, v24;
	v15 =	vadd.f32 v15, v27;
	v52 =	vpop (erf)  }
0x3c4: {  	v20 =	vadd.f32 v20, v23;
	v14 =	vadd.f32 v16, v14;
	v53 =	vmul.f32 v52, v17  }
0x3c5: {  	v10 =	vadd.f32 v10, v13;
	v9 =	vadd.f32 v9, v15  }
0x3c6: {  	v54 =	vadd.f32 v20, v14;
	v55 =	vadd.f32 v53, v21  }
0x3c7: {  	v10 =	vadd.f32 v19, v10;
	v9 =	vadd.f32 v12, v9  }
0x3c8: {  	v56 =	vadd.f32 v18, v22;
	v13 =	vadd.f32 v55, v54  }
0x3c9: {  	v9 =	vadd.f32 v9, v10  }
0x3ca: {  	v57 =	vadd.f32 v56, v13  }
0x3cb: {  	v58 =	vperm.xlane v9, v4  }
0x3cc: {  	v13 =	vperm.xlane v57, v4  }
0x3cd: {  	v9 =	vadd.f32 v9, v58  }
0x3ce: {  	v10 =	vadd.f32 v57, v13  }
0x3cf: {  	v12 =	vperm.xlane v9, v5  }
0x3d0: {  	v13 =	vperm.xlane v10, v5  }
0x3d1: {  	v9 =	vadd.f32 v9, v12  }
0x3d2: {  	v10 =	vadd.f32 v10, v13  }
0x3d3: {  	v12 =	vperm.xlane v9, v6  }
0x3d4: {  	v13 =	vperm.xlane v10, v6  }
0x3d5: {  	v9 =	vadd.f32 v9, v12  }
0x3d6: {  	v59 =	vperm.xlane v43, v7;
	v10 =	vadd.f32 v10, v13  }
0x3d7: {  	v60 =	vadd.f32 v42, v46;
	v61 =	vperm.xlane v9, v7  }
0x3d8: {  	v12 =	vadd.f32 v43, v59;
	v62 =	vperm.xlane v10, v7  }
0x3d9: {  	v13 =	vadd.f32 $2.352482600e+02, v60;
	v9 =	vadd.f32 v9, v61  }
0x3da: {  	v12 =	vadd.f32 $2.352482600e+02, v12;
	v10 =	vadd.f32 v10, v62  }
0x3db: {  	s29 =	sshll.u32 s0, $0x4;
	s0 =	sadd.s32 $0x1, s0;
	v13 =	vmul.f32 $-5.000000000e-01, v13;
	v9 =	vadd.f32 $2.352482600e+02, v9  }
0x3dc: {  	p0 =	sne.s32 s0, $0x8;
	v12 =	vmul.f32 $-5.000000000e-01, v12;
	v10 =	vadd.f32 $2.352482600e+02, v10  }
.Ltmp5:
0x3dd: {  	v63 =	vmov s5;
	v8 =	vsel vm2, v13, v8;
	v9 =	vmul.f32 $-5.000000000e-01, v9;
	(pc) =	sbr.rel @p0 .LBB2_10-.Ltmp5, $4  }
0x3de: {  	v8 =	vsel vm1, v12, v8;
	vm1 =	veq.s32 v63, v0;
	v10 =	vmul.f32 $-5.000000000e-01, v10  }
0x3df: {  	vm2 =	veq.s32 v11, v0;
	v8 =	vsel vm1, v9, v8  }
0x3e0: {  	s5 =	sand.u32 $0x3FFFFFF0, s29;
	v8 =	vsel vm2, v10, v8  }
0x3e1: {  	s1 =	sadd.s32 $0x1000, s1;
	s30 =	sadd.s32 $0x800, s30;
	s31 =	sadd.s32 $0x1000, s31;
	[tilespmem:s5+$0x18300] =	vst v8  }
0x3e2: {  	_ =	swait.ge [sflag:s22], $0x8000  }
0x3e3: {  	[sflag:s22] =	ssyncset.done $0x0  }
0x3e4: {  	[sflag:s22] =	ssyncadd.s32 $0xFFFF8000  }
0x3e5: {  	_ =	swait.ge [sflag:s22], $0x4000  }
0x3e6: {  	s28 =	simm.s32 $0x0;
	s30 =	simm.s32 $0x800;
	[sflag:s22] =	ssyncset.done $0x0  }
0x3e7: {  	s31 =	simm.s32 $0x8200;
	s1 =	simm.s32 $0x200;
	[sflag:s22] =	ssyncadd.s32 $0xFFFFC000  }
.LBB2_14:
0x3e8: {  	s5 =	sand.u32 $0x3FFFF800, s30  }
0x3e9: {  	s5 =	sadd.s32 $0x0, s5  }
0x3ea: {  	s5 =	sadd.s32 $0x8200, s5  }
0x3eb: {  	v20 =	vld [tilespmem:s5+$0x8050]  }
0x3ec: {  	v12 =	vld [tilespmem:s5+$0x8040]  }
0x3ed: {  	v16 =	vld [tilespmem:s5+$0x8020]  }
0x3ee: {  	v22 =	vld [tilespmem:s5+$0x8470]  }
0x3ef: {  	v23 =	vld [tilespmem:s5+$0x8060]  }
0x3f0: {  	v25 =	vld [tilespmem:s5+$0x8450]  }
0x3f1: {  	v26 =	vld [tilespmem:s5+$0x8030]  }
0x3f2: {  	v8 =	vmov s31;
	v27 =	vld [tilespmem:s5+$0x8440]  }
0x3f3: {  	v9 =	vmov s1;
	v28 =	vld [tilespmem:s5+$0x8010]  }
0x3f4: {  	v13 =	vld [tilespmem:s5+$0x8420]  }
0x3f5: {  	v32 =	vld [tilespmem:s5+$0x8000]  }
0x3f6: {  	s0 =	simm.s32 $0x0;
	v36 =	vld [tilespmem:s5+$0x8070]  }
0x3f7: {  	v17 =	vld.idx.msk [tilespmem:v8+s0+$0x8020 ss:$0x1], $0xffff  }
0x3f8: {  	v10 =	vld.idx.msk [tilespmem:v9+s0+$0x4440 ss:$0x1], $0xffff  }
0x3f9: {  	v18 =	vld.idx.msk [tilespmem:v9+s0+$0x4450 ss:$0x1], $0xffff  }
0x3fa: {  	v11 =	vld.idx.msk [tilespmem:v9+s0+$0x4460 ss:$0x1], $0xffff  }
0x3fb: {  	v15 =	vld.idx.msk [tilespmem:v8+s0+$0x8070 ss:$0x1], $0xffff  }
0x3fc: {  	v21 =	vld.idx.msk [tilespmem:v8+s0+$0x8470 ss:$0x1], $0xffff  }
0x3fd: {  	v24 =	vld.idx.msk [tilespmem:v9+s0+$0x4070 ss:$0x1], $0xffff  }
0x3fe: {  	v14 =	vld.idx.msk [tilespmem:v9+s0+$0x4420 ss:$0x1], $0xffff  }
0x3ff: {  	v30 =	vld.idx.msk [tilespmem:v9+s0+$0x4410 ss:$0x1], $0xffff  }
0x400: {  	v33 =	vld.idx.msk [tilespmem:v9+s0+$0x4400 ss:$0x1], $0xffff  }
0x401: {  	v19 =	vld.idx.msk [tilespmem:v9+s0+$0x4470 ss:$0x1], $0xffff;
	v31 =	vsub.f32 $0.0e+00, v21;
	v11 =	vsub.f32 v11, v23  }
0x402: {  	v47 =	vld.idx.msk [tilespmem:v9+s0+$0x4020 ss:$0x1], $0xffff;
	v23 =	vsub.f32 $0.0e+00, v27;
	v15 =	vsub.f32 v24, v15  }
0x403: {  	v34 =	vld [tilespmem:s5+$0x8430];
	v14 =	vsub.f32 v14, v16;
	v16 =	vsub.f32 $0.0e+00, v25;
	v31 =	vmul.f32 $1.442695020e+00, v31  }
0x404: {  	v29 =	vld.idx.msk [tilespmem:v9+s0+$0x4430 ss:$0x1], $0xffff;
	v12 =	vsub.f32 v10, v12;
	v28 =	vsub.f32 v30, v28;
	v23 =	vmul.f32 $1.442695020e+00, v23  }
0x405: {  	v41 =	vld.idx.msk [tilespmem:v9+s0+$0x4000 ss:$0x1], $0xffff;
	v32 =	vsub.f32 v33, v32;
	v18 =	vsub.f32 v18, v20;
	(erf) = vpow2.f32 v31  }
0x406: {  	v24 =	vld [tilespmem:s5+$0x8410];
	v19 =	vsub.f32 v19, v36;
	v11 =	vmul.f32 v11, v11;
	(erf) = vpow2.f32 v23  }
0x407: {  	v44 =	vld.idx.msk [tilespmem:v8+s0+$0x8460 ss:$0x1], $0xffff;
	v17 =	vsub.f32 v47, v17;
	v35 =	vmul.f32 v15, v15;
	v30 =	vmul.f32 v12, v12  }
0x408: {  	v10 =	vld.idx.msk [tilespmem:v8+s0+$0x8400 ss:$0x1], $0xffff;
	v15 =	vsub.f32 $0.0e+00, v22;
	v32 =	vmul.f32 v32, v32;
	v28 =	vmul.f32 v28, v28  }
0x409: {  	v20 =	vld.idx.msk [tilespmem:v8+s0+$0x8000 ss:$0x1], $0xffff;
	v18 =	vmul.f32 v18, v18;
	v23 =	vsub.f32 v29, v26;
	v26 =	vmul.f32 $1.442695020e+00, v16  }
0x40a: {  	v33 =	vld [tilespmem:s5+$0x8460];
	v29 =	vmul.f32 v14, v14;
	v14 =	vmul.f32 $1.442695020e+00, v15;
	v15 =	vsub.f32 $0.0e+00, v34  }
0x40b: {  	v19 =	vmul.f32 v19, v19;
	v17 =	vmul.f32 v17, v17;
	v31 =	vld [tilespmem:s5+$0x8400];
	v39 =	vsub.f32 $0.0e+00, v24  }
0x40c: {  	v60 =	vsub.f32 $0.0e+00, v44;
	v16 =	vld.idx.msk [tilespmem:v8+s0+$0x8410 ss:$0x1], $0xffff;
	(erf) = vpow2.f32 v26;
	v56 =	vmul.f32 $1.442695020e+00, v15  }
0x40d: {  	v40 =	vsub.f32 $0.0e+00, v10;
	v39 =	vmul.f32 $1.442695020e+00, v39;
	(erf) = vpow2.f32 v14  }
0x40e: {  	v37 =	vld.idx.msk [tilespmem:v8+s0+$0x8420 ss:$0x1], $0xffff;
	v20 =	vsub.f32 v41, v20;
	v41 =	vmul.f32 $1.442695020e+00, v60;
	(erf) = vpow2.f32 v56;
	v43 =	vpop (erf)  }
0x40f: {  	v49 =	vsub.f32 $0.0e+00, v33;
	v26 =	vsub.f32 $0.0e+00, v13;
	v15 =	vld.idx.msk [tilespmem:v8+s0+$0x8450 ss:$0x1], $0xffff;
	v57 =	vpop (erf);
	(erf) = vpow2.f32 v39  }
0x410: {  	v40 =	vmul.f32 $1.442695020e+00, v40;
	v23 =	vmul.f32 v23, v23;
	v14 =	vld.idx.msk [tilespmem:v8+s0+$0x8430 ss:$0x1], $0xffff;
	v38 =	vsub.f32 $0.0e+00, v31  }
0x411: {  	v54 =	vld.idx.msk [tilespmem:v9+s0+$0x4060 ss:$0x1], $0xffff;
	v55 =	vmul.f32 $1.442695020e+00, v49;
	v26 =	vmul.f32 $1.442695020e+00, v26;
	v42 =	vsub.f32 $0.0e+00, v16  }
0x412: {  	v12 =	vld.idx.msk [tilespmem:v8+s0+$0x8440 ss:$0x1], $0xffff;
	v20 =	vmul.f32 v20, v20;
	v38 =	vmul.f32 $1.442695020e+00, v38  }
0x413: {  	v58 =	vsub.f32 $0.0e+00, v37;
	v56 =	vld.idx.msk [tilespmem:v8+s0+$0x8060 ss:$0x1], $0xffff;
	v42 =	vmul.f32 $1.442695020e+00, v42;
	(erf) = vpow2.f32 v26  }
0x414: {  	v59 =	vld.idx.msk [tilespmem:v9+s0+$0x4010 ss:$0x1], $0xffff;
	v48 =	vsub.f32 $0.0e+00, v15;
	v30 =	vmul.f32 v57, v30;
	(erf) = vpow2.f32 v38  }
0x415: {  	v46 =	vsub.f32 $0.0e+00, v14;
	v39 =	vmul.f32 $1.442695020e+00, v58;
	v35 =	vmul.f32 v43, v35;
	v26 =	vpop (erf);
	v38 =	vld.idx.msk [tilespmem:v9+s0+$0x4030 ss:$0x1], $0xffff  }
0x416: {  	v53 =	vmul.f32 $1.442695020e+00, v48;
	v27 =	vadd.f32 v30, v27;
	v30 =	vld.idx.msk [tilespmem:v8+s0+$0x8010 ss:$0x1], $0xffff;
	v18 =	vmul.f32 v26, v18;
	v26 =	vpop (erf)  }
0x417: {  	v45 =	vsub.f32 $0.0e+00, v12;
	v61 =	vmul.f32 $1.442695020e+00, v46;
	(erf) = vpow2.f32 v42;
	v42 =	vld.idx.msk [tilespmem:v8+s0+$0x8050 ss:$0x1], $0xffff;
	v62 =	vpop (erf)  }
0x418: {  	v21 =	vadd.f32 v35, v21;
	v35 =	vsub.f32 v54, v56;
	v19 =	vmul.f32 v26, v19;
	v26 =	vld.idx.msk [tilespmem:v8+s0+$0x8030 ss:$0x1], $0xffff;
	v52 =	vpop (erf)  }
0x419: {  	(erf) = vpow2.f32 v40;
	v18 =	vadd.f32 v18, v25;
	v25 =	vld.idx.msk [tilespmem:v9+s0+$0x4050 ss:$0x1], $0xffff;
	v28 =	vmul.f32 v52, v28  }
0x41a: {  	s8 =	simm.s32 $0x80;
	s6 =	sadd.s32 $0x100, s30;
	v63 =	vld.idx.msk [tilespmem:v9+s0+$0x4040 ss:$0x1], $0xffff;
	v40 =	vmul.f32 $1.442695020e+00, v45;
	v23 =	vmul.f32 v62, v23  }
0x41b: {  	s10 =	sand.u32 $0x3FFFF800, s6;
	v51 =	vld.idx.msk [tilespmem:v9+s8+$0x4430 ss:$0x1], $0xffff;
	v35 =	vmul.f32 v35, v35;
	v19 =	vadd.f32 v19, v22;
	(erf) = vpow2.f32 v39  }
0x41c: {  	v22 =	vld.idx.msk [tilespmem:v8+s0+$0x8040 ss:$0x1], $0xffff;
	s0 =	sadd.s32 $0x80, s10;
	v23 =	vadd.f32 v23, v34;
	v30 =	vsub.f32 v59, v30;
	(erf) = vpow2.f32 v41;
	v57 =	vpop (erf)  }
0x41d: {  	v60 =	vld.idx.msk [tilespmem:v9+s8+$0x4470 ss:$0x1], $0xffff;
	s0 =	sadd.s32 $0x8200, s0;
	v26 =	vsub.f32 v38, v26;
	(erf) = vpow2.f32 v53;
	v24 =	vadd.f32 v28, v24;
	v28 =	vpop (erf)  }
0x41e: {  	v25 =	vsub.f32 v25, v42;
	v42 =	vld [tilespmem:s0+$0x8430];
	(erf) = vpow2.f32 v55;
	v28 =	vmul.f32 v28, v32  }
0x41f: {  	v30 =	vmul.f32 v30, v30;
	v53 =	vld [tilespmem:s0+$0x8070];
	v24 =	vadd.f32 $0.0e+00, v24;
	(erf) = vpow2.f32 v61  }
0x420: {  	v49 =	vld.idx.msk [tilespmem:v9+s8+$0x4070 ss:$0x1], $0xffff;
	v29 =	vmul.f32 v57, v29;
	v61 =	vpop (erf);
	(erf) = vpow2.f32 v40;
	v28 =	vadd.f32 v28, v31  }
0x421: {  	v58 =	vld.idx.msk [tilespmem:v9+s8+$0x4440 ss:$0x1], $0xffff;
	v22 =	vsub.f32 v63, v22;
	v26 =	vmul.f32 v26, v26;
	v23 =	vadd.f32 v23, v24  }
0x422: {  	v13 =	vadd.f32 v29, v13;
	v40 =	vld [tilespmem:s0+$0x8410];
	v63 =	vpop (erf);
	v30 =	vmul.f32 v61, v30;
	v28 =	vadd.f32 $0.0e+00, v28  }
0x423: {  	v59 =	vld.idx.msk [tilespmem:v9+s8+$0x4450 ss:$0x1], $0xffff;
	v54 =	vsub.f32 $0.0e+00, v42;
	v20 =	vmul.f32 v63, v20;
	v18 =	vadd.f32 v18, v23  }
0x424: {  	v25 =	vmul.f32 v25, v25;
	v34 =	vsub.f32 v60, v53;
	v31 =	vld [tilespmem:s0+$0x8050];
	v45 =	vpop (erf);
	v16 =	vadd.f32 v30, v16  }
0x425: {  	v48 =	vld.idx.msk [tilespmem:v8+s8+$0x8070 ss:$0x1], $0xffff;
	v17 =	vmul.f32 v45, v17;
	v47 =	vpop (erf);
	v20 =	vadd.f32 v20, v10;
	v18 =	vadd.f32 v19, v18  }
0x426: {  	v22 =	vmul.f32 v22, v22;
	v24 =	vld.idx.msk [tilespmem:v8+s8+$0x8470 ss:$0x1], $0xffff;
	v16 =	vadd.f32 $0.0e+00, v16;
	v13 =	vadd.f32 v13, v28;
	v28 =	vpop (erf)  }
0x427: {  	v62 =	vld.idx.msk [tilespmem:v9+s8+$0x4460 ss:$0x1], $0xffff;
	v30 =	vmul.f32 v47, v35;
	v57 =	vsub.f32 $0.0e+00, v40;
	v17 =	vadd.f32 v17, v37;
	v23 =	vpop (erf)  }
0x428: {  	v20 =	vadd.f32 $0.0e+00, v20;
	v25 =	vmul.f32 v28, v25;
	v11 =	vmul.f32 v23, v11;
	v19 =	vpop (erf);
	v23 =	vld [tilespmem:s0+$0x8060]  }
0x429: {  	v46 =	vld [tilespmem:s0+$0x8040];
	v31 =	vsub.f32 v59, v31;
	v13 =	vadd.f32 v27, v13;
	v19 =	vmul.f32 v19, v26;
	v26 =	vpop (erf)  }
0x42a: {  	v29 =	vld.idx.msk [tilespmem:v9+s8+$0x4420 ss:$0x1], $0xffff;
	v15 =	vadd.f32 v25, v15;
	v25 =	vadd.f32 v30, v44;
	v22 =	vmul.f32 v26, v22  }
0x42b: {  	v11 =	vadd.f32 v11, v33;
	v26 =	vsub.f32 $0.0e+00, v24;
	v33 =	vld [tilespmem:s0+$0x8440]  }
0x42c: {  	v28 =	vld [tilespmem:s0+$0x8020];
	v14 =	vadd.f32 v19, v14;
	v22 =	vadd.f32 v22, v12  }
0x42d: {  	v10 =	vimm.f32 $0.0e+00;
	v19 =	vld [tilespmem:s0+$0x8030];
	v12 =	vadd.f32 v11, v13;
	v23 =	vsub.f32 v62, v23  }
0x42e: {  	v36 =	vld [tilespmem:s0+$0x8450];
	v31 =	vmul.f32 v31, v31;
	v14 =	vadd.f32 v14, v16;
	v16 =	vadd.f32 v17, v20  }
0x42f: {  	v50 =	vld [tilespmem:s0+$0x8010];
	v26 =	vmul.f32 $1.442695020e+00, v26;
	v17 =	vsub.f32 v49, v48;
	v18 =	vadd.f32 v18, v12  }
0x430: {  	v13 =	vld [tilespmem:s0+$0x8420];
	v12 =	vmul.f32 v23, v23;
	v23 =	vsub.f32 $0.0e+00, v33;
	v14 =	vadd.f32 v15, v14  }
0x431: {  	v20 =	vld.idx.msk [tilespmem:v9+s8+$0x4410 ss:$0x1], $0xffff;
	(erf) = vpow2.f32 v26;
	v15 =	vadd.f32 v22, v16;
	v16 =	vsub.f32 v29, v28  }
0x432: {  	v27 =	vld [tilespmem:s0+$0x8470];
	v29 =	vmul.f32 v17, v17;
	v52 =	vperm.xlane v18, v4;
	v28 =	vsub.f32 v51, v19  }
0x433: {  	v26 =	vld [tilespmem:s0+$0x8000];
	v22 =	vmul.f32 $1.442695020e+00, v23;
	v17 =	vadd.f32 v21, v14;
	v14 =	vsub.f32 v58, v46  }
0x434: {  	s7 =	simm.s32 $0x8;
	v23 =	vld.idx.msk [tilespmem:v9+s8+$0x4400 ss:$0x1], $0xffff;
	v19 =	vmul.f32 v16, v16;
	v16 =	vsub.f32 $0.0e+00, v36;
	v15 =	vadd.f32 v25, v15  }
0x435: {  	v61 =	vld.idx.msk [tilespmem:v9+s8+$0x4000 ss:$0x1], $0xffff;
	v30 =	vmov s7;
	v25 =	vsub.f32 $0.0e+00, v13;
	v41 =	vadd.f32 v18, v52  }
0x436: {  	v21 =	vld [tilespmem:s0+$0x8400];
	v20 =	vsub.f32 v20, v50;
	(erf) = vpow2.f32 v22;
	v37 =	vmul.f32 v14, v14  }
0x437: {  	v18 =	vld.idx.msk [tilespmem:v8+s8+$0x8410 ss:$0x1], $0xffff;
	v22 =	vsub.f32 $0.0e+00, v27;
	v16 =	vmul.f32 $1.442695020e+00, v16;
	v44 =	vmul.f32 $1.442695020e+00, v25  }
0x438: {  	v14 =	vld.idx.msk [tilespmem:v8+s8+$0x8400 ss:$0x1], $0xffff;
	v17 =	vadd.f32 v17, v15;
	v39 =	vperm.xlane v41, v5;
	v51 =	vmul.f32 v20, v20  }
0x439: {  	v63 =	vld.idx.msk [tilespmem:v8+s8+$0x8020 ss:$0x1], $0xffff;
	v55 =	vmul.f32 $1.442695020e+00, v22;
	(erf) = vpow2.f32 v16;
	v23 =	vsub.f32 v23, v26  }
0x43a: {  	vm1 =	veq.s32 v30, v0;
	v15 =	vld.idx.msk [tilespmem:v8+s8+$0x8440 ss:$0x1], $0xffff;
	v56 =	vperm.xlane v17, v4;
	v26 =	vmul.f32 $1.442695020e+00, v54  }
0x43b: {  	v62 =	vld.idx.msk [tilespmem:v8+s8+$0x8000 ss:$0x1], $0xffff;
	(erf) = vpow2.f32 v55;
	v43 =	vmul.f32 v23, v23;
	v23 =	vsub.f32 $0.0e+00, v21  }
0x43c: {  	v52 =	vld.idx.msk [tilespmem:v9+s8+$0x4020 ss:$0x1], $0xffff;
	v25 =	vadd.f32 v17, v56;
	v59 =	vsub.f32 $0.0e+00, v18;
	(erf) = vpow2.f32 v26  }
0x43d: {  	s11 =	simm.s32 $0x9;
	v22 =	vld.idx.msk [tilespmem:v8+s8+$0x8420 ss:$0x1], $0xffff;
	v58 =	vsub.f32 $0.0e+00, v14;
	v60 =	vmul.f32 $1.442695020e+00, v23;
	v23 =	vmul.f32 $1.442695020e+00, v57  }
0x43e: {  	v11 =	vmov s11;
	v17 =	vld.idx.msk [tilespmem:v8+s8+$0x8450 ss:$0x1], $0xffff;
	v32 =	vmul.f32 $1.442695020e+00, v59;
	v30 =	vperm.xlane v25, v5  }
0x43f: {  	v50 =	vsub.f32 $0.0e+00, v15;
	v56 =	vpop (erf);
	v38 =	vmul.f32 $1.442695020e+00, v58;
	(erf) = vpow2.f32 v23  }
0x440: {  	v47 =	vsub.f32 v61, v62;
	v16 =	vld.idx.msk [tilespmem:v8+s8+$0x8430 ss:$0x1], $0xffff;
	v58 =	vmul.f32 v34, v34;
	v34 =	vmul.f32 v28, v28  }
0x441: {  	v46 =	vsub.f32 v52, v63;
	v35 =	vmul.f32 $1.442695020e+00, v50;
	v26 =	vpop (erf);
	v23 =	vld.idx.msk [tilespmem:v8+s8+$0x8460 ss:$0x1], $0xffff;
	(erf) = vpow2.f32 v44  }
0x442: {  	v53 =	vld.idx.msk [tilespmem:v9+s8+$0x4050 ss:$0x1], $0xffff;
	v48 =	vsub.f32 $0.0e+00, v22;
	v20 =	vmul.f32 v26, v37;
	(erf) = vpow2.f32 v60  }
0x443: {  	v45 =	vld.idx.msk [tilespmem:v9+s8+$0x4010 ss:$0x1], $0xffff;
	v61 =	vmul.f32 v56, v29;
	v44 =	vsub.f32 $0.0e+00, v17;
	v59 =	vpop (erf);
	(erf) = vpow2.f32 v32  }
0x444: {  	v26 =	vadd.f32 v20, v33;
	v20 =	vld [tilespmem:s0+$0x8460];
	v31 =	vmul.f32 v59, v31;
	v60 =	vpop (erf);
	(erf) = vpow2.f32 v38  }
0x445: {  	v57 =	vsub.f32 $0.0e+00, v16;
	v63 =	vmul.f32 $1.442695020e+00, v48;
	v32 =	vld.idx.msk [tilespmem:v8+s8+$0x8010 ss:$0x1], $0xffff;
	v49 =	vmul.f32 $1.442695020e+00, v44  }
0x446: {  	v52 =	vld.idx.msk [tilespmem:v9+s8+$0x4040 ss:$0x1], $0xffff;
	v33 =	vmul.f32 v60, v58;
	v28 =	vadd.f32 v31, v36;
	v31 =	vsub.f32 $0.0e+00, v23  }
0x447: {  	v56 =	vld.idx.msk [tilespmem:v8+s8+$0x8040 ss:$0x1], $0xffff;
	v24 =	vadd.f32 v61, v24;
	v38 =	vmul.f32 $1.442695020e+00, v57;
	v62 =	vpop (erf);
	(erf) = vpow2.f32 v63  }
0x448: {  	v54 =	vld.idx.msk [tilespmem:v8+s8+$0x8050 ss:$0x1], $0xffff;
	v34 =	vmul.f32 v62, v34;
	v29 =	vadd.f32 v33, v27;
	v55 =	vmul.f32 $1.442695020e+00, v31;
	v27 =	vpop (erf)  }
0x449: {  	v31 =	vadd.f32 v41, v39;
	v33 =	vmul.f32 v47, v47;
	v60 =	vmul.f32 v27, v51  }
0x44a: {  	v37 =	vld.idx.msk [tilespmem:v8+s8+$0x8030 ss:$0x1], $0xffff;
	v61 =	vsub.f32 $0.0e+00, v20;
	(erf) = vpow2.f32 v55;
	v27 =	vsub.f32 v45, v32;
	v41 =	vpop (erf)  }
0x44b: {  	v32 =	vmul.f32 v46, v46;
	v46 =	vadd.f32 v34, v42;
	v42 =	vld.idx.msk [tilespmem:v9+s8+$0x4060 ss:$0x1], $0xffff;
	v63 =	vpop (erf);
	v62 =	vadd.f32 v60, v40  }
0x44c: {  	s9 =	simm.s32 $0x2;
	s29 =	simm.s32 $0x400;
	v44 =	vsub.f32 v52, v56;
	v39 =	vperm.xlane v31, v6;
	v45 =	vmul.f32 v63, v43;
	v48 =	vpop (erf);
	v43 =	vld.idx.msk [tilespmem:v8+s8+$0x8060 ss:$0x1], $0xffff  }
0x44d: {  	s5 =	simm.s32 $0x0;
	s0 =	simm.s32 $0x1;
	v36 =	vld.idx.msk [tilespmem:v9+s8+$0x4030 ss:$0x1], $0xffff;
	v47 =	vmul.f32 $1.442695020e+00, v61;
	v40 =	vsub.f32 v53, v54;
	s8 =	sadd.s32 $0x100, s6;
	v34 =	vpop (erf);
	v50 =	vadd.f32 $0.0e+00, v62  }
.LBB2_15:
0x44e: {  	s10 =	sand.u32 $0x3FFFF800, s8  }
0x44f: {  	s7 =	sshra.s32 s29, $0x2;
	v51 =	vmul.f32 v27, v27;
	(erf) = vpow2.f32 v49;
	v49 =	vadd.f32 v25, v30;
	s11 =	smov.u32 s9;
	s6 =	sadd.s32 $0x1, s9  }
0x450: {  	p0 =	sne.s32 s9, $0x7;
	v46 =	vadd.f32 v46, v50;
	s10 =	sadd.s32 s7, s10;
	v27 =	vld.idx.msk [tilespmem:v8+s7+$0x8020 ss:$0x1], $0xffff;
	(erf) = vpow2.f32 v47;
	v31 =	vadd.f32 v31, v39  }
0x451: {  	v42 =	vsub.f32 v42, v43;
	s9 =	sadd.s32 $0x8200, s10;
	v39 =	vld.idx.msk [tilespmem:v9+s7+$0x4440 ss:$0x1], $0xffff;
	v47 =	vmul.f32 v48, v51;
	v43 =	vperm.xlane v49, v6  }
0x452: {  	v21 =	vadd.f32 v45, v21;
	v19 =	vmul.f32 v41, v19;
	v30 =	vld.idx.msk [tilespmem:v9+s7+$0x4450 ss:$0x1], $0xffff;
	(erf) = vpow2.f32 v38  }
0x453: {  	v36 =	vsub.f32 v36, v37;
	v37 =	vmul.f32 v44, v44;
	v25 =	vld.idx.msk [tilespmem:v9+s7+$0x4470 ss:$0x1], $0xffff;
	v38 =	vpop (erf);
	v41 =	vadd.f32 v49, v43  }
0x454: {  	v21 =	vadd.f32 $0.0e+00, v21;
	v43 =	vld.idx.msk [tilespmem:v9+s7+$0x4460 ss:$0x1], $0xffff;
	v32 =	vmul.f32 v38, v32;
	(erf) = vpow2.f32 v35  }
0x455: {  	v36 =	vmul.f32 v36, v36;
	v13 =	vadd.f32 v19, v13;
	v35 =	vld [tilespmem:s9+$0x8050];
	v19 =	vperm.xlane v41, v7  }
0x456: {  	v44 =	vperm.xlane v31, v7;
	v38 =	vld [tilespmem:s9+$0x8040];
	v22 =	vadd.f32 v32, v22;
	v32 =	vmul.f32 v40, v40;
	v40 =	vpop (erf)  }
0x457: {  	v18 =	vadd.f32 v47, v18;
	v45 =	vld.idx.msk [tilespmem:v9+s7+$0x4420 ss:$0x1], $0xffff;
	v19 =	vadd.f32 v41, v19;
	v41 =	vmov s5;
	s5 =	smov.u32 s0;
	s0 =	smov.u32 s11  }
0x458: {  	v42 =	vmul.f32 v42, v42;
	v13 =	vadd.f32 v13, v21;
	v44 =	vadd.f32 v31, v44;
	v47 =	vld.idx.msk [tilespmem:v8+s7+$0x8070 ss:$0x1], $0xffff;
	v21 =	vpop (erf)  }
0x459: {  	v48 =	vadd.f32 v28, v46;
	vm2 =	veq.s32 v41, v0;
	v31 =	vld.idx.msk [tilespmem:v8+s7+$0x8470 ss:$0x1], $0xffff;
	v21 =	vmul.f32 v21, v32;
	v46 =	vpop (erf)  }
0x45a: {  	v13 =	vadd.f32 v26, v13;
	v40 =	vmul.f32 v40, v42;
	v19 =	vadd.f32 $2.352482600e+02, v19;
	v41 =	vld [tilespmem:s9+$0x8020]  }
0x45b: {  	v26 =	vadd.f32 v29, v48;
	v29 =	vadd.f32 $2.352482600e+02, v44;
	v12 =	vmul.f32 v46, v12;
	v32 =	vld [tilespmem:s9+$0x8470];
	v28 =	vpop (erf)  }
0x45c: {  	v33 =	vmul.f32 v34, v33;
	v18 =	vadd.f32 $0.0e+00, v18;
	v19 =	vmul.f32 $-5.000000000e-01, v19;
	v42 =	vld [tilespmem:s9+$0x8060]  }
0x45d: {  	v23 =	vadd.f32 v40, v23;
	v17 =	vadd.f32 v21, v17;
	v36 =	vmul.f32 v28, v36;
	v34 =	vld.idx.msk [tilespmem:v9+s7+$0x4070 ss:$0x1], $0xffff;
	v21 =	vpop (erf)  }
0x45e: {  	v12 =	vadd.f32 v12, v20;
	v20 =	vmul.f32 $-5.000000000e-01, v29;
	v28 =	vld [tilespmem:s9+$0x8450];
	v21 =	vmul.f32 v21, v37  }
0x45f: {  	v14 =	vadd.f32 v33, v14;
	v10 =	vsel vm2, v19, v10;
	v29 =	vsub.f32 $0.0e+00, v31;
	v37 =	vld [tilespmem:s9+$0x8030]  }
0x460: {  	v16 =	vadd.f32 v36, v16;
	v10 =	vsel vm1, v20, v10;
	v33 =	vld [tilespmem:s9+$0x8440];
	v15 =	vadd.f32 v21, v15  }
0x461: {  	s10 =	sadd.s32 $0x8, s0;
	v19 =	vmul.f32 $1.442695020e+00, v29;
	v29 =	vadd.f32 v12, v13;
	v20 =	vld [tilespmem:s9+$0x8010];
	v21 =	vsub.f32 v43, v42  }
0x462: {  	v14 =	vadd.f32 $0.0e+00, v14;
	v40 =	vmov s10;
	v16 =	vadd.f32 v16, v18;
	v36 =	vld.idx.msk [tilespmem:v9+s7+$0x4430 ss:$0x1], $0xffff  }
0x463: {  	v18 =	vadd.f32 v26, v29;
	v13 =	vld [tilespmem:s9+$0x8420];
	v12 =	vmul.f32 v21, v21;
	(erf) = vpow2.f32 v19  }
0x464: {  	v14 =	vadd.f32 v22, v14;
	v19 =	vsub.f32 v34, v47;
	v26 =	vld.idx.msk [tilespmem:v9+s7+$0x4410 ss:$0x1], $0xffff  }
0x465: {  	v16 =	vadd.f32 v17, v16;
	v17 =	vperm.xlane v18, v4;
	v29 =	vld [tilespmem:s9+$0x8000];
	v21 =	vsub.f32 $0.0e+00, v33  }
0x466: {  	v15 =	vadd.f32 v15, v14;
	v42 =	vld.idx.msk [tilespmem:v9+s7+$0x4400 ss:$0x1], $0xffff  }
0x467: {  	v14 =	vsub.f32 v45, v41;
	v41 =	vadd.f32 v18, v17;
	v34 =	vld [tilespmem:s9+$0x8430];
	v22 =	vmul.f32 $1.442695020e+00, v21  }
0x468: {  	v16 =	vadd.f32 v24, v16;
	v43 =	vmul.f32 v19, v19;
	v45 =	vsub.f32 v36, v37;
	v44 =	vld [tilespmem:s9+$0x8410]  }
0x469: {  	v19 =	vmul.f32 v14, v14;
	v17 =	vsub.f32 v39, v38;
	v39 =	vperm.xlane v41, v5;
	v21 =	vld [tilespmem:s9+$0x8400]  }
0x46a: {  	v24 =	vsub.f32 v26, v20;
	v20 =	vsub.f32 $0.0e+00, v28;
	v26 =	vld [tilespmem:s9+$0x8070];
	(erf) = vpow2.f32 v22  }
0x46b: {  	v15 =	vadd.f32 v23, v15;
	v36 =	vmul.f32 v17, v17;
	v17 =	vsub.f32 $0.0e+00, v32;
	v14 =	vld.idx.msk [tilespmem:v8+s7+$0x8400 ss:$0x1], $0xffff  }
0x46c: {  	v23 =	vsub.f32 $0.0e+00, v13;
	v20 =	vmul.f32 $1.442695020e+00, v20;
	v18 =	vld.idx.msk [tilespmem:v8+s7+$0x8410 ss:$0x1], $0xffff;
	v37 =	vsub.f32 $0.0e+00, v34;
	v38 =	vpop (erf)  }
0x46d: {  	v30 =	vsub.f32 v30, v35;
	v35 =	vadd.f32 v16, v15;
	v17 =	vmul.f32 $1.442695020e+00, v17;
	v22 =	vld.idx.msk [tilespmem:v8+s7+$0x8420 ss:$0x1], $0xffff  }
0x46e: {  	v29 =	vsub.f32 v42, v29;
	v15 =	vld.idx.msk [tilespmem:v8+s7+$0x8440 ss:$0x1], $0xffff;
	v37 =	vmul.f32 $1.442695020e+00, v37;
	(erf) = vpow2.f32 v20  }
0x46f: {  	v20 =	vperm.xlane v35, v4;
	v16 =	vld.idx.msk [tilespmem:v8+s7+$0x8430 ss:$0x1], $0xffff;
	v42 =	vsub.f32 v25, v26;
	(erf) = vpow2.f32 v17  }
0x470: {  	v48 =	vmul.f32 v29, v29;
	v29 =	vsub.f32 $0.0e+00, v44;
	v26 =	vsub.f32 $0.0e+00, v21;
	v17 =	vld.idx.msk [tilespmem:v8+s7+$0x8450 ss:$0x1], $0xffff  }
0x471: {  	v49 =	vmul.f32 $1.442695020e+00, v23;
	v47 =	vsub.f32 $0.0e+00, v14;
	v25 =	vadd.f32 v35, v20;
	v46 =	vld.idx.msk [tilespmem:v9+s7+$0x4000 ss:$0x1], $0xffff  }
0x472: {  	v23 =	vsub.f32 $0.0e+00, v18;
	v50 =	vmul.f32 $1.442695020e+00, v26;
	v26 =	vmul.f32 $1.442695020e+00, v29;
	v35 =	vld.idx.msk [tilespmem:v8+s7+$0x8000 ss:$0x1], $0xffff  }
0x473: {  	vm1 =	veq.s32 v11, v0;
	v29 =	vmul.f32 $1.442695020e+00, v47;
	v20 =	vld [tilespmem:s9+$0x8460];
	(erf) = vpow2.f32 v37;
	v37 =	vpop (erf)  }
0x474: {  	v11 =	vmovc v40;
	v51 =	vsub.f32 $0.0e+00, v22;
	v47 =	vmul.f32 $1.442695020e+00, v23;
	v23 =	vld.idx.msk [tilespmem:v8+s7+$0x8460 ss:$0x1], $0xffff;
	(erf) = vpow2.f32 v26  }
0x475: {  	v53 =	vmul.f32 v24, v24;
	v52 =	vsub.f32 $0.0e+00, v15;
	v24 =	vmul.f32 v37, v36;
	v40 =	vld.idx.msk [tilespmem:v9+s7+$0x4010 ss:$0x1], $0xffff  }
0x476: {  	v55 =	vsub.f32 $0.0e+00, v16;
	v37 =	vmul.f32 v30, v30;
	v30 =	vperm.xlane v25, v5;
	v54 =	vld.idx.msk [tilespmem:v9+s7+$0x4020 ss:$0x1], $0xffff  }
0x477: {  	v26 =	vadd.f32 v24, v33;
	v24 =	vmul.f32 v42, v42;
	v56 =	vld.idx.msk [tilespmem:v8+s7+$0x8010 ss:$0x1], $0xffff;
	(erf) = vpow2.f32 v49;
	v33 =	vpop (erf)  }
0x478: {  	v49 =	vsub.f32 $0.0e+00, v17;
	v36 =	vld.idx.msk [tilespmem:v9+s7+$0x4030 ss:$0x1], $0xffff;
	v33 =	vmul.f32 v33, v37;
	(erf) = vpow2.f32 v50;
	v42 =	vpop (erf)  }
0x479: {  	v46 =	vsub.f32 v46, v35;
	v37 =	vld.idx.msk [tilespmem:v8+s7+$0x8030 ss:$0x1], $0xffff;
	v24 =	vmul.f32 v42, v24;
	(erf) = vpow2.f32 v47  }
0x47a: {  	v45 =	vmul.f32 v45, v45;
	v57 =	vld.idx.msk [tilespmem:v9+s7+$0x4050 ss:$0x1], $0xffff;
	v28 =	vadd.f32 v33, v28;
	(erf) = vpow2.f32 v29  }
0x47b: {  	v35 =	vmul.f32 $1.442695020e+00, v52;
	v42 =	vmul.f32 v38, v43;
	v33 =	vsub.f32 $0.0e+00, v23;
	v52 =	vld.idx.msk [tilespmem:v8+s7+$0x8050 ss:$0x1], $0xffff  }
0x47c: {  	v38 =	vmul.f32 $1.442695020e+00, v55;
	v43 =	vsub.f32 v54, v27;
	v29 =	vadd.f32 v24, v32;
	v54 =	vld.idx.msk [tilespmem:v9+s7+$0x4040 ss:$0x1], $0xffff;
	v32 =	vpop (erf)  }
0x47d: {  	v47 =	vmul.f32 $1.442695020e+00, v51;
	v24 =	vadd.f32 v42, v31;
	v55 =	vmul.f32 $1.442695020e+00, v33;
	v51 =	vld.idx.msk [tilespmem:v8+s7+$0x8040 ss:$0x1], $0xffff;
	v27 =	vpop (erf)  }
0x47e: {  	v31 =	vadd.f32 v41, v39;
	v42 =	vld.idx.msk [tilespmem:v9+s7+$0x4060 ss:$0x1], $0xffff;
	v50 =	vmul.f32 v27, v53;
	v53 =	vsub.f32 $0.0e+00, v20  }
.Ltmp6:
0x47f: {  	v39 =	vmul.f32 v32, v45;
	v27 =	vsub.f32 v40, v56;
	(erf) = vpow2.f32 v47;
	(pc) =	sbr.rel @p0 .LBB2_15-.Ltmp6, $4  }
0x480: {  	v33 =	vmul.f32 v46, v46;
	v32 =	vmul.f32 v43, v43;
	v43 =	vld.idx.msk [tilespmem:v8+s7+$0x8060 ss:$0x1], $0xffff;
	v40 =	vadd.f32 v50, v44;
	v41 =	vpop (erf)  }
0x481: {  	v49 =	vmul.f32 $1.442695020e+00, v49;
	v46 =	vadd.f32 v39, v34;
	v47 =	vmul.f32 $1.442695020e+00, v53;
	v34 =	vpop (erf)  }
0x482: {  	v45 =	vmul.f32 v34, v48;
	v50 =	vadd.f32 $0.0e+00, v40;
	v48 =	vpop (erf);
	(erf) = vpow2.f32 v55  }
0x483: {  	s8 =	sadd.s32 $0x100, s8;
	s29 =	sadd.s32 $0x200, s29;
	s9 =	smov.u32 s6;
	v39 =	vperm.xlane v31, v6;
	v44 =	vsub.f32 v54, v51;
	v40 =	vsub.f32 v57, v52;
	v34 =	vpop (erf)  }
0x484: {  	(erf) = vpow2.f32 v49  }
0x485: {  	(erf) = vpow2.f32 v47  }
0x486: {  	(erf) = vpow2.f32 v38;
	_ =	sdelay $0x1  }
0x487: {  	(erf) = vpow2.f32 v35;
	_ =	sdelay $0x1  }
0x488: {  	v8 =	vmul.f32 v27, v27  }
0x489: {  	v9 =	vadd.f32 v46, v50;
	v21 =	vadd.f32 v45, v21;
	v19 =	vmul.f32 v41, v19;
	v56 =	vpop (erf)  }
0x48a: {  	v57 =	vsub.f32 v36, v37;
	v41 =	vmul.f32 v34, v33;
	v60 =	vmul.f32 v44, v44;
	v59 =	vpop (erf)  }
0x48b: {  	v58 =	vsub.f32 v42, v43;
	v42 =	vmul.f32 v40, v40;
	v8 =	vmul.f32 v48, v8;
	v61 =	vpop (erf)  }
0x48c: {  	v21 =	vadd.f32 $0.0e+00, v21;
	v13 =	vadd.f32 v19, v13;
	v35 =	vmul.f32 v57, v57;
	v63 =	vpop (erf)  }
0x48d: {  	v14 =	vadd.f32 v41, v14;
	v9 =	vadd.f32 v28, v9;
	v27 =	vmul.f32 v56, v32;
	v44 =	vpop (erf)  }
0x48e: {  	v43 =	vmul.f32 v58, v58;
	v8 =	vadd.f32 v8, v18;
	v45 =	vmul.f32 v44, v35  }
0x48f: {  	v14 =	vadd.f32 $0.0e+00, v14;
	v62 =	vadd.f32 v27, v22;
	v47 =	vmul.f32 v61, v42;
	v46 =	vpop (erf)  }
0x490: {  	v8 =	vadd.f32 $0.0e+00, v8;
	v48 =	vmul.f32 v46, v60;
	v16 =	vadd.f32 v45, v16  }
0x491: {  	v18 =	vmul.f32 v59, v43;
	v14 =	vadd.f32 v62, v14;
	v17 =	vadd.f32 v47, v17  }
0x492: {  	v15 =	vadd.f32 v48, v15;
	v8 =	vadd.f32 v16, v8  }
0x493: {  	v13 =	vadd.f32 v13, v21;
	v49 =	vadd.f32 v18, v23;
	v12 =	vmul.f32 v63, v12  }
0x494: {  	v14 =	vadd.f32 v15, v14;
	v8 =	vadd.f32 v17, v8  }
0x495: {  	v13 =	vadd.f32 v26, v13;
	v12 =	vadd.f32 v12, v20  }
0x496: {  	v14 =	vadd.f32 v49, v14;
	v8 =	vadd.f32 v24, v8  }
0x497: {  	v9 =	vadd.f32 v29, v9;
	v12 =	vadd.f32 v12, v13  }
0x498: {  	v8 =	vadd.f32 v8, v14  }
0x499: {  	v9 =	vadd.f32 v9, v12  }
0x49a: {  	v50 =	vperm.xlane v8, v4  }
0x49b: {  	v51 =	vperm.xlane v9, v4  }
0x49c: {  	v8 =	vadd.f32 v8, v50  }
0x49d: {  	v9 =	vadd.f32 v9, v51  }
0x49e: {  	v52 =	vadd.f32 v25, v30;
	v53 =	vperm.xlane v8, v5  }
0x49f: {  	v54 =	vperm.xlane v9, v5  }
0x4a0: {  	v55 =	vperm.xlane v52, v6;
	v8 =	vadd.f32 v8, v53  }
0x4a1: {  	v9 =	vadd.f32 v9, v54  }
0x4a2: {  	v12 =	vadd.f32 v52, v55;
	v13 =	vperm.xlane v8, v6  }
0x4a3: {  	v56 =	vadd.f32 v31, v39;
	v57 =	vperm.xlane v9, v6  }
0x4a4: {  	v58 =	vperm.xlane v12, v7;
	v8 =	vadd.f32 v8, v13  }
0x4a5: {  	v59 =	vperm.xlane v56, v7;
	v9 =	vadd.f32 v9, v57  }
0x4a6: {  	v12 =	vadd.f32 v12, v58;
	v60 =	vperm.xlane v8, v7  }
0x4a7: {  	v61 =	vperm.xlane v9, v7;
	v13 =	vadd.f32 v56, v59  }
0x4a8: {  	v12 =	vadd.f32 $2.352482600e+02, v12;
	v8 =	vadd.f32 v8, v60  }
0x4a9: {  	v9 =	vadd.f32 v9, v61;
	v13 =	vadd.f32 $2.352482600e+02, v13  }
0x4aa: {  	s29 =	sshll.u32 s28, $0x4;
	s28 =	sadd.s32 $0x1, s28;
	v62 =	vmov s5;
	v12 =	vmul.f32 $-5.000000000e-01, v12;
	v8 =	vadd.f32 $2.352482600e+02, v8  }
0x4ab: {  	p0 =	sne.s32 s28, $0x8;
	vm2 =	veq.s32 v62, v0;
	v9 =	vadd.f32 $2.352482600e+02, v9;
	v13 =	vmul.f32 $-5.000000000e-01, v13  }
.Ltmp7:
0x4ac: {  	v63 =	vmov s0;
	v10 =	vsel vm2, v12, v10;
	v8 =	vmul.f32 $-5.000000000e-01, v8;
	(pc) =	sbr.rel @p0 .LBB2_14-.Ltmp7, $4  }
0x4ad: {  	v9 =	vmul.f32 $-5.000000000e-01, v9;
	v10 =	vsel vm1, v13, v10;
	vm1 =	veq.s32 v63, v0  }
0x4ae: {  	vm2 =	veq.s32 v11, v0;
	v8 =	vsel vm1, v8, v10  }
0x4af: {  	s0 =	sand.u32 $0x3FFFFFF0, s29;
	v8 =	vsel vm2, v9, v8  }
0x4b0: {  	s30 =	sadd.s32 $0x1000, s30;
	s31 =	sadd.s32 $0x1000, s31;
	s1 =	sadd.s32 $0x800, s1;
	[tilespmem:s0+$0x18380] =	vst v8  }
0x4b1: {  	s26 =	sadd.s32 $0x1, s26  }
0x4b2: {  	p0 =	sne.s32 s26, s24  }
.Ltmp8:
0x4b3: {  	s0 =	simm.s32 $0x18200;
	(pc) =	sbr.rel @p0 .LBB2_1-.Ltmp8, $4  }
0x4b4: {  	[hbm4b:s23+s2] =	stream.linear.scatter [tilespmem:s0], [sflag:$0x3], $0x200, $0x38;
	[tilespmem:$0x18400] =	vst v63  }
0x4b5: {  	_ =	swait.ge [sflag:s25], $0x200  }
0x4b6: {  	[sflag:s25] =	ssyncset.done $0x0  }
0x4b7: {  	s11 =	simm.s32 $0x8A00;
	[sflag:s25] =	ssyncadd.s32 $0xFFFFFE00  }
0x4b8: {  	_ =	sfence.sel $0x180000  }
0x4b9: {  	[bflag:$0x0] =	sbarrier.arrive $0xFFFF  }
0x4ba: {  	_ =	strace $0x90000047  }
0x4bb: {  	s0 =	stileid.u32;
	[bflag:$0x2] =	sbarrier.arrive $0xFFFF  }
0x4bc: {  	p0 =	sne.s32 s0, $0x0;
	s0 =	rddreg [dreg:$0x4]  }
0x4bd: {  	s0 =	sadd.s32 @!p0 $0x100000, s0  }
0x4be: {  	[sflag:s0] =	ssyncadd.tile.s32 @!p0 $0x1;
	_ =	shalt  }
.Lfunc_end2:
_tile_overlayer_lowered:
.L_overlay_start_2:
0x4bf: {  	(tag) =	ssettag $0x2  }
0x4c0: {  	s0 =	rddreg [dreg:$0x0];
	s2 =	stileid.u32  }
0x4c1: {  	s1 =	rddreg [dreg:$0x1];
	p0 =	sne.s32 s2, $0x0  }
0x4c2: {  	s3 =	rddreg [dreg:$0x2];
	[bflag:$0x3] =	sbarrier.arrive $0xFFFF;
	s2 =	simm.s32 @!p0 $0x1C03  }
0x4c3: {  	[timem:s3], [sflag:s2] =	dma.local @!p0 [hbm:s0], s1  }
0x4c4: {  	s0 =	simm.s32 @!p0 $0x3  }
0x4c5: {  	_ =	swait.ge @!p0 [sflag:s0], s1  }
0x4c6: {  	s1 =	ssub.s32 @!p0 $0x0, s1;
	[sflag:s0] =	ssyncset.done @!p0 $0x0  }
0x4c7: {  	[sflag:s0] =	ssyncadd.s32 @!p0 s1  }
0x4c8: {  	[bflag:$0x3] =	sbarrier.arrive $0xFFFF  }
0x4c9: {  	_ =	shalt  }

</sc_bundles>
